<compile_context>
chip_gen: v7x
topology: tpu7x:2x2x1
jax: 0.10.2.dev20260603
libtpu: 0.0.44.dev20260713+nightly
codegen_flags: <defaults>
</compile_context>

<pallas_src>
import functools

import jax
import jax.numpy as jnp
from jax import lax
from jax.experimental import pallas as pl
from jax.experimental.pallas import tpu as pltpu
from jax.experimental.pallas import tpu_sc as plsc

N = 10000
E = 160000
D = 256
H = 128
NT = 32
NC = 2
NS = 16
CHUNK = 128
NCHUNK = E // CHUNK
NPAD = 10240
KPT = NPAD // (NS * CHUNK)
R = 400
GRID = N // R


def _mesh():
    return plsc.VectorSubcoreMesh(core_axis_name="c", subcore_axis_name="s",
                                  num_cores=NC, num_subcores=NS)


def _fill(ref, nrows, ncol16, value):
    def body(i, _):
        def inner(j, _):
            ref[i, pl.ds(j * 16, 16)] = jnp.full((16,), value, jnp.float32)
            return 0
        return lax.fori_loop(0, ncol16, inner, 0)
    lax.fori_loop(0, nrows, body, 0)


@functools.cache
def _build_deg_kernel():
    return functools.partial(
        pl.kernel,
        out_type=[
            jax.ShapeDtypeStruct((NPAD, H), jnp.float32),
            jax.ShapeDtypeStruct((NPAD, H), jnp.float32),
        ],
        mesh=_mesh(),
        scratch_types=[
            pltpu.VMEM((CHUNK,), jnp.int32),
            pltpu.VMEM((CHUNK,), jnp.int32),
            pltpu.VMEM((CHUNK, H), jnp.float32),
            pltpu.VMEM((CHUNK, H), jnp.float32),
            pltpu.VMEM_SHARED((NPAD, H), jnp.float32),
            pltpu.SemaphoreType.DMA,
        ],
    )(_deg_body)


def _deg_body(dst_hbm, lin_hbm, deg_a, deg_b,
              idx_v, lidx_v, ones_v, zbuf, accum, sem):
    c = lax.axis_index("c")
    s = lax.axis_index("s")
    w = s * NC + c

    _fill(ones_v, CHUNK, H // 16, 1.0)
    _fill(zbuf, CHUNK, H // 16, 0.0)
    row0 = s * (KPT * CHUNK)

    def zchunk(k, _):
        pltpu.sync_copy(lin_hbm.at[pl.ds(row0 + k * CHUNK, CHUNK)], lidx_v)
        pltpu.sync_copy(zbuf, accum.at[lidx_v])
        return 0
    lax.fori_loop(0, KPT, zchunk, 0)
    plsc.subcore_barrier()

    nfull = NCHUNK // (NC * NS)
    nrem = NCHUNK - nfull * (NC * NS)

    def body(i, _):
        j = w + i * (NC * NS)
        pltpu.sync_copy(dst_hbm.at[pl.ds(j * CHUNK, CHUNK)], idx_v)
        pltpu.sync_copy(ones_v, accum.at[idx_v], add=True)
        return 0
    lax.fori_loop(0, nfull, body, 0)

    @pl.when(w < nrem)
    def _():
        body(nfull, 0)
    plsc.subcore_barrier()

    def writeout(out_ref):
        def wchunk(k, _):
            pltpu.sync_copy(lin_hbm.at[pl.ds(row0 + k * CHUNK, CHUNK)], lidx_v)
            pltpu.async_copy(accum.at[lidx_v], zbuf, sem).wait()
            pltpu.sync_copy(zbuf, out_ref.at[pl.ds(row0 + k * CHUNK, CHUNK)])
            return 0
        lax.fori_loop(0, KPT, wchunk, 0)

    @pl.when(c == 0)
    def _():
        writeout(deg_a)

    @pl.when(c == 1)
    def _():
        writeout(deg_b)


@functools.cache
def _build_scatter_kernel():
    return functools.partial(
        pl.kernel,
        out_type=[
            jax.ShapeDtypeStruct((NPAD, H), jnp.float32),
            jax.ShapeDtypeStruct((NPAD, H), jnp.float32),
        ],
        mesh=_mesh(),
        scratch_types=[
            pltpu.VMEM((CHUNK,), jnp.int32),
            pltpu.VMEM((CHUNK,), jnp.int32),
            pltpu.VMEM((CHUNK,), jnp.int32),
            pltpu.VMEM((CHUNK,), jnp.int32),
            pltpu.VMEM((CHUNK,), jnp.int32),
            pltpu.VMEM((CHUNK, H), jnp.float32),
            pltpu.VMEM((CHUNK, H), jnp.float32),
            pltpu.VMEM_SHARED((NPAD, H), jnp.float32),
            pltpu.SemaphoreType.DMA,
            pltpu.SemaphoreType.DMA,
        ],
    )(_scatter_body)


def _scatter_body(g_lo, g_hi, src_hbm, dst_hbm, lin_hbm, s_lo, s_hi,
                  idx_s, idx_d, idx_s2, idx_d2, lidx_v, rows, rows2,
                  accum, sem, sem2):
    c = lax.axis_index("c")
    s = lax.axis_index("s")

    _fill(rows, CHUNK, H // 16, 0.0)
    row0 = s * (KPT * CHUNK)

    def zchunk(k, _):
        pltpu.sync_copy(lin_hbm.at[pl.ds(row0 + k * CHUNK, CHUNK)], lidx_v)
        pltpu.sync_copy(rows, accum.at[lidx_v])
        return 0
    lax.fori_loop(0, KPT, zchunk, 0)
    plsc.subcore_barrier()

    nfull = NCHUNK // NS
    nrem = NCHUNK - nfull * NS

    def run(g_ref):
        def pair(i, _):
            ja = s + (2 * i) * NS
            jb = s + (2 * i + 1) * NS
            pltpu.sync_copy(src_hbm.at[pl.ds(ja * CHUNK, CHUNK)], idx_s)
            pltpu.sync_copy(dst_hbm.at[pl.ds(ja * CHUNK, CHUNK)], idx_d)
            ca = pltpu.async_copy(g_ref.at[idx_s], rows, sem)
            pltpu.sync_copy(src_hbm.at[pl.ds(jb * CHUNK, CHUNK)], idx_s2)
            pltpu.sync_copy(dst_hbm.at[pl.ds(jb * CHUNK, CHUNK)], idx_d2)
            cb = pltpu.async_copy(g_ref.at[idx_s2], rows2, sem2)
            ca.wait()
            pltpu.sync_copy(rows, accum.at[idx_d], add=True)
            cb.wait()
            pltpu.sync_copy(rows2, accum.at[idx_d2], add=True)
            return 0
        lax.fori_loop(0, nfull // 2, pair, 0)

        @pl.when(s < nrem)
        def _():
            j = s + nfull * NS
            pltpu.sync_copy(src_hbm.at[pl.ds(j * CHUNK, CHUNK)], idx_s)
            pltpu.sync_copy(dst_hbm.at[pl.ds(j * CHUNK, CHUNK)], idx_d)
            pltpu.async_copy(g_ref.at[idx_s], rows, sem).wait()
            pltpu.sync_copy(rows, accum.at[idx_d], add=True)

    @pl.when(c == 0)
    def _():
        run(g_lo)

    @pl.when(c == 1)
    def _():
        run(g_hi)

    plsc.subcore_barrier()

    def writeout(out_ref):
        def wchunk(k, _):
            pltpu.sync_copy(lin_hbm.at[pl.ds(row0 + k * CHUNK, CHUNK)], lidx_v)
            pltpu.async_copy(accum.at[lidx_v], rows, sem).wait()
            pltpu.sync_copy(rows, out_ref.at[pl.ds(row0 + k * CHUNK, CHUNK)])
            return 0
        lax.fori_loop(0, KPT, wchunk, 0)

    @pl.when(c == 0)
    def _():
        writeout(s_lo)

    @pl.when(c == 1)
    def _():
        writeout(s_hi)


def _prep_body(x_ref, w_ref, da_ref, db_ref, glo_ref, ghi_ref, dinv_ref):
    deg = da_ref[:, 0:1] + db_ref[:, 0:1] + 1.0
    dinv = jnp.where(deg > 0, lax.rsqrt(deg), 0.0)
    h = jnp.dot(x_ref[...], w_ref[...], preferred_element_type=jnp.float32)
    g = h * dinv
    glo_ref[...] = g[:, :H]
    ghi_ref[...] = g[:, H:]
    dinv_ref[...] = jnp.broadcast_to(dinv, (R, H))


def _tc_prep(x, W1, deg_a, deg_b):
    return pl.pallas_call(
        _prep_body,
        grid=(GRID,),
        in_specs=[
            pl.BlockSpec((R, D), lambda i: (i, 0)),
            pl.BlockSpec((D, D), lambda i: (0, 0)),
            pl.BlockSpec((R, H), lambda i: (i, 0)),
            pl.BlockSpec((R, H), lambda i: (i, 0)),
        ],
        out_specs=[
            pl.BlockSpec((R, H), lambda i: (i, 0)),
            pl.BlockSpec((R, H), lambda i: (i, 0)),
            pl.BlockSpec((R, H), lambda i: (i, 0)),
        ],
        out_shape=[
            jax.ShapeDtypeStruct((N, H), jnp.float32),
            jax.ShapeDtypeStruct((N, H), jnp.float32),
            jax.ShapeDtypeStruct((N, H), jnp.float32),
        ],
    )(x, W1, deg_a, deg_b)


def _mid_body(slo_ref, shi_ref, glo_ref, ghi_ref, dinv_ref, b_ref, w_ref,
              olo_ref, ohi_ref):
    dinv = dinv_ref[:, 0:1]
    pre = jnp.concatenate(
        [slo_ref[...] + glo_ref[...], shi_ref[...] + ghi_ref[...]], axis=1)
    z = jnp.maximum(pre * dinv + b_ref[...], 0.0)
    g = jnp.dot(z, w_ref[...], preferred_element_type=jnp.float32) * dinv
    olo_ref[...] = g[:, :H]
    ohi_ref[...] = g[:, H:]


def _tc_mid(s_lo, s_hi, g_lo, g_hi, dinv, b, W):
    return pl.pallas_call(
        _mid_body,
        grid=(GRID,),
        in_specs=[
            pl.BlockSpec((R, H), lambda i: (i, 0)),
            pl.BlockSpec((R, H), lambda i: (i, 0)),
            pl.BlockSpec((R, H), lambda i: (i, 0)),
            pl.BlockSpec((R, H), lambda i: (i, 0)),
            pl.BlockSpec((R, H), lambda i: (i, 0)),
            pl.BlockSpec((1, D), lambda i: (0, 0)),
            pl.BlockSpec((D, D), lambda i: (0, 0)),
        ],
        out_specs=[
            pl.BlockSpec((R, H), lambda i: (i, 0)),
            pl.BlockSpec((R, H), lambda i: (i, 0)),
        ],
        out_shape=[
            jax.ShapeDtypeStruct((N, H), jnp.float32),
            jax.ShapeDtypeStruct((N, H), jnp.float32),
        ],
    )(s_lo, s_hi, g_lo, g_hi, dinv, b.reshape(1, D), W)


def _final_body(slo_ref, shi_ref, glo_ref, ghi_ref, dinv_ref, b_ref,
                wl_ref, bl_ref, out_ref):
    dinv = dinv_ref[:, 0:1]
    pre = jnp.concatenate(
        [slo_ref[...] + glo_ref[...], shi_ref[...] + ghi_ref[...]], axis=1)
    z = jnp.maximum(pre * dinv + b_ref[...], 0.0)
    logits = jnp.dot(z, wl_ref[...], preferred_element_type=jnp.float32)
    logits = logits + bl_ref[...]
    m = jnp.max(logits, axis=1, keepdims=True)
    shifted = logits - m
    lse = jnp.log(jnp.sum(jnp.exp(shifted), axis=1, keepdims=True))
    out_ref[...] = shifted - lse


def _tc_final(s_lo, s_hi, g_lo, g_hi, dinv, b, Wl, bl):
    return pl.pallas_call(
        _final_body,
        grid=(GRID,),
        in_specs=[
            pl.BlockSpec((R, H), lambda i: (i, 0)),
            pl.BlockSpec((R, H), lambda i: (i, 0)),
            pl.BlockSpec((R, H), lambda i: (i, 0)),
            pl.BlockSpec((R, H), lambda i: (i, 0)),
            pl.BlockSpec((R, H), lambda i: (i, 0)),
            pl.BlockSpec((1, D), lambda i: (0, 0)),
            pl.BlockSpec((D, NT), lambda i: (0, 0)),
            pl.BlockSpec((1, NT), lambda i: (0, 0)),
        ],
        out_specs=pl.BlockSpec((R, NT), lambda i: (i, 0)),
        out_shape=jax.ShapeDtypeStruct((N, NT), jnp.float32),
    )(s_lo, s_hi, g_lo, g_hi, dinv, b.reshape(1, D), Wl, bl.reshape(1, NT))


@jax.jit
def kernel(x, edge_index, W1, b1, W2, b2, W3, b3, Wl, bl):
    src = edge_index[0].astype(jnp.int32)
    dst = edge_index[1].astype(jnp.int32)
    lin = jnp.arange(NPAD, dtype=jnp.int32)

    deg_kernel = _build_deg_kernel()
    scatter_kernel = _build_scatter_kernel()

    deg_a, deg_b = deg_kernel(dst, lin)
    g_lo, g_hi, dinv = _tc_prep(x, W1, deg_a, deg_b)

    s_lo, s_hi = scatter_kernel(g_lo, g_hi, src, dst, lin)
    g_lo, g_hi = _tc_mid(s_lo, s_hi, g_lo, g_hi, dinv, b1, W2)

    s_lo, s_hi = scatter_kernel(g_lo, g_hi, src, dst, lin)
    g_lo, g_hi = _tc_mid(s_lo, s_hi, g_lo, g_hi, dinv, b2, W3)

    s_lo, s_hi = scatter_kernel(g_lo, g_hi, src, dst, lin)
    return _tc_final(s_lo, s_hi, g_lo, g_hi, dinv, b3, Wl, bl)

# --- scband reference (transcript-rebuilt; emitter-appended) ---
"""Pipeline reference for scband-dagnode-distribution-gnn-26963804684291 (READ-ONLY COPY).

The authoritative reference and input builder live on the scoring server;
editing this copy changes nothing except your own understanding.
"""

import jax, jax.numpy as jnp
import numpy as np

N_NODES = 10000
N_EDGES = 160000
D_IN = 256
D_HID = 256
N_TYPES = 32


def setup_inputs(seed: int = 0) -> dict:
    key = jax.random.key(seed)
    ks = jax.random.split(key, 12)
    x = jax.random.normal(ks[0], (N_NODES, D_IN), dtype=jnp.float32)
    edge_index = jax.random.randint(ks[1], (2, N_EDGES), 0, N_NODES, dtype=jnp.int64)
    W1 = jax.random.normal(ks[2], (D_IN, D_HID), dtype=jnp.float32) * (1.0 / np.sqrt(D_IN))
    b1 = jnp.zeros((D_HID,), dtype=jnp.float32)
    W2 = jax.random.normal(ks[3], (D_HID, D_HID), dtype=jnp.float32) * (1.0 / np.sqrt(D_HID))
    b2 = jnp.zeros((D_HID,), dtype=jnp.float32)
    W3 = jax.random.normal(ks[4], (D_HID, D_HID), dtype=jnp.float32) * (1.0 / np.sqrt(D_HID))
    b3 = jnp.zeros((D_HID,), dtype=jnp.float32)
    Wl = jax.random.normal(ks[5], (D_HID, N_TYPES), dtype=jnp.float32) * (1.0 / np.sqrt(D_HID))
    bl = jnp.zeros((N_TYPES,), dtype=jnp.float32)
    return {"x": x, "edge_index": edge_index, "W1": W1, "b1": b1, "W2": W2, "b2": b2, "W3": W3, "b3": b3, "Wl": Wl, "bl": bl}


def _gcn_conv(x, src, dst, W, b, n_nodes):
    # PyG GCNConv: add self-loops, symmetric normalization D^-1/2 (A+I) D^-1/2 X W + b
    h = x @ W
    deg = jnp.zeros((n_nodes,), dtype=x.dtype).at[dst].add(1.0)
    dinv = jnp.where(deg > 0, deg ** -0.5, 0.0)
    norm = dinv[src] * dinv[dst]
    msg = h[src] * norm[:, None]
    out = jnp.zeros_like(h).at[dst].add(msg)
    return out + b


def reference(x, edge_index, W1, b1, W2, b2, W3, b3, Wl, bl):
    n = x.shape[0]
    loops = jnp.arange(n, dtype=edge_index.dtype)
    src = jnp.concatenate([edge_index[0], loops])
    dst = jnp.concatenate([edge_index[1], loops])
    h = _gcn_conv(x, src, dst, W1, b1, n)
    h = jax.nn.relu(h)
    h = _gcn_conv(h, src, dst, W2, b2, n)
    h = jax.nn.relu(h)
    h = _gcn_conv(h, src, dst, W3, b3, n)
    h = jax.nn.relu(h)
    out = h @ Wl + bl
    return jax.nn.log_softmax(out, axis=1)

if __name__ == "__main__":
    import jax
    _d = setup_inputs()
    print(jax.jit(kernel)(*tuple(_d.values())))

</pallas_src>

<mosaic_0001>
#map = affine_map<(d0, d1) -> (0, 0)>
#map1 = affine_map<(d0, d1) -> (0)>
module attributes {stable_mosaic.version = 14 : i64} {
  func.func @_scatter_body(%arg0: i32, %arg1: i32, %arg2: memref<10000x128xf32, #tpu.memory_space<hbm>>, %arg3: memref<10000x128xf32, #tpu.memory_space<hbm>>, %arg4: memref<160000xi32, #tpu.memory_space<hbm>>, %arg5: memref<160000xi32, #tpu.memory_space<hbm>>, %arg6: memref<10240xi32, #tpu.memory_space<hbm>>, %arg7: memref<10240x128xf32, #tpu.memory_space<hbm>>, %arg8: memref<10240x128xf32, #tpu.memory_space<hbm>>, %arg9: memref<128xi32, #tpu.memory_space<vmem>>, %arg10: memref<128xi32, #tpu.memory_space<vmem>>, %arg11: memref<128xi32, #tpu.memory_space<vmem>>, %arg12: memref<128xi32, #tpu.memory_space<vmem>>, %arg13: memref<128xi32, #tpu.memory_space<vmem>>, %arg14: memref<128x128xf32, #tpu.memory_space<vmem>>, %arg15: memref<128x128xf32, #tpu.memory_space<vmem>>, %arg16: memref<10240x128xf32, #tpu.memory_space<vmem_shared>>, %arg17: memref<!tpu.dma_semaphore, #tpu.memory_space<semaphore_mem>>, %arg18: memref<!tpu.dma_semaphore, #tpu.memory_space<semaphore_mem>>) attributes {dimension_semantics = [#tpu.dimension_semantics<core_parallel>, #tpu.dimension_semantics<subcore_parallel>], iteration_bounds = array<i64: 2, 16>, scalar_prefetch = 0 : i64, scratch_operands = 10 : i64, tpu.core_type = #tpu.core_type<sc_vector_subcore>, window_params = [{transform_indices = #map}, {transform_indices = #map}, {transform_indices = #map1}, {transform_indices = #map1}, {transform_indices = #map1}, {transform_indices = #map}, {transform_indices = #map}]} {
    %scan3A = arith.constant 0 : i32
    %scan3A_0 = arith.constant 0 : i32
    %scan3A_1 = arith.constant 128 : i32
    %scan3A_2 = arith.addi %scan3A_0, %scan3A_1 : i32
    %scan3A_3 = arith.constant 1 : i32
    %scan3A_4 = scf.for %scan3A_32 = %scan3A_0 to %scan3A_2 step %scan3A_3 iter_args(%scan3A_33 = %scan3A) -> (i32)  : i32 {
      %scan3A_34 = arith.constant 0 : i32
      %scan3A_35 = arith.constant 0 : i32
      %scan3A_36 = arith.constant 8 : i32
      %scan3A_37 = arith.addi %scan3A_35, %scan3A_36 : i32
      %scan3A_38 = arith.constant 1 : i32
      %scan3A_39 = scf.for %scan3A_41 = %scan3A_35 to %scan3A_37 step %scan3A_38 iter_args(%scan3A_42 = %scan3A_34) -> (i32)  : i32 {
        %broadcast_in_dim3A = arith.constant 0.000000e+00 : f32
        %broadcast_in_dim3A_43 = vector.broadcast %broadcast_in_dim3A : f32 to vector<16xf32>
        %mul3A_44 = arith.constant 16 : i32
        %mul3A_45 = arith.muli %scan3A_41, %mul3A_44 : i32
        %swap3A = arith.index_cast %scan3A_32 : i32 to index
        %swap3A_46 = arith.index_cast %mul3A_45 : i32 to index
        %swap3A_47 = tpu.vector_load %arg14[%swap3A, %swap3A_46] {strides = array<i32>} : memref<128x128xf32, #tpu.memory_space<vmem>>, vector<1x16xf32>,
        %swap3A_48 = vector.shape_cast %swap3A_47 : vector<1x16xf32> to vector<16xf32>
        %swap3A_49 = vector.shape_cast %broadcast_in_dim3A_43 : vector<16xf32> to vector<1x16xf32>
        tpu.vector_store %arg14[%swap3A, %swap3A_46], %swap3A_49 {strides = array<i32>} : memref<128x128xf32, #tpu.memory_space<vmem>>, vector<1x16xf32>,
        %scan3A_50 = arith.constant 0 : i32
        scf.yield %scan3A_50 : i32
      }
      %scan3A_40 = arith.constant 8 : i32
      scf.yield %scan3A_39 : i32
    }
    %scan3A_5 = arith.constant 128 : i32
    %mul3A = arith.constant 640 : i32
    %mul3A_6 = arith.muli %arg1, %mul3A : i32
    %scan3A_7 = arith.constant 0 : i32
    %scan3A_8 = arith.constant 0 : i32
    %scan3A_9 = arith.constant 5 : i32
    %scan3A_10 = arith.addi %scan3A_8, %scan3A_9 : i32
    %scan3A_11 = arith.constant 1 : i32
    %scan3A_12 = scf.for %scan3A_32 = %scan3A_8 to %scan3A_10 step %scan3A_11 iter_args(%scan3A_33 = %scan3A_7) -> (i32)  : i32 {
      %mul3A_34 = arith.constant 128 : i32
      %mul3A_35 = arith.muli %scan3A_32, %mul3A_34 : i32
      %add3A = arith.addi %mul3A_6, %mul3A_35 : i32
      "tpu.region"() ({
        %run_scoped3A = tpu.sem_alloc : memref<!tpu.dma_semaphore, #tpu.memory_space<semaphore_mem>>
        %dma_start3A = tpu.memref_slice %arg6[%add3A] : memref<10240xi32, #tpu.memory_space<hbm>> -> memref<128xi32, #tpu.memory_space<hbm>>
        %dma_start3A_37 = tpu.memref_slice %arg6[%add3A] : memref<10240xi32, #tpu.memory_space<hbm>> -> memref<128xi32, #tpu.memory_space<hbm>>
        tpu.enqueue_dma source(%dma_start3A_37 : memref<128xi32, #tpu.memory_space<hbm>>) target(%arg13 : memref<128xi32, #tpu.memory_space<vmem>>) target_semaphore(%run_scoped3A : memref<!tpu.dma_semaphore, #tpu.memory_space<semaphore_mem>>)
        %dma_wait3A = tpu.memref_slice %arg6[%add3A] : memref<10240xi32, #tpu.memory_space<hbm>> -> memref<128xi32, #tpu.memory_space<hbm>>
        %dma_wait3A_38 = tpu.memref_slice %arg6[%add3A] : memref<10240xi32, #tpu.memory_space<hbm>> -> memref<128xi32, #tpu.memory_space<hbm>>
        tpu.wait_dma2 semaphore(%run_scoped3A : memref<!tpu.dma_semaphore, #tpu.memory_space<semaphore_mem>>) src(%dma_wait3A_38 : memref<128xi32, #tpu.memory_space<hbm>>) dst(%arg13 : memref<128xi32, #tpu.memory_space<vmem>>)
        tpu.yield
      }) : () -> ()
      "tpu.region"() ({
        %run_scoped3A = tpu.sem_alloc : memref<!tpu.dma_semaphore, #tpu.memory_space<semaphore_mem>>
        %dma_start3A = arith.constant 0 : i32
        %dma_start3A_37 = arith.constant 0 : i32
        %dma_start3A_38 = tpu.memref_slice %arg16[%dma_start3A, %dma_start3A_37] : memref<10240x128xf32, #tpu.memory_space<vmem_shared>> -> memref<10240x128xf32, #tpu.memory_space<vmem_shared>>
        tpu.enqueue_indirect_dma source(%arg14 : memref<128x128xf32, #tpu.memory_space<vmem>>) target(%dma_start3A_38 : memref<10240x128xf32, #tpu.memory_space<vmem_shared>>) offsets(%arg13 : memref<128xi32, #tpu.memory_space<vmem>>) semaphore(%run_scoped3A : memref<!tpu.dma_semaphore, #tpu.memory_space<semaphore_mem>>)
        %dma_wait3A = arith.constant 0 : i32
        %dma_wait3A_39 = arith.constant 0 : i32
        %dma_wait3A_40 = tpu.memref_slice %arg16[%dma_wait3A, %dma_wait3A_39] : memref<10240x128xf32, #tpu.memory_space<vmem_shared>> -> memref<10240x128xf32, #tpu.memory_space<vmem_shared>>
        tpu.wait_indirect_dma semaphore(%run_scoped3A : memref<!tpu.dma_semaphore, #tpu.memory_space<semaphore_mem>>) src(%arg14 : memref<128x128xf32, #tpu.memory_space<vmem>>) dst(%dma_wait3A_40 : memref<10240x128xf32, #tpu.memory_space<vmem_shared>>)
        tpu.yield
      }) : () -> ()
      %scan3A_36 = arith.constant 0 : i32
      scf.yield %scan3A_36 : i32
    }
    %scan3A_13 = arith.constant 5 : i32
    %barrier3A = arith.constant 0 : index
    tpu.barrier barrier_id(%barrier3A)
    %eq3A = arith.constant 0 : i32
    %eq3A_14 = arith.cmpi eq, %arg0, %eq3A : i32
    %convert_element_type3A = arith.extui %eq3A_14 : i1 to i32
    %cond3A = arith.constant 0 : i32
    %cond3A_15 = arith.cmpi ne, %convert_element_type3A, %cond3A : i32
    scf.if %cond3A_15 {
      %scan3A_32 = arith.constant 0 : i32
      %scan3A_33 = arith.constant 0 : i32
      %scan3A_34 = arith.constant 39 : i32
      %scan3A_35 = arith.addi %scan3A_33, %scan3A_34 : i32
      %scan3A_36 = arith.constant 1 : i32
      %scan3A_37 = scf.for %scan3A_43 = %scan3A_33 to %scan3A_35 step %scan3A_36 iter_args(%scan3A_44 = %scan3A_32) -> (i32)  : i32 {
        %mul3A_45 = arith.constant 2 : i32
        %mul3A_46 = arith.muli %mul3A_45, %scan3A_43 : i32
        %mul3A_47 = arith.constant 16 : i32
        %mul3A_48 = arith.muli %mul3A_46, %mul3A_47 : i32
        %add3A = arith.addi %arg1, %mul3A_48 : i32
        %mul3A_49 = arith.constant 2 : i32
        %mul3A_50 = arith.muli %mul3A_49, %scan3A_43 : i32
        %add3A_51 = arith.constant 1 : i32
        %add3A_52 = arith.addi %mul3A_50, %add3A_51 : i32
        %mul3A_53 = arith.constant 16 : i32
        %mul3A_54 = arith.muli %add3A_52, %mul3A_53 : i32
        %add3A_55 = arith.addi %arg1, %mul3A_54 : i32
        %mul3A_56 = arith.constant 128 : i32
        %mul3A_57 = arith.muli %add3A, %mul3A_56 : i32
        "tpu.region"() ({
          %run_scoped3A = tpu.sem_alloc : memref<!tpu.dma_semaphore, #tpu.memory_space<semaphore_mem>>
          %dma_start3A_75 = tpu.memref_slice %arg4[%mul3A_57] : memref<160000xi32, #tpu.memory_space<hbm>> -> memref<128xi32, #tpu.memory_space<hbm>>
          %dma_start3A_76 = tpu.memref_slice %arg4[%mul3A_57] : memref<160000xi32, #tpu.memory_space<hbm>> -> memref<128xi32, #tpu.memory_space<hbm>>
          tpu.enqueue_dma source(%dma_start3A_76 : memref<128xi32, #tpu.memory_space<hbm>>) target(%arg9 : memref<128xi32, #tpu.memory_space<vmem>>) target_semaphore(%run_scoped3A : memref<!tpu.dma_semaphore, #tpu.memory_space<semaphore_mem>>)
          %dma_wait3A_77 = tpu.memref_slice %arg4[%mul3A_57] : memref<160000xi32, #tpu.memory_space<hbm>> -> memref<128xi32, #tpu.memory_space<hbm>>
          %dma_wait3A_78 = tpu.memref_slice %arg4[%mul3A_57] : memref<160000xi32, #tpu.memory_space<hbm>> -> memref<128xi32, #tpu.memory_space<hbm>>
          tpu.wait_dma2 semaphore(%run_scoped3A : memref<!tpu.dma_semaphore, #tpu.memory_space<semaphore_mem>>) src(%dma_wait3A_78 : memref<128xi32, #tpu.memory_space<hbm>>) dst(%arg9 : memref<128xi32, #tpu.memory_space<vmem>>)
          tpu.yield
        }) : () -> ()
        %mul3A_58 = arith.constant 128 : i32
        %mul3A_59 = arith.muli %add3A, %mul3A_58 : i32
        "tpu.region"() ({
          %run_scoped3A = tpu.sem_alloc : memref<!tpu.dma_semaphore, #tpu.memory_space<semaphore_mem>>
          %dma_start3A_75 = tpu.memref_slice %arg5[%mul3A_59] : memref<160000xi32, #tpu.memory_space<hbm>> -> memref<128xi32, #tpu.memory_space<hbm>>
          %dma_start3A_76 = tpu.memref_slice %arg5[%mul3A_59] : memref<160000xi32, #tpu.memory_space<hbm>> -> memref<128xi32, #tpu.memory_space<hbm>>
          tpu.enqueue_dma source(%dma_start3A_76 : memref<128xi32, #tpu.memory_space<hbm>>) target(%arg10 : memref<128xi32, #tpu.memory_space<vmem>>) target_semaphore(%run_scoped3A : memref<!tpu.dma_semaphore, #tpu.memory_space<semaphore_mem>>)
          %dma_wait3A_77 = tpu.memref_slice %arg5[%mul3A_59] : memref<160000xi32, #tpu.memory_space<hbm>> -> memref<128xi32, #tpu.memory_space<hbm>>
          %dma_wait3A_78 = tpu.memref_slice %arg5[%mul3A_59] : memref<160000xi32, #tpu.memory_space<hbm>> -> memref<128xi32, #tpu.memory_space<hbm>>
          tpu.wait_dma2 semaphore(%run_scoped3A : memref<!tpu.dma_semaphore, #tpu.memory_space<semaphore_mem>>) src(%dma_wait3A_78 : memref<128xi32, #tpu.memory_space<hbm>>) dst(%arg10 : memref<128xi32, #tpu.memory_space<vmem>>)
          tpu.yield
        }) : () -> ()
        %dma_start3A = arith.constant 0 : i32
        %dma_start3A_60 = arith.constant 0 : i32
        %dma_start3A_61 = tpu.memref_slice %arg2[%dma_start3A, %dma_start3A_60] : memref<10000x128xf32, #tpu.memory_space<hbm>> -> memref<10000x128xf32, #tpu.memory_space<hbm>>
        tpu.enqueue_indirect_dma source(%dma_start3A_61 : memref<10000x128xf32, #tpu.memory_space<hbm>>) target(%arg14 : memref<128x128xf32, #tpu.memory_space<vmem>>) offsets(%arg9 : memref<128xi32, #tpu.memory_space<vmem>>) semaphore(%arg17 : memref<!tpu.dma_semaphore, #tpu.memory_space<semaphore_mem>>)
        %mul3A_62 = arith.constant 128 : i32
        %mul3A_63 = arith.muli %add3A_55, %mul3A_62 : i32
        "tpu.region"() ({
          %run_scoped3A = tpu.sem_alloc : memref<!tpu.dma_semaphore, #tpu.memory_space<semaphore_mem>>
          %dma_start3A_75 = tpu.memref_slice %arg4[%mul3A_63] : memref<160000xi32, #tpu.memory_space<hbm>> -> memref<128xi32, #tpu.memory_space<hbm>>
          %dma_start3A_76 = tpu.memref_slice %arg4[%mul3A_63] : memref<160000xi32, #tpu.memory_space<hbm>> -> memref<128xi32, #tpu.memory_space<hbm>>
          tpu.enqueue_dma source(%dma_start3A_76 : memref<128xi32, #tpu.memory_space<hbm>>) target(%arg11 : memref<128xi32, #tpu.memory_space<vmem>>) target_semaphore(%run_scoped3A : memref<!tpu.dma_semaphore, #tpu.memory_space<semaphore_mem>>)
          %dma_wait3A_77 = tpu.memref_slice %arg4[%mul3A_63] : memref<160000xi32, #tpu.memory_space<hbm>> -> memref<128xi32, #tpu.memory_space<hbm>>
          %dma_wait3A_78 = tpu.memref_slice %arg4[%mul3A_63] : memref<160000xi32, #tpu.memory_space<hbm>> -> memref<128xi32, #tpu.memory_space<hbm>>
          tpu.wait_dma2 semaphore(%run_scoped3A : memref<!tpu.dma_semaphore, #tpu.memory_space<semaphore_mem>>) src(%dma_wait3A_78 : memref<128xi32, #tpu.memory_space<hbm>>) dst(%arg11 : memref<128xi32, #tpu.memory_space<vmem>>)
          tpu.yield
        }) : () -> ()
        %mul3A_64 = arith.constant 128 : i32
        %mul3A_65 = arith.muli %add3A_55, %mul3A_64 : i32
        "tpu.region"() ({
          %run_scoped3A = tpu.sem_alloc : memref<!tpu.dma_semaphore, #tpu.memory_space<semaphore_mem>>
          %dma_start3A_75 = tpu.memref_slice %arg5[%mul3A_65] : memref<160000xi32, #tpu.memory_space<hbm>> -> memref<128xi32, #tpu.memory_space<hbm>>
          %dma_start3A_76 = tpu.memref_slice %arg5[%mul3A_65] : memref<160000xi32, #tpu.memory_space<hbm>> -> memref<128xi32, #tpu.memory_space<hbm>>
          tpu.enqueue_dma source(%dma_start3A_76 : memref<128xi32, #tpu.memory_space<hbm>>) target(%arg12 : memref<128xi32, #tpu.memory_space<vmem>>) target_semaphore(%run_scoped3A : memref<!tpu.dma_semaphore, #tpu.memory_space<semaphore_mem>>)
          %dma_wait3A_77 = tpu.memref_slice %arg5[%mul3A_65] : memref<160000xi32, #tpu.memory_space<hbm>> -> memref<128xi32, #tpu.memory_space<hbm>>
          %dma_wait3A_78 = tpu.memref_slice %arg5[%mul3A_65] : memref<160000xi32, #tpu.memory_space<hbm>> -> memref<128xi32, #tpu.memory_space<hbm>>
          tpu.wait_dma2 semaphore(%run_scoped3A : memref<!tpu.dma_semaphore, #tpu.memory_space<semaphore_mem>>) src(%dma_wait3A_78 : memref<128xi32, #tpu.memory_space<hbm>>) dst(%arg12 : memref<128xi32, #tpu.memory_space<vmem>>)
          tpu.yield
        }) : () -> ()
        %dma_start3A_66 = arith.constant 0 : i32
        %dma_start3A_67 = arith.constant 0 : i32
        %dma_start3A_68 = tpu.memref_slice %arg2[%dma_start3A_66, %dma_start3A_67] : memref<10000x128xf32, #tpu.memory_space<hbm>> -> memref<10000x128xf32, #tpu.memory_space<hbm>>
        tpu.enqueue_indirect_dma source(%dma_start3A_68 : memref<10000x128xf32, #tpu.memory_space<hbm>>) target(%arg15 : memref<128x128xf32, #tpu.memory_space<vmem>>) offsets(%arg11 : memref<128xi32, #tpu.memory_space<vmem>>) semaphore(%arg18 : memref<!tpu.dma_semaphore, #tpu.memory_space<semaphore_mem>>)
        %dma_wait3A = arith.constant 0 : i32
        %dma_wait3A_69 = arith.constant 0 : i32
        %dma_wait3A_70 = tpu.memref_slice %arg2[%dma_wait3A, %dma_wait3A_69] : memref<10000x128xf32, #tpu.memory_space<hbm>> -> memref<10000x128xf32, #tpu.memory_space<hbm>>
        tpu.wait_indirect_dma semaphore(%arg17 : memref<!tpu.dma_semaphore, #tpu.memory_space<semaphore_mem>>) src(%dma_wait3A_70 : memref<10000x128xf32, #tpu.memory_space<hbm>>) dst(%arg14 : memref<128x128xf32, #tpu.memory_space<vmem>>)
        "tpu.region"() ({
          %run_scoped3A = tpu.sem_alloc : memref<!tpu.dma_semaphore, #tpu.memory_space<semaphore_mem>>
          %dma_start3A_75 = arith.constant 0 : i32
          %dma_start3A_76 = arith.constant 0 : i32
          %dma_start3A_77 = tpu.memref_slice %arg16[%dma_start3A_75, %dma_start3A_76] : memref<10240x128xf32, #tpu.memory_space<vmem_shared>> -> memref<10240x128xf32, #tpu.memory_space<vmem_shared>>
          tpu.enqueue_indirect_dma source(%arg14 : memref<128x128xf32, #tpu.memory_space<vmem>>) target(%dma_start3A_77 : memref<10240x128xf32, #tpu.memory_space<vmem_shared>>) offsets(%arg10 : memref<128xi32, #tpu.memory_space<vmem>>) semaphore(%run_scoped3A : memref<!tpu.dma_semaphore, #tpu.memory_space<semaphore_mem>>) {add = true}
          %dma_wait3A_78 = arith.constant 0 : i32
          %dma_wait3A_79 = arith.constant 0 : i32
          %dma_wait3A_80 = tpu.memref_slice %arg16[%dma_wait3A_78, %dma_wait3A_79] : memref<10240x128xf32, #tpu.memory_space<vmem_shared>> -> memref<10240x128xf32, #tpu.memory_space<vmem_shared>>
          tpu.wait_indirect_dma semaphore(%run_scoped3A : memref<!tpu.dma_semaphore, #tpu.memory_space<semaphore_mem>>) src(%arg14 : memref<128x128xf32, #tpu.memory_space<vmem>>) dst(%dma_wait3A_80 : memref<10240x128xf32, #tpu.memory_space<vmem_shared>>)
          tpu.yield
        }) : () -> ()
        %dma_wait3A_71 = arith.constant 0 : i32
        %dma_wait3A_72 = arith.constant 0 : i32
        %dma_wait3A_73 = tpu.memref_slice %arg2[%dma_wait3A_71, %dma_wait3A_72] : memref<10000x128xf32, #tpu.memory_space<hbm>> -> memref<10000x128xf32, #tpu.memory_space<hbm>>
        tpu.wait_indirect_dma semaphore(%arg18 : memref<!tpu.dma_semaphore, #tpu.memory_space<semaphore_mem>>) src(%dma_wait3A_73 : memref<10000x128xf32, #tpu.memory_space<hbm>>) dst(%arg15 : memref<128x128xf32, #tpu.memory_space<vmem>>)
        "tpu.region"() ({
          %run_scoped3A = tpu.sem_alloc : memref<!tpu.dma_semaphore, #tpu.memory_space<semaphore_mem>>
          %dma_start3A_75 = arith.constant 0 : i32
          %dma_start3A_76 = arith.constant 0 : i32
          %dma_start3A_77 = tpu.memref_slice %arg16[%dma_start3A_75, %dma_start3A_76] : memref<10240x128xf32, #tpu.memory_space<vmem_shared>> -> memref<10240x128xf32, #tpu.memory_space<vmem_shared>>
          tpu.enqueue_indirect_dma source(%arg15 : memref<128x128xf32, #tpu.memory_space<vmem>>) target(%dma_start3A_77 : memref<10240x128xf32, #tpu.memory_space<vmem_shared>>) offsets(%arg12 : memref<128xi32, #tpu.memory_space<vmem>>) semaphore(%run_scoped3A : memref<!tpu.dma_semaphore, #tpu.memory_space<semaphore_mem>>) {add = true}
          %dma_wait3A_78 = arith.constant 0 : i32
          %dma_wait3A_79 = arith.constant 0 : i32
          %dma_wait3A_80 = tpu.memref_slice %arg16[%dma_wait3A_78, %dma_wait3A_79] : memref<10240x128xf32, #tpu.memory_space<vmem_shared>> -> memref<10240x128xf32, #tpu.memory_space<vmem_shared>>
          tpu.wait_indirect_dma semaphore(%run_scoped3A : memref<!tpu.dma_semaphore, #tpu.memory_space<semaphore_mem>>) src(%arg15 : memref<128x128xf32, #tpu.memory_space<vmem>>) dst(%dma_wait3A_80 : memref<10240x128xf32, #tpu.memory_space<vmem_shared>>)
          tpu.yield
        }) : () -> ()
        %scan3A_74 = arith.constant 0 : i32
        scf.yield %scan3A_74 : i32
      }
      %scan3A_38 = arith.constant 39 : i32
      %lt3A = arith.constant 2 : i32
      %lt3A_39 = arith.cmpi slt, %arg1, %lt3A : i32
      %convert_element_type3A_40 = arith.extui %lt3A_39 : i1 to i32
      %cond3A_41 = arith.constant 0 : i32
      %cond3A_42 = arith.cmpi ne, %convert_element_type3A_40, %cond3A_41 : i32
      scf.if %cond3A_42 {
        %add3A = arith.constant 1248 : i32
        %add3A_43 = arith.addi %arg1, %add3A : i32
        %mul3A_44 = arith.constant 128 : i32
        %mul3A_45 = arith.muli %add3A_43, %mul3A_44 : i32
        "tpu.region"() ({
          %run_scoped3A = tpu.sem_alloc : memref<!tpu.dma_semaphore, #tpu.memory_space<semaphore_mem>>
          %dma_start3A_52 = tpu.memref_slice %arg4[%mul3A_45] : memref<160000xi32, #tpu.memory_space<hbm>> -> memref<128xi32, #tpu.memory_space<hbm>>
          %dma_start3A_53 = tpu.memref_slice %arg4[%mul3A_45] : memref<160000xi32, #tpu.memory_space<hbm>> -> memref<128xi32, #tpu.memory_space<hbm>>
          tpu.enqueue_dma source(%dma_start3A_53 : memref<128xi32, #tpu.memory_space<hbm>>) target(%arg9 : memref<128xi32, #tpu.memory_space<vmem>>) target_semaphore(%run_scoped3A : memref<!tpu.dma_semaphore, #tpu.memory_space<semaphore_mem>>)
          %dma_wait3A_54 = tpu.memref_slice %arg4[%mul3A_45] : memref<160000xi32, #tpu.memory_space<hbm>> -> memref<128xi32, #tpu.memory_space<hbm>>
          %dma_wait3A_55 = tpu.memref_slice %arg4[%mul3A_45] : memref<160000xi32, #tpu.memory_space<hbm>> -> memref<128xi32, #tpu.memory_space<hbm>>
          tpu.wait_dma2 semaphore(%run_scoped3A : memref<!tpu.dma_semaphore, #tpu.memory_space<semaphore_mem>>) src(%dma_wait3A_55 : memref<128xi32, #tpu.memory_space<hbm>>) dst(%arg9 : memref<128xi32, #tpu.memory_space<vmem>>)
          tpu.yield
        }) : () -> ()
        %mul3A_46 = arith.constant 128 : i32
        %mul3A_47 = arith.muli %add3A_43, %mul3A_46 : i32
        "tpu.region"() ({
          %run_scoped3A = tpu.sem_alloc : memref<!tpu.dma_semaphore, #tpu.memory_space<semaphore_mem>>
          %dma_start3A_52 = tpu.memref_slice %arg5[%mul3A_47] : memref<160000xi32, #tpu.memory_space<hbm>> -> memref<128xi32, #tpu.memory_space<hbm>>
          %dma_start3A_53 = tpu.memref_slice %arg5[%mul3A_47] : memref<160000xi32, #tpu.memory_space<hbm>> -> memref<128xi32, #tpu.memory_space<hbm>>
          tpu.enqueue_dma source(%dma_start3A_53 : memref<128xi32, #tpu.memory_space<hbm>>) target(%arg10 : memref<128xi32, #tpu.memory_space<vmem>>) target_semaphore(%run_scoped3A : memref<!tpu.dma_semaphore, #tpu.memory_space<semaphore_mem>>)
          %dma_wait3A_54 = tpu.memref_slice %arg5[%mul3A_47] : memref<160000xi32, #tpu.memory_space<hbm>> -> memref<128xi32, #tpu.memory_space<hbm>>
          %dma_wait3A_55 = tpu.memref_slice %arg5[%mul3A_47] : memref<160000xi32, #tpu.memory_space<hbm>> -> memref<128xi32, #tpu.memory_space<hbm>>
          tpu.wait_dma2 semaphore(%run_scoped3A : memref<!tpu.dma_semaphore, #tpu.memory_space<semaphore_mem>>) src(%dma_wait3A_55 : memref<128xi32, #tpu.memory_space<hbm>>) dst(%arg10 : memref<128xi32, #tpu.memory_space<vmem>>)
          tpu.yield
        }) : () -> ()
        %dma_start3A = arith.constant 0 : i32
        %dma_start3A_48 = arith.constant 0 : i32
        %dma_start3A_49 = tpu.memref_slice %arg2[%dma_start3A, %dma_start3A_48] : memref<10000x128xf32, #tpu.memory_space<hbm>> -> memref<10000x128xf32, #tpu.memory_space<hbm>>
        tpu.enqueue_indirect_dma source(%dma_start3A_49 : memref<10000x128xf32, #tpu.memory_space<hbm>>) target(%arg14 : memref<128x128xf32, #tpu.memory_space<vmem>>) offsets(%arg9 : memref<128xi32, #tpu.memory_space<vmem>>) semaphore(%arg17 : memref<!tpu.dma_semaphore, #tpu.memory_space<semaphore_mem>>)
        %dma_wait3A = arith.constant 0 : i32
        %dma_wait3A_50 = arith.constant 0 : i32
        %dma_wait3A_51 = tpu.memref_slice %arg2[%dma_wait3A, %dma_wait3A_50] : memref<10000x128xf32, #tpu.memory_space<hbm>> -> memref<10000x128xf32, #tpu.memory_space<hbm>>
        tpu.wait_indirect_dma semaphore(%arg17 : memref<!tpu.dma_semaphore, #tpu.memory_space<semaphore_mem>>) src(%dma_wait3A_51 : memref<10000x128xf32, #tpu.memory_space<hbm>>) dst(%arg14 : memref<128x128xf32, #tpu.memory_space<vmem>>)
        "tpu.region"() ({
          %run_scoped3A = tpu.sem_alloc : memref<!tpu.dma_semaphore, #tpu.memory_space<semaphore_mem>>
          %dma_start3A_52 = arith.constant 0 : i32
          %dma_start3A_53 = arith.constant 0 : i32
          %dma_start3A_54 = tpu.memref_slice %arg16[%dma_start3A_52, %dma_start3A_53] : memref<10240x128xf32, #tpu.memory_space<vmem_shared>> -> memref<10240x128xf32, #tpu.memory_space<vmem_shared>>
          tpu.enqueue_indirect_dma source(%arg14 : memref<128x128xf32, #tpu.memory_space<vmem>>) target(%dma_start3A_54 : memref<10240x128xf32, #tpu.memory_space<vmem_shared>>) offsets(%arg10 : memref<128xi32, #tpu.memory_space<vmem>>) semaphore(%run_scoped3A : memref<!tpu.dma_semaphore, #tpu.memory_space<semaphore_mem>>) {add = true}
          %dma_wait3A_55 = arith.constant 0 : i32
          %dma_wait3A_56 = arith.constant 0 : i32
          %dma_wait3A_57 = tpu.memref_slice %arg16[%dma_wait3A_55, %dma_wait3A_56] : memref<10240x128xf32, #tpu.memory_space<vmem_shared>> -> memref<10240x128xf32, #tpu.memory_space<vmem_shared>>
          tpu.wait_indirect_dma semaphore(%run_scoped3A : memref<!tpu.dma_semaphore, #tpu.memory_space<semaphore_mem>>) src(%arg14 : memref<128x128xf32, #tpu.memory_space<vmem>>) dst(%dma_wait3A_57 : memref<10240x128xf32, #tpu.memory_space<vmem_shared>>)
          tpu.yield
        }) : () -> ()
      } else {
      }
    } else {
    }
    %eq3A_16 = arith.constant 1 : i32
    %eq3A_17 = arith.cmpi eq, %arg0, %eq3A_16 : i32
    %convert_element_type3A_18 = arith.extui %eq3A_17 : i1 to i32
    %cond3A_19 = arith.constant 0 : i32
    %cond3A_20 = arith.cmpi ne, %convert_element_type3A_18, %cond3A_19 : i32
    scf.if %cond3A_20 {
      %scan3A_32 = arith.constant 0 : i32
      %scan3A_33 = arith.constant 0 : i32
      %scan3A_34 = arith.constant 39 : i32
      %scan3A_35 = arith.addi %scan3A_33, %scan3A_34 : i32
      %scan3A_36 = arith.constant 1 : i32
      %scan3A_37 = scf.for %scan3A_43 = %scan3A_33 to %scan3A_35 step %scan3A_36 iter_args(%scan3A_44 = %scan3A_32) -> (i32)  : i32 {
        %mul3A_45 = arith.constant 2 : i32
        %mul3A_46 = arith.muli %mul3A_45, %scan3A_43 : i32
        %mul3A_47 = arith.constant 16 : i32
        %mul3A_48 = arith.muli %mul3A_46, %mul3A_47 : i32
        %add3A = arith.addi %arg1, %mul3A_48 : i32
        %mul3A_49 = arith.constant 2 : i32
        %mul3A_50 = arith.muli %mul3A_49, %scan3A_43 : i32
        %add3A_51 = arith.constant 1 : i32
        %add3A_52 = arith.addi %mul3A_50, %add3A_51 : i32
        %mul3A_53 = arith.constant 16 : i32
        %mul3A_54 = arith.muli %add3A_52, %mul3A_53 : i32
        %add3A_55 = arith.addi %arg1, %mul3A_54 : i32
        %mul3A_56 = arith.constant 128 : i32
        %mul3A_57 = arith.muli %add3A, %mul3A_56 : i32
        "tpu.region"() ({
          %run_scoped3A = tpu.sem_alloc : memref<!tpu.dma_semaphore, #tpu.memory_space<semaphore_mem>>
          %dma_start3A_75 = tpu.memref_slice %arg4[%mul3A_57] : memref<160000xi32, #tpu.memory_space<hbm>> -> memref<128xi32, #tpu.memory_space<hbm>>
          %dma_start3A_76 = tpu.memref_slice %arg4[%mul3A_57] : memref<160000xi32, #tpu.memory_space<hbm>> -> memref<128xi32, #tpu.memory_space<hbm>>
          tpu.enqueue_dma source(%dma_start3A_76 : memref<128xi32, #tpu.memory_space<hbm>>) target(%arg9 : memref<128xi32, #tpu.memory_space<vmem>>) target_semaphore(%run_scoped3A : memref<!tpu.dma_semaphore, #tpu.memory_space<semaphore_mem>>)
          %dma_wait3A_77 = tpu.memref_slice %arg4[%mul3A_57] : memref<160000xi32, #tpu.memory_space<hbm>> -> memref<128xi32, #tpu.memory_space<hbm>>
          %dma_wait3A_78 = tpu.memref_slice %arg4[%mul3A_57] : memref<160000xi32, #tpu.memory_space<hbm>> -> memref<128xi32, #tpu.memory_space<hbm>>
          tpu.wait_dma2 semaphore(%run_scoped3A : memref<!tpu.dma_semaphore, #tpu.memory_space<semaphore_mem>>) src(%dma_wait3A_78 : memref<128xi32, #tpu.memory_space<hbm>>) dst(%arg9 : memref<128xi32, #tpu.memory_space<vmem>>)
          tpu.yield
        }) : () -> ()
        %mul3A_58 = arith.constant 128 : i32
        %mul3A_59 = arith.muli %add3A, %mul3A_58 : i32
        "tpu.region"() ({
          %run_scoped3A = tpu.sem_alloc : memref<!tpu.dma_semaphore, #tpu.memory_space<semaphore_mem>>
          %dma_start3A_75 = tpu.memref_slice %arg5[%mul3A_59] : memref<160000xi32, #tpu.memory_space<hbm>> -> memref<128xi32, #tpu.memory_space<hbm>>
          %dma_start3A_76 = tpu.memref_slice %arg5[%mul3A_59] : memref<160000xi32, #tpu.memory_space<hbm>> -> memref<128xi32, #tpu.memory_space<hbm>>
          tpu.enqueue_dma source(%dma_start3A_76 : memref<128xi32, #tpu.memory_space<hbm>>) target(%arg10 : memref<128xi32, #tpu.memory_space<vmem>>) target_semaphore(%run_scoped3A : memref<!tpu.dma_semaphore, #tpu.memory_space<semaphore_mem>>)
          %dma_wait3A_77 = tpu.memref_slice %arg5[%mul3A_59] : memref<160000xi32, #tpu.memory_space<hbm>> -> memref<128xi32, #tpu.memory_space<hbm>>
          %dma_wait3A_78 = tpu.memref_slice %arg5[%mul3A_59] : memref<160000xi32, #tpu.memory_space<hbm>> -> memref<128xi32, #tpu.memory_space<hbm>>
          tpu.wait_dma2 semaphore(%run_scoped3A : memref<!tpu.dma_semaphore, #tpu.memory_space<semaphore_mem>>) src(%dma_wait3A_78 : memref<128xi32, #tpu.memory_space<hbm>>) dst(%arg10 : memref<128xi32, #tpu.memory_space<vmem>>)
          tpu.yield
        }) : () -> ()
        %dma_start3A = arith.constant 0 : i32
        %dma_start3A_60 = arith.constant 0 : i32
        %dma_start3A_61 = tpu.memref_slice %arg3[%dma_start3A, %dma_start3A_60] : memref<10000x128xf32, #tpu.memory_space<hbm>> -> memref<10000x128xf32, #tpu.memory_space<hbm>>
        tpu.enqueue_indirect_dma source(%dma_start3A_61 : memref<10000x128xf32, #tpu.memory_space<hbm>>) target(%arg14 : memref<128x128xf32, #tpu.memory_space<vmem>>) offsets(%arg9 : memref<128xi32, #tpu.memory_space<vmem>>) semaphore(%arg17 : memref<!tpu.dma_semaphore, #tpu.memory_space<semaphore_mem>>)
        %mul3A_62 = arith.constant 128 : i32
        %mul3A_63 = arith.muli %add3A_55, %mul3A_62 : i32
        "tpu.region"() ({
          %run_scoped3A = tpu.sem_alloc : memref<!tpu.dma_semaphore, #tpu.memory_space<semaphore_mem>>
          %dma_start3A_75 = tpu.memref_slice %arg4[%mul3A_63] : memref<160000xi32, #tpu.memory_space<hbm>> -> memref<128xi32, #tpu.memory_space<hbm>>
          %dma_start3A_76 = tpu.memref_slice %arg4[%mul3A_63] : memref<160000xi32, #tpu.memory_space<hbm>> -> memref<128xi32, #tpu.memory_space<hbm>>
          tpu.enqueue_dma source(%dma_start3A_76 : memref<128xi32, #tpu.memory_space<hbm>>) target(%arg11 : memref<128xi32, #tpu.memory_space<vmem>>) target_semaphore(%run_scoped3A : memref<!tpu.dma_semaphore, #tpu.memory_space<semaphore_mem>>)
          %dma_wait3A_77 = tpu.memref_slice %arg4[%mul3A_63] : memref<160000xi32, #tpu.memory_space<hbm>> -> memref<128xi32, #tpu.memory_space<hbm>>
          %dma_wait3A_78 = tpu.memref_slice %arg4[%mul3A_63] : memref<160000xi32, #tpu.memory_space<hbm>> -> memref<128xi32, #tpu.memory_space<hbm>>
          tpu.wait_dma2 semaphore(%run_scoped3A : memref<!tpu.dma_semaphore, #tpu.memory_space<semaphore_mem>>) src(%dma_wait3A_78 : memref<128xi32, #tpu.memory_space<hbm>>) dst(%arg11 : memref<128xi32, #tpu.memory_space<vmem>>)
          tpu.yield
        }) : () -> ()
        %mul3A_64 = arith.constant 128 : i32
        %mul3A_65 = arith.muli %add3A_55, %mul3A_64 : i32
        "tpu.region"() ({
          %run_scoped3A = tpu.sem_alloc : memref<!tpu.dma_semaphore, #tpu.memory_space<semaphore_mem>>
          %dma_start3A_75 = tpu.memref_slice %arg5[%mul3A_65] : memref<160000xi32, #tpu.memory_space<hbm>> -> memref<128xi32, #tpu.memory_space<hbm>>
          %dma_start3A_76 = tpu.memref_slice %arg5[%mul3A_65] : memref<160000xi32, #tpu.memory_space<hbm>> -> memref<128xi32, #tpu.memory_space<hbm>>
          tpu.enqueue_dma source(%dma_start3A_76 : memref<128xi32, #tpu.memory_space<hbm>>) target(%arg12 : memref<128xi32, #tpu.memory_space<vmem>>) target_semaphore(%run_scoped3A : memref<!tpu.dma_semaphore, #tpu.memory_space<semaphore_mem>>)
          %dma_wait3A_77 = tpu.memref_slice %arg5[%mul3A_65] : memref<160000xi32, #tpu.memory_space<hbm>> -> memref<128xi32, #tpu.memory_space<hbm>>
          %dma_wait3A_78 = tpu.memref_slice %arg5[%mul3A_65] : memref<160000xi32, #tpu.memory_space<hbm>> -> memref<128xi32, #tpu.memory_space<hbm>>
          tpu.wait_dma2 semaphore(%run_scoped3A : memref<!tpu.dma_semaphore, #tpu.memory_space<semaphore_mem>>) src(%dma_wait3A_78 : memref<128xi32, #tpu.memory_space<hbm>>) dst(%arg12 : memref<128xi32, #tpu.memory_space<vmem>>)
          tpu.yield
        }) : () -> ()
        %dma_start3A_66 = arith.constant 0 : i32
        %dma_start3A_67 = arith.constant 0 : i32
        %dma_start3A_68 = tpu.memref_slice %arg3[%dma_start3A_66, %dma_start3A_67] : memref<10000x128xf32, #tpu.memory_space<hbm>> -> memref<10000x128xf32, #tpu.memory_space<hbm>>
        tpu.enqueue_indirect_dma source(%dma_start3A_68 : memref<10000x128xf32, #tpu.memory_space<hbm>>) target(%arg15 : memref<128x128xf32, #tpu.memory_space<vmem>>) offsets(%arg11 : memref<128xi32, #tpu.memory_space<vmem>>) semaphore(%arg18 : memref<!tpu.dma_semaphore, #tpu.memory_space<semaphore_mem>>)
        %dma_wait3A = arith.constant 0 : i32
        %dma_wait3A_69 = arith.constant 0 : i32
        %dma_wait3A_70 = tpu.memref_slice %arg3[%dma_wait3A, %dma_wait3A_69] : memref<10000x128xf32, #tpu.memory_space<hbm>> -> memref<10000x128xf32, #tpu.memory_space<hbm>>
        tpu.wait_indirect_dma semaphore(%arg17 : memref<!tpu.dma_semaphore, #tpu.memory_space<semaphore_mem>>) src(%dma_wait3A_70 : memref<10000x128xf32, #tpu.memory_space<hbm>>) dst(%arg14 : memref<128x128xf32, #tpu.memory_space<vmem>>)
        "tpu.region"() ({
          %run_scoped3A = tpu.sem_alloc : memref<!tpu.dma_semaphore, #tpu.memory_space<semaphore_mem>>
          %dma_start3A_75 = arith.constant 0 : i32
          %dma_start3A_76 = arith.constant 0 : i32
          %dma_start3A_77 = tpu.memref_slice %arg16[%dma_start3A_75, %dma_start3A_76] : memref<10240x128xf32, #tpu.memory_space<vmem_shared>> -> memref<10240x128xf32, #tpu.memory_space<vmem_shared>>
          tpu.enqueue_indirect_dma source(%arg14 : memref<128x128xf32, #tpu.memory_space<vmem>>) target(%dma_start3A_77 : memref<10240x128xf32, #tpu.memory_space<vmem_shared>>) offsets(%arg10 : memref<128xi32, #tpu.memory_space<vmem>>) semaphore(%run_scoped3A : memref<!tpu.dma_semaphore, #tpu.memory_space<semaphore_mem>>) {add = true}
          %dma_wait3A_78 = arith.constant 0 : i32
          %dma_wait3A_79 = arith.constant 0 : i32
          %dma_wait3A_80 = tpu.memref_slice %arg16[%dma_wait3A_78, %dma_wait3A_79] : memref<10240x128xf32, #tpu.memory_space<vmem_shared>> -> memref<10240x128xf32, #tpu.memory_space<vmem_shared>>
          tpu.wait_indirect_dma semaphore(%run_scoped3A : memref<!tpu.dma_semaphore, #tpu.memory_space<semaphore_mem>>) src(%arg14 : memref<128x128xf32, #tpu.memory_space<vmem>>) dst(%dma_wait3A_80 : memref<10240x128xf32, #tpu.memory_space<vmem_shared>>)
          tpu.yield
        }) : () -> ()
        %dma_wait3A_71 = arith.constant 0 : i32
        %dma_wait3A_72 = arith.constant 0 : i32
        %dma_wait3A_73 = tpu.memref_slice %arg3[%dma_wait3A_71, %dma_wait3A_72] : memref<10000x128xf32, #tpu.memory_space<hbm>> -> memref<10000x128xf32, #tpu.memory_space<hbm>>
        tpu.wait_indirect_dma semaphore(%arg18 : memref<!tpu.dma_semaphore, #tpu.memory_space<semaphore_mem>>) src(%dma_wait3A_73 : memref<10000x128xf32, #tpu.memory_space<hbm>>) dst(%arg15 : memref<128x128xf32, #tpu.memory_space<vmem>>)
        "tpu.region"() ({
          %run_scoped3A = tpu.sem_alloc : memref<!tpu.dma_semaphore, #tpu.memory_space<semaphore_mem>>
          %dma_start3A_75 = arith.constant 0 : i32
          %dma_start3A_76 = arith.constant 0 : i32
          %dma_start3A_77 = tpu.memref_slice %arg16[%dma_start3A_75, %dma_start3A_76] : memref<10240x128xf32, #tpu.memory_space<vmem_shared>> -> memref<10240x128xf32, #tpu.memory_space<vmem_shared>>
          tpu.enqueue_indirect_dma source(%arg15 : memref<128x128xf32, #tpu.memory_space<vmem>>) target(%dma_start3A_77 : memref<10240x128xf32, #tpu.memory_space<vmem_shared>>) offsets(%arg12 : memref<128xi32, #tpu.memory_space<vmem>>) semaphore(%run_scoped3A : memref<!tpu.dma_semaphore, #tpu.memory_space<semaphore_mem>>) {add = true}
          %dma_wait3A_78 = arith.constant 0 : i32
          %dma_wait3A_79 = arith.constant 0 : i32
          %dma_wait3A_80 = tpu.memref_slice %arg16[%dma_wait3A_78, %dma_wait3A_79] : memref<10240x128xf32, #tpu.memory_space<vmem_shared>> -> memref<10240x128xf32, #tpu.memory_space<vmem_shared>>
          tpu.wait_indirect_dma semaphore(%run_scoped3A : memref<!tpu.dma_semaphore, #tpu.memory_space<semaphore_mem>>) src(%arg15 : memref<128x128xf32, #tpu.memory_space<vmem>>) dst(%dma_wait3A_80 : memref<10240x128xf32, #tpu.memory_space<vmem_shared>>)
          tpu.yield
        }) : () -> ()
        %scan3A_74 = arith.constant 0 : i32
        scf.yield %scan3A_74 : i32
      }
      %scan3A_38 = arith.constant 39 : i32
      %lt3A = arith.constant 2 : i32
      %lt3A_39 = arith.cmpi slt, %arg1, %lt3A : i32
      %convert_element_type3A_40 = arith.extui %lt3A_39 : i1 to i32
      %cond3A_41 = arith.constant 0 : i32
      %cond3A_42 = arith.cmpi ne, %convert_element_type3A_40, %cond3A_41 : i32
      scf.if %cond3A_42 {
        %add3A = arith.constant 1248 : i32
        %add3A_43 = arith.addi %arg1, %add3A : i32
        %mul3A_44 = arith.constant 128 : i32
        %mul3A_45 = arith.muli %add3A_43, %mul3A_44 : i32
        "tpu.region"() ({
          %run_scoped3A = tpu.sem_alloc : memref<!tpu.dma_semaphore, #tpu.memory_space<semaphore_mem>>
          %dma_start3A_52 = tpu.memref_slice %arg4[%mul3A_45] : memref<160000xi32, #tpu.memory_space<hbm>> -> memref<128xi32, #tpu.memory_space<hbm>>
          %dma_start3A_53 = tpu.memref_slice %arg4[%mul3A_45] : memref<160000xi32, #tpu.memory_space<hbm>> -> memref<128xi32, #tpu.memory_space<hbm>>
          tpu.enqueue_dma source(%dma_start3A_53 : memref<128xi32, #tpu.memory_space<hbm>>) target(%arg9 : memref<128xi32, #tpu.memory_space<vmem>>) target_semaphore(%run_scoped3A : memref<!tpu.dma_semaphore, #tpu.memory_space<semaphore_mem>>)
          %dma_wait3A_54 = tpu.memref_slice %arg4[%mul3A_45] : memref<160000xi32, #tpu.memory_space<hbm>> -> memref<128xi32, #tpu.memory_space<hbm>>
          %dma_wait3A_55 = tpu.memref_slice %arg4[%mul3A_45] : memref<160000xi32, #tpu.memory_space<hbm>> -> memref<128xi32, #tpu.memory_space<hbm>>
          tpu.wait_dma2 semaphore(%run_scoped3A : memref<!tpu.dma_semaphore, #tpu.memory_space<semaphore_mem>>) src(%dma_wait3A_55 : memref<128xi32, #tpu.memory_space<hbm>>) dst(%arg9 : memref<128xi32, #tpu.memory_space<vmem>>)
          tpu.yield
        }) : () -> ()
        %mul3A_46 = arith.constant 128 : i32
        %mul3A_47 = arith.muli %add3A_43, %mul3A_46 : i32
        "tpu.region"() ({
          %run_scoped3A = tpu.sem_alloc : memref<!tpu.dma_semaphore, #tpu.memory_space<semaphore_mem>>
          %dma_start3A_52 = tpu.memref_slice %arg5[%mul3A_47] : memref<160000xi32, #tpu.memory_space<hbm>> -> memref<128xi32, #tpu.memory_space<hbm>>
          %dma_start3A_53 = tpu.memref_slice %arg5[%mul3A_47] : memref<160000xi32, #tpu.memory_space<hbm>> -> memref<128xi32, #tpu.memory_space<hbm>>
          tpu.enqueue_dma source(%dma_start3A_53 : memref<128xi32, #tpu.memory_space<hbm>>) target(%arg10 : memref<128xi32, #tpu.memory_space<vmem>>) target_semaphore(%run_scoped3A : memref<!tpu.dma_semaphore, #tpu.memory_space<semaphore_mem>>)
          %dma_wait3A_54 = tpu.memref_slice %arg5[%mul3A_47] : memref<160000xi32, #tpu.memory_space<hbm>> -> memref<128xi32, #tpu.memory_space<hbm>>
          %dma_wait3A_55 = tpu.memref_slice %arg5[%mul3A_47] : memref<160000xi32, #tpu.memory_space<hbm>> -> memref<128xi32, #tpu.memory_space<hbm>>
          tpu.wait_dma2 semaphore(%run_scoped3A : memref<!tpu.dma_semaphore, #tpu.memory_space<semaphore_mem>>) src(%dma_wait3A_55 : memref<128xi32, #tpu.memory_space<hbm>>) dst(%arg10 : memref<128xi32, #tpu.memory_space<vmem>>)
          tpu.yield
        }) : () -> ()
        %dma_start3A = arith.constant 0 : i32
        %dma_start3A_48 = arith.constant 0 : i32
        %dma_start3A_49 = tpu.memref_slice %arg3[%dma_start3A, %dma_start3A_48] : memref<10000x128xf32, #tpu.memory_space<hbm>> -> memref<10000x128xf32, #tpu.memory_space<hbm>>
        tpu.enqueue_indirect_dma source(%dma_start3A_49 : memref<10000x128xf32, #tpu.memory_space<hbm>>) target(%arg14 : memref<128x128xf32, #tpu.memory_space<vmem>>) offsets(%arg9 : memref<128xi32, #tpu.memory_space<vmem>>) semaphore(%arg17 : memref<!tpu.dma_semaphore, #tpu.memory_space<semaphore_mem>>)
        %dma_wait3A = arith.constant 0 : i32
        %dma_wait3A_50 = arith.constant 0 : i32
        %dma_wait3A_51 = tpu.memref_slice %arg3[%dma_wait3A, %dma_wait3A_50] : memref<10000x128xf32, #tpu.memory_space<hbm>> -> memref<10000x128xf32, #tpu.memory_space<hbm>>
        tpu.wait_indirect_dma semaphore(%arg17 : memref<!tpu.dma_semaphore, #tpu.memory_space<semaphore_mem>>) src(%dma_wait3A_51 : memref<10000x128xf32, #tpu.memory_space<hbm>>) dst(%arg14 : memref<128x128xf32, #tpu.memory_space<vmem>>)
        "tpu.region"() ({
          %run_scoped3A = tpu.sem_alloc : memref<!tpu.dma_semaphore, #tpu.memory_space<semaphore_mem>>
          %dma_start3A_52 = arith.constant 0 : i32
          %dma_start3A_53 = arith.constant 0 : i32
          %dma_start3A_54 = tpu.memref_slice %arg16[%dma_start3A_52, %dma_start3A_53] : memref<10240x128xf32, #tpu.memory_space<vmem_shared>> -> memref<10240x128xf32, #tpu.memory_space<vmem_shared>>
          tpu.enqueue_indirect_dma source(%arg14 : memref<128x128xf32, #tpu.memory_space<vmem>>) target(%dma_start3A_54 : memref<10240x128xf32, #tpu.memory_space<vmem_shared>>) offsets(%arg10 : memref<128xi32, #tpu.memory_space<vmem>>) semaphore(%run_scoped3A : memref<!tpu.dma_semaphore, #tpu.memory_space<semaphore_mem>>) {add = true}
          %dma_wait3A_55 = arith.constant 0 : i32
          %dma_wait3A_56 = arith.constant 0 : i32
          %dma_wait3A_57 = tpu.memref_slice %arg16[%dma_wait3A_55, %dma_wait3A_56] : memref<10240x128xf32, #tpu.memory_space<vmem_shared>> -> memref<10240x128xf32, #tpu.memory_space<vmem_shared>>
          tpu.wait_indirect_dma semaphore(%run_scoped3A : memref<!tpu.dma_semaphore, #tpu.memory_space<semaphore_mem>>) src(%arg14 : memref<128x128xf32, #tpu.memory_space<vmem>>) dst(%dma_wait3A_57 : memref<10240x128xf32, #tpu.memory_space<vmem_shared>>)
          tpu.yield
        }) : () -> ()
      } else {
      }
    } else {
    }
    %barrier3A_21 = arith.constant 0 : index
    tpu.barrier barrier_id(%barrier3A_21)
    %eq3A_22 = arith.constant 0 : i32
    %eq3A_23 = arith.cmpi eq, %arg0, %eq3A_22 : i32
    %convert_element_type3A_24 = arith.extui %eq3A_23 : i1 to i32
    %cond3A_25 = arith.constant 0 : i32
    %cond3A_26 = arith.cmpi ne, %convert_element_type3A_24, %cond3A_25 : i32
    scf.if %cond3A_26 {
      %scan3A_32 = arith.constant 0 : i32
      %scan3A_33 = arith.constant 0 : i32
      %scan3A_34 = arith.constant 5 : i32
      %scan3A_35 = arith.addi %scan3A_33, %scan3A_34 : i32
      %scan3A_36 = arith.constant 1 : i32
      %scan3A_37 = scf.for %scan3A_39 = %scan3A_33 to %scan3A_35 step %scan3A_36 iter_args(%scan3A_40 = %scan3A_32) -> (i32)  : i32 {
        %mul3A_41 = arith.constant 128 : i32
        %mul3A_42 = arith.muli %scan3A_39, %mul3A_41 : i32
        %add3A = arith.addi %mul3A_6, %mul3A_42 : i32
        "tpu.region"() ({
          %run_scoped3A = tpu.sem_alloc : memref<!tpu.dma_semaphore, #tpu.memory_space<semaphore_mem>>
          %dma_start3A_51 = tpu.memref_slice %arg6[%add3A] : memref<10240xi32, #tpu.memory_space<hbm>> -> memref<128xi32, #tpu.memory_space<hbm>>
          %dma_start3A_52 = tpu.memref_slice %arg6[%add3A] : memref<10240xi32, #tpu.memory_space<hbm>> -> memref<128xi32, #tpu.memory_space<hbm>>
          tpu.enqueue_dma source(%dma_start3A_52 : memref<128xi32, #tpu.memory_space<hbm>>) target(%arg13 : memref<128xi32, #tpu.memory_space<vmem>>) target_semaphore(%run_scoped3A : memref<!tpu.dma_semaphore, #tpu.memory_space<semaphore_mem>>)
          %dma_wait3A_53 = tpu.memref_slice %arg6[%add3A] : memref<10240xi32, #tpu.memory_space<hbm>> -> memref<128xi32, #tpu.memory_space<hbm>>
          %dma_wait3A_54 = tpu.memref_slice %arg6[%add3A] : memref<10240xi32, #tpu.memory_space<hbm>> -> memref<128xi32, #tpu.memory_space<hbm>>
          tpu.wait_dma2 semaphore(%run_scoped3A : memref<!tpu.dma_semaphore, #tpu.memory_space<semaphore_mem>>) src(%dma_wait3A_54 : memref<128xi32, #tpu.memory_space<hbm>>) dst(%arg13 : memref<128xi32, #tpu.memory_space<vmem>>)
          tpu.yield
        }) : () -> ()
        %dma_start3A = arith.constant 0 : i32
        %dma_start3A_43 = arith.constant 0 : i32
        %dma_start3A_44 = tpu.memref_slice %arg16[%dma_start3A, %dma_start3A_43] : memref<10240x128xf32, #tpu.memory_space<vmem_shared>> -> memref<10240x128xf32, #tpu.memory_space<vmem_shared>>
        tpu.enqueue_indirect_dma source(%dma_start3A_44 : memref<10240x128xf32, #tpu.memory_space<vmem_shared>>) target(%arg14 : memref<128x128xf32, #tpu.memory_space<vmem>>) offsets(%arg13 : memref<128xi32, #tpu.memory_space<vmem>>) semaphore(%arg17 : memref<!tpu.dma_semaphore, #tpu.memory_space<semaphore_mem>>)
        %dma_wait3A = arith.constant 0 : i32
        %dma_wait3A_45 = arith.constant 0 : i32
        %dma_wait3A_46 = tpu.memref_slice %arg16[%dma_wait3A, %dma_wait3A_45] : memref<10240x128xf32, #tpu.memory_space<vmem_shared>> -> memref<10240x128xf32, #tpu.memory_space<vmem_shared>>
        tpu.wait_indirect_dma semaphore(%arg17 : memref<!tpu.dma_semaphore, #tpu.memory_space<semaphore_mem>>) src(%dma_wait3A_46 : memref<10240x128xf32, #tpu.memory_space<vmem_shared>>) dst(%arg14 : memref<128x128xf32, #tpu.memory_space<vmem>>)
        %mul3A_47 = arith.constant 128 : i32
        %mul3A_48 = arith.muli %scan3A_39, %mul3A_47 : i32
        %add3A_49 = arith.addi %mul3A_6, %mul3A_48 : i32
        "tpu.region"() ({
          %run_scoped3A = tpu.sem_alloc : memref<!tpu.dma_semaphore, #tpu.memory_space<semaphore_mem>>
          %dma_start3A_51 = arith.constant 0 : i32
          %dma_start3A_52 = tpu.memref_slice %arg7[%add3A_49, %dma_start3A_51] : memref<10240x128xf32, #tpu.memory_space<hbm>> -> memref<128x128xf32, #tpu.memory_space<hbm>>
          %dma_start3A_53 = arith.constant 0 : i32
          %dma_start3A_54 = tpu.memref_slice %arg7[%add3A_49, %dma_start3A_53] : memref<10240x128xf32, #tpu.memory_space<hbm>> -> memref<128x128xf32, #tpu.memory_space<hbm>>
          tpu.enqueue_dma source(%arg14 : memref<128x128xf32, #tpu.memory_space<vmem>>) target(%dma_start3A_54 : memref<128x128xf32, #tpu.memory_space<hbm>>) target_semaphore(%run_scoped3A : memref<!tpu.dma_semaphore, #tpu.memory_space<semaphore_mem>>)
          %dma_wait3A_55 = arith.constant 0 : i32
          %dma_wait3A_56 = tpu.memref_slice %arg7[%add3A_49, %dma_wait3A_55] : memref<10240x128xf32, #tpu.memory_space<hbm>> -> memref<128x128xf32, #tpu.memory_space<hbm>>
          %dma_wait3A_57 = arith.constant 0 : i32
          %dma_wait3A_58 = tpu.memref_slice %arg7[%add3A_49, %dma_wait3A_57] : memref<10240x128xf32, #tpu.memory_space<hbm>> -> memref<128x128xf32, #tpu.memory_space<hbm>>
          tpu.wait_dma2 semaphore(%run_scoped3A : memref<!tpu.dma_semaphore, #tpu.memory_space<semaphore_mem>>) src(%arg14 : memref<128x128xf32, #tpu.memory_space<vmem>>) dst(%dma_wait3A_58 : memref<128x128xf32, #tpu.memory_space<hbm>>)
          tpu.yield
        }) : () -> ()
        %scan3A_50 = arith.constant 0 : i32
        scf.yield %scan3A_50 : i32
      }
      %scan3A_38 = arith.constant 5 : i32
    } else {
    }
    %eq3A_27 = arith.constant 1 : i32
    %eq3A_28 = arith.cmpi eq, %arg0, %eq3A_27 : i32
    %convert_element_type3A_29 = arith.extui %eq3A_28 : i1 to i32
    %cond3A_30 = arith.constant 0 : i32
    %cond3A_31 = arith.cmpi ne, %convert_element_type3A_29, %cond3A_30 : i32
    scf.if %cond3A_31 {
      %scan3A_32 = arith.constant 0 : i32
      %scan3A_33 = arith.constant 0 : i32
      %scan3A_34 = arith.constant 5 : i32
      %scan3A_35 = arith.addi %scan3A_33, %scan3A_34 : i32
      %scan3A_36 = arith.constant 1 : i32
      %scan3A_37 = scf.for %scan3A_39 = %scan3A_33 to %scan3A_35 step %scan3A_36 iter_args(%scan3A_40 = %scan3A_32) -> (i32)  : i32 {
        %mul3A_41 = arith.constant 128 : i32
        %mul3A_42 = arith.muli %scan3A_39, %mul3A_41 : i32
        %add3A = arith.addi %mul3A_6, %mul3A_42 : i32
        "tpu.region"() ({
          %run_scoped3A = tpu.sem_alloc : memref<!tpu.dma_semaphore, #tpu.memory_space<semaphore_mem>>
          %dma_start3A_51 = tpu.memref_slice %arg6[%add3A] : memref<10240xi32, #tpu.memory_space<hbm>> -> memref<128xi32, #tpu.memory_space<hbm>>
          %dma_start3A_52 = tpu.memref_slice %arg6[%add3A] : memref<10240xi32, #tpu.memory_space<hbm>> -> memref<128xi32, #tpu.memory_space<hbm>>
          tpu.enqueue_dma source(%dma_start3A_52 : memref<128xi32, #tpu.memory_space<hbm>>) target(%arg13 : memref<128xi32, #tpu.memory_space<vmem>>) target_semaphore(%run_scoped3A : memref<!tpu.dma_semaphore, #tpu.memory_space<semaphore_mem>>)
          %dma_wait3A_53 = tpu.memref_slice %arg6[%add3A] : memref<10240xi32, #tpu.memory_space<hbm>> -> memref<128xi32, #tpu.memory_space<hbm>>
          %dma_wait3A_54 = tpu.memref_slice %arg6[%add3A] : memref<10240xi32, #tpu.memory_space<hbm>> -> memref<128xi32, #tpu.memory_space<hbm>>
          tpu.wait_dma2 semaphore(%run_scoped3A : memref<!tpu.dma_semaphore, #tpu.memory_space<semaphore_mem>>) src(%dma_wait3A_54 : memref<128xi32, #tpu.memory_space<hbm>>) dst(%arg13 : memref<128xi32, #tpu.memory_space<vmem>>)
          tpu.yield
        }) : () -> ()
        %dma_start3A = arith.constant 0 : i32
        %dma_start3A_43 = arith.constant 0 : i32
        %dma_start3A_44 = tpu.memref_slice %arg16[%dma_start3A, %dma_start3A_43] : memref<10240x128xf32, #tpu.memory_space<vmem_shared>> -> memref<10240x128xf32, #tpu.memory_space<vmem_shared>>
        tpu.enqueue_indirect_dma source(%dma_start3A_44 : memref<10240x128xf32, #tpu.memory_space<vmem_shared>>) target(%arg14 : memref<128x128xf32, #tpu.memory_space<vmem>>) offsets(%arg13 : memref<128xi32, #tpu.memory_space<vmem>>) semaphore(%arg17 : memref<!tpu.dma_semaphore, #tpu.memory_space<semaphore_mem>>)
        %dma_wait3A = arith.constant 0 : i32
        %dma_wait3A_45 = arith.constant 0 : i32
        %dma_wait3A_46 = tpu.memref_slice %arg16[%dma_wait3A, %dma_wait3A_45] : memref<10240x128xf32, #tpu.memory_space<vmem_shared>> -> memref<10240x128xf32, #tpu.memory_space<vmem_shared>>
        tpu.wait_indirect_dma semaphore(%arg17 : memref<!tpu.dma_semaphore, #tpu.memory_space<semaphore_mem>>) src(%dma_wait3A_46 : memref<10240x128xf32, #tpu.memory_space<vmem_shared>>) dst(%arg14 : memref<128x128xf32, #tpu.memory_space<vmem>>)
        %mul3A_47 = arith.constant 128 : i32
        %mul3A_48 = arith.muli %scan3A_39, %mul3A_47 : i32
        %add3A_49 = arith.addi %mul3A_6, %mul3A_48 : i32
        "tpu.region"() ({
          %run_scoped3A = tpu.sem_alloc : memref<!tpu.dma_semaphore, #tpu.memory_space<semaphore_mem>>
          %dma_start3A_51 = arith.constant 0 : i32
          %dma_start3A_52 = tpu.memref_slice %arg8[%add3A_49, %dma_start3A_51] : memref<10240x128xf32, #tpu.memory_space<hbm>> -> memref<128x128xf32, #tpu.memory_space<hbm>>
          %dma_start3A_53 = arith.constant 0 : i32
          %dma_start3A_54 = tpu.memref_slice %arg8[%add3A_49, %dma_start3A_53] : memref<10240x128xf32, #tpu.memory_space<hbm>> -> memref<128x128xf32, #tpu.memory_space<hbm>>
          tpu.enqueue_dma source(%arg14 : memref<128x128xf32, #tpu.memory_space<vmem>>) target(%dma_start3A_54 : memref<128x128xf32, #tpu.memory_space<hbm>>) target_semaphore(%run_scoped3A : memref<!tpu.dma_semaphore, #tpu.memory_space<semaphore_mem>>)
          %dma_wait3A_55 = arith.constant 0 : i32
          %dma_wait3A_56 = tpu.memref_slice %arg8[%add3A_49, %dma_wait3A_55] : memref<10240x128xf32, #tpu.memory_space<hbm>> -> memref<128x128xf32, #tpu.memory_space<hbm>>
          %dma_wait3A_57 = arith.constant 0 : i32
          %dma_wait3A_58 = tpu.memref_slice %arg8[%add3A_49, %dma_wait3A_57] : memref<10240x128xf32, #tpu.memory_space<hbm>> -> memref<128x128xf32, #tpu.memory_space<hbm>>
          tpu.wait_dma2 semaphore(%run_scoped3A : memref<!tpu.dma_semaphore, #tpu.memory_space<semaphore_mem>>) src(%arg14 : memref<128x128xf32, #tpu.memory_space<vmem>>) dst(%dma_wait3A_58 : memref<128x128xf32, #tpu.memory_space<hbm>>)
          tpu.yield
        }) : () -> ()
        %scan3A_50 = arith.constant 0 : i32
        scf.yield %scan3A_50 : i32
      }
      %scan3A_38 = arith.constant 5 : i32
    } else {
    }
    return
  }
}

#map = affine_map<(d0, d1) -> (0, 0)>
#map1 = affine_map<(d0, d1) -> (0)>
module attributes {stable_mosaic.version = 14 : i64} {
  func.func @_scatter_body(%arg0: i32, %arg1: i32, %arg2: memref<10000x128xf32, #tpu.memory_space<hbm>>, %arg3: memref<10000x128xf32, #tpu.memory_space<hbm>>, %arg4: memref<160000xi32, #tpu.memory_space<hbm>>, %arg5: memref<160000xi32, #tpu.memory_space<hbm>>, %arg6: memref<10240xi32, #tpu.memory_space<hbm>>, %arg7: memref<10240x128xf32, #tpu.memory_space<hbm>>, %arg8: memref<10240x128xf32, #tpu.memory_space<hbm>>, %arg9: memref<128xi32, #tpu.memory_space<vmem>>, %arg10: memref<128xi32, #tpu.memory_space<vmem>>, %arg11: memref<128xi32, #tpu.memory_space<vmem>>, %arg12: memref<128xi32, #tpu.memory_space<vmem>>, %arg13: memref<128xi32, #tpu.memory_space<vmem>>, %arg14: memref<128x128xf32, #tpu.memory_space<vmem>>, %arg15: memref<128x128xf32, #tpu.memory_space<vmem>>, %arg16: memref<10240x128xf32, #tpu.memory_space<vmem_shared>>, %arg17: memref<!tpu.dma_semaphore, #tpu.memory_space<semaphore_mem>>, %arg18: memref<!tpu.dma_semaphore, #tpu.memory_space<semaphore_mem>>) attributes {dimension_semantics = [#tpu.dimension_semantics<core_parallel>, #tpu.dimension_semantics<subcore_parallel>], iteration_bounds = array<i64: 2, 16>, scalar_prefetch = 0 : i64, scratch_operands = 10 : i64, tpu.core_type = #tpu.core_type<sc_vector_subcore>, window_params = [{transform_indices = #map}, {transform_indices = #map}, {transform_indices = #map1}, {transform_indices = #map1}, {transform_indices = #map1}, {transform_indices = #map}, {transform_indices = #map}]} {
    %scan3A = arith.constant 0 : i32
    %scan3A_0 = arith.constant 0 : i32
    %scan3A_1 = arith.constant 128 : i32
    %scan3A_2 = arith.addi %scan3A_0, %scan3A_1 : i32
    %scan3A_3 = arith.constant 1 : i32
    %scan3A_4 = scf.for %scan3A_32 = %scan3A_0 to %scan3A_2 step %scan3A_3 iter_args(%scan3A_33 = %scan3A) -> (i32)  : i32 {
      %scan3A_34 = arith.constant 0 : i32
      %scan3A_35 = arith.constant 0 : i32
      %scan3A_36 = arith.constant 8 : i32
      %scan3A_37 = arith.addi %scan3A_35, %scan3A_36 : i32
      %scan3A_38 = arith.constant 1 : i32
      %scan3A_39 = scf.for %scan3A_41 = %scan3A_35 to %scan3A_37 step %scan3A_38 iter_args(%scan3A_42 = %scan3A_34) -> (i32)  : i32 {
        %broadcast_in_dim3A = arith.constant 0.000000e+00 : f32
        %broadcast_in_dim3A_43 = vector.broadcast %broadcast_in_dim3A : f32 to vector<16xf32>
        %mul3A_44 = arith.constant 16 : i32
        %mul3A_45 = arith.muli %scan3A_41, %mul3A_44 : i32
        %swap3A = arith.index_cast %scan3A_32 : i32 to index
        %swap3A_46 = arith.index_cast %mul3A_45 : i32 to index
        %swap3A_47 = tpu.vector_load %arg14[%swap3A, %swap3A_46] {strides = array<i32>} : memref<128x128xf32, #tpu.memory_space<vmem>>, vector<1x16xf32>,
        %swap3A_48 = vector.shape_cast %swap3A_47 : vector<1x16xf32> to vector<16xf32>
        %swap3A_49 = vector.shape_cast %broadcast_in_dim3A_43 : vector<16xf32> to vector<1x16xf32>
        tpu.vector_store %arg14[%swap3A, %swap3A_46], %swap3A_49 {strides = array<i32>} : memref<128x128xf32, #tpu.memory_space<vmem>>, vector<1x16xf32>,
        %scan3A_50 = arith.constant 0 : i32
        scf.yield %scan3A_50 : i32
      }
      %scan3A_40 = arith.constant 8 : i32
      scf.yield %scan3A_39 : i32
    }
    %scan3A_5 = arith.constant 128 : i32
    %mul3A = arith.constant 640 : i32
    %mul3A_6 = arith.muli %arg1, %mul3A : i32
    %scan3A_7 = arith.constant 0 : i32
    %scan3A_8 = arith.constant 0 : i32
    %scan3A_9 = arith.constant 5 : i32
    %scan3A_10 = arith.addi %scan3A_8, %scan3A_9 : i32
    %scan3A_11 = arith.constant 1 : i32
    %scan3A_12 = scf.for %scan3A_32 = %scan3A_8 to %scan3A_10 step %scan3A_11 iter_args(%scan3A_33 = %scan3A_7) -> (i32)  : i32 {
      %mul3A_34 = arith.constant 128 : i32
      %mul3A_35 = arith.muli %scan3A_32, %mul3A_34 : i32
      %add3A = arith.addi %mul3A_6, %mul3A_35 : i32
      "tpu.region"() ({
        %run_scoped3A = tpu.sem_alloc : memref<!tpu.dma_semaphore, #tpu.memory_space<semaphore_mem>>
        %dma_start3A = tpu.memref_slice %arg6[%add3A] : memref<10240xi32, #tpu.memory_space<hbm>> -> memref<128xi32, #tpu.memory_space<hbm>>
        %dma_start3A_37 = tpu.memref_slice %arg6[%add3A] : memref<10240xi32, #tpu.memory_space<hbm>> -> memref<128xi32, #tpu.memory_space<hbm>>
        tpu.enqueue_dma source(%dma_start3A_37 : memref<128xi32, #tpu.memory_space<hbm>>) target(%arg13 : memref<128xi32, #tpu.memory_space<vmem>>) target_semaphore(%run_scoped3A : memref<!tpu.dma_semaphore, #tpu.memory_space<semaphore_mem>>)
        %dma_wait3A = tpu.memref_slice %arg6[%add3A] : memref<10240xi32, #tpu.memory_space<hbm>> -> memref<128xi32, #tpu.memory_space<hbm>>
        %dma_wait3A_38 = tpu.memref_slice %arg6[%add3A] : memref<10240xi32, #tpu.memory_space<hbm>> -> memref<128xi32, #tpu.memory_space<hbm>>
        tpu.wait_dma2 semaphore(%run_scoped3A : memref<!tpu.dma_semaphore, #tpu.memory_space<semaphore_mem>>) src(%dma_wait3A_38 : memref<128xi32, #tpu.memory_space<hbm>>) dst(%arg13 : memref<128xi32, #tpu.memory_space<vmem>>)
        tpu.yield
      }) : () -> ()
      "tpu.region"() ({
        %run_scoped3A = tpu.sem_alloc : memref<!tpu.dma_semaphore, #tpu.memory_space<semaphore_mem>>
        %dma_start3A = arith.constant 0 : i32
        %dma_start3A_37 = arith.constant 0 : i32
        %dma_start3A_38 = tpu.memref_slice %arg16[%dma_start3A, %dma_start3A_37] : memref<10240x128xf32, #tpu.memory_space<vmem_shared>> -> memref<10240x128xf32, #tpu.memory_space<vmem_shared>>
        tpu.enqueue_indirect_dma source(%arg14 : memref<128x128xf32, #tpu.memory_space<vmem>>) target(%dma_start3A_38 : memref<10240x128xf32, #tpu.memory_space<vmem_shared>>) offsets(%arg13 : memref<128xi32, #tpu.memory_space<vmem>>) semaphore(%run_scoped3A : memref<!tpu.dma_semaphore, #tpu.memory_space<semaphore_mem>>)
        %dma_wait3A = arith.constant 0 : i32
        %dma_wait3A_39 = arith.constant 0 : i32
        %dma_wait3A_40 = tpu.memref_slice %arg16[%dma_wait3A, %dma_wait3A_39] : memref<10240x128xf32, #tpu.memory_space<vmem_shared>> -> memref<10240x128xf32, #tpu.memory_space<vmem_shared>>
        tpu.wait_indirect_dma semaphore(%run_scoped3A : memref<!tpu.dma_semaphore, #tpu.memory_space<semaphore_mem>>) src(%arg14 : memref<128x128xf32, #tpu.memory_space<vmem>>) dst(%dma_wait3A_40 : memref<10240x128xf32, #tpu.memory_space<vmem_shared>>)
        tpu.yield
      }) : () -> ()
      %scan3A_36 = arith.constant 0 : i32
      scf.yield %scan3A_36 : i32
    }
    %scan3A_13 = arith.constant 5 : i32
    %barrier3A = arith.constant 0 : index
    tpu.barrier barrier_id(%barrier3A)
    %eq3A = arith.constant 0 : i32
    %eq3A_14 = arith.cmpi eq, %arg0, %eq3A : i32
    %convert_element_type3A = arith.extui %eq3A_14 : i1 to i32
    %cond3A = arith.constant 0 : i32
    %cond3A_15 = arith.cmpi ne, %convert_element_type3A, %cond3A : i32
    scf.if %cond3A_15 {
      %scan3A_32 = arith.constant 0 : i32
      %scan3A_33 = arith.constant 0 : i32
      %scan3A_34 = arith.constant 39 : i32
      %scan3A_35 = arith.addi %scan3A_33, %scan3A_34 : i32
      %scan3A_36 = arith.constant 1 : i32
      %scan3A_37 = scf.for %scan3A_43 = %scan3A_33 to %scan3A_35 step %scan3A_36 iter_args(%scan3A_44 = %scan3A_32) -> (i32)  : i32 {
        %mul3A_45 = arith.constant 2 : i32
        %mul3A_46 = arith.muli %mul3A_45, %scan3A_43 : i32
        %mul3A_47 = arith.constant 16 : i32
        %mul3A_48 = arith.muli %mul3A_46, %mul3A_47 : i32
        %add3A = arith.addi %arg1, %mul3A_48 : i32
        %mul3A_49 = arith.constant 2 : i32
        %mul3A_50 = arith.muli %mul3A_49, %scan3A_43 : i32
        %add3A_51 = arith.constant 1 : i32
        %add3A_52 = arith.addi %mul3A_50, %add3A_51 : i32
        %mul3A_53 = arith.constant 16 : i32
        %mul3A_54 = arith.muli %add3A_52, %mul3A_53 : i32
        %add3A_55 = arith.addi %arg1, %mul3A_54 : i32
        %mul3A_56 = arith.constant 128 : i32
        %mul3A_57 = arith.muli %add3A, %mul3A_56 : i32
        "tpu.region"() ({
          %run_scoped3A = tpu.sem_alloc : memref<!tpu.dma_semaphore, #tpu.memory_space<semaphore_mem>>
          %dma_start3A_75 = tpu.memref_slice %arg4[%mul3A_57] : memref<160000xi32, #tpu.memory_space<hbm>> -> memref<128xi32, #tpu.memory_space<hbm>>
          %dma_start3A_76 = tpu.memref_slice %arg4[%mul3A_57] : memref<160000xi32, #tpu.memory_space<hbm>> -> memref<128xi32, #tpu.memory_space<hbm>>
          tpu.enqueue_dma source(%dma_start3A_76 : memref<128xi32, #tpu.memory_space<hbm>>) target(%arg9 : memref<128xi32, #tpu.memory_space<vmem>>) target_semaphore(%run_scoped3A : memref<!tpu.dma_semaphore, #tpu.memory_space<semaphore_mem>>)
          %dma_wait3A_77 = tpu.memref_slice %arg4[%mul3A_57] : memref<160000xi32, #tpu.memory_space<hbm>> -> memref<128xi32, #tpu.memory_space<hbm>>
          %dma_wait3A_78 = tpu.memref_slice %arg4[%mul3A_57] : memref<160000xi32, #tpu.memory_space<hbm>> -> memref<128xi32, #tpu.memory_space<hbm>>
          tpu.wait_dma2 semaphore(%run_scoped3A : memref<!tpu.dma_semaphore, #tpu.memory_space<semaphore_mem>>) src(%dma_wait3A_78 : memref<128xi32, #tpu.memory_space<hbm>>) dst(%arg9 : memref<128xi32, #tpu.memory_space<vmem>>)
          tpu.yield
        }) : () -> ()
        %mul3A_58 = arith.constant 128 : i32
        %mul3A_59 = arith.muli %add3A, %mul3A_58 : i32
        "tpu.region"() ({
          %run_scoped3A = tpu.sem_alloc : memref<!tpu.dma_semaphore, #tpu.memory_space<semaphore_mem>>
          %dma_start3A_75 = tpu.memref_slice %arg5[%mul3A_59] : memref<160000xi32, #tpu.memory_space<hbm>> -> memref<128xi32, #tpu.memory_space<hbm>>
          %dma_start3A_76 = tpu.memref_slice %arg5[%mul3A_59] : memref<160000xi32, #tpu.memory_space<hbm>> -> memref<128xi32, #tpu.memory_space<hbm>>
          tpu.enqueue_dma source(%dma_start3A_76 : memref<128xi32, #tpu.memory_space<hbm>>) target(%arg10 : memref<128xi32, #tpu.memory_space<vmem>>) target_semaphore(%run_scoped3A : memref<!tpu.dma_semaphore, #tpu.memory_space<semaphore_mem>>)
          %dma_wait3A_77 = tpu.memref_slice %arg5[%mul3A_59] : memref<160000xi32, #tpu.memory_space<hbm>> -> memref<128xi32, #tpu.memory_space<hbm>>
          %dma_wait3A_78 = tpu.memref_slice %arg5[%mul3A_59] : memref<160000xi32, #tpu.memory_space<hbm>> -> memref<128xi32, #tpu.memory_space<hbm>>
          tpu.wait_dma2 semaphore(%run_scoped3A : memref<!tpu.dma_semaphore, #tpu.memory_space<semaphore_mem>>) src(%dma_wait3A_78 : memref<128xi32, #tpu.memory_space<hbm>>) dst(%arg10 : memref<128xi32, #tpu.memory_space<vmem>>)
          tpu.yield
        }) : () -> ()
        %dma_start3A = arith.constant 0 : i32
        %dma_start3A_60 = arith.constant 0 : i32
        %dma_start3A_61 = tpu.memref_slice %arg2[%dma_start3A, %dma_start3A_60] : memref<10000x128xf32, #tpu.memory_space<hbm>> -> memref<10000x128xf32, #tpu.memory_space<hbm>>
        tpu.enqueue_indirect_dma source(%dma_start3A_61 : memref<10000x128xf32, #tpu.memory_space<hbm>>) target(%arg14 : memref<128x128xf32, #tpu.memory_space<vmem>>) offsets(%arg9 : memref<128xi32, #tpu.memory_space<vmem>>) semaphore(%arg17 : memref<!tpu.dma_semaphore, #tpu.memory_space<semaphore_mem>>)
        %mul3A_62 = arith.constant 128 : i32
        %mul3A_63 = arith.muli %add3A_55, %mul3A_62 : i32
        "tpu.region"() ({
          %run_scoped3A = tpu.sem_alloc : memref<!tpu.dma_semaphore, #tpu.memory_space<semaphore_mem>>
          %dma_start3A_75 = tpu.memref_slice %arg4[%mul3A_63] : memref<160000xi32, #tpu.memory_space<hbm>> -> memref<128xi32, #tpu.memory_space<hbm>>
          %dma_start3A_76 = tpu.memref_slice %arg4[%mul3A_63] : memref<160000xi32, #tpu.memory_space<hbm>> -> memref<128xi32, #tpu.memory_space<hbm>>
          tpu.enqueue_dma source(%dma_start3A_76 : memref<128xi32, #tpu.memory_space<hbm>>) target(%arg11 : memref<128xi32, #tpu.memory_space<vmem>>) target_semaphore(%run_scoped3A : memref<!tpu.dma_semaphore, #tpu.memory_space<semaphore_mem>>)
          %dma_wait3A_77 = tpu.memref_slice %arg4[%mul3A_63] : memref<160000xi32, #tpu.memory_space<hbm>> -> memref<128xi32, #tpu.memory_space<hbm>>
          %dma_wait3A_78 = tpu.memref_slice %arg4[%mul3A_63] : memref<160000xi32, #tpu.memory_space<hbm>> -> memref<128xi32, #tpu.memory_space<hbm>>
          tpu.wait_dma2 semaphore(%run_scoped3A : memref<!tpu.dma_semaphore, #tpu.memory_space<semaphore_mem>>) src(%dma_wait3A_78 : memref<128xi32, #tpu.memory_space<hbm>>) dst(%arg11 : memref<128xi32, #tpu.memory_space<vmem>>)
          tpu.yield
        }) : () -> ()
        %mul3A_64 = arith.constant 128 : i32
        %mul3A_65 = arith.muli %add3A_55, %mul3A_64 : i32
        "tpu.region"() ({
          %run_scoped3A = tpu.sem_alloc : memref<!tpu.dma_semaphore, #tpu.memory_space<semaphore_mem>>
          %dma_start3A_75 = tpu.memref_slice %arg5[%mul3A_65] : memref<160000xi32, #tpu.memory_space<hbm>> -> memref<128xi32, #tpu.memory_space<hbm>>
          %dma_start3A_76 = tpu.memref_slice %arg5[%mul3A_65] : memref<160000xi32, #tpu.memory_space<hbm>> -> memref<128xi32, #tpu.memory_space<hbm>>
          tpu.enqueue_dma source(%dma_start3A_76 : memref<128xi32, #tpu.memory_space<hbm>>) target(%arg12 : memref<128xi32, #tpu.memory_space<vmem>>) target_semaphore(%run_scoped3A : memref<!tpu.dma_semaphore, #tpu.memory_space<semaphore_mem>>)
          %dma_wait3A_77 = tpu.memref_slice %arg5[%mul3A_65] : memref<160000xi32, #tpu.memory_space<hbm>> -> memref<128xi32, #tpu.memory_space<hbm>>
          %dma_wait3A_78 = tpu.memref_slice %arg5[%mul3A_65] : memref<160000xi32, #tpu.memory_space<hbm>> -> memref<128xi32, #tpu.memory_space<hbm>>
          tpu.wait_dma2 semaphore(%run_scoped3A : memref<!tpu.dma_semaphore, #tpu.memory_space<semaphore_mem>>) src(%dma_wait3A_78 : memref<128xi32, #tpu.memory_space<hbm>>) dst(%arg12 : memref<128xi32, #tpu.memory_space<vmem>>)
          tpu.yield
        }) : () -> ()
        %dma_start3A_66 = arith.constant 0 : i32
        %dma_start3A_67 = arith.constant 0 : i32
        %dma_start3A_68 = tpu.memref_slice %arg2[%dma_start3A_66, %dma_start3A_67] : memref<10000x128xf32, #tpu.memory_space<hbm>> -> memref<10000x128xf32, #tpu.memory_space<hbm>>
        tpu.enqueue_indirect_dma source(%dma_start3A_68 : memref<10000x128xf32, #tpu.memory_space<hbm>>) target(%arg15 : memref<128x128xf32, #tpu.memory_space<vmem>>) offsets(%arg11 : memref<128xi32, #tpu.memory_space<vmem>>) semaphore(%arg18 : memref<!tpu.dma_semaphore, #tpu.memory_space<semaphore_mem>>)
        %dma_wait3A = arith.constant 0 : i32
        %dma_wait3A_69 = arith.constant 0 : i32
        %dma_wait3A_70 = tpu.memref_slice %arg2[%dma_wait3A, %dma_wait3A_69] : memref<10000x128xf32, #tpu.memory_space<hbm>> -> memref<10000x128xf32, #tpu.memory_space<hbm>>
        tpu.wait_indirect_dma semaphore(%arg17 : memref<!tpu.dma_semaphore, #tpu.memory_space<semaphore_mem>>) src(%dma_wait3A_70 : memref<10000x128xf32, #tpu.memory_space<hbm>>) dst(%arg14 : memref<128x128xf32, #tpu.memory_space<vmem>>)
        "tpu.region"() ({
          %run_scoped3A = tpu.sem_alloc : memref<!tpu.dma_semaphore, #tpu.memory_space<semaphore_mem>>
          %dma_start3A_75 = arith.constant 0 : i32
          %dma_start3A_76 = arith.constant 0 : i32
          %dma_start3A_77 = tpu.memref_slice %arg16[%dma_start3A_75, %dma_start3A_76] : memref<10240x128xf32, #tpu.memory_space<vmem_shared>> -> memref<10240x128xf32, #tpu.memory_space<vmem_shared>>
          tpu.enqueue_indirect_dma source(%arg14 : memref<128x128xf32, #tpu.memory_space<vmem>>) target(%dma_start3A_77 : memref<10240x128xf32, #tpu.memory_space<vmem_shared>>) offsets(%arg10 : memref<128xi32, #tpu.memory_space<vmem>>) semaphore(%run_scoped3A : memref<!tpu.dma_semaphore, #tpu.memory_space<semaphore_mem>>) {add = true}
          %dma_wait3A_78 = arith.constant 0 : i32
          %dma_wait3A_79 = arith.constant 0 : i32
          %dma_wait3A_80 = tpu.memref_slice %arg16[%dma_wait3A_78, %dma_wait3A_79] : memref<10240x128xf32, #tpu.memory_space<vmem_shared>> -> memref<10240x128xf32, #tpu.memory_space<vmem_shared>>
          tpu.wait_indirect_dma semaphore(%run_scoped3A : memref<!tpu.dma_semaphore, #tpu.memory_space<semaphore_mem>>) src(%arg14 : memref<128x128xf32, #tpu.memory_space<vmem>>) dst(%dma_wait3A_80 : memref<10240x128xf32, #tpu.memory_space<vmem_shared>>)
          tpu.yield
        }) : () -> ()
        %dma_wait3A_71 = arith.constant 0 : i32
        %dma_wait3A_72 = arith.constant 0 : i32
        %dma_wait3A_73 = tpu.memref_slice %arg2[%dma_wait3A_71, %dma_wait3A_72] : memref<10000x128xf32, #tpu.memory_space<hbm>> -> memref<10000x128xf32, #tpu.memory_space<hbm>>
        tpu.wait_indirect_dma semaphore(%arg18 : memref<!tpu.dma_semaphore, #tpu.memory_space<semaphore_mem>>) src(%dma_wait3A_73 : memref<10000x128xf32, #tpu.memory_space<hbm>>) dst(%arg15 : memref<128x128xf32, #tpu.memory_space<vmem>>)
        "tpu.region"() ({
          %run_scoped3A = tpu.sem_alloc : memref<!tpu.dma_semaphore, #tpu.memory_space<semaphore_mem>>
          %dma_start3A_75 = arith.constant 0 : i32
          %dma_start3A_76 = arith.constant 0 : i32
          %dma_start3A_77 = tpu.memref_slice %arg16[%dma_start3A_75, %dma_start3A_76] : memref<10240x128xf32, #tpu.memory_space<vmem_shared>> -> memref<10240x128xf32, #tpu.memory_space<vmem_shared>>
          tpu.enqueue_indirect_dma source(%arg15 : memref<128x128xf32, #tpu.memory_space<vmem>>) target(%dma_start3A_77 : memref<10240x128xf32, #tpu.memory_space<vmem_shared>>) offsets(%arg12 : memref<128xi32, #tpu.memory_space<vmem>>) semaphore(%run_scoped3A : memref<!tpu.dma_semaphore, #tpu.memory_space<semaphore_mem>>) {add = true}
          %dma_wait3A_78 = arith.constant 0 : i32
          %dma_wait3A_79 = arith.constant 0 : i32
          %dma_wait3A_80 = tpu.memref_slice %arg16[%dma_wait3A_78, %dma_wait3A_79] : memref<10240x128xf32, #tpu.memory_space<vmem_shared>> -> memref<10240x128xf32, #tpu.memory_space<vmem_shared>>
          tpu.wait_indirect_dma semaphore(%run_scoped3A : memref<!tpu.dma_semaphore, #tpu.memory_space<semaphore_mem>>) src(%arg15 : memref<128x128xf32, #tpu.memory_space<vmem>>) dst(%dma_wait3A_80 : memref<10240x128xf32, #tpu.memory_space<vmem_shared>>)
          tpu.yield
        }) : () -> ()
        %scan3A_74 = arith.constant 0 : i32
        scf.yield %scan3A_74 : i32
      }
      %scan3A_38 = arith.constant 39 : i32
      %lt3A = arith.constant 2 : i32
      %lt3A_39 = arith.cmpi slt, %arg1, %lt3A : i32
      %convert_element_type3A_40 = arith.extui %lt3A_39 : i1 to i32
      %cond3A_41 = arith.constant 0 : i32
      %cond3A_42 = arith.cmpi ne, %convert_element_type3A_40, %cond3A_41 : i32
      scf.if %cond3A_42 {
        %add3A = arith.constant 1248 : i32
        %add3A_43 = arith.addi %arg1, %add3A : i32
        %mul3A_44 = arith.constant 128 : i32
        %mul3A_45 = arith.muli %add3A_43, %mul3A_44 : i32
        "tpu.region"() ({
          %run_scoped3A = tpu.sem_alloc : memref<!tpu.dma_semaphore, #tpu.memory_space<semaphore_mem>>
          %dma_start3A_52 = tpu.memref_slice %arg4[%mul3A_45] : memref<160000xi32, #tpu.memory_space<hbm>> -> memref<128xi32, #tpu.memory_space<hbm>>
          %dma_start3A_53 = tpu.memref_slice %arg4[%mul3A_45] : memref<160000xi32, #tpu.memory_space<hbm>> -> memref<128xi32, #tpu.memory_space<hbm>>
          tpu.enqueue_dma source(%dma_start3A_53 : memref<128xi32, #tpu.memory_space<hbm>>) target(%arg9 : memref<128xi32, #tpu.memory_space<vmem>>) target_semaphore(%run_scoped3A : memref<!tpu.dma_semaphore, #tpu.memory_space<semaphore_mem>>)
          %dma_wait3A_54 = tpu.memref_slice %arg4[%mul3A_45] : memref<160000xi32, #tpu.memory_space<hbm>> -> memref<128xi32, #tpu.memory_space<hbm>>
          %dma_wait3A_55 = tpu.memref_slice %arg4[%mul3A_45] : memref<160000xi32, #tpu.memory_space<hbm>> -> memref<128xi32, #tpu.memory_space<hbm>>
          tpu.wait_dma2 semaphore(%run_scoped3A : memref<!tpu.dma_semaphore, #tpu.memory_space<semaphore_mem>>) src(%dma_wait3A_55 : memref<128xi32, #tpu.memory_space<hbm>>) dst(%arg9 : memref<128xi32, #tpu.memory_space<vmem>>)
          tpu.yield
        }) : () -> ()
        %mul3A_46 = arith.constant 128 : i32
        %mul3A_47 = arith.muli %add3A_43, %mul3A_46 : i32
        "tpu.region"() ({
          %run_scoped3A = tpu.sem_alloc : memref<!tpu.dma_semaphore, #tpu.memory_space<semaphore_mem>>
          %dma_start3A_52 = tpu.memref_slice %arg5[%mul3A_47] : memref<160000xi32, #tpu.memory_space<hbm>> -> memref<128xi32, #tpu.memory_space<hbm>>
          %dma_start3A_53 = tpu.memref_slice %arg5[%mul3A_47] : memref<160000xi32, #tpu.memory_space<hbm>> -> memref<128xi32, #tpu.memory_space<hbm>>
          tpu.enqueue_dma source(%dma_start3A_53 : memref<128xi32, #tpu.memory_space<hbm>>) target(%arg10 : memref<128xi32, #tpu.memory_space<vmem>>) target_semaphore(%run_scoped3A : memref<!tpu.dma_semaphore, #tpu.memory_space<semaphore_mem>>)
          %dma_wait3A_54 = tpu.memref_slice %arg5[%mul3A_47] : memref<160000xi32, #tpu.memory_space<hbm>> -> memref<128xi32, #tpu.memory_space<hbm>>
          %dma_wait3A_55 = tpu.memref_slice %arg5[%mul3A_47] : memref<160000xi32, #tpu.memory_space<hbm>> -> memref<128xi32, #tpu.memory_space<hbm>>
          tpu.wait_dma2 semaphore(%run_scoped3A : memref<!tpu.dma_semaphore, #tpu.memory_space<semaphore_mem>>) src(%dma_wait3A_55 : memref<128xi32, #tpu.memory_space<hbm>>) dst(%arg10 : memref<128xi32, #tpu.memory_space<vmem>>)
          tpu.yield
        }) : () -> ()
        %dma_start3A = arith.constant 0 : i32
        %dma_start3A_48 = arith.constant 0 : i32
        %dma_start3A_49 = tpu.memref_slice %arg2[%dma_start3A, %dma_start3A_48] : memref<10000x128xf32, #tpu.memory_space<hbm>> -> memref<10000x128xf32, #tpu.memory_space<hbm>>
        tpu.enqueue_indirect_dma source(%dma_start3A_49 : memref<10000x128xf32, #tpu.memory_space<hbm>>) target(%arg14 : memref<128x128xf32, #tpu.memory_space<vmem>>) offsets(%arg9 : memref<128xi32, #tpu.memory_space<vmem>>) semaphore(%arg17 : memref<!tpu.dma_semaphore, #tpu.memory_space<semaphore_mem>>)
        %dma_wait3A = arith.constant 0 : i32
        %dma_wait3A_50 = arith.constant 0 : i32
        %dma_wait3A_51 = tpu.memref_slice %arg2[%dma_wait3A, %dma_wait3A_50] : memref<10000x128xf32, #tpu.memory_space<hbm>> -> memref<10000x128xf32, #tpu.memory_space<hbm>>
        tpu.wait_indirect_dma semaphore(%arg17 : memref<!tpu.dma_semaphore, #tpu.memory_space<semaphore_mem>>) src(%dma_wait3A_51 : memref<10000x128xf32, #tpu.memory_space<hbm>>) dst(%arg14 : memref<128x128xf32, #tpu.memory_space<vmem>>)
        "tpu.region"() ({
          %run_scoped3A = tpu.sem_alloc : memref<!tpu.dma_semaphore, #tpu.memory_space<semaphore_mem>>
          %dma_start3A_52 = arith.constant 0 : i32
          %dma_start3A_53 = arith.constant 0 : i32
          %dma_start3A_54 = tpu.memref_slice %arg16[%dma_start3A_52, %dma_start3A_53] : memref<10240x128xf32, #tpu.memory_space<vmem_shared>> -> memref<10240x128xf32, #tpu.memory_space<vmem_shared>>
          tpu.enqueue_indirect_dma source(%arg14 : memref<128x128xf32, #tpu.memory_space<vmem>>) target(%dma_start3A_54 : memref<10240x128xf32, #tpu.memory_space<vmem_shared>>) offsets(%arg10 : memref<128xi32, #tpu.memory_space<vmem>>) semaphore(%run_scoped3A : memref<!tpu.dma_semaphore, #tpu.memory_space<semaphore_mem>>) {add = true}
          %dma_wait3A_55 = arith.constant 0 : i32
          %dma_wait3A_56 = arith.constant 0 : i32
          %dma_wait3A_57 = tpu.memref_slice %arg16[%dma_wait3A_55, %dma_wait3A_56] : memref<10240x128xf32, #tpu.memory_space<vmem_shared>> -> memref<10240x128xf32, #tpu.memory_space<vmem_shared>>
          tpu.wait_indirect_dma semaphore(%run_scoped3A : memref<!tpu.dma_semaphore, #tpu.memory_space<semaphore_mem>>) src(%arg14 : memref<128x128xf32, #tpu.memory_space<vmem>>) dst(%dma_wait3A_57 : memref<10240x128xf32, #tpu.memory_space<vmem_shared>>)
          tpu.yield
        }) : () -> ()
      } else {
      }
    } else {
    }
    %eq3A_16 = arith.constant 1 : i32
    %eq3A_17 = arith.cmpi eq, %arg0, %eq3A_16 : i32
    %convert_element_type3A_18 = arith.extui %eq3A_17 : i1 to i32
    %cond3A_19 = arith.constant 0 : i32
    %cond3A_20 = arith.cmpi ne, %convert_element_type3A_18, %cond3A_19 : i32
    scf.if %cond3A_20 {
      %scan3A_32 = arith.constant 0 : i32
      %scan3A_33 = arith.constant 0 : i32
      %scan3A_34 = arith.constant 39 : i32
      %scan3A_35 = arith.addi %scan3A_33, %scan3A_34 : i32
      %scan3A_36 = arith.constant 1 : i32
      %scan3A_37 = scf.for %scan3A_43 = %scan3A_33 to %scan3A_35 step %scan3A_36 iter_args(%scan3A_44 = %scan3A_32) -> (i32)  : i32 {
        %mul3A_45 = arith.constant 2 : i32
        %mul3A_46 = arith.muli %mul3A_45, %scan3A_43 : i32
        %mul3A_47 = arith.constant 16 : i32
        %mul3A_48 = arith.muli %mul3A_46, %mul3A_47 : i32
        %add3A = arith.addi %arg1, %mul3A_48 : i32
        %mul3A_49 = arith.constant 2 : i32
        %mul3A_50 = arith.muli %mul3A_49, %scan3A_43 : i32
        %add3A_51 = arith.constant 1 : i32
        %add3A_52 = arith.addi %mul3A_50, %add3A_51 : i32
        %mul3A_53 = arith.constant 16 : i32
        %mul3A_54 = arith.muli %add3A_52, %mul3A_53 : i32
        %add3A_55 = arith.addi %arg1, %mul3A_54 : i32
        %mul3A_56 = arith.constant 128 : i32
        %mul3A_57 = arith.muli %add3A, %mul3A_56 : i32
        "tpu.region"() ({
          %run_scoped3A = tpu.sem_alloc : memref<!tpu.dma_semaphore, #tpu.memory_space<semaphore_mem>>
          %dma_start3A_75 = tpu.memref_slice %arg4[%mul3A_57] : memref<160000xi32, #tpu.memory_space<hbm>> -> memref<128xi32, #tpu.memory_space<hbm>>
          %dma_start3A_76 = tpu.memref_slice %arg4[%mul3A_57] : memref<160000xi32, #tpu.memory_space<hbm>> -> memref<128xi32, #tpu.memory_space<hbm>>
          tpu.enqueue_dma source(%dma_start3A_76 : memref<128xi32, #tpu.memory_space<hbm>>) target(%arg9 : memref<128xi32, #tpu.memory_space<vmem>>) target_semaphore(%run_scoped3A : memref<!tpu.dma_semaphore, #tpu.memory_space<semaphore_mem>>)
          %dma_wait3A_77 = tpu.memref_slice %arg4[%mul3A_57] : memref<160000xi32, #tpu.memory_space<hbm>> -> memref<128xi32, #tpu.memory_space<hbm>>
          %dma_wait3A_78 = tpu.memref_slice %arg4[%mul3A_57] : memref<160000xi32, #tpu.memory_space<hbm>> -> memref<128xi32, #tpu.memory_space<hbm>>
          tpu.wait_dma2 semaphore(%run_scoped3A : memref<!tpu.dma_semaphore, #tpu.memory_space<semaphore_mem>>) src(%dma_wait3A_78 : memref<128xi32, #tpu.memory_space<hbm>>) dst(%arg9 : memref<128xi32, #tpu.memory_space<vmem>>)
          tpu.yield
        }) : () -> ()
        %mul3A_58 = arith.constant 128 : i32
        %mul3A_59 = arith.muli %add3A, %mul3A_58 : i32
        "tpu.region"() ({
          %run_scoped3A = tpu.sem_alloc : memref<!tpu.dma_semaphore, #tpu.memory_space<semaphore_mem>>
          %dma_start3A_75 = tpu.memref_slice %arg5[%mul3A_59] : memref<160000xi32, #tpu.memory_space<hbm>> -> memref<128xi32, #tpu.memory_space<hbm>>
          %dma_start3A_76 = tpu.memref_slice %arg5[%mul3A_59] : memref<160000xi32, #tpu.memory_space<hbm>> -> memref<128xi32, #tpu.memory_space<hbm>>
          tpu.enqueue_dma source(%dma_start3A_76 : memref<128xi32, #tpu.memory_space<hbm>>) target(%arg10 : memref<128xi32, #tpu.memory_space<vmem>>) target_semaphore(%run_scoped3A : memref<!tpu.dma_semaphore, #tpu.memory_space<semaphore_mem>>)
          %dma_wait3A_77 = tpu.memref_slice %arg5[%mul3A_59] : memref<160000xi32, #tpu.memory_space<hbm>> -> memref<128xi32, #tpu.memory_space<hbm>>
          %dma_wait3A_78 = tpu.memref_slice %arg5[%mul3A_59] : memref<160000xi32, #tpu.memory_space<hbm>> -> memref<128xi32, #tpu.memory_space<hbm>>
          tpu.wait_dma2 semaphore(%run_scoped3A : memref<!tpu.dma_semaphore, #tpu.memory_space<semaphore_mem>>) src(%dma_wait3A_78 : memref<128xi32, #tpu.memory_space<hbm>>) dst(%arg10 : memref<128xi32, #tpu.memory_space<vmem>>)
          tpu.yield
        }) : () -> ()
        %dma_start3A = arith.constant 0 : i32
        %dma_start3A_60 = arith.constant 0 : i32
        %dma_start3A_61 = tpu.memref_slice %arg3[%dma_start3A, %dma_start3A_60] : memref<10000x128xf32, #tpu.memory_space<hbm>> -> memref<10000x128xf32, #tpu.memory_space<hbm>>
        tpu.enqueue_indirect_dma source(%dma_start3A_61 : memref<10000x128xf32, #tpu.memory_space<hbm>>) target(%arg14 : memref<128x128xf32, #tpu.memory_space<vmem>>) offsets(%arg9 : memref<128xi32, #tpu.memory_space<vmem>>) semaphore(%arg17 : memref<!tpu.dma_semaphore, #tpu.memory_space<semaphore_mem>>)
        %mul3A_62 = arith.constant 128 : i32
        %mul3A_63 = arith.muli %add3A_55, %mul3A_62 : i32
        "tpu.region"() ({
          %run_scoped3A = tpu.sem_alloc : memref<!tpu.dma_semaphore, #tpu.memory_space<semaphore_mem>>
          %dma_start3A_75 = tpu.memref_slice %arg4[%mul3A_63] : memref<160000xi32, #tpu.memory_space<hbm>> -> memref<128xi32, #tpu.memory_space<hbm>>
          %dma_start3A_76 = tpu.memref_slice %arg4[%mul3A_63] : memref<160000xi32, #tpu.memory_space<hbm>> -> memref<128xi32, #tpu.memory_space<hbm>>
          tpu.enqueue_dma source(%dma_start3A_76 : memref<128xi32, #tpu.memory_space<hbm>>) target(%arg11 : memref<128xi32, #tpu.memory_space<vmem>>) target_semaphore(%run_scoped3A : memref<!tpu.dma_semaphore, #tpu.memory_space<semaphore_mem>>)
          %dma_wait3A_77 = tpu.memref_slice %arg4[%mul3A_63] : memref<160000xi32, #tpu.memory_space<hbm>> -> memref<128xi32, #tpu.memory_space<hbm>>
          %dma_wait3A_78 = tpu.memref_slice %arg4[%mul3A_63] : memref<160000xi32, #tpu.memory_space<hbm>> -> memref<128xi32, #tpu.memory_space<hbm>>
          tpu.wait_dma2 semaphore(%run_scoped3A : memref<!tpu.dma_semaphore, #tpu.memory_space<semaphore_mem>>) src(%dma_wait3A_78 : memref<128xi32, #tpu.memory_space<hbm>>) dst(%arg11 : memref<128xi32, #tpu.memory_space<vmem>>)
          tpu.yield
        }) : () -> ()
        %mul3A_64 = arith.constant 128 : i32
        %mul3A_65 = arith.muli %add3A_55, %mul3A_64 : i32
        "tpu.region"() ({
          %run_scoped3A = tpu.sem_alloc : memref<!tpu.dma_semaphore, #tpu.memory_space<semaphore_mem>>
          %dma_start3A_75 = tpu.memref_slice %arg5[%mul3A_65] : memref<160000xi32, #tpu.memory_space<hbm>> -> memref<128xi32, #tpu.memory_space<hbm>>
          %dma_start3A_76 = tpu.memref_slice %arg5[%mul3A_65] : memref<160000xi32, #tpu.memory_space<hbm>> -> memref<128xi32, #tpu.memory_space<hbm>>
          tpu.enqueue_dma source(%dma_start3A_76 : memref<128xi32, #tpu.memory_space<hbm>>) target(%arg12 : memref<128xi32, #tpu.memory_space<vmem>>) target_semaphore(%run_scoped3A : memref<!tpu.dma_semaphore, #tpu.memory_space<semaphore_mem>>)
          %dma_wait3A_77 = tpu.memref_slice %arg5[%mul3A_65] : memref<160000xi32, #tpu.memory_space<hbm>> -> memref<128xi32, #tpu.memory_space<hbm>>
          %dma_wait3A_78 = tpu.memref_slice %arg5[%mul3A_65] : memref<160000xi32, #tpu.memory_space<hbm>> -> memref<128xi32, #tpu.memory_space<hbm>>
          tpu.wait_dma2 semaphore(%run_scoped3A : memref<!tpu.dma_semaphore, #tpu.memory_space<semaphore_mem>>) src(%dma_wait3A_78 : memref<128xi32, #tpu.memory_space<hbm>>) dst(%arg12 : memref<128xi32, #tpu.memory_space<vmem>>)
          tpu.yield
        }) : () -> ()
        %dma_start3A_66 = arith.constant 0 : i32
        %dma_start3A_67 = arith.constant 0 : i32
        %dma_start3A_68 = tpu.memref_slice %arg3[%dma_start3A_66, %dma_start3A_67] : memref<10000x128xf32, #tpu.memory_space<hbm>> -> memref<10000x128xf32, #tpu.memory_space<hbm>>
        tpu.enqueue_indirect_dma source(%dma_start3A_68 : memref<10000x128xf32, #tpu.memory_space<hbm>>) target(%arg15 : memref<128x128xf32, #tpu.memory_space<vmem>>) offsets(%arg11 : memref<128xi32, #tpu.memory_space<vmem>>) semaphore(%arg18 : memref<!tpu.dma_semaphore, #tpu.memory_space<semaphore_mem>>)
        %dma_wait3A = arith.constant 0 : i32
        %dma_wait3A_69 = arith.constant 0 : i32
        %dma_wait3A_70 = tpu.memref_slice %arg3[%dma_wait3A, %dma_wait3A_69] : memref<10000x128xf32, #tpu.memory_space<hbm>> -> memref<10000x128xf32, #tpu.memory_space<hbm>>
        tpu.wait_indirect_dma semaphore(%arg17 : memref<!tpu.dma_semaphore, #tpu.memory_space<semaphore_mem>>) src(%dma_wait3A_70 : memref<10000x128xf32, #tpu.memory_space<hbm>>) dst(%arg14 : memref<128x128xf32, #tpu.memory_space<vmem>>)
        "tpu.region"() ({
          %run_scoped3A = tpu.sem_alloc : memref<!tpu.dma_semaphore, #tpu.memory_space<semaphore_mem>>
          %dma_start3A_75 = arith.constant 0 : i32
          %dma_start3A_76 = arith.constant 0 : i32
          %dma_start3A_77 = tpu.memref_slice %arg16[%dma_start3A_75, %dma_start3A_76] : memref<10240x128xf32, #tpu.memory_space<vmem_shared>> -> memref<10240x128xf32, #tpu.memory_space<vmem_shared>>
          tpu.enqueue_indirect_dma source(%arg14 : memref<128x128xf32, #tpu.memory_space<vmem>>) target(%dma_start3A_77 : memref<10240x128xf32, #tpu.memory_space<vmem_shared>>) offsets(%arg10 : memref<128xi32, #tpu.memory_space<vmem>>) semaphore(%run_scoped3A : memref<!tpu.dma_semaphore, #tpu.memory_space<semaphore_mem>>) {add = true}
          %dma_wait3A_78 = arith.constant 0 : i32
          %dma_wait3A_79 = arith.constant 0 : i32
          %dma_wait3A_80 = tpu.memref_slice %arg16[%dma_wait3A_78, %dma_wait3A_79] : memref<10240x128xf32, #tpu.memory_space<vmem_shared>> -> memref<10240x128xf32, #tpu.memory_space<vmem_shared>>
          tpu.wait_indirect_dma semaphore(%run_scoped3A : memref<!tpu.dma_semaphore, #tpu.memory_space<semaphore_mem>>) src(%arg14 : memref<128x128xf32, #tpu.memory_space<vmem>>) dst(%dma_wait3A_80 : memref<10240x128xf32, #tpu.memory_space<vmem_shared>>)
          tpu.yield
        }) : () -> ()
        %dma_wait3A_71 = arith.constant 0 : i32
        %dma_wait3A_72 = arith.constant 0 : i32
        %dma_wait3A_73 = tpu.memref_slice %arg3[%dma_wait3A_71, %dma_wait3A_72] : memref<10000x128xf32, #tpu.memory_space<hbm>> -> memref<10000x128xf32, #tpu.memory_space<hbm>>
        tpu.wait_indirect_dma semaphore(%arg18 : memref<!tpu.dma_semaphore, #tpu.memory_space<semaphore_mem>>) src(%dma_wait3A_73 : memref<10000x128xf32, #tpu.memory_space<hbm>>) dst(%arg15 : memref<128x128xf32, #tpu.memory_space<vmem>>)
        "tpu.region"() ({
          %run_scoped3A = tpu.sem_alloc : memref<!tpu.dma_semaphore, #tpu.memory_space<semaphore_mem>>
          %dma_start3A_75 = arith.constant 0 : i32
          %dma_start3A_76 = arith.constant 0 : i32
          %dma_start3A_77 = tpu.memref_slice %arg16[%dma_start3A_75, %dma_start3A_76] : memref<10240x128xf32, #tpu.memory_space<vmem_shared>> -> memref<10240x128xf32, #tpu.memory_space<vmem_shared>>
          tpu.enqueue_indirect_dma source(%arg15 : memref<128x128xf32, #tpu.memory_space<vmem>>) target(%dma_start3A_77 : memref<10240x128xf32, #tpu.memory_space<vmem_shared>>) offsets(%arg12 : memref<128xi32, #tpu.memory_space<vmem>>) semaphore(%run_scoped3A : memref<!tpu.dma_semaphore, #tpu.memory_space<semaphore_mem>>) {add = true}
          %dma_wait3A_78 = arith.constant 0 : i32
          %dma_wait3A_79 = arith.constant 0 : i32
          %dma_wait3A_80 = tpu.memref_slice %arg16[%dma_wait3A_78, %dma_wait3A_79] : memref<10240x128xf32, #tpu.memory_space<vmem_shared>> -> memref<10240x128xf32, #tpu.memory_space<vmem_shared>>
          tpu.wait_indirect_dma semaphore(%run_scoped3A : memref<!tpu.dma_semaphore, #tpu.memory_space<semaphore_mem>>) src(%arg15 : memref<128x128xf32, #tpu.memory_space<vmem>>) dst(%dma_wait3A_80 : memref<10240x128xf32, #tpu.memory_space<vmem_shared>>)
          tpu.yield
        }) : () -> ()
        %scan3A_74 = arith.constant 0 : i32
        scf.yield %scan3A_74 : i32
      }
      %scan3A_38 = arith.constant 39 : i32
      %lt3A = arith.constant 2 : i32
      %lt3A_39 = arith.cmpi slt, %arg1, %lt3A : i32
      %convert_element_type3A_40 = arith.extui %lt3A_39 : i1 to i32
      %cond3A_41 = arith.constant 0 : i32
      %cond3A_42 = arith.cmpi ne, %convert_element_type3A_40, %cond3A_41 : i32
      scf.if %cond3A_42 {
        %add3A = arith.constant 1248 : i32
        %add3A_43 = arith.addi %arg1, %add3A : i32
        %mul3A_44 = arith.constant 128 : i32
        %mul3A_45 = arith.muli %add3A_43, %mul3A_44 : i32
        "tpu.region"() ({
          %run_scoped3A = tpu.sem_alloc : memref<!tpu.dma_semaphore, #tpu.memory_space<semaphore_mem>>
          %dma_start3A_52 = tpu.memref_slice %arg4[%mul3A_45] : memref<160000xi32, #tpu.memory_space<hbm>> -> memref<128xi32, #tpu.memory_space<hbm>>
          %dma_start3A_53 = tpu.memref_slice %arg4[%mul3A_45] : memref<160000xi32, #tpu.memory_space<hbm>> -> memref<128xi32, #tpu.memory_space<hbm>>
          tpu.enqueue_dma source(%dma_start3A_53 : memref<128xi32, #tpu.memory_space<hbm>>) target(%arg9 : memref<128xi32, #tpu.memory_space<vmem>>) target_semaphore(%run_scoped3A : memref<!tpu.dma_semaphore, #tpu.memory_space<semaphore_mem>>)
          %dma_wait3A_54 = tpu.memref_slice %arg4[%mul3A_45] : memref<160000xi32, #tpu.memory_space<hbm>> -> memref<128xi32, #tpu.memory_space<hbm>>
          %dma_wait3A_55 = tpu.memref_slice %arg4[%mul3A_45] : memref<160000xi32, #tpu.memory_space<hbm>> -> memref<128xi32, #tpu.memory_space<hbm>>
          tpu.wait_dma2 semaphore(%run_scoped3A : memref<!tpu.dma_semaphore, #tpu.memory_space<semaphore_mem>>) src(%dma_wait3A_55 : memref<128xi32, #tpu.memory_space<hbm>>) dst(%arg9 : memref<128xi32, #tpu.memory_space<vmem>>)
          tpu.yield
        }) : () -> ()
        %mul3A_46 = arith.constant 128 : i32
        %mul3A_47 = arith.muli %add3A_43, %mul3A_46 : i32
        "tpu.region"() ({
          %run_scoped3A = tpu.sem_alloc : memref<!tpu.dma_semaphore, #tpu.memory_space<semaphore_mem>>
          %dma_start3A_52 = tpu.memref_slice %arg5[%mul3A_47] : memref<160000xi32, #tpu.memory_space<hbm>> -> memref<128xi32, #tpu.memory_space<hbm>>
          %dma_start3A_53 = tpu.memref_slice %arg5[%mul3A_47] : memref<160000xi32, #tpu.memory_space<hbm>> -> memref<128xi32, #tpu.memory_space<hbm>>
          tpu.enqueue_dma source(%dma_start3A_53 : memref<128xi32, #tpu.memory_space<hbm>>) target(%arg10 : memref<128xi32, #tpu.memory_space<vmem>>) target_semaphore(%run_scoped3A : memref<!tpu.dma_semaphore, #tpu.memory_space<semaphore_mem>>)
          %dma_wait3A_54 = tpu.memref_slice %arg5[%mul3A_47] : memref<160000xi32, #tpu.memory_space<hbm>> -> memref<128xi32, #tpu.memory_space<hbm>>
          %dma_wait3A_55 = tpu.memref_slice %arg5[%mul3A_47] : memref<160000xi32, #tpu.memory_space<hbm>> -> memref<128xi32, #tpu.memory_space<hbm>>
          tpu.wait_dma2 semaphore(%run_scoped3A : memref<!tpu.dma_semaphore, #tpu.memory_space<semaphore_mem>>) src(%dma_wait3A_55 : memref<128xi32, #tpu.memory_space<hbm>>) dst(%arg10 : memref<128xi32, #tpu.memory_space<vmem>>)
          tpu.yield
        }) : () -> ()
        %dma_start3A = arith.constant 0 : i32
        %dma_start3A_48 = arith.constant 0 : i32
        %dma_start3A_49 = tpu.memref_slice %arg3[%dma_start3A, %dma_start3A_48] : memref<10000x128xf32, #tpu.memory_space<hbm>> -> memref<10000x128xf32, #tpu.memory_space<hbm>>
        tpu.enqueue_indirect_dma source(%dma_start3A_49 : memref<10000x128xf32, #tpu.memory_space<hbm>>) target(%arg14 : memref<128x128xf32, #tpu.memory_space<vmem>>) offsets(%arg9 : memref<128xi32, #tpu.memory_space<vmem>>) semaphore(%arg17 : memref<!tpu.dma_semaphore, #tpu.memory_space<semaphore_mem>>)
        %dma_wait3A = arith.constant 0 : i32
        %dma_wait3A_50 = arith.constant 0 : i32
        %dma_wait3A_51 = tpu.memref_slice %arg3[%dma_wait3A, %dma_wait3A_50] : memref<10000x128xf32, #tpu.memory_space<hbm>> -> memref<10000x128xf32, #tpu.memory_space<hbm>>
        tpu.wait_indirect_dma semaphore(%arg17 : memref<!tpu.dma_semaphore, #tpu.memory_space<semaphore_mem>>) src(%dma_wait3A_51 : memref<10000x128xf32, #tpu.memory_space<hbm>>) dst(%arg14 : memref<128x128xf32, #tpu.memory_space<vmem>>)
        "tpu.region"() ({
          %run_scoped3A = tpu.sem_alloc : memref<!tpu.dma_semaphore, #tpu.memory_space<semaphore_mem>>
          %dma_start3A_52 = arith.constant 0 : i32
          %dma_start3A_53 = arith.constant 0 : i32
          %dma_start3A_54 = tpu.memref_slice %arg16[%dma_start3A_52, %dma_start3A_53] : memref<10240x128xf32, #tpu.memory_space<vmem_shared>> -> memref<10240x128xf32, #tpu.memory_space<vmem_shared>>
          tpu.enqueue_indirect_dma source(%arg14 : memref<128x128xf32, #tpu.memory_space<vmem>>) target(%dma_start3A_54 : memref<10240x128xf32, #tpu.memory_space<vmem_shared>>) offsets(%arg10 : memref<128xi32, #tpu.memory_space<vmem>>) semaphore(%run_scoped3A : memref<!tpu.dma_semaphore, #tpu.memory_space<semaphore_mem>>) {add = true}
          %dma_wait3A_55 = arith.constant 0 : i32
          %dma_wait3A_56 = arith.constant 0 : i32
          %dma_wait3A_57 = tpu.memref_slice %arg16[%dma_wait3A_55, %dma_wait3A_56] : memref<10240x128xf32, #tpu.memory_space<vmem_shared>> -> memref<10240x128xf32, #tpu.memory_space<vmem_shared>>
          tpu.wait_indirect_dma semaphore(%run_scoped3A : memref<!tpu.dma_semaphore, #tpu.memory_space<semaphore_mem>>) src(%arg14 : memref<128x128xf32, #tpu.memory_space<vmem>>) dst(%dma_wait3A_57 : memref<10240x128xf32, #tpu.memory_space<vmem_shared>>)
          tpu.yield
        }) : () -> ()
      } else {
      }
    } else {
    }
    %barrier3A_21 = arith.constant 0 : index
    tpu.barrier barrier_id(%barrier3A_21)
    %eq3A_22 = arith.constant 0 : i32
    %eq3A_23 = arith.cmpi eq, %arg0, %eq3A_22 : i32
    %convert_element_type3A_24 = arith.extui %eq3A_23 : i1 to i32
    %cond3A_25 = arith.constant 0 : i32
    %cond3A_26 = arith.cmpi ne, %convert_element_type3A_24, %cond3A_25 : i32
    scf.if %cond3A_26 {
      %scan3A_32 = arith.constant 0 : i32
      %scan3A_33 = arith.constant 0 : i32
      %scan3A_34 = arith.constant 5 : i32
      %scan3A_35 = arith.addi %scan3A_33, %scan3A_34 : i32
      %scan3A_36 = arith.constant 1 : i32
      %scan3A_37 = scf.for %scan3A_39 = %scan3A_33 to %scan3A_35 step %scan3A_36 iter_args(%scan3A_40 = %scan3A_32) -> (i32)  : i32 {
        %mul3A_41 = arith.constant 128 : i32
        %mul3A_42 = arith.muli %scan3A_39, %mul3A_41 : i32
        %add3A = arith.addi %mul3A_6, %mul3A_42 : i32
        "tpu.region"() ({
          %run_scoped3A = tpu.sem_alloc : memref<!tpu.dma_semaphore, #tpu.memory_space<semaphore_mem>>
          %dma_start3A_51 = tpu.memref_slice %arg6[%add3A] : memref<10240xi32, #tpu.memory_space<hbm>> -> memref<128xi32, #tpu.memory_space<hbm>>
          %dma_start3A_52 = tpu.memref_slice %arg6[%add3A] : memref<10240xi32, #tpu.memory_space<hbm>> -> memref<128xi32, #tpu.memory_space<hbm>>
          tpu.enqueue_dma source(%dma_start3A_52 : memref<128xi32, #tpu.memory_space<hbm>>) target(%arg13 : memref<128xi32, #tpu.memory_space<vmem>>) target_semaphore(%run_scoped3A : memref<!tpu.dma_semaphore, #tpu.memory_space<semaphore_mem>>)
          %dma_wait3A_53 = tpu.memref_slice %arg6[%add3A] : memref<10240xi32, #tpu.memory_space<hbm>> -> memref<128xi32, #tpu.memory_space<hbm>>
          %dma_wait3A_54 = tpu.memref_slice %arg6[%add3A] : memref<10240xi32, #tpu.memory_space<hbm>> -> memref<128xi32, #tpu.memory_space<hbm>>
          tpu.wait_dma2 semaphore(%run_scoped3A : memref<!tpu.dma_semaphore, #tpu.memory_space<semaphore_mem>>) src(%dma_wait3A_54 : memref<128xi32, #tpu.memory_space<hbm>>) dst(%arg13 : memref<128xi32, #tpu.memory_space<vmem>>)
          tpu.yield
        }) : () -> ()
        %dma_start3A = arith.constant 0 : i32
        %dma_start3A_43 = arith.constant 0 : i32
        %dma_start3A_44 = tpu.memref_slice %arg16[%dma_start3A, %dma_start3A_43] : memref<10240x128xf32, #tpu.memory_space<vmem_shared>> -> memref<10240x128xf32, #tpu.memory_space<vmem_shared>>
        tpu.enqueue_indirect_dma source(%dma_start3A_44 : memref<10240x128xf32, #tpu.memory_space<vmem_shared>>) target(%arg14 : memref<128x128xf32, #tpu.memory_space<vmem>>) offsets(%arg13 : memref<128xi32, #tpu.memory_space<vmem>>) semaphore(%arg17 : memref<!tpu.dma_semaphore, #tpu.memory_space<semaphore_mem>>)
        %dma_wait3A = arith.constant 0 : i32
        %dma_wait3A_45 = arith.constant 0 : i32
        %dma_wait3A_46 = tpu.memref_slice %arg16[%dma_wait3A, %dma_wait3A_45] : memref<10240x128xf32, #tpu.memory_space<vmem_shared>> -> memref<10240x128xf32, #tpu.memory_space<vmem_shared>>
        tpu.wait_indirect_dma semaphore(%arg17 : memref<!tpu.dma_semaphore, #tpu.memory_space<semaphore_mem>>) src(%dma_wait3A_46 : memref<10240x128xf32, #tpu.memory_space<vmem_shared>>) dst(%arg14 : memref<128x128xf32, #tpu.memory_space<vmem>>)
        %mul3A_47 = arith.constant 128 : i32
        %mul3A_48 = arith.muli %scan3A_39, %mul3A_47 : i32
        %add3A_49 = arith.addi %mul3A_6, %mul3A_48 : i32
        "tpu.region"() ({
          %run_scoped3A = tpu.sem_alloc : memref<!tpu.dma_semaphore, #tpu.memory_space<semaphore_mem>>
          %dma_start3A_51 = arith.constant 0 : i32
          %dma_start3A_52 = tpu.memref_slice %arg7[%add3A_49, %dma_start3A_51] : memref<10240x128xf32, #tpu.memory_space<hbm>> -> memref<128x128xf32, #tpu.memory_space<hbm>>
          %dma_start3A_53 = arith.constant 0 : i32
          %dma_start3A_54 = tpu.memref_slice %arg7[%add3A_49, %dma_start3A_53] : memref<10240x128xf32, #tpu.memory_space<hbm>> -> memref<128x128xf32, #tpu.memory_space<hbm>>
          tpu.enqueue_dma source(%arg14 : memref<128x128xf32, #tpu.memory_space<vmem>>) target(%dma_start3A_54 : memref<128x128xf32, #tpu.memory_space<hbm>>) target_semaphore(%run_scoped3A : memref<!tpu.dma_semaphore, #tpu.memory_space<semaphore_mem>>)
          %dma_wait3A_55 = arith.constant 0 : i32
          %dma_wait3A_56 = tpu.memref_slice %arg7[%add3A_49, %dma_wait3A_55] : memref<10240x128xf32, #tpu.memory_space<hbm>> -> memref<128x128xf32, #tpu.memory_space<hbm>>
          %dma_wait3A_57 = arith.constant 0 : i32
          %dma_wait3A_58 = tpu.memref_slice %arg7[%add3A_49, %dma_wait3A_57] : memref<10240x128xf32, #tpu.memory_space<hbm>> -> memref<128x128xf32, #tpu.memory_space<hbm>>
          tpu.wait_dma2 semaphore(%run_scoped3A : memref<!tpu.dma_semaphore, #tpu.memory_space<semaphore_mem>>) src(%arg14 : memref<128x128xf32, #tpu.memory_space<vmem>>) dst(%dma_wait3A_58 : memref<128x128xf32, #tpu.memory_space<hbm>>)
          tpu.yield
        }) : () -> ()
        %scan3A_50 = arith.constant 0 : i32
        scf.yield %scan3A_50 : i32
      }
      %scan3A_38 = arith.constant 5 : i32
    } else {
    }
    %eq3A_27 = arith.constant 1 : i32
    %eq3A_28 = arith.cmpi eq, %arg0, %eq3A_27 : i32
    %convert_element_type3A_29 = arith.extui %eq3A_28 : i1 to i32
    %cond3A_30 = arith.constant 0 : i32
    %cond3A_31 = arith.cmpi ne, %convert_element_type3A_29, %cond3A_30 : i32
    scf.if %cond3A_31 {
      %scan3A_32 = arith.constant 0 : i32
      %scan3A_33 = arith.constant 0 : i32
      %scan3A_34 = arith.constant 5 : i32
      %scan3A_35 = arith.addi %scan3A_33, %scan3A_34 : i32
      %scan3A_36 = arith.constant 1 : i32
      %scan3A_37 = scf.for %scan3A_39 = %scan3A_33 to %scan3A_35 step %scan3A_36 iter_args(%scan3A_40 = %scan3A_32) -> (i32)  : i32 {
        %mul3A_41 = arith.constant 128 : i32
        %mul3A_42 = arith.muli %scan3A_39, %mul3A_41 : i32
        %add3A = arith.addi %mul3A_6, %mul3A_42 : i32
        "tpu.region"() ({
          %run_scoped3A = tpu.sem_alloc : memref<!tpu.dma_semaphore, #tpu.memory_space<semaphore_mem>>
          %dma_start3A_51 = tpu.memref_slice %arg6[%add3A] : memref<10240xi32, #tpu.memory_space<hbm>> -> memref<128xi32, #tpu.memory_space<hbm>>
          %dma_start3A_52 = tpu.memref_slice %arg6[%add3A] : memref<10240xi32, #tpu.memory_space<hbm>> -> memref<128xi32, #tpu.memory_space<hbm>>
          tpu.enqueue_dma source(%dma_start3A_52 : memref<128xi32, #tpu.memory_space<hbm>>) target(%arg13 : memref<128xi32, #tpu.memory_space<vmem>>) target_semaphore(%run_scoped3A : memref<!tpu.dma_semaphore, #tpu.memory_space<semaphore_mem>>)
          %dma_wait3A_53 = tpu.memref_slice %arg6[%add3A] : memref<10240xi32, #tpu.memory_space<hbm>> -> memref<128xi32, #tpu.memory_space<hbm>>
          %dma_wait3A_54 = tpu.memref_slice %arg6[%add3A] : memref<10240xi32, #tpu.memory_space<hbm>> -> memref<128xi32, #tpu.memory_space<hbm>>
          tpu.wait_dma2 semaphore(%run_scoped3A : memref<!tpu.dma_semaphore, #tpu.memory_space<semaphore_mem>>) src(%dma_wait3A_54 : memref<128xi32, #tpu.memory_space<hbm>>) dst(%arg13 : memref<128xi32, #tpu.memory_space<vmem>>)
          tpu.yield
        }) : () -> ()
        %dma_start3A = arith.constant 0 : i32
        %dma_start3A_43 = arith.constant 0 : i32
        %dma_start3A_44 = tpu.memref_slice %arg16[%dma_start3A, %dma_start3A_43] : memref<10240x128xf32, #tpu.memory_space<vmem_shared>> -> memref<10240x128xf32, #tpu.memory_space<vmem_shared>>
        tpu.enqueue_indirect_dma source(%dma_start3A_44 : memref<10240x128xf32, #tpu.memory_space<vmem_shared>>) target(%arg14 : memref<128x128xf32, #tpu.memory_space<vmem>>) offsets(%arg13 : memref<128xi32, #tpu.memory_space<vmem>>) semaphore(%arg17 : memref<!tpu.dma_semaphore, #tpu.memory_space<semaphore_mem>>)
        %dma_wait3A = arith.constant 0 : i32
        %dma_wait3A_45 = arith.constant 0 : i32
        %dma_wait3A_46 = tpu.memref_slice %arg16[%dma_wait3A, %dma_wait3A_45] : memref<10240x128xf32, #tpu.memory_space<vmem_shared>> -> memref<10240x128xf32, #tpu.memory_space<vmem_shared>>
        tpu.wait_indirect_dma semaphore(%arg17 : memref<!tpu.dma_semaphore, #tpu.memory_space<semaphore_mem>>) src(%dma_wait3A_46 : memref<10240x128xf32, #tpu.memory_space<vmem_shared>>) dst(%arg14 : memref<128x128xf32, #tpu.memory_space<vmem>>)
        %mul3A_47 = arith.constant 128 : i32
        %mul3A_48 = arith.muli %scan3A_39, %mul3A_47 : i32
        %add3A_49 = arith.addi %mul3A_6, %mul3A_48 : i32
        "tpu.region"() ({
          %run_scoped3A = tpu.sem_alloc : memref<!tpu.dma_semaphore, #tpu.memory_space<semaphore_mem>>
          %dma_start3A_51 = arith.constant 0 : i32
          %dma_start3A_52 = tpu.memref_slice %arg8[%add3A_49, %dma_start3A_51] : memref<10240x128xf32, #tpu.memory_space<hbm>> -> memref<128x128xf32, #tpu.memory_space<hbm>>
          %dma_start3A_53 = arith.constant 0 : i32
          %dma_start3A_54 = tpu.memref_slice %arg8[%add3A_49, %dma_start3A_53] : memref<10240x128xf32, #tpu.memory_space<hbm>> -> memref<128x128xf32, #tpu.memory_space<hbm>>
          tpu.enqueue_dma source(%arg14 : memref<128x128xf32, #tpu.memory_space<vmem>>) target(%dma_start3A_54 : memref<128x128xf32, #tpu.memory_space<hbm>>) target_semaphore(%run_scoped3A : memref<!tpu.dma_semaphore, #tpu.memory_space<semaphore_mem>>)
          %dma_wait3A_55 = arith.constant 0 : i32
          %dma_wait3A_56 = tpu.memref_slice %arg8[%add3A_49, %dma_wait3A_55] : memref<10240x128xf32, #tpu.memory_space<hbm>> -> memref<128x128xf32, #tpu.memory_space<hbm>>
          %dma_wait3A_57 = arith.constant 0 : i32
          %dma_wait3A_58 = tpu.memref_slice %arg8[%add3A_49, %dma_wait3A_57] : memref<10240x128xf32, #tpu.memory_space<hbm>> -> memref<128x128xf32, #tpu.memory_space<hbm>>
          tpu.wait_dma2 semaphore(%run_scoped3A : memref<!tpu.dma_semaphore, #tpu.memory_space<semaphore_mem>>) src(%arg14 : memref<128x128xf32, #tpu.memory_space<vmem>>) dst(%dma_wait3A_58 : memref<128x128xf32, #tpu.memory_space<hbm>>)
          tpu.yield
        }) : () -> ()
        %scan3A_50 = arith.constant 0 : i32
        scf.yield %scan3A_50 : i32
      }
      %scan3A_38 = arith.constant 5 : i32
    } else {
    }
    return
  }
}

#map = affine_map<(d0, d1) -> (0)>
#map1 = affine_map<(d0, d1) -> (0, 0)>
module attributes {stable_mosaic.version = 14 : i64} {
  func.func @_deg_body(%arg0: i32, %arg1: i32, %arg2: memref<160000xi32, #tpu.memory_space<hbm>>, %arg3: memref<10240xi32, #tpu.memory_space<hbm>>, %arg4: memref<10240x128xf32, #tpu.memory_space<hbm>>, %arg5: memref<10240x128xf32, #tpu.memory_space<hbm>>, %arg6: memref<128xi32, #tpu.memory_space<vmem>>, %arg7: memref<128xi32, #tpu.memory_space<vmem>>, %arg8: memref<128x128xf32, #tpu.memory_space<vmem>>, %arg9: memref<128x128xf32, #tpu.memory_space<vmem>>, %arg10: memref<10240x128xf32, #tpu.memory_space<vmem_shared>>, %arg11: memref<!tpu.dma_semaphore, #tpu.memory_space<semaphore_mem>>) attributes {dimension_semantics = [#tpu.dimension_semantics<core_parallel>, #tpu.dimension_semantics<subcore_parallel>], iteration_bounds = array<i64: 2, 16>, scalar_prefetch = 0 : i64, scratch_operands = 6 : i64, tpu.core_type = #tpu.core_type<sc_vector_subcore>, window_params = [{transform_indices = #map}, {transform_indices = #map}, {transform_indices = #map1}, {transform_indices = #map1}]} {
    %mul3A = arith.constant 2 : i32
    %mul3A_0 = arith.muli %arg1, %mul3A : i32
    %add3A = arith.addi %mul3A_0, %arg0 : i32
    %scan3A = arith.constant 0 : i32
    %scan3A_1 = arith.constant 0 : i32
    %scan3A_2 = arith.constant 128 : i32
    %scan3A_3 = arith.addi %scan3A_1, %scan3A_2 : i32
    %scan3A_4 = arith.constant 1 : i32
    %scan3A_5 = scf.for %scan3A_42 = %scan3A_1 to %scan3A_3 step %scan3A_4 iter_args(%scan3A_43 = %scan3A) -> (i32)  : i32 {
      %scan3A_44 = arith.constant 0 : i32
      %scan3A_45 = arith.constant 0 : i32
      %scan3A_46 = arith.constant 8 : i32
      %scan3A_47 = arith.addi %scan3A_45, %scan3A_46 : i32
      %scan3A_48 = arith.constant 1 : i32
      %scan3A_49 = scf.for %scan3A_51 = %scan3A_45 to %scan3A_47 step %scan3A_48 iter_args(%scan3A_52 = %scan3A_44) -> (i32)  : i32 {
        %broadcast_in_dim3A = arith.constant 1.000000e+00 : f32
        %broadcast_in_dim3A_53 = vector.broadcast %broadcast_in_dim3A : f32 to vector<16xf32>
        %mul3A_54 = arith.constant 16 : i32
        %mul3A_55 = arith.muli %scan3A_51, %mul3A_54 : i32
        %swap3A = arith.index_cast %scan3A_42 : i32 to index
        %swap3A_56 = arith.index_cast %mul3A_55 : i32 to index
        %swap3A_57 = tpu.vector_load %arg8[%swap3A, %swap3A_56] {strides = array<i32>} : memref<128x128xf32, #tpu.memory_space<vmem>>, vector<1x16xf32>,
        %swap3A_58 = vector.shape_cast %swap3A_57 : vector<1x16xf32> to vector<16xf32>
        %swap3A_59 = vector.shape_cast %broadcast_in_dim3A_53 : vector<16xf32> to vector<1x16xf32>
        tpu.vector_store %arg8[%swap3A, %swap3A_56], %swap3A_59 {strides = array<i32>} : memref<128x128xf32, #tpu.memory_space<vmem>>, vector<1x16xf32>,
        %scan3A_60 = arith.constant 0 : i32
        scf.yield %scan3A_60 : i32
      }
      %scan3A_50 = arith.constant 8 : i32
      scf.yield %scan3A_49 : i32
    }
    %scan3A_6 = arith.constant 128 : i32
    %scan3A_7 = arith.constant 0 : i32
    %scan3A_8 = arith.constant 0 : i32
    %scan3A_9 = arith.constant 128 : i32
    %scan3A_10 = arith.addi %scan3A_8, %scan3A_9 : i32
    %scan3A_11 = arith.constant 1 : i32
    %scan3A_12 = scf.for %scan3A_42 = %scan3A_8 to %scan3A_10 step %scan3A_11 iter_args(%scan3A_43 = %scan3A_7) -> (i32)  : i32 {
      %scan3A_44 = arith.constant 0 : i32
      %scan3A_45 = arith.constant 0 : i32
      %scan3A_46 = arith.constant 8 : i32
      %scan3A_47 = arith.addi %scan3A_45, %scan3A_46 : i32
      %scan3A_48 = arith.constant 1 : i32
      %scan3A_49 = scf.for %scan3A_51 = %scan3A_45 to %scan3A_47 step %scan3A_48 iter_args(%scan3A_52 = %scan3A_44) -> (i32)  : i32 {
        %broadcast_in_dim3A = arith.constant 0.000000e+00 : f32
        %broadcast_in_dim3A_53 = vector.broadcast %broadcast_in_dim3A : f32 to vector<16xf32>
        %mul3A_54 = arith.constant 16 : i32
        %mul3A_55 = arith.muli %scan3A_51, %mul3A_54 : i32
        %swap3A = arith.index_cast %scan3A_42 : i32 to index
        %swap3A_56 = arith.index_cast %mul3A_55 : i32 to index
        %swap3A_57 = tpu.vector_load %arg9[%swap3A, %swap3A_56] {strides = array<i32>} : memref<128x128xf32, #tpu.memory_space<vmem>>, vector<1x16xf32>,
        %swap3A_58 = vector.shape_cast %swap3A_57 : vector<1x16xf32> to vector<16xf32>
        %swap3A_59 = vector.shape_cast %broadcast_in_dim3A_53 : vector<16xf32> to vector<1x16xf32>
        tpu.vector_store %arg9[%swap3A, %swap3A_56], %swap3A_59 {strides = array<i32>} : memref<128x128xf32, #tpu.memory_space<vmem>>, vector<1x16xf32>,
        %scan3A_60 = arith.constant 0 : i32
        scf.yield %scan3A_60 : i32
      }
      %scan3A_50 = arith.constant 8 : i32
      scf.yield %scan3A_49 : i32
    }
    %scan3A_13 = arith.constant 128 : i32
    %mul3A_14 = arith.constant 640 : i32
    %mul3A_15 = arith.muli %arg1, %mul3A_14 : i32
    %scan3A_16 = arith.constant 0 : i32
    %scan3A_17 = arith.constant 0 : i32
    %scan3A_18 = arith.constant 5 : i32
    %scan3A_19 = arith.addi %scan3A_17, %scan3A_18 : i32
    %scan3A_20 = arith.constant 1 : i32
    %scan3A_21 = scf.for %scan3A_42 = %scan3A_17 to %scan3A_19 step %scan3A_20 iter_args(%scan3A_43 = %scan3A_16) -> (i32)  : i32 {
      %mul3A_44 = arith.constant 128 : i32
      %mul3A_45 = arith.muli %scan3A_42, %mul3A_44 : i32
      %add3A_46 = arith.addi %mul3A_15, %mul3A_45 : i32
      "tpu.region"() ({
        %run_scoped3A = tpu.sem_alloc : memref<!tpu.dma_semaphore, #tpu.memory_space<semaphore_mem>>
        %dma_start3A = tpu.memref_slice %arg3[%add3A_46] : memref<10240xi32, #tpu.memory_space<hbm>> -> memref<128xi32, #tpu.memory_space<hbm>>
        %dma_start3A_48 = tpu.memref_slice %arg3[%add3A_46] : memref<10240xi32, #tpu.memory_space<hbm>> -> memref<128xi32, #tpu.memory_space<hbm>>
        tpu.enqueue_dma source(%dma_start3A_48 : memref<128xi32, #tpu.memory_space<hbm>>) target(%arg7 : memref<128xi32, #tpu.memory_space<vmem>>) target_semaphore(%run_scoped3A : memref<!tpu.dma_semaphore, #tpu.memory_space<semaphore_mem>>)
        %dma_wait3A = tpu.memref_slice %arg3[%add3A_46] : memref<10240xi32, #tpu.memory_space<hbm>> -> memref<128xi32, #tpu.memory_space<hbm>>
        %dma_wait3A_49 = tpu.memref_slice %arg3[%add3A_46] : memref<10240xi32, #tpu.memory_space<hbm>> -> memref<128xi32, #tpu.memory_space<hbm>>
        tpu.wait_dma2 semaphore(%run_scoped3A : memref<!tpu.dma_semaphore, #tpu.memory_space<semaphore_mem>>) src(%dma_wait3A_49 : memref<128xi32, #tpu.memory_space<hbm>>) dst(%arg7 : memref<128xi32, #tpu.memory_space<vmem>>)
        tpu.yield
      }) : () -> ()
      "tpu.region"() ({
        %run_scoped3A = tpu.sem_alloc : memref<!tpu.dma_semaphore, #tpu.memory_space<semaphore_mem>>
        %dma_start3A = arith.constant 0 : i32
        %dma_start3A_48 = arith.constant 0 : i32
        %dma_start3A_49 = tpu.memref_slice %arg10[%dma_start3A, %dma_start3A_48] : memref<10240x128xf32, #tpu.memory_space<vmem_shared>> -> memref<10240x128xf32, #tpu.memory_space<vmem_shared>>
        tpu.enqueue_indirect_dma source(%arg9 : memref<128x128xf32, #tpu.memory_space<vmem>>) target(%dma_start3A_49 : memref<10240x128xf32, #tpu.memory_space<vmem_shared>>) offsets(%arg7 : memref<128xi32, #tpu.memory_space<vmem>>) semaphore(%run_scoped3A : memref<!tpu.dma_semaphore, #tpu.memory_space<semaphore_mem>>)
        %dma_wait3A = arith.constant 0 : i32
        %dma_wait3A_50 = arith.constant 0 : i32
        %dma_wait3A_51 = tpu.memref_slice %arg10[%dma_wait3A, %dma_wait3A_50] : memref<10240x128xf32, #tpu.memory_space<vmem_shared>> -> memref<10240x128xf32, #tpu.memory_space<vmem_shared>>
        tpu.wait_indirect_dma semaphore(%run_scoped3A : memref<!tpu.dma_semaphore, #tpu.memory_space<semaphore_mem>>) src(%arg9 : memref<128x128xf32, #tpu.memory_space<vmem>>) dst(%dma_wait3A_51 : memref<10240x128xf32, #tpu.memory_space<vmem_shared>>)
        tpu.yield
      }) : () -> ()
      %scan3A_47 = arith.constant 0 : i32
      scf.yield %scan3A_47 : i32
    }
    %scan3A_22 = arith.constant 5 : i32
    %barrier3A = arith.constant 0 : index
    tpu.barrier barrier_id(%barrier3A)
    %scan3A_23 = arith.constant 0 : i32
    %scan3A_24 = arith.constant 0 : i32
    %scan3A_25 = arith.constant 39 : i32
    %scan3A_26 = arith.addi %scan3A_24, %scan3A_25 : i32
    %scan3A_27 = arith.constant 1 : i32
    %scan3A_28 = scf.for %scan3A_42 = %scan3A_24 to %scan3A_26 step %scan3A_27 iter_args(%scan3A_43 = %scan3A_23) -> (i32)  : i32 {
      %mul3A_44 = arith.constant 32 : i32
      %mul3A_45 = arith.muli %scan3A_42, %mul3A_44 : i32
      %add3A_46 = arith.addi %add3A, %mul3A_45 : i32
      %mul3A_47 = arith.constant 128 : i32
      %mul3A_48 = arith.muli %add3A_46, %mul3A_47 : i32
      "tpu.region"() ({
        %run_scoped3A = tpu.sem_alloc : memref<!tpu.dma_semaphore, #tpu.memory_space<semaphore_mem>>
        %dma_start3A = tpu.memref_slice %arg2[%mul3A_48] : memref<160000xi32, #tpu.memory_space<hbm>> -> memref<128xi32, #tpu.memory_space<hbm>>
        %dma_start3A_50 = tpu.memref_slice %arg2[%mul3A_48] : memref<160000xi32, #tpu.memory_space<hbm>> -> memref<128xi32, #tpu.memory_space<hbm>>
        tpu.enqueue_dma source(%dma_start3A_50 : memref<128xi32, #tpu.memory_space<hbm>>) target(%arg6 : memref<128xi32, #tpu.memory_space<vmem>>) target_semaphore(%run_scoped3A : memref<!tpu.dma_semaphore, #tpu.memory_space<semaphore_mem>>)
        %dma_wait3A = tpu.memref_slice %arg2[%mul3A_48] : memref<160000xi32, #tpu.memory_space<hbm>> -> memref<128xi32, #tpu.memory_space<hbm>>
        %dma_wait3A_51 = tpu.memref_slice %arg2[%mul3A_48] : memref<160000xi32, #tpu.memory_space<hbm>> -> memref<128xi32, #tpu.memory_space<hbm>>
        tpu.wait_dma2 semaphore(%run_scoped3A : memref<!tpu.dma_semaphore, #tpu.memory_space<semaphore_mem>>) src(%dma_wait3A_51 : memref<128xi32, #tpu.memory_space<hbm>>) dst(%arg6 : memref<128xi32, #tpu.memory_space<vmem>>)
        tpu.yield
      }) : () -> ()
      "tpu.region"() ({
        %run_scoped3A = tpu.sem_alloc : memref<!tpu.dma_semaphore, #tpu.memory_space<semaphore_mem>>
        %dma_start3A = arith.constant 0 : i32
        %dma_start3A_50 = arith.constant 0 : i32
        %dma_start3A_51 = tpu.memref_slice %arg10[%dma_start3A, %dma_start3A_50] : memref<10240x128xf32, #tpu.memory_space<vmem_shared>> -> memref<10240x128xf32, #tpu.memory_space<vmem_shared>>
        tpu.enqueue_indirect_dma source(%arg8 : memref<128x128xf32, #tpu.memory_space<vmem>>) target(%dma_start3A_51 : memref<10240x128xf32, #tpu.memory_space<vmem_shared>>) offsets(%arg6 : memref<128xi32, #tpu.memory_space<vmem>>) semaphore(%run_scoped3A : memref<!tpu.dma_semaphore, #tpu.memory_space<semaphore_mem>>) {add = true}
        %dma_wait3A = arith.constant 0 : i32
        %dma_wait3A_52 = arith.constant 0 : i32
        %dma_wait3A_53 = tpu.memref_slice %arg10[%dma_wait3A, %dma_wait3A_52] : memref<10240x128xf32, #tpu.memory_space<vmem_shared>> -> memref<10240x128xf32, #tpu.memory_space<vmem_shared>>
        tpu.wait_indirect_dma semaphore(%run_scoped3A : memref<!tpu.dma_semaphore, #tpu.memory_space<semaphore_mem>>) src(%arg8 : memref<128x128xf32, #tpu.memory_space<vmem>>) dst(%dma_wait3A_53 : memref<10240x128xf32, #tpu.memory_space<vmem_shared>>)
        tpu.yield
      }) : () -> ()
      %scan3A_49 = arith.constant 0 : i32
      scf.yield %scan3A_49 : i32
    }
    %scan3A_29 = arith.constant 39 : i32
    %lt3A = arith.constant 2 : i32
    %lt3A_30 = arith.cmpi slt, %add3A, %lt3A : i32
    %convert_element_type3A = arith.extui %lt3A_30 : i1 to i32
    %cond3A = arith.constant 0 : i32
    %cond3A_31 = arith.cmpi ne, %convert_element_type3A, %cond3A : i32
    scf.if %cond3A_31 {
      %add3A_42 = arith.constant 1248 : i32
      %add3A_43 = arith.addi %add3A, %add3A_42 : i32
      %mul3A_44 = arith.constant 128 : i32
      %mul3A_45 = arith.muli %add3A_43, %mul3A_44 : i32
      "tpu.region"() ({
        %run_scoped3A = tpu.sem_alloc : memref<!tpu.dma_semaphore, #tpu.memory_space<semaphore_mem>>
        %dma_start3A = tpu.memref_slice %arg2[%mul3A_45] : memref<160000xi32, #tpu.memory_space<hbm>> -> memref<128xi32, #tpu.memory_space<hbm>>
        %dma_start3A_46 = tpu.memref_slice %arg2[%mul3A_45] : memref<160000xi32, #tpu.memory_space<hbm>> -> memref<128xi32, #tpu.memory_space<hbm>>
        tpu.enqueue_dma source(%dma_start3A_46 : memref<128xi32, #tpu.memory_space<hbm>>) target(%arg6 : memref<128xi32, #tpu.memory_space<vmem>>) target_semaphore(%run_scoped3A : memref<!tpu.dma_semaphore, #tpu.memory_space<semaphore_mem>>)
        %dma_wait3A = tpu.memref_slice %arg2[%mul3A_45] : memref<160000xi32, #tpu.memory_space<hbm>> -> memref<128xi32, #tpu.memory_space<hbm>>
        %dma_wait3A_47 = tpu.memref_slice %arg2[%mul3A_45] : memref<160000xi32, #tpu.memory_space<hbm>> -> memref<128xi32, #tpu.memory_space<hbm>>
        tpu.wait_dma2 semaphore(%run_scoped3A : memref<!tpu.dma_semaphore, #tpu.memory_space<semaphore_mem>>) src(%dma_wait3A_47 : memref<128xi32, #tpu.memory_space<hbm>>) dst(%arg6 : memref<128xi32, #tpu.memory_space<vmem>>)
        tpu.yield
      }) : () -> ()
      "tpu.region"() ({
        %run_scoped3A = tpu.sem_alloc : memref<!tpu.dma_semaphore, #tpu.memory_space<semaphore_mem>>
        %dma_start3A = arith.constant 0 : i32
        %dma_start3A_46 = arith.constant 0 : i32
        %dma_start3A_47 = tpu.memref_slice %arg10[%dma_start3A, %dma_start3A_46] : memref<10240x128xf32, #tpu.memory_space<vmem_shared>> -> memref<10240x128xf32, #tpu.memory_space<vmem_shared>>
        tpu.enqueue_indirect_dma source(%arg8 : memref<128x128xf32, #tpu.memory_space<vmem>>) target(%dma_start3A_47 : memref<10240x128xf32, #tpu.memory_space<vmem_shared>>) offsets(%arg6 : memref<128xi32, #tpu.memory_space<vmem>>) semaphore(%run_scoped3A : memref<!tpu.dma_semaphore, #tpu.memory_space<semaphore_mem>>) {add = true}
        %dma_wait3A = arith.constant 0 : i32
        %dma_wait3A_48 = arith.constant 0 : i32
        %dma_wait3A_49 = tpu.memref_slice %arg10[%dma_wait3A, %dma_wait3A_48] : memref<10240x128xf32, #tpu.memory_space<vmem_shared>> -> memref<10240x128xf32, #tpu.memory_space<vmem_shared>>
        tpu.wait_indirect_dma semaphore(%run_scoped3A : memref<!tpu.dma_semaphore, #tpu.memory_space<semaphore_mem>>) src(%arg8 : memref<128x128xf32, #tpu.memory_space<vmem>>) dst(%dma_wait3A_49 : memref<10240x128xf32, #tpu.memory_space<vmem_shared>>)
        tpu.yield
      }) : () -> ()
    } else {
    }
    %barrier3A_32 = arith.constant 0 : index
    tpu.barrier barrier_id(%barrier3A_32)
    %eq3A = arith.constant 0 : i32
    %eq3A_33 = arith.cmpi eq, %arg0, %eq3A : i32
    %convert_element_type3A_34 = arith.extui %eq3A_33 : i1 to i32
    %cond3A_35 = arith.constant 0 : i32
    %cond3A_36 = arith.cmpi ne, %convert_element_type3A_34, %cond3A_35 : i32
    scf.if %cond3A_36 {
      %scan3A_42 = arith.constant 0 : i32
      %scan3A_43 = arith.constant 0 : i32
      %scan3A_44 = arith.constant 5 : i32
      %scan3A_45 = arith.addi %scan3A_43, %scan3A_44 : i32
      %scan3A_46 = arith.constant 1 : i32
      %scan3A_47 = scf.for %scan3A_49 = %scan3A_43 to %scan3A_45 step %scan3A_46 iter_args(%scan3A_50 = %scan3A_42) -> (i32)  : i32 {
        %mul3A_51 = arith.constant 128 : i32
        %mul3A_52 = arith.muli %scan3A_49, %mul3A_51 : i32
        %add3A_53 = arith.addi %mul3A_15, %mul3A_52 : i32
        "tpu.region"() ({
          %run_scoped3A = tpu.sem_alloc : memref<!tpu.dma_semaphore, #tpu.memory_space<semaphore_mem>>
          %dma_start3A_62 = tpu.memref_slice %arg3[%add3A_53] : memref<10240xi32, #tpu.memory_space<hbm>> -> memref<128xi32, #tpu.memory_space<hbm>>
          %dma_start3A_63 = tpu.memref_slice %arg3[%add3A_53] : memref<10240xi32, #tpu.memory_space<hbm>> -> memref<128xi32, #tpu.memory_space<hbm>>
          tpu.enqueue_dma source(%dma_start3A_63 : memref<128xi32, #tpu.memory_space<hbm>>) target(%arg7 : memref<128xi32, #tpu.memory_space<vmem>>) target_semaphore(%run_scoped3A : memref<!tpu.dma_semaphore, #tpu.memory_space<semaphore_mem>>)
          %dma_wait3A_64 = tpu.memref_slice %arg3[%add3A_53] : memref<10240xi32, #tpu.memory_space<hbm>> -> memref<128xi32, #tpu.memory_space<hbm>>
          %dma_wait3A_65 = tpu.memref_slice %arg3[%add3A_53] : memref<10240xi32, #tpu.memory_space<hbm>> -> memref<128xi32, #tpu.memory_space<hbm>>
          tpu.wait_dma2 semaphore(%run_scoped3A : memref<!tpu.dma_semaphore, #tpu.memory_space<semaphore_mem>>) src(%dma_wait3A_65 : memref<128xi32, #tpu.memory_space<hbm>>) dst(%arg7 : memref<128xi32, #tpu.memory_space<vmem>>)
          tpu.yield
        }) : () -> ()
        %dma_start3A = arith.constant 0 : i32
        %dma_start3A_54 = arith.constant 0 : i32
        %dma_start3A_55 = tpu.memref_slice %arg10[%dma_start3A, %dma_start3A_54] : memref<10240x128xf32, #tpu.memory_space<vmem_shared>> -> memref<10240x128xf32, #tpu.memory_space<vmem_shared>>
        tpu.enqueue_indirect_dma source(%dma_start3A_55 : memref<10240x128xf32, #tpu.memory_space<vmem_shared>>) target(%arg9 : memref<128x128xf32, #tpu.memory_space<vmem>>) offsets(%arg7 : memref<128xi32, #tpu.memory_space<vmem>>) semaphore(%arg11 : memref<!tpu.dma_semaphore, #tpu.memory_space<semaphore_mem>>)
        %dma_wait3A = arith.constant 0 : i32
        %dma_wait3A_56 = arith.constant 0 : i32
        %dma_wait3A_57 = tpu.memref_slice %arg10[%dma_wait3A, %dma_wait3A_56] : memref<10240x128xf32, #tpu.memory_space<vmem_shared>> -> memref<10240x128xf32, #tpu.memory_space<vmem_shared>>
        tpu.wait_indirect_dma semaphore(%arg11 : memref<!tpu.dma_semaphore, #tpu.memory_space<semaphore_mem>>) src(%dma_wait3A_57 : memref<10240x128xf32, #tpu.memory_space<vmem_shared>>) dst(%arg9 : memref<128x128xf32, #tpu.memory_space<vmem>>)
        %mul3A_58 = arith.constant 128 : i32
        %mul3A_59 = arith.muli %scan3A_49, %mul3A_58 : i32
        %add3A_60 = arith.addi %mul3A_15, %mul3A_59 : i32
        "tpu.region"() ({
          %run_scoped3A = tpu.sem_alloc : memref<!tpu.dma_semaphore, #tpu.memory_space<semaphore_mem>>
          %dma_start3A_62 = arith.constant 0 : i32
          %dma_start3A_63 = tpu.memref_slice %arg4[%add3A_60, %dma_start3A_62] : memref<10240x128xf32, #tpu.memory_space<hbm>> -> memref<128x128xf32, #tpu.memory_space<hbm>>
          %dma_start3A_64 = arith.constant 0 : i32
          %dma_start3A_65 = tpu.memref_slice %arg4[%add3A_60, %dma_start3A_64] : memref<10240x128xf32, #tpu.memory_space<hbm>> -> memref<128x128xf32, #tpu.memory_space<hbm>>
          tpu.enqueue_dma source(%arg9 : memref<128x128xf32, #tpu.memory_space<vmem>>) target(%dma_start3A_65 : memref<128x128xf32, #tpu.memory_space<hbm>>) target_semaphore(%run_scoped3A : memref<!tpu.dma_semaphore, #tpu.memory_space<semaphore_mem>>)
          %dma_wait3A_66 = arith.constant 0 : i32
          %dma_wait3A_67 = tpu.memref_slice %arg4[%add3A_60, %dma_wait3A_66] : memref<10240x128xf32, #tpu.memory_space<hbm>> -> memref<128x128xf32, #tpu.memory_space<hbm>>
          %dma_wait3A_68 = arith.constant 0 : i32
          %dma_wait3A_69 = tpu.memref_slice %arg4[%add3A_60, %dma_wait3A_68] : memref<10240x128xf32, #tpu.memory_space<hbm>> -> memref<128x128xf32, #tpu.memory_space<hbm>>
          tpu.wait_dma2 semaphore(%run_scoped3A : memref<!tpu.dma_semaphore, #tpu.memory_space<semaphore_mem>>) src(%arg9 : memref<128x128xf32, #tpu.memory_space<vmem>>) dst(%dma_wait3A_69 : memref<128x128xf32, #tpu.memory_space<hbm>>)
          tpu.yield
        }) : () -> ()
        %scan3A_61 = arith.constant 0 : i32
        scf.yield %scan3A_61 : i32
      }
      %scan3A_48 = arith.constant 5 : i32
    } else {
    }
    %eq3A_37 = arith.constant 1 : i32
    %eq3A_38 = arith.cmpi eq, %arg0, %eq3A_37 : i32
    %convert_element_type3A_39 = arith.extui %eq3A_38 : i1 to i32
    %cond3A_40 = arith.constant 0 : i32
    %cond3A_41 = arith.cmpi ne, %convert_element_type3A_39, %cond3A_40 : i32
    scf.if %cond3A_41 {
      %scan3A_42 = arith.constant 0 : i32
      %scan3A_43 = arith.constant 0 : i32
      %scan3A_44 = arith.constant 5 : i32
      %scan3A_45 = arith.addi %scan3A_43, %scan3A_44 : i32
      %scan3A_46 = arith.constant 1 : i32
      %scan3A_47 = scf.for %scan3A_49 = %scan3A_43 to %scan3A_45 step %scan3A_46 iter_args(%scan3A_50 = %scan3A_42) -> (i32)  : i32 {
        %mul3A_51 = arith.constant 128 : i32
        %mul3A_52 = arith.muli %scan3A_49, %mul3A_51 : i32
        %add3A_53 = arith.addi %mul3A_15, %mul3A_52 : i32
        "tpu.region"() ({
          %run_scoped3A = tpu.sem_alloc : memref<!tpu.dma_semaphore, #tpu.memory_space<semaphore_mem>>
          %dma_start3A_62 = tpu.memref_slice %arg3[%add3A_53] : memref<10240xi32, #tpu.memory_space<hbm>> -> memref<128xi32, #tpu.memory_space<hbm>>
          %dma_start3A_63 = tpu.memref_slice %arg3[%add3A_53] : memref<10240xi32, #tpu.memory_space<hbm>> -> memref<128xi32, #tpu.memory_space<hbm>>
          tpu.enqueue_dma source(%dma_start3A_63 : memref<128xi32, #tpu.memory_space<hbm>>) target(%arg7 : memref<128xi32, #tpu.memory_space<vmem>>) target_semaphore(%run_scoped3A : memref<!tpu.dma_semaphore, #tpu.memory_space<semaphore_mem>>)
          %dma_wait3A_64 = tpu.memref_slice %arg3[%add3A_53] : memref<10240xi32, #tpu.memory_space<hbm>> -> memref<128xi32, #tpu.memory_space<hbm>>
          %dma_wait3A_65 = tpu.memref_slice %arg3[%add3A_53] : memref<10240xi32, #tpu.memory_space<hbm>> -> memref<128xi32, #tpu.memory_space<hbm>>
          tpu.wait_dma2 semaphore(%run_scoped3A : memref<!tpu.dma_semaphore, #tpu.memory_space<semaphore_mem>>) src(%dma_wait3A_65 : memref<128xi32, #tpu.memory_space<hbm>>) dst(%arg7 : memref<128xi32, #tpu.memory_space<vmem>>)
          tpu.yield
        }) : () -> ()
        %dma_start3A = arith.constant 0 : i32
        %dma_start3A_54 = arith.constant 0 : i32
        %dma_start3A_55 = tpu.memref_slice %arg10[%dma_start3A, %dma_start3A_54] : memref<10240x128xf32, #tpu.memory_space<vmem_shared>> -> memref<10240x128xf32, #tpu.memory_space<vmem_shared>>
        tpu.enqueue_indirect_dma source(%dma_start3A_55 : memref<10240x128xf32, #tpu.memory_space<vmem_shared>>) target(%arg9 : memref<128x128xf32, #tpu.memory_space<vmem>>) offsets(%arg7 : memref<128xi32, #tpu.memory_space<vmem>>) semaphore(%arg11 : memref<!tpu.dma_semaphore, #tpu.memory_space<semaphore_mem>>)
        %dma_wait3A = arith.constant 0 : i32
        %dma_wait3A_56 = arith.constant 0 : i32
        %dma_wait3A_57 = tpu.memref_slice %arg10[%dma_wait3A, %dma_wait3A_56] : memref<10240x128xf32, #tpu.memory_space<vmem_shared>> -> memref<10240x128xf32, #tpu.memory_space<vmem_shared>>
        tpu.wait_indirect_dma semaphore(%arg11 : memref<!tpu.dma_semaphore, #tpu.memory_space<semaphore_mem>>) src(%dma_wait3A_57 : memref<10240x128xf32, #tpu.memory_space<vmem_shared>>) dst(%arg9 : memref<128x128xf32, #tpu.memory_space<vmem>>)
        %mul3A_58 = arith.constant 128 : i32
        %mul3A_59 = arith.muli %scan3A_49, %mul3A_58 : i32
        %add3A_60 = arith.addi %mul3A_15, %mul3A_59 : i32
        "tpu.region"() ({
          %run_scoped3A = tpu.sem_alloc : memref<!tpu.dma_semaphore, #tpu.memory_space<semaphore_mem>>
          %dma_start3A_62 = arith.constant 0 : i32
          %dma_start3A_63 = tpu.memref_slice %arg5[%add3A_60, %dma_start3A_62] : memref<10240x128xf32, #tpu.memory_space<hbm>> -> memref<128x128xf32, #tpu.memory_space<hbm>>
          %dma_start3A_64 = arith.constant 0 : i32
          %dma_start3A_65 = tpu.memref_slice %arg5[%add3A_60, %dma_start3A_64] : memref<10240x128xf32, #tpu.memory_space<hbm>> -> memref<128x128xf32, #tpu.memory_space<hbm>>
          tpu.enqueue_dma source(%arg9 : memref<128x128xf32, #tpu.memory_space<vmem>>) target(%dma_start3A_65 : memref<128x128xf32, #tpu.memory_space<hbm>>) target_semaphore(%run_scoped3A : memref<!tpu.dma_semaphore, #tpu.memory_space<semaphore_mem>>)
          %dma_wait3A_66 = arith.constant 0 : i32
          %dma_wait3A_67 = tpu.memref_slice %arg5[%add3A_60, %dma_wait3A_66] : memref<10240x128xf32, #tpu.memory_space<hbm>> -> memref<128x128xf32, #tpu.memory_space<hbm>>
          %dma_wait3A_68 = arith.constant 0 : i32
          %dma_wait3A_69 = tpu.memref_slice %arg5[%add3A_60, %dma_wait3A_68] : memref<10240x128xf32, #tpu.memory_space<hbm>> -> memref<128x128xf32, #tpu.memory_space<hbm>>
          tpu.wait_dma2 semaphore(%run_scoped3A : memref<!tpu.dma_semaphore, #tpu.memory_space<semaphore_mem>>) src(%arg9 : memref<128x128xf32, #tpu.memory_space<vmem>>) dst(%dma_wait3A_69 : memref<128x128xf32, #tpu.memory_space<hbm>>)
          tpu.yield
        }) : () -> ()
        %scan3A_61 = arith.constant 0 : i32
        scf.yield %scan3A_61 : i32
      }
      %scan3A_48 = arith.constant 5 : i32
    } else {
    }
    return
  }
}

#map = affine_map<(d0, d1) -> (0, 0)>
#map1 = affine_map<(d0, d1) -> (0)>
module attributes {stable_mosaic.version = 14 : i64} {
  func.func @_scatter_body(%arg0: i32, %arg1: i32, %arg2: memref<10000x128xf32, #tpu.memory_space<hbm>>, %arg3: memref<10000x128xf32, #tpu.memory_space<hbm>>, %arg4: memref<160000xi32, #tpu.memory_space<hbm>>, %arg5: memref<160000xi32, #tpu.memory_space<hbm>>, %arg6: memref<10240xi32, #tpu.memory_space<hbm>>, %arg7: memref<10240x128xf32, #tpu.memory_space<hbm>>, %arg8: memref<10240x128xf32, #tpu.memory_space<hbm>>, %arg9: memref<128xi32, #tpu.memory_space<vmem>>, %arg10: memref<128xi32, #tpu.memory_space<vmem>>, %arg11: memref<128xi32, #tpu.memory_space<vmem>>, %arg12: memref<128xi32, #tpu.memory_space<vmem>>, %arg13: memref<128xi32, #tpu.memory_space<vmem>>, %arg14: memref<128x128xf32, #tpu.memory_space<vmem>>, %arg15: memref<128x128xf32, #tpu.memory_space<vmem>>, %arg16: memref<10240x128xf32, #tpu.memory_space<vmem_shared>>, %arg17: memref<!tpu.dma_semaphore, #tpu.memory_space<semaphore_mem>>, %arg18: memref<!tpu.dma_semaphore, #tpu.memory_space<semaphore_mem>>) attributes {dimension_semantics = [#tpu.dimension_semantics<core_parallel>, #tpu.dimension_semantics<subcore_parallel>], iteration_bounds = array<i64: 2, 16>, scalar_prefetch = 0 : i64, scratch_operands = 10 : i64, tpu.core_type = #tpu.core_type<sc_vector_subcore>, window_params = [{transform_indices = #map}, {transform_indices = #map}, {transform_indices = #map1}, {transform_indices = #map1}, {transform_indices = #map1}, {transform_indices = #map}, {transform_indices = #map}]} {
    %scan3A = arith.constant 0 : i32
    %scan3A_0 = arith.constant 0 : i32
    %scan3A_1 = arith.constant 128 : i32
    %scan3A_2 = arith.addi %scan3A_0, %scan3A_1 : i32
    %scan3A_3 = arith.constant 1 : i32
    %scan3A_4 = scf.for %scan3A_32 = %scan3A_0 to %scan3A_2 step %scan3A_3 iter_args(%scan3A_33 = %scan3A) -> (i32)  : i32 {
      %scan3A_34 = arith.constant 0 : i32
      %scan3A_35 = arith.constant 0 : i32
      %scan3A_36 = arith.constant 8 : i32
      %scan3A_37 = arith.addi %scan3A_35, %scan3A_36 : i32
      %scan3A_38 = arith.constant 1 : i32
      %scan3A_39 = scf.for %scan3A_41 = %scan3A_35 to %scan3A_37 step %scan3A_38 iter_args(%scan3A_42 = %scan3A_34) -> (i32)  : i32 {
        %broadcast_in_dim3A = arith.constant 0.000000e+00 : f32
        %broadcast_in_dim3A_43 = vector.broadcast %broadcast_in_dim3A : f32 to vector<16xf32>
        %mul3A_44 = arith.constant 16 : i32
        %mul3A_45 = arith.muli %scan3A_41, %mul3A_44 : i32
        %swap3A = arith.index_cast %scan3A_32 : i32 to index
        %swap3A_46 = arith.index_cast %mul3A_45 : i32 to index
        %swap3A_47 = tpu.vector_load %arg14[%swap3A, %swap3A_46] {strides = array<i32>} : memref<128x128xf32, #tpu.memory_space<vmem>>, vector<1x16xf32>,
        %swap3A_48 = vector.shape_cast %swap3A_47 : vector<1x16xf32> to vector<16xf32>
        %swap3A_49 = vector.shape_cast %broadcast_in_dim3A_43 : vector<16xf32> to vector<1x16xf32>
        tpu.vector_store %arg14[%swap3A, %swap3A_46], %swap3A_49 {strides = array<i32>} : memref<128x128xf32, #tpu.memory_space<vmem>>, vector<1x16xf32>,
        %scan3A_50 = arith.constant 0 : i32
        scf.yield %scan3A_50 : i32
      }
      %scan3A_40 = arith.constant 8 : i32
      scf.yield %scan3A_39 : i32
    }
    %scan3A_5 = arith.constant 128 : i32
    %mul3A = arith.constant 640 : i32
    %mul3A_6 = arith.muli %arg1, %mul3A : i32
    %scan3A_7 = arith.constant 0 : i32
    %scan3A_8 = arith.constant 0 : i32
    %scan3A_9 = arith.constant 5 : i32
    %scan3A_10 = arith.addi %scan3A_8, %scan3A_9 : i32
    %scan3A_11 = arith.constant 1 : i32
    %scan3A_12 = scf.for %scan3A_32 = %scan3A_8 to %scan3A_10 step %scan3A_11 iter_args(%scan3A_33 = %scan3A_7) -> (i32)  : i32 {
      %mul3A_34 = arith.constant 128 : i32
      %mul3A_35 = arith.muli %scan3A_32, %mul3A_34 : i32
      %add3A = arith.addi %mul3A_6, %mul3A_35 : i32
      "tpu.region"() ({
        %run_scoped3A = tpu.sem_alloc : memref<!tpu.dma_semaphore, #tpu.memory_space<semaphore_mem>>
        %dma_start3A = tpu.memref_slice %arg6[%add3A] : memref<10240xi32, #tpu.memory_space<hbm>> -> memref<128xi32, #tpu.memory_space<hbm>>
        %dma_start3A_37 = tpu.memref_slice %arg6[%add3A] : memref<10240xi32, #tpu.memory_space<hbm>> -> memref<128xi32, #tpu.memory_space<hbm>>
        tpu.enqueue_dma source(%dma_start3A_37 : memref<128xi32, #tpu.memory_space<hbm>>) target(%arg13 : memref<128xi32, #tpu.memory_space<vmem>>) target_semaphore(%run_scoped3A : memref<!tpu.dma_semaphore, #tpu.memory_space<semaphore_mem>>)
        %dma_wait3A = tpu.memref_slice %arg6[%add3A] : memref<10240xi32, #tpu.memory_space<hbm>> -> memref<128xi32, #tpu.memory_space<hbm>>
        %dma_wait3A_38 = tpu.memref_slice %arg6[%add3A] : memref<10240xi32, #tpu.memory_space<hbm>> -> memref<128xi32, #tpu.memory_space<hbm>>
        tpu.wait_dma2 semaphore(%run_scoped3A : memref<!tpu.dma_semaphore, #tpu.memory_space<semaphore_mem>>) src(%dma_wait3A_38 : memref<128xi32, #tpu.memory_space<hbm>>) dst(%arg13 : memref<128xi32, #tpu.memory_space<vmem>>)
        tpu.yield
      }) : () -> ()
      "tpu.region"() ({
        %run_scoped3A = tpu.sem_alloc : memref<!tpu.dma_semaphore, #tpu.memory_space<semaphore_mem>>
        %dma_start3A = arith.constant 0 : i32
        %dma_start3A_37 = arith.constant 0 : i32
        %dma_start3A_38 = tpu.memref_slice %arg16[%dma_start3A, %dma_start3A_37] : memref<10240x128xf32, #tpu.memory_space<vmem_shared>> -> memref<10240x128xf32, #tpu.memory_space<vmem_shared>>
        tpu.enqueue_indirect_dma source(%arg14 : memref<128x128xf32, #tpu.memory_space<vmem>>) target(%dma_start3A_38 : memref<10240x128xf32, #tpu.memory_space<vmem_shared>>) offsets(%arg13 : memref<128xi32, #tpu.memory_space<vmem>>) semaphore(%run_scoped3A : memref<!tpu.dma_semaphore, #tpu.memory_space<semaphore_mem>>)
        %dma_wait3A = arith.constant 0 : i32
        %dma_wait3A_39 = arith.constant 0 : i32
        %dma_wait3A_40 = tpu.memref_slice %arg16[%dma_wait3A, %dma_wait3A_39] : memref<10240x128xf32, #tpu.memory_space<vmem_shared>> -> memref<10240x128xf32, #tpu.memory_space<vmem_shared>>
        tpu.wait_indirect_dma semaphore(%run_scoped3A : memref<!tpu.dma_semaphore, #tpu.memory_space<semaphore_mem>>) src(%arg14 : memref<128x128xf32, #tpu.memory_space<vmem>>) dst(%dma_wait3A_40 : memref<10240x128xf32, #tpu.memory_space<vmem_shared>>)
        tpu.yield
      }) : () -> ()
      %scan3A_36 = arith.constant 0 : i32
      scf.yield %scan3A_36 : i32
    }
    %scan3A_13 = arith.constant 5 : i32
    %barrier3A = arith.constant 0 : index
    tpu.barrier barrier_id(%barrier3A)
    %eq3A = arith.constant 0 : i32
    %eq3A_14 = arith.cmpi eq, %arg0, %eq3A : i32
    %convert_element_type3A = arith.extui %eq3A_14 : i1 to i32
    %cond3A = arith.constant 0 : i32
    %cond3A_15 = arith.cmpi ne, %convert_element_type3A, %cond3A : i32
    scf.if %cond3A_15 {
      %scan3A_32 = arith.constant 0 : i32
      %scan3A_33 = arith.constant 0 : i32
      %scan3A_34 = arith.constant 39 : i32
      %scan3A_35 = arith.addi %scan3A_33, %scan3A_34 : i32
      %scan3A_36 = arith.constant 1 : i32
      %scan3A_37 = scf.for %scan3A_43 = %scan3A_33 to %scan3A_35 step %scan3A_36 iter_args(%scan3A_44 = %scan3A_32) -> (i32)  : i32 {
        %mul3A_45 = arith.constant 2 : i32
        %mul3A_46 = arith.muli %mul3A_45, %scan3A_43 : i32
        %mul3A_47 = arith.constant 16 : i32
        %mul3A_48 = arith.muli %mul3A_46, %mul3A_47 : i32
        %add3A = arith.addi %arg1, %mul3A_48 : i32
        %mul3A_49 = arith.constant 2 : i32
        %mul3A_50 = arith.muli %mul3A_49, %scan3A_43 : i32
        %add3A_51 = arith.constant 1 : i32
        %add3A_52 = arith.addi %mul3A_50, %add3A_51 : i32
        %mul3A_53 = arith.constant 16 : i32
        %mul3A_54 = arith.muli %add3A_52, %mul3A_53 : i32
        %add3A_55 = arith.addi %arg1, %mul3A_54 : i32
        %mul3A_56 = arith.constant 128 : i32
        %mul3A_57 = arith.muli %add3A, %mul3A_56 : i32
        "tpu.region"() ({
          %run_scoped3A = tpu.sem_alloc : memref<!tpu.dma_semaphore, #tpu.memory_space<semaphore_mem>>
          %dma_start3A_75 = tpu.memref_slice %arg4[%mul3A_57] : memref<160000xi32, #tpu.memory_space<hbm>> -> memref<128xi32, #tpu.memory_space<hbm>>
          %dma_start3A_76 = tpu.memref_slice %arg4[%mul3A_57] : memref<160000xi32, #tpu.memory_space<hbm>> -> memref<128xi32, #tpu.memory_space<hbm>>
          tpu.enqueue_dma source(%dma_start3A_76 : memref<128xi32, #tpu.memory_space<hbm>>) target(%arg9 : memref<128xi32, #tpu.memory_space<vmem>>) target_semaphore(%run_scoped3A : memref<!tpu.dma_semaphore, #tpu.memory_space<semaphore_mem>>)
          %dma_wait3A_77 = tpu.memref_slice %arg4[%mul3A_57] : memref<160000xi32, #tpu.memory_space<hbm>> -> memref<128xi32, #tpu.memory_space<hbm>>
          %dma_wait3A_78 = tpu.memref_slice %arg4[%mul3A_57] : memref<160000xi32, #tpu.memory_space<hbm>> -> memref<128xi32, #tpu.memory_space<hbm>>
          tpu.wait_dma2 semaphore(%run_scoped3A : memref<!tpu.dma_semaphore, #tpu.memory_space<semaphore_mem>>) src(%dma_wait3A_78 : memref<128xi32, #tpu.memory_space<hbm>>) dst(%arg9 : memref<128xi32, #tpu.memory_space<vmem>>)
          tpu.yield
        }) : () -> ()
        %mul3A_58 = arith.constant 128 : i32
        %mul3A_59 = arith.muli %add3A, %mul3A_58 : i32
        "tpu.region"() ({
          %run_scoped3A = tpu.sem_alloc : memref<!tpu.dma_semaphore, #tpu.memory_space<semaphore_mem>>
          %dma_start3A_75 = tpu.memref_slice %arg5[%mul3A_59] : memref<160000xi32, #tpu.memory_space<hbm>> -> memref<128xi32, #tpu.memory_space<hbm>>
          %dma_start3A_76 = tpu.memref_slice %arg5[%mul3A_59] : memref<160000xi32, #tpu.memory_space<hbm>> -> memref<128xi32, #tpu.memory_space<hbm>>
          tpu.enqueue_dma source(%dma_start3A_76 : memref<128xi32, #tpu.memory_space<hbm>>) target(%arg10 : memref<128xi32, #tpu.memory_space<vmem>>) target_semaphore(%run_scoped3A : memref<!tpu.dma_semaphore, #tpu.memory_space<semaphore_mem>>)
          %dma_wait3A_77 = tpu.memref_slice %arg5[%mul3A_59] : memref<160000xi32, #tpu.memory_space<hbm>> -> memref<128xi32, #tpu.memory_space<hbm>>
          %dma_wait3A_78 = tpu.memref_slice %arg5[%mul3A_59] : memref<160000xi32, #tpu.memory_space<hbm>> -> memref<128xi32, #tpu.memory_space<hbm>>
          tpu.wait_dma2 semaphore(%run_scoped3A : memref<!tpu.dma_semaphore, #tpu.memory_space<semaphore_mem>>) src(%dma_wait3A_78 : memref<128xi32, #tpu.memory_space<hbm>>) dst(%arg10 : memref<128xi32, #tpu.memory_space<vmem>>)
          tpu.yield
        }) : () -> ()
        %dma_start3A = arith.constant 0 : i32
        %dma_start3A_60 = arith.constant 0 : i32
        %dma_start3A_61 = tpu.memref_slice %arg2[%dma_start3A, %dma_start3A_60] : memref<10000x128xf32, #tpu.memory_space<hbm>> -> memref<10000x128xf32, #tpu.memory_space<hbm>>
        tpu.enqueue_indirect_dma source(%dma_start3A_61 : memref<10000x128xf32, #tpu.memory_space<hbm>>) target(%arg14 : memref<128x128xf32, #tpu.memory_space<vmem>>) offsets(%arg9 : memref<128xi32, #tpu.memory_space<vmem>>) semaphore(%arg17 : memref<!tpu.dma_semaphore, #tpu.memory_space<semaphore_mem>>)
        %mul3A_62 = arith.constant 128 : i32
        %mul3A_63 = arith.muli %add3A_55, %mul3A_62 : i32
        "tpu.region"() ({
          %run_scoped3A = tpu.sem_alloc : memref<!tpu.dma_semaphore, #tpu.memory_space<semaphore_mem>>
          %dma_start3A_75 = tpu.memref_slice %arg4[%mul3A_63] : memref<160000xi32, #tpu.memory_space<hbm>> -> memref<128xi32, #tpu.memory_space<hbm>>
          %dma_start3A_76 = tpu.memref_slice %arg4[%mul3A_63] : memref<160000xi32, #tpu.memory_space<hbm>> -> memref<128xi32, #tpu.memory_space<hbm>>
          tpu.enqueue_dma source(%dma_start3A_76 : memref<128xi32, #tpu.memory_space<hbm>>) target(%arg11 : memref<128xi32, #tpu.memory_space<vmem>>) target_semaphore(%run_scoped3A : memref<!tpu.dma_semaphore, #tpu.memory_space<semaphore_mem>>)
          %dma_wait3A_77 = tpu.memref_slice %arg4[%mul3A_63] : memref<160000xi32, #tpu.memory_space<hbm>> -> memref<128xi32, #tpu.memory_space<hbm>>
          %dma_wait3A_78 = tpu.memref_slice %arg4[%mul3A_63] : memref<160000xi32, #tpu.memory_space<hbm>> -> memref<128xi32, #tpu.memory_space<hbm>>
          tpu.wait_dma2 semaphore(%run_scoped3A : memref<!tpu.dma_semaphore, #tpu.memory_space<semaphore_mem>>) src(%dma_wait3A_78 : memref<128xi32, #tpu.memory_space<hbm>>) dst(%arg11 : memref<128xi32, #tpu.memory_space<vmem>>)
          tpu.yield
        }) : () -> ()
        %mul3A_64 = arith.constant 128 : i32
        %mul3A_65 = arith.muli %add3A_55, %mul3A_64 : i32
        "tpu.region"() ({
          %run_scoped3A = tpu.sem_alloc : memref<!tpu.dma_semaphore, #tpu.memory_space<semaphore_mem>>
          %dma_start3A_75 = tpu.memref_slice %arg5[%mul3A_65] : memref<160000xi32, #tpu.memory_space<hbm>> -> memref<128xi32, #tpu.memory_space<hbm>>
          %dma_start3A_76 = tpu.memref_slice %arg5[%mul3A_65] : memref<160000xi32, #tpu.memory_space<hbm>> -> memref<128xi32, #tpu.memory_space<hbm>>
          tpu.enqueue_dma source(%dma_start3A_76 : memref<128xi32, #tpu.memory_space<hbm>>) target(%arg12 : memref<128xi32, #tpu.memory_space<vmem>>) target_semaphore(%run_scoped3A : memref<!tpu.dma_semaphore, #tpu.memory_space<semaphore_mem>>)
          %dma_wait3A_77 = tpu.memref_slice %arg5[%mul3A_65] : memref<160000xi32, #tpu.memory_space<hbm>> -> memref<128xi32, #tpu.memory_space<hbm>>
          %dma_wait3A_78 = tpu.memref_slice %arg5[%mul3A_65] : memref<160000xi32, #tpu.memory_space<hbm>> -> memref<128xi32, #tpu.memory_space<hbm>>
          tpu.wait_dma2 semaphore(%run_scoped3A : memref<!tpu.dma_semaphore, #tpu.memory_space<semaphore_mem>>) src(%dma_wait3A_78 : memref<128xi32, #tpu.memory_space<hbm>>) dst(%arg12 : memref<128xi32, #tpu.memory_space<vmem>>)
          tpu.yield
        }) : () -> ()
        %dma_start3A_66 = arith.constant 0 : i32
        %dma_start3A_67 = arith.constant 0 : i32
        %dma_start3A_68 = tpu.memref_slice %arg2[%dma_start3A_66, %dma_start3A_67] : memref<10000x128xf32, #tpu.memory_space<hbm>> -> memref<10000x128xf32, #tpu.memory_space<hbm>>
        tpu.enqueue_indirect_dma source(%dma_start3A_68 : memref<10000x128xf32, #tpu.memory_space<hbm>>) target(%arg15 : memref<128x128xf32, #tpu.memory_space<vmem>>) offsets(%arg11 : memref<128xi32, #tpu.memory_space<vmem>>) semaphore(%arg18 : memref<!tpu.dma_semaphore, #tpu.memory_space<semaphore_mem>>)
        %dma_wait3A = arith.constant 0 : i32
        %dma_wait3A_69 = arith.constant 0 : i32
        %dma_wait3A_70 = tpu.memref_slice %arg2[%dma_wait3A, %dma_wait3A_69] : memref<10000x128xf32, #tpu.memory_space<hbm>> -> memref<10000x128xf32, #tpu.memory_space<hbm>>
        tpu.wait_indirect_dma semaphore(%arg17 : memref<!tpu.dma_semaphore, #tpu.memory_space<semaphore_mem>>) src(%dma_wait3A_70 : memref<10000x128xf32, #tpu.memory_space<hbm>>) dst(%arg14 : memref<128x128xf32, #tpu.memory_space<vmem>>)
        "tpu.region"() ({
          %run_scoped3A = tpu.sem_alloc : memref<!tpu.dma_semaphore, #tpu.memory_space<semaphore_mem>>
          %dma_start3A_75 = arith.constant 0 : i32
          %dma_start3A_76 = arith.constant 0 : i32
          %dma_start3A_77 = tpu.memref_slice %arg16[%dma_start3A_75, %dma_start3A_76] : memref<10240x128xf32, #tpu.memory_space<vmem_shared>> -> memref<10240x128xf32, #tpu.memory_space<vmem_shared>>
          tpu.enqueue_indirect_dma source(%arg14 : memref<128x128xf32, #tpu.memory_space<vmem>>) target(%dma_start3A_77 : memref<10240x128xf32, #tpu.memory_space<vmem_shared>>) offsets(%arg10 : memref<128xi32, #tpu.memory_space<vmem>>) semaphore(%run_scoped3A : memref<!tpu.dma_semaphore, #tpu.memory_space<semaphore_mem>>) {add = true}
          %dma_wait3A_78 = arith.constant 0 : i32
          %dma_wait3A_79 = arith.constant 0 : i32
          %dma_wait3A_80 = tpu.memref_slice %arg16[%dma_wait3A_78, %dma_wait3A_79] : memref<10240x128xf32, #tpu.memory_space<vmem_shared>> -> memref<10240x128xf32, #tpu.memory_space<vmem_shared>>
          tpu.wait_indirect_dma semaphore(%run_scoped3A : memref<!tpu.dma_semaphore, #tpu.memory_space<semaphore_mem>>) src(%arg14 : memref<128x128xf32, #tpu.memory_space<vmem>>) dst(%dma_wait3A_80 : memref<10240x128xf32, #tpu.memory_space<vmem_shared>>)
          tpu.yield
        }) : () -> ()
        %dma_wait3A_71 = arith.constant 0 : i32
        %dma_wait3A_72 = arith.constant 0 : i32
        %dma_wait3A_73 = tpu.memref_slice %arg2[%dma_wait3A_71, %dma_wait3A_72] : memref<10000x128xf32, #tpu.memory_space<hbm>> -> memref<10000x128xf32, #tpu.memory_space<hbm>>
        tpu.wait_indirect_dma semaphore(%arg18 : memref<!tpu.dma_semaphore, #tpu.memory_space<semaphore_mem>>) src(%dma_wait3A_73 : memref<10000x128xf32, #tpu.memory_space<hbm>>) dst(%arg15 : memref<128x128xf32, #tpu.memory_space<vmem>>)
        "tpu.region"() ({
          %run_scoped3A = tpu.sem_alloc : memref<!tpu.dma_semaphore, #tpu.memory_space<semaphore_mem>>
          %dma_start3A_75 = arith.constant 0 : i32
          %dma_start3A_76 = arith.constant 0 : i32
          %dma_start3A_77 = tpu.memref_slice %arg16[%dma_start3A_75, %dma_start3A_76] : memref<10240x128xf32, #tpu.memory_space<vmem_shared>> -> memref<10240x128xf32, #tpu.memory_space<vmem_shared>>
          tpu.enqueue_indirect_dma source(%arg15 : memref<128x128xf32, #tpu.memory_space<vmem>>) target(%dma_start3A_77 : memref<10240x128xf32, #tpu.memory_space<vmem_shared>>) offsets(%arg12 : memref<128xi32, #tpu.memory_space<vmem>>) semaphore(%run_scoped3A : memref<!tpu.dma_semaphore, #tpu.memory_space<semaphore_mem>>) {add = true}
          %dma_wait3A_78 = arith.constant 0 : i32
          %dma_wait3A_79 = arith.constant 0 : i32
          %dma_wait3A_80 = tpu.memref_slice %arg16[%dma_wait3A_78, %dma_wait3A_79] : memref<10240x128xf32, #tpu.memory_space<vmem_shared>> -> memref<10240x128xf32, #tpu.memory_space<vmem_shared>>
          tpu.wait_indirect_dma semaphore(%run_scoped3A : memref<!tpu.dma_semaphore, #tpu.memory_space<semaphore_mem>>) src(%arg15 : memref<128x128xf32, #tpu.memory_space<vmem>>) dst(%dma_wait3A_80 : memref<10240x128xf32, #tpu.memory_space<vmem_shared>>)
          tpu.yield
        }) : () -> ()
        %scan3A_74 = arith.constant 0 : i32
        scf.yield %scan3A_74 : i32
      }
      %scan3A_38 = arith.constant 39 : i32
      %lt3A = arith.constant 2 : i32
      %lt3A_39 = arith.cmpi slt, %arg1, %lt3A : i32
      %convert_element_type3A_40 = arith.extui %lt3A_39 : i1 to i32
      %cond3A_41 = arith.constant 0 : i32
      %cond3A_42 = arith.cmpi ne, %convert_element_type3A_40, %cond3A_41 : i32
      scf.if %cond3A_42 {
        %add3A = arith.constant 1248 : i32
        %add3A_43 = arith.addi %arg1, %add3A : i32
        %mul3A_44 = arith.constant 128 : i32
        %mul3A_45 = arith.muli %add3A_43, %mul3A_44 : i32
        "tpu.region"() ({
          %run_scoped3A = tpu.sem_alloc : memref<!tpu.dma_semaphore, #tpu.memory_space<semaphore_mem>>
          %dma_start3A_52 = tpu.memref_slice %arg4[%mul3A_45] : memref<160000xi32, #tpu.memory_space<hbm>> -> memref<128xi32, #tpu.memory_space<hbm>>
          %dma_start3A_53 = tpu.memref_slice %arg4[%mul3A_45] : memref<160000xi32, #tpu.memory_space<hbm>> -> memref<128xi32, #tpu.memory_space<hbm>>
          tpu.enqueue_dma source(%dma_start3A_53 : memref<128xi32, #tpu.memory_space<hbm>>) target(%arg9 : memref<128xi32, #tpu.memory_space<vmem>>) target_semaphore(%run_scoped3A : memref<!tpu.dma_semaphore, #tpu.memory_space<semaphore_mem>>)
          %dma_wait3A_54 = tpu.memref_slice %arg4[%mul3A_45] : memref<160000xi32, #tpu.memory_space<hbm>> -> memref<128xi32, #tpu.memory_space<hbm>>
          %dma_wait3A_55 = tpu.memref_slice %arg4[%mul3A_45] : memref<160000xi32, #tpu.memory_space<hbm>> -> memref<128xi32, #tpu.memory_space<hbm>>
          tpu.wait_dma2 semaphore(%run_scoped3A : memref<!tpu.dma_semaphore, #tpu.memory_space<semaphore_mem>>) src(%dma_wait3A_55 : memref<128xi32, #tpu.memory_space<hbm>>) dst(%arg9 : memref<128xi32, #tpu.memory_space<vmem>>)
          tpu.yield
        }) : () -> ()
        %mul3A_46 = arith.constant 128 : i32
        %mul3A_47 = arith.muli %add3A_43, %mul3A_46 : i32
        "tpu.region"() ({
          %run_scoped3A = tpu.sem_alloc : memref<!tpu.dma_semaphore, #tpu.memory_space<semaphore_mem>>
          %dma_start3A_52 = tpu.memref_slice %arg5[%mul3A_47] : memref<160000xi32, #tpu.memory_space<hbm>> -> memref<128xi32, #tpu.memory_space<hbm>>
          %dma_start3A_53 = tpu.memref_slice %arg5[%mul3A_47] : memref<160000xi32, #tpu.memory_space<hbm>> -> memref<128xi32, #tpu.memory_space<hbm>>
          tpu.enqueue_dma source(%dma_start3A_53 : memref<128xi32, #tpu.memory_space<hbm>>) target(%arg10 : memref<128xi32, #tpu.memory_space<vmem>>) target_semaphore(%run_scoped3A : memref<!tpu.dma_semaphore, #tpu.memory_space<semaphore_mem>>)
          %dma_wait3A_54 = tpu.memref_slice %arg5[%mul3A_47] : memref<160000xi32, #tpu.memory_space<hbm>> -> memref<128xi32, #tpu.memory_space<hbm>>
          %dma_wait3A_55 = tpu.memref_slice %arg5[%mul3A_47] : memref<160000xi32, #tpu.memory_space<hbm>> -> memref<128xi32, #tpu.memory_space<hbm>>
          tpu.wait_dma2 semaphore(%run_scoped3A : memref<!tpu.dma_semaphore, #tpu.memory_space<semaphore_mem>>) src(%dma_wait3A_55 : memref<128xi32, #tpu.memory_space<hbm>>) dst(%arg10 : memref<128xi32, #tpu.memory_space<vmem>>)
          tpu.yield
        }) : () -> ()
        %dma_start3A = arith.constant 0 : i32
        %dma_start3A_48 = arith.constant 0 : i32
        %dma_start3A_49 = tpu.memref_slice %arg2[%dma_start3A, %dma_start3A_48] : memref<10000x128xf32, #tpu.memory_space<hbm>> -> memref<10000x128xf32, #tpu.memory_space<hbm>>
        tpu.enqueue_indirect_dma source(%dma_start3A_49 : memref<10000x128xf32, #tpu.memory_space<hbm>>) target(%arg14 : memref<128x128xf32, #tpu.memory_space<vmem>>) offsets(%arg9 : memref<128xi32, #tpu.memory_space<vmem>>) semaphore(%arg17 : memref<!tpu.dma_semaphore, #tpu.memory_space<semaphore_mem>>)
        %dma_wait3A = arith.constant 0 : i32
        %dma_wait3A_50 = arith.constant 0 : i32
        %dma_wait3A_51 = tpu.memref_slice %arg2[%dma_wait3A, %dma_wait3A_50] : memref<10000x128xf32, #tpu.memory_space<hbm>> -> memref<10000x128xf32, #tpu.memory_space<hbm>>
        tpu.wait_indirect_dma semaphore(%arg17 : memref<!tpu.dma_semaphore, #tpu.memory_space<semaphore_mem>>) src(%dma_wait3A_51 : memref<10000x128xf32, #tpu.memory_space<hbm>>) dst(%arg14 : memref<128x128xf32, #tpu.memory_space<vmem>>)
        "tpu.region"() ({
          %run_scoped3A = tpu.sem_alloc : memref<!tpu.dma_semaphore, #tpu.memory_space<semaphore_mem>>
          %dma_start3A_52 = arith.constant 0 : i32
          %dma_start3A_53 = arith.constant 0 : i32
          %dma_start3A_54 = tpu.memref_slice %arg16[%dma_start3A_52, %dma_start3A_53] : memref<10240x128xf32, #tpu.memory_space<vmem_shared>> -> memref<10240x128xf32, #tpu.memory_space<vmem_shared>>
          tpu.enqueue_indirect_dma source(%arg14 : memref<128x128xf32, #tpu.memory_space<vmem>>) target(%dma_start3A_54 : memref<10240x128xf32, #tpu.memory_space<vmem_shared>>) offsets(%arg10 : memref<128xi32, #tpu.memory_space<vmem>>) semaphore(%run_scoped3A : memref<!tpu.dma_semaphore, #tpu.memory_space<semaphore_mem>>) {add = true}
          %dma_wait3A_55 = arith.constant 0 : i32
          %dma_wait3A_56 = arith.constant 0 : i32
          %dma_wait3A_57 = tpu.memref_slice %arg16[%dma_wait3A_55, %dma_wait3A_56] : memref<10240x128xf32, #tpu.memory_space<vmem_shared>> -> memref<10240x128xf32, #tpu.memory_space<vmem_shared>>
          tpu.wait_indirect_dma semaphore(%run_scoped3A : memref<!tpu.dma_semaphore, #tpu.memory_space<semaphore_mem>>) src(%arg14 : memref<128x128xf32, #tpu.memory_space<vmem>>) dst(%dma_wait3A_57 : memref<10240x128xf32, #tpu.memory_space<vmem_shared>>)
          tpu.yield
        }) : () -> ()
      } else {
      }
    } else {
    }
    %eq3A_16 = arith.constant 1 : i32
    %eq3A_17 = arith.cmpi eq, %arg0, %eq3A_16 : i32
    %convert_element_type3A_18 = arith.extui %eq3A_17 : i1 to i32
    %cond3A_19 = arith.constant 0 : i32
    %cond3A_20 = arith.cmpi ne, %convert_element_type3A_18, %cond3A_19 : i32
    scf.if %cond3A_20 {
      %scan3A_32 = arith.constant 0 : i32
      %scan3A_33 = arith.constant 0 : i32
      %scan3A_34 = arith.constant 39 : i32
      %scan3A_35 = arith.addi %scan3A_33, %scan3A_34 : i32
      %scan3A_36 = arith.constant 1 : i32
      %scan3A_37 = scf.for %scan3A_43 = %scan3A_33 to %scan3A_35 step %scan3A_36 iter_args(%scan3A_44 = %scan3A_32) -> (i32)  : i32 {
        %mul3A_45 = arith.constant 2 : i32
        %mul3A_46 = arith.muli %mul3A_45, %scan3A_43 : i32
        %mul3A_47 = arith.constant 16 : i32
        %mul3A_48 = arith.muli %mul3A_46, %mul3A_47 : i32
        %add3A = arith.addi %arg1, %mul3A_48 : i32
        %mul3A_49 = arith.constant 2 : i32
        %mul3A_50 = arith.muli %mul3A_49, %scan3A_43 : i32
        %add3A_51 = arith.constant 1 : i32
        %add3A_52 = arith.addi %mul3A_50, %add3A_51 : i32
        %mul3A_53 = arith.constant 16 : i32
        %mul3A_54 = arith.muli %add3A_52, %mul3A_53 : i32
        %add3A_55 = arith.addi %arg1, %mul3A_54 : i32
        %mul3A_56 = arith.constant 128 : i32
        %mul3A_57 = arith.muli %add3A, %mul3A_56 : i32
        "tpu.region"() ({
          %run_scoped3A = tpu.sem_alloc : memref<!tpu.dma_semaphore, #tpu.memory_space<semaphore_mem>>
          %dma_start3A_75 = tpu.memref_slice %arg4[%mul3A_57] : memref<160000xi32, #tpu.memory_space<hbm>> -> memref<128xi32, #tpu.memory_space<hbm>>
          %dma_start3A_76 = tpu.memref_slice %arg4[%mul3A_57] : memref<160000xi32, #tpu.memory_space<hbm>> -> memref<128xi32, #tpu.memory_space<hbm>>
          tpu.enqueue_dma source(%dma_start3A_76 : memref<128xi32, #tpu.memory_space<hbm>>) target(%arg9 : memref<128xi32, #tpu.memory_space<vmem>>) target_semaphore(%run_scoped3A : memref<!tpu.dma_semaphore, #tpu.memory_space<semaphore_mem>>)
          %dma_wait3A_77 = tpu.memref_slice %arg4[%mul3A_57] : memref<160000xi32, #tpu.memory_space<hbm>> -> memref<128xi32, #tpu.memory_space<hbm>>
          %dma_wait3A_78 = tpu.memref_slice %arg4[%mul3A_57] : memref<160000xi32, #tpu.memory_space<hbm>> -> memref<128xi32, #tpu.memory_space<hbm>>
          tpu.wait_dma2 semaphore(%run_scoped3A : memref<!tpu.dma_semaphore, #tpu.memory_space<semaphore_mem>>) src(%dma_wait3A_78 : memref<128xi32, #tpu.memory_space<hbm>>) dst(%arg9 : memref<128xi32, #tpu.memory_space<vmem>>)
          tpu.yield
        }) : () -> ()
        %mul3A_58 = arith.constant 128 : i32
        %mul3A_59 = arith.muli %add3A, %mul3A_58 : i32
        "tpu.region"() ({
          %run_scoped3A = tpu.sem_alloc : memref<!tpu.dma_semaphore, #tpu.memory_space<semaphore_mem>>
          %dma_start3A_75 = tpu.memref_slice %arg5[%mul3A_59] : memref<160000xi32, #tpu.memory_space<hbm>> -> memref<128xi32, #tpu.memory_space<hbm>>
          %dma_start3A_76 = tpu.memref_slice %arg5[%mul3A_59] : memref<160000xi32, #tpu.memory_space<hbm>> -> memref<128xi32, #tpu.memory_space<hbm>>
          tpu.enqueue_dma source(%dma_start3A_76 : memref<128xi32, #tpu.memory_space<hbm>>) target(%arg10 : memref<128xi32, #tpu.memory_space<vmem>>) target_semaphore(%run_scoped3A : memref<!tpu.dma_semaphore, #tpu.memory_space<semaphore_mem>>)
          %dma_wait3A_77 = tpu.memref_slice %arg5[%mul3A_59] : memref<160000xi32, #tpu.memory_space<hbm>> -> memref<128xi32, #tpu.memory_space<hbm>>
          %dma_wait3A_78 = tpu.memref_slice %arg5[%mul3A_59] : memref<160000xi32, #tpu.memory_space<hbm>> -> memref<128xi32, #tpu.memory_space<hbm>>
          tpu.wait_dma2 semaphore(%run_scoped3A : memref<!tpu.dma_semaphore, #tpu.memory_space<semaphore_mem>>) src(%dma_wait3A_78 : memref<128xi32, #tpu.memory_space<hbm>>) dst(%arg10 : memref<128xi32, #tpu.memory_space<vmem>>)
          tpu.yield
        }) : () -> ()
        %dma_start3A = arith.constant 0 : i32
        %dma_start3A_60 = arith.constant 0 : i32
        %dma_start3A_61 = tpu.memref_slice %arg3[%dma_start3A, %dma_start3A_60] : memref<10000x128xf32, #tpu.memory_space<hbm>> -> memref<10000x128xf32, #tpu.memory_space<hbm>>
        tpu.enqueue_indirect_dma source(%dma_start3A_61 : memref<10000x128xf32, #tpu.memory_space<hbm>>) target(%arg14 : memref<128x128xf32, #tpu.memory_space<vmem>>) offsets(%arg9 : memref<128xi32, #tpu.memory_space<vmem>>) semaphore(%arg17 : memref<!tpu.dma_semaphore, #tpu.memory_space<semaphore_mem>>)
        %mul3A_62 = arith.constant 128 : i32
        %mul3A_63 = arith.muli %add3A_55, %mul3A_62 : i32
        "tpu.region"() ({
          %run_scoped3A = tpu.sem_alloc : memref<!tpu.dma_semaphore, #tpu.memory_space<semaphore_mem>>
          %dma_start3A_75 = tpu.memref_slice %arg4[%mul3A_63] : memref<160000xi32, #tpu.memory_space<hbm>> -> memref<128xi32, #tpu.memory_space<hbm>>
          %dma_start3A_76 = tpu.memref_slice %arg4[%mul3A_63] : memref<160000xi32, #tpu.memory_space<hbm>> -> memref<128xi32, #tpu.memory_space<hbm>>
          tpu.enqueue_dma source(%dma_start3A_76 : memref<128xi32, #tpu.memory_space<hbm>>) target(%arg11 : memref<128xi32, #tpu.memory_space<vmem>>) target_semaphore(%run_scoped3A : memref<!tpu.dma_semaphore, #tpu.memory_space<semaphore_mem>>)
          %dma_wait3A_77 = tpu.memref_slice %arg4[%mul3A_63] : memref<160000xi32, #tpu.memory_space<hbm>> -> memref<128xi32, #tpu.memory_space<hbm>>
          %dma_wait3A_78 = tpu.memref_slice %arg4[%mul3A_63] : memref<160000xi32, #tpu.memory_space<hbm>> -> memref<128xi32, #tpu.memory_space<hbm>>
          tpu.wait_dma2 semaphore(%run_scoped3A : memref<!tpu.dma_semaphore, #tpu.memory_space<semaphore_mem>>) src(%dma_wait3A_78 : memref<128xi32, #tpu.memory_space<hbm>>) dst(%arg11 : memref<128xi32, #tpu.memory_space<vmem>>)
          tpu.yield
        }) : () -> ()
        %mul3A_64 = arith.constant 128 : i32
        %mul3A_65 = arith.muli %add3A_55, %mul3A_64 : i32
        "tpu.region"() ({
          %run_scoped3A = tpu.sem_alloc : memref<!tpu.dma_semaphore, #tpu.memory_space<semaphore_mem>>
          %dma_start3A_75 = tpu.memref_slice %arg5[%mul3A_65] : memref<160000xi32, #tpu.memory_space<hbm>> -> memref<128xi32, #tpu.memory_space<hbm>>
          %dma_start3A_76 = tpu.memref_slice %arg5[%mul3A_65] : memref<160000xi32, #tpu.memory_space<hbm>> -> memref<128xi32, #tpu.memory_space<hbm>>
          tpu.enqueue_dma source(%dma_start3A_76 : memref<128xi32, #tpu.memory_space<hbm>>) target(%arg12 : memref<128xi32, #tpu.memory_space<vmem>>) target_semaphore(%run_scoped3A : memref<!tpu.dma_semaphore, #tpu.memory_space<semaphore_mem>>)
          %dma_wait3A_77 = tpu.memref_slice %arg5[%mul3A_65] : memref<160000xi32, #tpu.memory_space<hbm>> -> memref<128xi32, #tpu.memory_space<hbm>>
          %dma_wait3A_78 = tpu.memref_slice %arg5[%mul3A_65] : memref<160000xi32, #tpu.memory_space<hbm>> -> memref<128xi32, #tpu.memory_space<hbm>>
          tpu.wait_dma2 semaphore(%run_scoped3A : memref<!tpu.dma_semaphore, #tpu.memory_space<semaphore_mem>>) src(%dma_wait3A_78 : memref<128xi32, #tpu.memory_space<hbm>>) dst(%arg12 : memref<128xi32, #tpu.memory_space<vmem>>)
          tpu.yield
        }) : () -> ()
        %dma_start3A_66 = arith.constant 0 : i32
        %dma_start3A_67 = arith.constant 0 : i32
        %dma_start3A_68 = tpu.memref_slice %arg3[%dma_start3A_66, %dma_start3A_67] : memref<10000x128xf32, #tpu.memory_space<hbm>> -> memref<10000x128xf32, #tpu.memory_space<hbm>>
        tpu.enqueue_indirect_dma source(%dma_start3A_68 : memref<10000x128xf32, #tpu.memory_space<hbm>>) target(%arg15 : memref<128x128xf32, #tpu.memory_space<vmem>>) offsets(%arg11 : memref<128xi32, #tpu.memory_space<vmem>>) semaphore(%arg18 : memref<!tpu.dma_semaphore, #tpu.memory_space<semaphore_mem>>)
        %dma_wait3A = arith.constant 0 : i32
        %dma_wait3A_69 = arith.constant 0 : i32
        %dma_wait3A_70 = tpu.memref_slice %arg3[%dma_wait3A, %dma_wait3A_69] : memref<10000x128xf32, #tpu.memory_space<hbm>> -> memref<10000x128xf32, #tpu.memory_space<hbm>>
        tpu.wait_indirect_dma semaphore(%arg17 : memref<!tpu.dma_semaphore, #tpu.memory_space<semaphore_mem>>) src(%dma_wait3A_70 : memref<10000x128xf32, #tpu.memory_space<hbm>>) dst(%arg14 : memref<128x128xf32, #tpu.memory_space<vmem>>)
        "tpu.region"() ({
          %run_scoped3A = tpu.sem_alloc : memref<!tpu.dma_semaphore, #tpu.memory_space<semaphore_mem>>
          %dma_start3A_75 = arith.constant 0 : i32
          %dma_start3A_76 = arith.constant 0 : i32
          %dma_start3A_77 = tpu.memref_slice %arg16[%dma_start3A_75, %dma_start3A_76] : memref<10240x128xf32, #tpu.memory_space<vmem_shared>> -> memref<10240x128xf32, #tpu.memory_space<vmem_shared>>
          tpu.enqueue_indirect_dma source(%arg14 : memref<128x128xf32, #tpu.memory_space<vmem>>) target(%dma_start3A_77 : memref<10240x128xf32, #tpu.memory_space<vmem_shared>>) offsets(%arg10 : memref<128xi32, #tpu.memory_space<vmem>>) semaphore(%run_scoped3A : memref<!tpu.dma_semaphore, #tpu.memory_space<semaphore_mem>>) {add = true}
          %dma_wait3A_78 = arith.constant 0 : i32
          %dma_wait3A_79 = arith.constant 0 : i32
          %dma_wait3A_80 = tpu.memref_slice %arg16[%dma_wait3A_78, %dma_wait3A_79] : memref<10240x128xf32, #tpu.memory_space<vmem_shared>> -> memref<10240x128xf32, #tpu.memory_space<vmem_shared>>
          tpu.wait_indirect_dma semaphore(%run_scoped3A : memref<!tpu.dma_semaphore, #tpu.memory_space<semaphore_mem>>) src(%arg14 : memref<128x128xf32, #tpu.memory_space<vmem>>) dst(%dma_wait3A_80 : memref<10240x128xf32, #tpu.memory_space<vmem_shared>>)
          tpu.yield
        }) : () -> ()
        %dma_wait3A_71 = arith.constant 0 : i32
        %dma_wait3A_72 = arith.constant 0 : i32
        %dma_wait3A_73 = tpu.memref_slice %arg3[%dma_wait3A_71, %dma_wait3A_72] : memref<10000x128xf32, #tpu.memory_space<hbm>> -> memref<10000x128xf32, #tpu.memory_space<hbm>>
        tpu.wait_indirect_dma semaphore(%arg18 : memref<!tpu.dma_semaphore, #tpu.memory_space<semaphore_mem>>) src(%dma_wait3A_73 : memref<10000x128xf32, #tpu.memory_space<hbm>>) dst(%arg15 : memref<128x128xf32, #tpu.memory_space<vmem>>)
        "tpu.region"() ({
          %run_scoped3A = tpu.sem_alloc : memref<!tpu.dma_semaphore, #tpu.memory_space<semaphore_mem>>
          %dma_start3A_75 = arith.constant 0 : i32
          %dma_start3A_76 = arith.constant 0 : i32
          %dma_start3A_77 = tpu.memref_slice %arg16[%dma_start3A_75, %dma_start3A_76] : memref<10240x128xf32, #tpu.memory_space<vmem_shared>> -> memref<10240x128xf32, #tpu.memory_space<vmem_shared>>
          tpu.enqueue_indirect_dma source(%arg15 : memref<128x128xf32, #tpu.memory_space<vmem>>) target(%dma_start3A_77 : memref<10240x128xf32, #tpu.memory_space<vmem_shared>>) offsets(%arg12 : memref<128xi32, #tpu.memory_space<vmem>>) semaphore(%run_scoped3A : memref<!tpu.dma_semaphore, #tpu.memory_space<semaphore_mem>>) {add = true}
          %dma_wait3A_78 = arith.constant 0 : i32
          %dma_wait3A_79 = arith.constant 0 : i32
          %dma_wait3A_80 = tpu.memref_slice %arg16[%dma_wait3A_78, %dma_wait3A_79] : memref<10240x128xf32, #tpu.memory_space<vmem_shared>> -> memref<10240x128xf32, #tpu.memory_space<vmem_shared>>
          tpu.wait_indirect_dma semaphore(%run_scoped3A : memref<!tpu.dma_semaphore, #tpu.memory_space<semaphore_mem>>) src(%arg15 : memref<128x128xf32, #tpu.memory_space<vmem>>) dst(%dma_wait3A_80 : memref<10240x128xf32, #tpu.memory_space<vmem_shared>>)
          tpu.yield
        }) : () -> ()
        %scan3A_74 = arith.constant 0 : i32
        scf.yield %scan3A_74 : i32
      }
      %scan3A_38 = arith.constant 39 : i32
      %lt3A = arith.constant 2 : i32
      %lt3A_39 = arith.cmpi slt, %arg1, %lt3A : i32
      %convert_element_type3A_40 = arith.extui %lt3A_39 : i1 to i32
      %cond3A_41 = arith.constant 0 : i32
      %cond3A_42 = arith.cmpi ne, %convert_element_type3A_40, %cond3A_41 : i32
      scf.if %cond3A_42 {
        %add3A = arith.constant 1248 : i32
        %add3A_43 = arith.addi %arg1, %add3A : i32
        %mul3A_44 = arith.constant 128 : i32
        %mul3A_45 = arith.muli %add3A_43, %mul3A_44 : i32
        "tpu.region"() ({
          %run_scoped3A = tpu.sem_alloc : memref<!tpu.dma_semaphore, #tpu.memory_space<semaphore_mem>>
          %dma_start3A_52 = tpu.memref_slice %arg4[%mul3A_45] : memref<160000xi32, #tpu.memory_space<hbm>> -> memref<128xi32, #tpu.memory_space<hbm>>
          %dma_start3A_53 = tpu.memref_slice %arg4[%mul3A_45] : memref<160000xi32, #tpu.memory_space<hbm>> -> memref<128xi32, #tpu.memory_space<hbm>>
          tpu.enqueue_dma source(%dma_start3A_53 : memref<128xi32, #tpu.memory_space<hbm>>) target(%arg9 : memref<128xi32, #tpu.memory_space<vmem>>) target_semaphore(%run_scoped3A : memref<!tpu.dma_semaphore, #tpu.memory_space<semaphore_mem>>)
          %dma_wait3A_54 = tpu.memref_slice %arg4[%mul3A_45] : memref<160000xi32, #tpu.memory_space<hbm>> -> memref<128xi32, #tpu.memory_space<hbm>>
          %dma_wait3A_55 = tpu.memref_slice %arg4[%mul3A_45] : memref<160000xi32, #tpu.memory_space<hbm>> -> memref<128xi32, #tpu.memory_space<hbm>>
          tpu.wait_dma2 semaphore(%run_scoped3A : memref<!tpu.dma_semaphore, #tpu.memory_space<semaphore_mem>>) src(%dma_wait3A_55 : memref<128xi32, #tpu.memory_space<hbm>>) dst(%arg9 : memref<128xi32, #tpu.memory_space<vmem>>)
          tpu.yield
        }) : () -> ()
        %mul3A_46 = arith.constant 128 : i32
        %mul3A_47 = arith.muli %add3A_43, %mul3A_46 : i32
        "tpu.region"() ({
          %run_scoped3A = tpu.sem_alloc : memref<!tpu.dma_semaphore, #tpu.memory_space<semaphore_mem>>
          %dma_start3A_52 = tpu.memref_slice %arg5[%mul3A_47] : memref<160000xi32, #tpu.memory_space<hbm>> -> memref<128xi32, #tpu.memory_space<hbm>>
          %dma_start3A_53 = tpu.memref_slice %arg5[%mul3A_47] : memref<160000xi32, #tpu.memory_space<hbm>> -> memref<128xi32, #tpu.memory_space<hbm>>
          tpu.enqueue_dma source(%dma_start3A_53 : memref<128xi32, #tpu.memory_space<hbm>>) target(%arg10 : memref<128xi32, #tpu.memory_space<vmem>>) target_semaphore(%run_scoped3A : memref<!tpu.dma_semaphore, #tpu.memory_space<semaphore_mem>>)
          %dma_wait3A_54 = tpu.memref_slice %arg5[%mul3A_47] : memref<160000xi32, #tpu.memory_space<hbm>> -> memref<128xi32, #tpu.memory_space<hbm>>
          %dma_wait3A_55 = tpu.memref_slice %arg5[%mul3A_47] : memref<160000xi32, #tpu.memory_space<hbm>> -> memref<128xi32, #tpu.memory_space<hbm>>
          tpu.wait_dma2 semaphore(%run_scoped3A : memref<!tpu.dma_semaphore, #tpu.memory_space<semaphore_mem>>) src(%dma_wait3A_55 : memref<128xi32, #tpu.memory_space<hbm>>) dst(%arg10 : memref<128xi32, #tpu.memory_space<vmem>>)
          tpu.yield
        }) : () -> ()
        %dma_start3A = arith.constant 0 : i32
        %dma_start3A_48 = arith.constant 0 : i32
        %dma_start3A_49 = tpu.memref_slice %arg3[%dma_start3A, %dma_start3A_48] : memref<10000x128xf32, #tpu.memory_space<hbm>> -> memref<10000x128xf32, #tpu.memory_space<hbm>>
        tpu.enqueue_indirect_dma source(%dma_start3A_49 : memref<10000x128xf32, #tpu.memory_space<hbm>>) target(%arg14 : memref<128x128xf32, #tpu.memory_space<vmem>>) offsets(%arg9 : memref<128xi32, #tpu.memory_space<vmem>>) semaphore(%arg17 : memref<!tpu.dma_semaphore, #tpu.memory_space<semaphore_mem>>)
        %dma_wait3A = arith.constant 0 : i32
        %dma_wait3A_50 = arith.constant 0 : i32
        %dma_wait3A_51 = tpu.memref_slice %arg3[%dma_wait3A, %dma_wait3A_50] : memref<10000x128xf32, #tpu.memory_space<hbm>> -> memref<10000x128xf32, #tpu.memory_space<hbm>>
        tpu.wait_indirect_dma semaphore(%arg17 : memref<!tpu.dma_semaphore, #tpu.memory_space<semaphore_mem>>) src(%dma_wait3A_51 : memref<10000x128xf32, #tpu.memory_space<hbm>>) dst(%arg14 : memref<128x128xf32, #tpu.memory_space<vmem>>)
        "tpu.region"() ({
          %run_scoped3A = tpu.sem_alloc : memref<!tpu.dma_semaphore, #tpu.memory_space<semaphore_mem>>
          %dma_start3A_52 = arith.constant 0 : i32
          %dma_start3A_53 = arith.constant 0 : i32
          %dma_start3A_54 = tpu.memref_slice %arg16[%dma_start3A_52, %dma_start3A_53] : memref<10240x128xf32, #tpu.memory_space<vmem_shared>> -> memref<10240x128xf32, #tpu.memory_space<vmem_shared>>
          tpu.enqueue_indirect_dma source(%arg14 : memref<128x128xf32, #tpu.memory_space<vmem>>) target(%dma_start3A_54 : memref<10240x128xf32, #tpu.memory_space<vmem_shared>>) offsets(%arg10 : memref<128xi32, #tpu.memory_space<vmem>>) semaphore(%run_scoped3A : memref<!tpu.dma_semaphore, #tpu.memory_space<semaphore_mem>>) {add = true}
          %dma_wait3A_55 = arith.constant 0 : i32
          %dma_wait3A_56 = arith.constant 0 : i32
          %dma_wait3A_57 = tpu.memref_slice %arg16[%dma_wait3A_55, %dma_wait3A_56] : memref<10240x128xf32, #tpu.memory_space<vmem_shared>> -> memref<10240x128xf32, #tpu.memory_space<vmem_shared>>
          tpu.wait_indirect_dma semaphore(%run_scoped3A : memref<!tpu.dma_semaphore, #tpu.memory_space<semaphore_mem>>) src(%arg14 : memref<128x128xf32, #tpu.memory_space<vmem>>) dst(%dma_wait3A_57 : memref<10240x128xf32, #tpu.memory_space<vmem_shared>>)
          tpu.yield
        }) : () -> ()
      } else {
      }
    } else {
    }
    %barrier3A_21 = arith.constant 0 : index
    tpu.barrier barrier_id(%barrier3A_21)
    %eq3A_22 = arith.constant 0 : i32
    %eq3A_23 = arith.cmpi eq, %arg0, %eq3A_22 : i32
    %convert_element_type3A_24 = arith.extui %eq3A_23 : i1 to i32
    %cond3A_25 = arith.constant 0 : i32
    %cond3A_26 = arith.cmpi ne, %convert_element_type3A_24, %cond3A_25 : i32
    scf.if %cond3A_26 {
      %scan3A_32 = arith.constant 0 : i32
      %scan3A_33 = arith.constant 0 : i32
      %scan3A_34 = arith.constant 5 : i32
      %scan3A_35 = arith.addi %scan3A_33, %scan3A_34 : i32
      %scan3A_36 = arith.constant 1 : i32
      %scan3A_37 = scf.for %scan3A_39 = %scan3A_33 to %scan3A_35 step %scan3A_36 iter_args(%scan3A_40 = %scan3A_32) -> (i32)  : i32 {
        %mul3A_41 = arith.constant 128 : i32
        %mul3A_42 = arith.muli %scan3A_39, %mul3A_41 : i32
        %add3A = arith.addi %mul3A_6, %mul3A_42 : i32
        "tpu.region"() ({
          %run_scoped3A = tpu.sem_alloc : memref<!tpu.dma_semaphore, #tpu.memory_space<semaphore_mem>>
          %dma_start3A_51 = tpu.memref_slice %arg6[%add3A] : memref<10240xi32, #tpu.memory_space<hbm>> -> memref<128xi32, #tpu.memory_space<hbm>>
          %dma_start3A_52 = tpu.memref_slice %arg6[%add3A] : memref<10240xi32, #tpu.memory_space<hbm>> -> memref<128xi32, #tpu.memory_space<hbm>>
          tpu.enqueue_dma source(%dma_start3A_52 : memref<128xi32, #tpu.memory_space<hbm>>) target(%arg13 : memref<128xi32, #tpu.memory_space<vmem>>) target_semaphore(%run_scoped3A : memref<!tpu.dma_semaphore, #tpu.memory_space<semaphore_mem>>)
          %dma_wait3A_53 = tpu.memref_slice %arg6[%add3A] : memref<10240xi32, #tpu.memory_space<hbm>> -> memref<128xi32, #tpu.memory_space<hbm>>
          %dma_wait3A_54 = tpu.memref_slice %arg6[%add3A] : memref<10240xi32, #tpu.memory_space<hbm>> -> memref<128xi32, #tpu.memory_space<hbm>>
          tpu.wait_dma2 semaphore(%run_scoped3A : memref<!tpu.dma_semaphore, #tpu.memory_space<semaphore_mem>>) src(%dma_wait3A_54 : memref<128xi32, #tpu.memory_space<hbm>>) dst(%arg13 : memref<128xi32, #tpu.memory_space<vmem>>)
          tpu.yield
        }) : () -> ()
        %dma_start3A = arith.constant 0 : i32
        %dma_start3A_43 = arith.constant 0 : i32
        %dma_start3A_44 = tpu.memref_slice %arg16[%dma_start3A, %dma_start3A_43] : memref<10240x128xf32, #tpu.memory_space<vmem_shared>> -> memref<10240x128xf32, #tpu.memory_space<vmem_shared>>
        tpu.enqueue_indirect_dma source(%dma_start3A_44 : memref<10240x128xf32, #tpu.memory_space<vmem_shared>>) target(%arg14 : memref<128x128xf32, #tpu.memory_space<vmem>>) offsets(%arg13 : memref<128xi32, #tpu.memory_space<vmem>>) semaphore(%arg17 : memref<!tpu.dma_semaphore, #tpu.memory_space<semaphore_mem>>)
        %dma_wait3A = arith.constant 0 : i32
        %dma_wait3A_45 = arith.constant 0 : i32
        %dma_wait3A_46 = tpu.memref_slice %arg16[%dma_wait3A, %dma_wait3A_45] : memref<10240x128xf32, #tpu.memory_space<vmem_shared>> -> memref<10240x128xf32, #tpu.memory_space<vmem_shared>>
        tpu.wait_indirect_dma semaphore(%arg17 : memref<!tpu.dma_semaphore, #tpu.memory_space<semaphore_mem>>) src(%dma_wait3A_46 : memref<10240x128xf32, #tpu.memory_space<vmem_shared>>) dst(%arg14 : memref<128x128xf32, #tpu.memory_space<vmem>>)
        %mul3A_47 = arith.constant 128 : i32
        %mul3A_48 = arith.muli %scan3A_39, %mul3A_47 : i32
        %add3A_49 = arith.addi %mul3A_6, %mul3A_48 : i32
        "tpu.region"() ({
          %run_scoped3A = tpu.sem_alloc : memref<!tpu.dma_semaphore, #tpu.memory_space<semaphore_mem>>
          %dma_start3A_51 = arith.constant 0 : i32
          %dma_start3A_52 = tpu.memref_slice %arg7[%add3A_49, %dma_start3A_51] : memref<10240x128xf32, #tpu.memory_space<hbm>> -> memref<128x128xf32, #tpu.memory_space<hbm>>
          %dma_start3A_53 = arith.constant 0 : i32
          %dma_start3A_54 = tpu.memref_slice %arg7[%add3A_49, %dma_start3A_53] : memref<10240x128xf32, #tpu.memory_space<hbm>> -> memref<128x128xf32, #tpu.memory_space<hbm>>
          tpu.enqueue_dma source(%arg14 : memref<128x128xf32, #tpu.memory_space<vmem>>) target(%dma_start3A_54 : memref<128x128xf32, #tpu.memory_space<hbm>>) target_semaphore(%run_scoped3A : memref<!tpu.dma_semaphore, #tpu.memory_space<semaphore_mem>>)
          %dma_wait3A_55 = arith.constant 0 : i32
          %dma_wait3A_56 = tpu.memref_slice %arg7[%add3A_49, %dma_wait3A_55] : memref<10240x128xf32, #tpu.memory_space<hbm>> -> memref<128x128xf32, #tpu.memory_space<hbm>>
          %dma_wait3A_57 = arith.constant 0 : i32
          %dma_wait3A_58 = tpu.memref_slice %arg7[%add3A_49, %dma_wait3A_57] : memref<10240x128xf32, #tpu.memory_space<hbm>> -> memref<128x128xf32, #tpu.memory_space<hbm>>
          tpu.wait_dma2 semaphore(%run_scoped3A : memref<!tpu.dma_semaphore, #tpu.memory_space<semaphore_mem>>) src(%arg14 : memref<128x128xf32, #tpu.memory_space<vmem>>) dst(%dma_wait3A_58 : memref<128x128xf32, #tpu.memory_space<hbm>>)
          tpu.yield
        }) : () -> ()
        %scan3A_50 = arith.constant 0 : i32
        scf.yield %scan3A_50 : i32
      }
      %scan3A_38 = arith.constant 5 : i32
    } else {
    }
    %eq3A_27 = arith.constant 1 : i32
    %eq3A_28 = arith.cmpi eq, %arg0, %eq3A_27 : i32
    %convert_element_type3A_29 = arith.extui %eq3A_28 : i1 to i32
    %cond3A_30 = arith.constant 0 : i32
    %cond3A_31 = arith.cmpi ne, %convert_element_type3A_29, %cond3A_30 : i32
    scf.if %cond3A_31 {
      %scan3A_32 = arith.constant 0 : i32
      %scan3A_33 = arith.constant 0 : i32
      %scan3A_34 = arith.constant 5 : i32
      %scan3A_35 = arith.addi %scan3A_33, %scan3A_34 : i32
      %scan3A_36 = arith.constant 1 : i32
      %scan3A_37 = scf.for %scan3A_39 = %scan3A_33 to %scan3A_35 step %scan3A_36 iter_args(%scan3A_40 = %scan3A_32) -> (i32)  : i32 {
        %mul3A_41 = arith.constant 128 : i32
        %mul3A_42 = arith.muli %scan3A_39, %mul3A_41 : i32
        %add3A = arith.addi %mul3A_6, %mul3A_42 : i32
        "tpu.region"() ({
          %run_scoped3A = tpu.sem_alloc : memref<!tpu.dma_semaphore, #tpu.memory_space<semaphore_mem>>
          %dma_start3A_51 = tpu.memref_slice %arg6[%add3A] : memref<10240xi32, #tpu.memory_space<hbm>> -> memref<128xi32, #tpu.memory_space<hbm>>
          %dma_start3A_52 = tpu.memref_slice %arg6[%add3A] : memref<10240xi32, #tpu.memory_space<hbm>> -> memref<128xi32, #tpu.memory_space<hbm>>
          tpu.enqueue_dma source(%dma_start3A_52 : memref<128xi32, #tpu.memory_space<hbm>>) target(%arg13 : memref<128xi32, #tpu.memory_space<vmem>>) target_semaphore(%run_scoped3A : memref<!tpu.dma_semaphore, #tpu.memory_space<semaphore_mem>>)
          %dma_wait3A_53 = tpu.memref_slice %arg6[%add3A] : memref<10240xi32, #tpu.memory_space<hbm>> -> memref<128xi32, #tpu.memory_space<hbm>>
          %dma_wait3A_54 = tpu.memref_slice %arg6[%add3A] : memref<10240xi32, #tpu.memory_space<hbm>> -> memref<128xi32, #tpu.memory_space<hbm>>
          tpu.wait_dma2 semaphore(%run_scoped3A : memref<!tpu.dma_semaphore, #tpu.memory_space<semaphore_mem>>) src(%dma_wait3A_54 : memref<128xi32, #tpu.memory_space<hbm>>) dst(%arg13 : memref<128xi32, #tpu.memory_space<vmem>>)
          tpu.yield
        }) : () -> ()
        %dma_start3A = arith.constant 0 : i32
        %dma_start3A_43 = arith.constant 0 : i32
        %dma_start3A_44 = tpu.memref_slice %arg16[%dma_start3A, %dma_start3A_43] : memref<10240x128xf32, #tpu.memory_space<vmem_shared>> -> memref<10240x128xf32, #tpu.memory_space<vmem_shared>>
        tpu.enqueue_indirect_dma source(%dma_start3A_44 : memref<10240x128xf32, #tpu.memory_space<vmem_shared>>) target(%arg14 : memref<128x128xf32, #tpu.memory_space<vmem>>) offsets(%arg13 : memref<128xi32, #tpu.memory_space<vmem>>) semaphore(%arg17 : memref<!tpu.dma_semaphore, #tpu.memory_space<semaphore_mem>>)
        %dma_wait3A = arith.constant 0 : i32
        %dma_wait3A_45 = arith.constant 0 : i32
        %dma_wait3A_46 = tpu.memref_slice %arg16[%dma_wait3A, %dma_wait3A_45] : memref<10240x128xf32, #tpu.memory_space<vmem_shared>> -> memref<10240x128xf32, #tpu.memory_space<vmem_shared>>
        tpu.wait_indirect_dma semaphore(%arg17 : memref<!tpu.dma_semaphore, #tpu.memory_space<semaphore_mem>>) src(%dma_wait3A_46 : memref<10240x128xf32, #tpu.memory_space<vmem_shared>>) dst(%arg14 : memref<128x128xf32, #tpu.memory_space<vmem>>)
        %mul3A_47 = arith.constant 128 : i32
        %mul3A_48 = arith.muli %scan3A_39, %mul3A_47 : i32
        %add3A_49 = arith.addi %mul3A_6, %mul3A_48 : i32
        "tpu.region"() ({
          %run_scoped3A = tpu.sem_alloc : memref<!tpu.dma_semaphore, #tpu.memory_space<semaphore_mem>>
          %dma_start3A_51 = arith.constant 0 : i32
          %dma_start3A_52 = tpu.memref_slice %arg8[%add3A_49, %dma_start3A_51] : memref<10240x128xf32, #tpu.memory_space<hbm>> -> memref<128x128xf32, #tpu.memory_space<hbm>>
          %dma_start3A_53 = arith.constant 0 : i32
          %dma_start3A_54 = tpu.memref_slice %arg8[%add3A_49, %dma_start3A_53] : memref<10240x128xf32, #tpu.memory_space<hbm>> -> memref<128x128xf32, #tpu.memory_space<hbm>>
          tpu.enqueue_dma source(%arg14 : memref<128x128xf32, #tpu.memory_space<vmem>>) target(%dma_start3A_54 : memref<128x128xf32, #tpu.memory_space<hbm>>) target_semaphore(%run_scoped3A : memref<!tpu.dma_semaphore, #tpu.memory_space<semaphore_mem>>)
          %dma_wait3A_55 = arith.constant 0 : i32
          %dma_wait3A_56 = tpu.memref_slice %arg8[%add3A_49, %dma_wait3A_55] : memref<10240x128xf32, #tpu.memory_space<hbm>> -> memref<128x128xf32, #tpu.memory_space<hbm>>
          %dma_wait3A_57 = arith.constant 0 : i32
          %dma_wait3A_58 = tpu.memref_slice %arg8[%add3A_49, %dma_wait3A_57] : memref<10240x128xf32, #tpu.memory_space<hbm>> -> memref<128x128xf32, #tpu.memory_space<hbm>>
          tpu.wait_dma2 semaphore(%run_scoped3A : memref<!tpu.dma_semaphore, #tpu.memory_space<semaphore_mem>>) src(%arg14 : memref<128x128xf32, #tpu.memory_space<vmem>>) dst(%dma_wait3A_58 : memref<128x128xf32, #tpu.memory_space<hbm>>)
          tpu.yield
        }) : () -> ()
        %scan3A_50 = arith.constant 0 : i32
        scf.yield %scan3A_50 : i32
      }
      %scan3A_38 = arith.constant 5 : i32
    } else {
    }
    return
  }
}

module attributes {stable_mosaic.version = 14 : i64} {
  func.func @_mid_body(%arg0: i32, %arg1: memref<400x128xf32, #tpu.memory_space<vmem>>, %arg2: memref<400x128xf32, #tpu.memory_space<vmem>>, %arg3: memref<400x128xf32, #tpu.memory_space<vmem>>, %arg4: memref<400x128xf32, #tpu.memory_space<vmem>>, %arg5: memref<400x128xf32, #tpu.memory_space<vmem>>, %arg6: memref<1x256xf32, #tpu.memory_space<vmem>>, %arg7: memref<256x256xf32, #tpu.memory_space<vmem>>, %arg8: memref<400x128xf32, #tpu.memory_space<vmem>>, %arg9: memref<400x128xf32, #tpu.memory_space<vmem>>) attributes {dimension_semantics = [#tpu.dimension_semantics<arbitrary>], iteration_bounds = array<i64: 25>, scalar_prefetch = 0 : i64, scratch_operands = 0 : i64, tpu.core_type = #tpu.core_type<tc>, window_params = [{transform_indices = @transform_0, window_bounds = array<i64: 400, 128>}, {transform_indices = @transform_1, window_bounds = array<i64: 400, 128>}, {transform_indices = @transform_2, window_bounds = array<i64: 400, 128>}, {transform_indices = @transform_3, window_bounds = array<i64: 400, 128>}, {transform_indices = @transform_4, window_bounds = array<i64: 400, 128>}, {pipeline_mode = #tpu.pipeline_mode<synchronous>, transform_indices = @transform_5, window_bounds = array<i64: 1, 256>}, {pipeline_mode = #tpu.pipeline_mode<synchronous>, transform_indices = @transform_6, window_bounds = array<i64: 256, 256>}, {transform_indices = @transform_7, window_bounds = array<i64: 400, 128>}, {transform_indices = @transform_8, window_bounds = array<i64: 400, 128>}]} {
    %get3A = arith.constant 0 : index
    %get3A_0 = arith.constant 0 : index
    %get3A_1 = vector.load %arg5[%get3A, %get3A_0] : memref<400x128xf32, #tpu.memory_space<vmem>>, vector<400x1xf32>
    %get3A_2 = arith.constant 0 : index
    %get3A_3 = arith.constant 0 : index
    %get3A_4 = vector.load %arg1[%get3A_2, %get3A_3] : memref<400x128xf32, #tpu.memory_space<vmem>>, vector<400x128xf32>
    %get3A_5 = arith.constant 0 : index
    %get3A_6 = arith.constant 0 : index
    %get3A_7 = vector.load %arg3[%get3A_5, %get3A_6] : memref<400x128xf32, #tpu.memory_space<vmem>>, vector<400x128xf32>
    %add3A = arith.addf %get3A_4, %get3A_7 : vector<400x128xf32>
    %get3A_8 = arith.constant 0 : index
    %get3A_9 = arith.constant 0 : index
    %get3A_10 = vector.load %arg2[%get3A_8, %get3A_9] : memref<400x128xf32, #tpu.memory_space<vmem>>, vector<400x128xf32>
    %get3A_11 = arith.constant 0 : index
    %get3A_12 = arith.constant 0 : index
    %get3A_13 = vector.load %arg4[%get3A_11, %get3A_12] : memref<400x128xf32, #tpu.memory_space<vmem>>, vector<400x128xf32>
    %add3A_14 = arith.addf %get3A_10, %get3A_13 : vector<400x128xf32>
    %concatenate3A = tpu.concatenate %add3A, %add3A_14 in 1 : vector<400x128xf32>, vector<400x128xf32> -> vector<400x256xf32>
    %mul3A = vector.broadcast %get3A_1 : vector<400x1xf32> to vector<400x256xf32>
    %mul3A_15 = arith.mulf %concatenate3A, %mul3A : vector<400x256xf32>
    %get3A_16 = arith.constant 0 : index
    %get3A_17 = arith.constant 0 : index
    %get3A_18 = vector.load %arg6[%get3A_16, %get3A_17] : memref<1x256xf32, #tpu.memory_space<vmem>>, vector<1x256xf32>
    %add3A_19 = vector.broadcast %get3A_18 : vector<1x256xf32> to vector<400x256xf32>
    %add3A_20 = arith.addf %mul3A_15, %add3A_19 : vector<400x256xf32>
    %max3A = arith.constant 0.000000e+00 : f32
    %max3A_21 = vector.broadcast %max3A : f32 to vector<400x256xf32>
    %max3A_22 = arith.maximumf %add3A_20, %max3A_21 : vector<400x256xf32>
    %get3A_23 = arith.constant 0 : index
    %get3A_24 = arith.constant 0 : index
    %get3A_25 = vector.load %arg7[%get3A_23, %get3A_24] : memref<256x256xf32, #tpu.memory_space<vmem>>, vector<256x256xf32>
    %dot_general3A = arith.constant dense<0.000000e+00> : vector<400x256xf32>
    %dot_general3A_26 = tpu.matmul %max3A_22, %get3A_25, %dot_general3A {dimension_numbers = #tpu.dot_dimension_numbers<[1], [0], [0], [1], [0, 0, 1, 1], [], []>, transpose_lhs_hint = false} : vector<400x256xf32>, vector<256x256xf32>, vector<400x256xf32> -> vector<400x256xf32>
    %mul3A_27 = vector.broadcast %get3A_1 : vector<400x1xf32> to vector<400x256xf32>
    %mul3A_28 = arith.mulf %dot_general3A_26, %mul3A_27 : vector<400x256xf32>
    %slice3A = vector.extract_strided_slice %mul3A_28 {offsets = [0, 0], sizes = [400, 128], strides = [1, 1]} : vector<400x256xf32> to vector<400x128xf32>
    %swap3A = arith.constant 0 : index
    %swap3A_29 = arith.constant 0 : index
    %swap3A_30 = vector.load %arg8[%swap3A, %swap3A_29] : memref<400x128xf32, #tpu.memory_space<vmem>>, vector<400x128xf32>
    tpu.vector_store %arg8[%swap3A, %swap3A_29], %slice3A {strides = array<i32>} : memref<400x128xf32, #tpu.memory_space<vmem>>, vector<400x128xf32>,
    %slice3A_31 = vector.extract_strided_slice %mul3A_28 {offsets = [0, 128], sizes = [400, 128], strides = [1, 1]} : vector<400x256xf32> to vector<400x128xf32>
    %swap3A_32 = arith.constant 0 : index
    %swap3A_33 = arith.constant 0 : index
    %swap3A_34 = vector.load %arg9[%swap3A_32, %swap3A_33] : memref<400x128xf32, #tpu.memory_space<vmem>>, vector<400x128xf32>
    tpu.vector_store %arg9[%swap3A_32, %swap3A_33], %slice3A_31 {strides = array<i32>} : memref<400x128xf32, #tpu.memory_space<vmem>>, vector<400x128xf32>,
    return
  }
  func.func @transform_0(%arg0: i32) -> (i32, i32) {
    %c0_i32 = arith.constant 0 : i32
    %c0_i32_0 = arith.constant 0 : i32
    return %arg0, %c0_i32 : i32, i32
  }
  func.func @transform_1(%arg0: i32) -> (i32, i32) {
    %c0_i32 = arith.constant 0 : i32
    %c0_i32_0 = arith.constant 0 : i32
    return %arg0, %c0_i32 : i32, i32
  }
  func.func @transform_2(%arg0: i32) -> (i32, i32) {
    %c0_i32 = arith.constant 0 : i32
    %c0_i32_0 = arith.constant 0 : i32
    return %arg0, %c0_i32 : i32, i32
  }
  func.func @transform_3(%arg0: i32) -> (i32, i32) {
    %c0_i32 = arith.constant 0 : i32
    %c0_i32_0 = arith.constant 0 : i32
    return %arg0, %c0_i32 : i32, i32
  }
  func.func @transform_4(%arg0: i32) -> (i32, i32) {
    %c0_i32 = arith.constant 0 : i32
    %c0_i32_0 = arith.constant 0 : i32
    return %arg0, %c0_i32 : i32, i32
  }
  func.func @transform_5(%arg0: i32) -> (i32, i32) {
    %c0_i32 = arith.constant 0 : i32
    %c0_i32_0 = arith.constant 0 : i32
    %c0_i32_1 = arith.constant 0 : i32
    return %c0_i32, %c0_i32_0 : i32, i32
  }
  func.func @transform_6(%arg0: i32) -> (i32, i32) {
    %c0_i32 = arith.constant 0 : i32
    %c0_i32_0 = arith.constant 0 : i32
    %c0_i32_1 = arith.constant 0 : i32
    return %c0_i32, %c0_i32_0 : i32, i32
  }
  func.func @transform_7(%arg0: i32) -> (i32, i32) {
    %c0_i32 = arith.constant 0 : i32
    %c0_i32_0 = arith.constant 0 : i32
    return %arg0, %c0_i32 : i32, i32
  }
  func.func @transform_8(%arg0: i32) -> (i32, i32) {
    %c0_i32 = arith.constant 0 : i32
    %c0_i32_0 = arith.constant 0 : i32
    return %arg0, %c0_i32 : i32, i32
  }
}

module attributes {stable_mosaic.version = 14 : i64} {
  func.func @_prep_body(%arg0: i32, %arg1: memref<400x256xf32, #tpu.memory_space<vmem>>, %arg2: memref<256x256xf32, #tpu.memory_space<vmem>>, %arg3: memref<400x128xf32, #tpu.memory_space<vmem>>, %arg4: memref<400x128xf32, #tpu.memory_space<vmem>>, %arg5: memref<400x128xf32, #tpu.memory_space<vmem>>, %arg6: memref<400x128xf32, #tpu.memory_space<vmem>>, %arg7: memref<400x128xf32, #tpu.memory_space<vmem>>) attributes {dimension_semantics = [#tpu.dimension_semantics<arbitrary>], iteration_bounds = array<i64: 25>, scalar_prefetch = 0 : i64, scratch_operands = 0 : i64, tpu.core_type = #tpu.core_type<tc>, window_params = [{transform_indices = @transform_0, window_bounds = array<i64: 400, 256>}, {pipeline_mode = #tpu.pipeline_mode<synchronous>, transform_indices = @transform_1, window_bounds = array<i64: 256, 256>}, {transform_indices = @transform_2, window_bounds = array<i64: 400, 128>}, {transform_indices = @transform_3, window_bounds = array<i64: 400, 128>}, {transform_indices = @transform_4, window_bounds = array<i64: 400, 128>}, {transform_indices = @transform_5, window_bounds = array<i64: 400, 128>}, {transform_indices = @transform_6, window_bounds = array<i64: 400, 128>}]} {
    %get3A = arith.constant 0 : index
    %get3A_0 = arith.constant 0 : index
    %get3A_1 = vector.load %arg3[%get3A, %get3A_0] : memref<400x128xf32, #tpu.memory_space<vmem>>, vector<400x1xf32>
    %get3A_2 = arith.constant 0 : index
    %get3A_3 = arith.constant 0 : index
    %get3A_4 = vector.load %arg4[%get3A_2, %get3A_3] : memref<400x128xf32, #tpu.memory_space<vmem>>, vector<400x1xf32>
    %add3A = arith.addf %get3A_1, %get3A_4 : vector<400x1xf32>
    %add3A_5 = arith.constant 1.000000e+00 : f32
    %add3A_6 = vector.broadcast %add3A_5 : f32 to vector<400x1xf32>
    %add3A_7 = arith.addf %add3A, %add3A_6 : vector<400x1xf32>
    %gt3A = arith.constant 0.000000e+00 : f32
    %gt3A_8 = vector.broadcast %gt3A : f32 to vector<400x1xf32>
    %gt3A_9 = arith.cmpf ogt, %add3A_7, %gt3A_8 : vector<400x1xf32>
    %rsqrt3A = math.rsqrt %add3A_7 : vector<400x1xf32>
    %jit3A = arith.constant 0.000000e+00 : f32
    %broadcast_in_dim3A = vector.broadcast %jit3A : f32 to vector<400x1xf32>
    %select_n3A = arith.select %gt3A_9, %rsqrt3A, %broadcast_in_dim3A : vector<400x1xi1>, vector<400x1xf32>
    %get3A_10 = arith.constant 0 : index
    %get3A_11 = arith.constant 0 : index
    %get3A_12 = vector.load %arg1[%get3A_10, %get3A_11] : memref<400x256xf32, #tpu.memory_space<vmem>>, vector<400x256xf32>
    %get3A_13 = arith.constant 0 : index
    %get3A_14 = arith.constant 0 : index
    %get3A_15 = vector.load %arg2[%get3A_13, %get3A_14] : memref<256x256xf32, #tpu.memory_space<vmem>>, vector<256x256xf32>
    %dot_general3A = arith.constant dense<0.000000e+00> : vector<400x256xf32>
    %dot_general3A_16 = tpu.matmul %get3A_12, %get3A_15, %dot_general3A {dimension_numbers = #tpu.dot_dimension_numbers<[1], [0], [0], [1], [0, 0, 1, 1], [], []>, transpose_lhs_hint = false} : vector<400x256xf32>, vector<256x256xf32>, vector<400x256xf32> -> vector<400x256xf32>
    %mul3A = vector.broadcast %select_n3A : vector<400x1xf32> to vector<400x256xf32>
    %mul3A_17 = arith.mulf %dot_general3A_16, %mul3A : vector<400x256xf32>
    %slice3A = vector.extract_strided_slice %mul3A_17 {offsets = [0, 0], sizes = [400, 128], strides = [1, 1]} : vector<400x256xf32> to vector<400x128xf32>
    %swap3A = arith.constant 0 : index
    %swap3A_18 = arith.constant 0 : index
    %swap3A_19 = vector.load %arg5[%swap3A, %swap3A_18] : memref<400x128xf32, #tpu.memory_space<vmem>>, vector<400x128xf32>
    tpu.vector_store %arg5[%swap3A, %swap3A_18], %slice3A {strides = array<i32>} : memref<400x128xf32, #tpu.memory_space<vmem>>, vector<400x128xf32>,
    %slice3A_20 = vector.extract_strided_slice %mul3A_17 {offsets = [0, 128], sizes = [400, 128], strides = [1, 1]} : vector<400x256xf32> to vector<400x128xf32>
    %swap3A_21 = arith.constant 0 : index
    %swap3A_22 = arith.constant 0 : index
    %swap3A_23 = vector.load %arg6[%swap3A_21, %swap3A_22] : memref<400x128xf32, #tpu.memory_space<vmem>>, vector<400x128xf32>
    tpu.vector_store %arg6[%swap3A_21, %swap3A_22], %slice3A_20 {strides = array<i32>} : memref<400x128xf32, #tpu.memory_space<vmem>>, vector<400x128xf32>,
    %broadcast_in_dim3A_24 = vector.shape_cast %select_n3A : vector<400x1xf32> to vector<400x1xf32>
    %broadcast_in_dim3A_25 = vector.broadcast %broadcast_in_dim3A_24 : vector<400x1xf32> to vector<400x128xf32>
    %swap3A_26 = arith.constant 0 : index
    %swap3A_27 = arith.constant 0 : index
    %swap3A_28 = vector.load %arg7[%swap3A_26, %swap3A_27] : memref<400x128xf32, #tpu.memory_space<vmem>>, vector<400x128xf32>
    tpu.vector_store %arg7[%swap3A_26, %swap3A_27], %broadcast_in_dim3A_25 {strides = array<i32>} : memref<400x128xf32, #tpu.memory_space<vmem>>, vector<400x128xf32>,
    return
  }
  func.func @transform_0(%arg0: i32) -> (i32, i32) {
    %c0_i32 = arith.constant 0 : i32
    %c0_i32_0 = arith.constant 0 : i32
    return %arg0, %c0_i32 : i32, i32
  }
  func.func @transform_1(%arg0: i32) -> (i32, i32) {
    %c0_i32 = arith.constant 0 : i32
    %c0_i32_0 = arith.constant 0 : i32
    %c0_i32_1 = arith.constant 0 : i32
    return %c0_i32, %c0_i32_0 : i32, i32
  }
  func.func @transform_2(%arg0: i32) -> (i32, i32) {
    %c0_i32 = arith.constant 0 : i32
    %c0_i32_0 = arith.constant 0 : i32
    return %arg0, %c0_i32 : i32, i32
  }
  func.func @transform_3(%arg0: i32) -> (i32, i32) {
    %c0_i32 = arith.constant 0 : i32
    %c0_i32_0 = arith.constant 0 : i32
    return %arg0, %c0_i32 : i32, i32
  }
  func.func @transform_4(%arg0: i32) -> (i32, i32) {
    %c0_i32 = arith.constant 0 : i32
    %c0_i32_0 = arith.constant 0 : i32
    return %arg0, %c0_i32 : i32, i32
  }
  func.func @transform_5(%arg0: i32) -> (i32, i32) {
    %c0_i32 = arith.constant 0 : i32
    %c0_i32_0 = arith.constant 0 : i32
    return %arg0, %c0_i32 : i32, i32
  }
  func.func @transform_6(%arg0: i32) -> (i32, i32) {
    %c0_i32 = arith.constant 0 : i32
    %c0_i32_0 = arith.constant 0 : i32
    return %arg0, %c0_i32 : i32, i32
  }
}

module attributes {stable_mosaic.version = 14 : i64} {
  func.func @_final_body(%arg0: i32, %arg1: memref<400x128xf32, #tpu.memory_space<vmem>>, %arg2: memref<400x128xf32, #tpu.memory_space<vmem>>, %arg3: memref<400x128xf32, #tpu.memory_space<vmem>>, %arg4: memref<400x128xf32, #tpu.memory_space<vmem>>, %arg5: memref<400x128xf32, #tpu.memory_space<vmem>>, %arg6: memref<1x256xf32, #tpu.memory_space<vmem>>, %arg7: memref<256x32xf32, #tpu.memory_space<vmem>>, %arg8: memref<1x32xf32, #tpu.memory_space<vmem>>, %arg9: memref<400x32xf32, #tpu.memory_space<vmem>>) attributes {dimension_semantics = [#tpu.dimension_semantics<arbitrary>], iteration_bounds = array<i64: 25>, scalar_prefetch = 0 : i64, scratch_operands = 0 : i64, tpu.core_type = #tpu.core_type<tc>, window_params = [{transform_indices = @transform_0, window_bounds = array<i64: 400, 128>}, {transform_indices = @transform_1, window_bounds = array<i64: 400, 128>}, {transform_indices = @transform_2, window_bounds = array<i64: 400, 128>}, {transform_indices = @transform_3, window_bounds = array<i64: 400, 128>}, {transform_indices = @transform_4, window_bounds = array<i64: 400, 128>}, {pipeline_mode = #tpu.pipeline_mode<synchronous>, transform_indices = @transform_5, window_bounds = array<i64: 1, 256>}, {pipeline_mode = #tpu.pipeline_mode<synchronous>, transform_indices = @transform_6, window_bounds = array<i64: 256, 32>}, {pipeline_mode = #tpu.pipeline_mode<synchronous>, transform_indices = @transform_7, window_bounds = array<i64: 1, 32>}, {transform_indices = @transform_8, window_bounds = array<i64: 400, 32>}]} {
    %get3A = arith.constant 0 : index
    %get3A_0 = arith.constant 0 : index
    %get3A_1 = vector.load %arg5[%get3A, %get3A_0] : memref<400x128xf32, #tpu.memory_space<vmem>>, vector<400x1xf32>
    %get3A_2 = arith.constant 0 : index
    %get3A_3 = arith.constant 0 : index
    %get3A_4 = vector.load %arg1[%get3A_2, %get3A_3] : memref<400x128xf32, #tpu.memory_space<vmem>>, vector<400x128xf32>
    %get3A_5 = arith.constant 0 : index
    %get3A_6 = arith.constant 0 : index
    %get3A_7 = vector.load %arg3[%get3A_5, %get3A_6] : memref<400x128xf32, #tpu.memory_space<vmem>>, vector<400x128xf32>
    %add3A = arith.addf %get3A_4, %get3A_7 : vector<400x128xf32>
    %get3A_8 = arith.constant 0 : index
    %get3A_9 = arith.constant 0 : index
    %get3A_10 = vector.load %arg2[%get3A_8, %get3A_9] : memref<400x128xf32, #tpu.memory_space<vmem>>, vector<400x128xf32>
    %get3A_11 = arith.constant 0 : index
    %get3A_12 = arith.constant 0 : index
    %get3A_13 = vector.load %arg4[%get3A_11, %get3A_12] : memref<400x128xf32, #tpu.memory_space<vmem>>, vector<400x128xf32>
    %add3A_14 = arith.addf %get3A_10, %get3A_13 : vector<400x128xf32>
    %concatenate3A = tpu.concatenate %add3A, %add3A_14 in 1 : vector<400x128xf32>, vector<400x128xf32> -> vector<400x256xf32>
    %mul3A = vector.broadcast %get3A_1 : vector<400x1xf32> to vector<400x256xf32>
    %mul3A_15 = arith.mulf %concatenate3A, %mul3A : vector<400x256xf32>
    %get3A_16 = arith.constant 0 : index
    %get3A_17 = arith.constant 0 : index
    %get3A_18 = vector.load %arg6[%get3A_16, %get3A_17] : memref<1x256xf32, #tpu.memory_space<vmem>>, vector<1x256xf32>
    %add3A_19 = vector.broadcast %get3A_18 : vector<1x256xf32> to vector<400x256xf32>
    %add3A_20 = arith.addf %mul3A_15, %add3A_19 : vector<400x256xf32>
    %max3A = arith.constant 0.000000e+00 : f32
    %max3A_21 = vector.broadcast %max3A : f32 to vector<400x256xf32>
    %max3A_22 = arith.maximumf %add3A_20, %max3A_21 : vector<400x256xf32>
    %get3A_23 = arith.constant 0 : index
    %get3A_24 = arith.constant 0 : index
    %get3A_25 = vector.load %arg7[%get3A_23, %get3A_24] : memref<256x32xf32, #tpu.memory_space<vmem>>, vector<256x32xf32>
    %dot_general3A = arith.constant dense<0.000000e+00> : vector<400x32xf32>
    %dot_general3A_26 = tpu.matmul %max3A_22, %get3A_25, %dot_general3A {dimension_numbers = #tpu.dot_dimension_numbers<[1], [0], [0], [1], [0, 0, 1, 1], [], []>, transpose_lhs_hint = false} : vector<400x256xf32>, vector<256x32xf32>, vector<400x32xf32> -> vector<400x32xf32>
    %get3A_27 = arith.constant 0 : index
    %get3A_28 = arith.constant 0 : index
    %get3A_29 = vector.load %arg8[%get3A_27, %get3A_28] : memref<1x32xf32, #tpu.memory_space<vmem>>, vector<1x32xf32>
    %add3A_30 = vector.broadcast %get3A_29 : vector<1x32xf32> to vector<400x32xf32>
    %add3A_31 = arith.addf %dot_general3A_26, %add3A_30 : vector<400x32xf32>
    %reduce_max3A = arith.constant dense<0xFF800000> : vector<400xf32>
    %reduce_max3A_32 = vector.multi_reduction <maximumf>, %add3A_31, %reduce_max3A [1] : vector<400x32xf32> to vector<400xf32>
    %broadcast_in_dim3A = vector.shape_cast %reduce_max3A_32 : vector<400xf32> to vector<400x1xf32>
    %sub3A = vector.broadcast %broadcast_in_dim3A : vector<400x1xf32> to vector<400x32xf32>
    %sub3A_33 = arith.subf %add3A_31, %sub3A : vector<400x32xf32>
    %exp3A = math.exp %sub3A_33 : vector<400x32xf32>
    %reduce_sum3A = arith.constant dense<0.000000e+00> : vector<400xf32>
    %reduce_sum3A_34 = vector.multi_reduction <add>, %exp3A, %reduce_sum3A [1] : vector<400x32xf32> to vector<400xf32>
    %broadcast_in_dim3A_35 = vector.shape_cast %reduce_sum3A_34 : vector<400xf32> to vector<400x1xf32>
    %log3A = math.log %broadcast_in_dim3A_35 : vector<400x1xf32>
    %sub3A_36 = vector.broadcast %log3A : vector<400x1xf32> to vector<400x32xf32>
    %sub3A_37 = arith.subf %sub3A_33, %sub3A_36 : vector<400x32xf32>
    %swap3A = arith.constant 0 : index
    %swap3A_38 = arith.constant 0 : index
    %swap3A_39 = vector.load %arg9[%swap3A, %swap3A_38] : memref<400x32xf32, #tpu.memory_space<vmem>>, vector<400x32xf32>
    tpu.vector_store %arg9[%swap3A, %swap3A_38], %sub3A_37 {strides = array<i32>} : memref<400x32xf32, #tpu.memory_space<vmem>>, vector<400x32xf32>,
    return
  }
  func.func @transform_0(%arg0: i32) -> (i32, i32) {
    %c0_i32 = arith.constant 0 : i32
    %c0_i32_0 = arith.constant 0 : i32
    return %arg0, %c0_i32 : i32, i32
  }
  func.func @transform_1(%arg0: i32) -> (i32, i32) {
    %c0_i32 = arith.constant 0 : i32
    %c0_i32_0 = arith.constant 0 : i32
    return %arg0, %c0_i32 : i32, i32
  }
  func.func @transform_2(%arg0: i32) -> (i32, i32) {
    %c0_i32 = arith.constant 0 : i32
    %c0_i32_0 = arith.constant 0 : i32
    return %arg0, %c0_i32 : i32, i32
  }
  func.func @transform_3(%arg0: i32) -> (i32, i32) {
    %c0_i32 = arith.constant 0 : i32
    %c0_i32_0 = arith.constant 0 : i32
    return %arg0, %c0_i32 : i32, i32
  }
  func.func @transform_4(%arg0: i32) -> (i32, i32) {
    %c0_i32 = arith.constant 0 : i32
    %c0_i32_0 = arith.constant 0 : i32
    return %arg0, %c0_i32 : i32, i32
  }
  func.func @transform_5(%arg0: i32) -> (i32, i32) {
    %c0_i32 = arith.constant 0 : i32
    %c0_i32_0 = arith.constant 0 : i32
    %c0_i32_1 = arith.constant 0 : i32
    return %c0_i32, %c0_i32_0 : i32, i32
  }
  func.func @transform_6(%arg0: i32) -> (i32, i32) {
    %c0_i32 = arith.constant 0 : i32
    %c0_i32_0 = arith.constant 0 : i32
    %c0_i32_1 = arith.constant 0 : i32
    return %c0_i32, %c0_i32_0 : i32, i32
  }
  func.func @transform_7(%arg0: i32) -> (i32, i32) {
    %c0_i32 = arith.constant 0 : i32
    %c0_i32_0 = arith.constant 0 : i32
    %c0_i32_1 = arith.constant 0 : i32
    return %c0_i32, %c0_i32_0 : i32, i32
  }
  func.func @transform_8(%arg0: i32) -> (i32, i32) {
    %c0_i32 = arith.constant 0 : i32
    %c0_i32_0 = arith.constant 0 : i32
    return %arg0, %c0_i32 : i32, i32
  }
}

</mosaic_0001>

<sc_bundles>
// kernel: kernel.10.cloned.1.call-start
scs
__scs_entry_jumppad:
0x0: {  	(pc) =	sbr.rel $0x88, $3  }
0x1: {  	(tag) =	ssettag $0x0;
	lr =	simm.s32 $0x1  }
0x2: {  	[smem:$0x3F97] =	sst lr;
	_ =	strace $0xD0000000  }
0x3: {  	_ = 	snop  }
0x4: {  	_ = 	snop  }
0x5: {  	_ = 	snop  }
0x6: {  	_ = 	snop  }
0x7: {  	_ = 	snop  }
__scs_overlays_trampoline_lowered:
0x8: {  	[smem:$0x3FA6] =	sst s0  }
0x9: {  	[smem:$0x3FA7] =	sst s1  }
0xa: {  	[smem:$0x3FA8] =	sst s2  }
0xb: {  	[smem:$0x3FA9] =	sst s3  }
0xc: {  	[smem:$0x3FAA] =	sst s4  }
0xd: {  	[smem:$0x3FAB] =	sst s5  }
0xe: {  	[smem:$0x3FAC] =	sst s6  }
0xf: {  	[smem:$0x3FAD] =	sst s7  }
0x10: {  	[smem:$0x3FAE] =	sst s8  }
0x11: {  	[smem:$0x3FAF] =	sst s9;
	s0 =	simm.s32 @!p0 $0x0  }
0x12: {  	s1 =	sld [smem:$0x3F95];
	s0 =	simm.s32 @p0 $0x1  }
0x13: {  	[smem:$0x3FB0] =	sst s0;
	s0 =	simm.s32 @!p1 $0x0  }
0x14: {  	s2 =	sld [smem:$0x3F94];
	s0 =	simm.s32 @p1 $0x1  }
0x15: {  	[smem:$0x3FB1] =	sst s0;
	s0 =	simm.s32 @!p2 $0x0  }
0x16: {  	s3 =	sld [smem:$0x3FDB];
	s0 =	simm.s32 @p2 $0x1  }
0x17: {  	s4 =	simm.s32 $0x1BF5;
	[smem:$0x3FB3] =	sst s0  }
0x18: {  	s0 =	sld [smem:$0x3F96];
	_ =	swait.ge [sflag:s4], $0x0  }
0x19: {  	s7 =	sld [smem:$0x3F97]  }
0x1a: {  	s8 =	sadd.s32 $0xFFFFE003, lr  }
0x1b: {  	s9 =	sadd.s32 $0xFFFFFEF7, lr;
	s5 =	simm.s32 $0xFFFFFFFF;
	p2 =	slt.u32 s8, $0xFFFFF086  }
0x1c: {  	p1 =	slt.u32 s9, $0xF7A;
	s5 =	simm.s32 @!p2 $0x0  }
0x1d: {  	s5 =	simm.s32 @p1 $0x1;
	p0 =	seq.s32 s7, s2  }
0x1e: {  	s7 =	smul.u32 @!p0 $0xF7A, s2;
	p2 =	seq.s32 @!p0 s5, $0x0  }
0x1f: {  	s9 =	smul.u32 $0xF7A, s1;
	s8 =	simm.s32 @!p0 $0x1BF5;
	p2 =	por !p2, p0  }
0x20: {  	[sflag:s8] =	ssyncset.s32 @!p0 $0xFFFFF086;
	s6 =	sadd.s32 @!p0 s3, s7;
	s7 =	simm.s32 @!p0 $0x108  }
0x21: {  	s3 =	sadd.s32 s3, s9;
	s6 =	sadd.s32 @!p0 $0x88, s6;
	s7 =	simm.s32 @p2 $0x1082  }
0x22: {  	[simem:s7], [sflag:s8] =	dma.local @!p0 [hbm:s6], $0xF7A  }
0x23: {  	s9 =	sor.u32 $0xD0000000, s2;
	s6 =	simm.s32 $0x108;
	_ =	swait.ge @!p0 [sflag:s8], $0x0  }
0x24: {  	s3 =	sadd.s32 $0x88, s3;
	s6 =	simm.s32 @!p1 $0x1082;
	[sflag:s4] =	ssyncset.s32 $0xFFFFF086  }
0x25: {  	[simem:s6], [sflag:s4] =	dma.local [hbm:s3], $0xF7A  }
0x26: {  	[smem:$0x3F97] =	sst s1;
	(tag) =	ssettag s2;
	_ =	strace s9  }
0x27: {  	s1 =	sld [smem:$0x3FA7]  }
0x28: {  	s2 =	sld [smem:$0x3FA8]  }
0x29: {  	s4 =	sld [smem:$0x3FAA]  }
0x2a: {  	p0 =	seq.s32 s5, $0x0;
	s5 =	sld [smem:$0x3FAB]  }
0x2b: {  	s6 =	sld [smem:$0x3FAC]  }
0x2c: {  	s7 =	sld [smem:$0x3FAD]  }
0x2d: {  	s3 =	simm.s32 $0x108;
	s8 =	sld [smem:$0x3FAE]  }
0x2e: {  	s3 =	simm.s32 @!p0 $0x1082;
	s9 =	sld [smem:$0x3FAF]  }
0x2f: {  	lr =	sadd.s32 s0, s3;
	s0 =	sld [smem:$0x3FA6]  }
0x30: {  	s3 =	sld [smem:$0x3FA9]  }
0x31: {  	[smem:$0x3FB2] =	sst s10  }
0x32: {  	s10 =	sld [smem:$0x3FB0];
	_ =	sdelay $0x3  }
0x33: {  	p0 =	seq.s32 s10, $0x1;
	s10 =	sld [smem:$0x3FB2];
	_ =	sdelay $0x3  }
0x34: {  	[smem:$0x3FB2] =	sst s10  }
0x35: {  	s10 =	sld [smem:$0x3FB1];
	_ =	sdelay $0x3  }
0x36: {  	p1 =	seq.s32 s10, $0x1;
	s10 =	sld [smem:$0x3FB2];
	_ =	sdelay $0x3  }
0x37: {  	[smem:$0x3FB2] =	sst s10  }
0x38: {  	s10 =	sld [smem:$0x3FB3]  }
0x39: {  	_ = 	snop;
	(pc) =	sbr.ind lr, $3  }
0x3a: {  	_ = 	snop  }
0x3b: {  	_ = 	snop  }
0x3c: {  	p2 =	seq.s32 s10, $0x1;
	s10 =	sld [smem:$0x3FB2]  }
0x3d: {  	_ =	shalt  }
0x3e: {  	_ =	shalt  }
0x3f: {  	_ =	shalt  }
0x40: {  	_ =	shalt  }
0x41: {  	_ =	shalt  }
0x42: {  	_ =	shalt  }
0x43: {  	_ =	shalt  }
0x44: {  	_ =	shalt  }
0x45: {  	_ =	shalt  }
0x46: {  	_ =	shalt  }
0x47: {  	_ =	shalt  }
0x48: {  	_ =	shalt  }
0x49: {  	_ =	shalt  }
0x4a: {  	_ =	shalt  }
0x4b: {  	_ =	shalt  }
0x4c: {  	_ =	shalt  }
0x4d: {  	_ =	shalt  }
0x4e: {  	_ =	shalt  }
0x4f: {  	_ =	shalt  }
0x50: {  	_ =	shalt  }
0x51: {  	_ =	shalt  }
0x52: {  	_ =	shalt  }
0x53: {  	_ =	shalt  }
0x54: {  	_ =	shalt  }
0x55: {  	_ =	shalt  }
0x56: {  	_ =	shalt  }
0x57: {  	_ =	shalt  }
0x58: {  	_ =	shalt  }
0x59: {  	_ =	shalt  }
0x5a: {  	_ =	shalt  }
0x5b: {  	_ =	shalt  }
0x5c: {  	_ =	shalt  }
0x5d: {  	_ =	shalt  }
0x5e: {  	_ =	shalt  }
0x5f: {  	_ =	shalt  }
0x60: {  	_ =	shalt  }
0x61: {  	_ =	shalt  }
0x62: {  	_ =	shalt  }
0x63: {  	_ =	shalt  }
0x64: {  	_ =	shalt  }
0x65: {  	_ =	shalt  }
0x66: {  	_ =	shalt  }
0x67: {  	_ =	shalt  }
0x68: {  	_ =	shalt  }
0x69: {  	_ =	shalt  }
0x6a: {  	_ =	shalt  }
0x6b: {  	_ =	shalt  }
0x6c: {  	_ =	shalt  }
0x6d: {  	_ =	shalt  }
0x6e: {  	_ =	shalt  }
0x6f: {  	_ =	shalt  }
0x70: {  	_ =	shalt  }
0x71: {  	_ =	shalt  }
0x72: {  	_ =	shalt  }
0x73: {  	_ =	shalt  }
0x74: {  	_ =	shalt  }
0x75: {  	_ =	shalt  }
0x76: {  	_ =	shalt  }
0x77: {  	_ =	shalt  }
0x78: {  	_ =	shalt  }
0x79: {  	_ =	shalt  }
0x7a: {  	_ =	shalt  }
0x7b: {  	_ =	shalt  }
0x7c: {  	_ =	shalt  }
0x7d: {  	_ =	shalt  }
0x7e: {  	_ =	shalt  }
0x7f: {  	_ =	shalt  }
0x80: {  	_ =	shalt  }
0x81: {  	_ =	shalt  }
0x82: {  	_ =	shalt  }
0x83: {  	_ =	shalt  }
0x84: {  	_ =	shalt  }
0x85: {  	_ =	shalt  }
0x86: {  	_ =	shalt  }
0x87: {  	_ =	shalt  }
.Lfunc_end0:
.L_simem_size_0:
called_computation_lowered:
.L_overlay_start_0:
0x88: {  	s2 =	sld [smem:$0x3FD9]  }
0x89: {  	s3 =	sld [smem:$0x3FFE];
	_ =	sdelay $0x1  }
0x8a: {  	s1 =	srdreg.scid  }
0x8b: {  	s0 =	sand.u32 $0x1, s1  }
0x8c: {  	s16 =	sshll.u32 s0, $0xA;
	s2 =	sadd.s32 s3, s2  }
0x8d: {  	s2 =	sadd.s32 s2, s16  }
0x8e: {  	[smem:$0x3FBE] =	sst s2  }
0x8f: {  	_ = 	snop  }
0x90: {  	(tm) =	ssettm $0x1  }
0x91: {  	s17 =	sld [smem:$0x3FFB];
	_ =	sdelay $0x3  }
0x92: {  	_ =	strace s17  }
0x93: {  	s2 =	sld [smem:$0x3FFC];
	_ =	sdelay $0x3  }
0x94: {  	_ =	strace s2  }
0x95: {  	s2 =	sld [smem:$0x3FFD];
	_ =	sdelay $0x3  }
0x96: {  	_ =	strace s2  }
0x97: {  	_ =	strace $0x8FFFFFFF  }
0x98: {  	s18 =	sld [smem:$0x3FDB];
	_ =	sdelay $0x1  }
0x99: {  	s19 =	simm.s32 $_scs_section_size  }
0x9a: {  	s4 =	simm.s32 $_size__tile_overlayer_lowered;
	s5 =	simm.s32 $_tile_overlayer_lowered  }
0x9b: {  	s22 =	simm.s32 $0x1BFF;
	s21 =	sshll.u32 s5, $0x1;
	s2 =	sadd.s32 s19, s18  }
0x9c: {  	s6 =	simm.s32 $0x0;
	s20 =	sshll.u32 s4, $0x1;
	s4 =	sadd.s32 s21, s2  }
0x9d: {  	[timem:s6], [sflag:s22] =	dma.local [hbm:s4], s20  }
0x9e: {  	_ =	swait.ge [sflag:s22], s20  }
0x9f: {  	s3 =	ssub.s32 $0x0, s20;
	[sflag:s22] =	ssyncset.done $0x0  }
0xa0: {  	[sflag:s22] =	ssyncadd.s32 s3;
	_ =	sdelay $0x1  }
0xa1: {  	s23 =	simm.s32 $0x1B8B  }
0xa2: {  	_ =	swait.ge [sflag:s23], $0x1  }
0xa3: {  	[sflag:s23] =	ssyncset.done $0x0  }
0xa4: {  	s25 =	simm.s32 $0x1B8E;
	s24 =	sld [smem:$0x3FFE];
	[sflag:s23] =	ssyncadd.s32 $0xFFFFFFFF  }
0xa5: {  	s26 =	simm.s32 $execute0_lowered;
	[smem:$0x3FD2] =	sst s25  }
0xa6: {  	s4 =	sshll.u32 s26, $0x1;
	_ =	strace $0x80000046;
	[dreg:$0x1] =	wrdreg $0xFFFFFFFF  }
0xa7: {  	s28 =	simm.s32 $_size_execute0_lowered;
	s2 =	sadd.s32 s2, s4;
	[dreg:$0x0] =	wrdreg $0x0  }
0xa8: {  	s4 =	sshll.u32 s28, $0x1;
	[dreg:$0x2] =	wrdreg s2  }
0xa9: {  	[dreg:$0x3] =	wrdreg s4  }
0xaa: {  	[dreg:$0x4] =	wrdreg $0xC0  }
0xab: {  	_ =	task [dreg:s6], $0x5FFFF  }
0xac: {  	[dreg:$0x1] =	wrdreg $0xFFFFFFFF  }
0xad: {  	[dreg:$0x0] =	wrdreg $0x60  }
0xae: {  	[dreg:$0x2] =	wrdreg s24  }
0xaf: {  	[dreg:$0x3] =	wrdreg $0x81000  }
0xb0: {  	[dreg:$0x4] =	wrdreg $0x9  }
0xb1: {  	_ =	task.clear_ibuf [dreg:s6], $0x5FFFF;
	_ =	strace $0x90000046  }
0xb2: {  	s29 =	simm.s32 $0x9;
	_ =	strace $0x80000048  }
0xb3: {  	_ =	swait.ge [sflag:s29], $0x1  }
0xb4: {  	[sflag:s29] =	ssyncadd.s32 $0xFFFFFFFF  }
0xb5: {  	_ =	strace $0x90000048  }
0xb6: {  	_ =	sfence  }
0xb7: {  	s30 =	sld [smem:$0x0];
	_ =	sdelay $0x2  }
0xb8: {  	s31 =	sshll.u32 s1, $0xD;
	s1 =	sshrl.u32 s1, $0x2  }
0xb9: {  	s3 =	sand.u32 $0x4000, s31;
	s1 =	sadd.s32 s1, s30  }
0xba: {  	s0 =	sor.u32 s3, s0;
	s1 =	sshll.u32 s1, $0x11  }
0xbb: {  	s0 =	sor.u32 s1, s0  }
0xbc: {  	s0 =	sadd.s32 $0x8F2B, s0  }
0xbd: {  	[sflag:s0] =	ssyncadd.remote.s32 $0x1  }
0xbe: {  	_ =	sfence.sel $0xFFFF  }
0xbf: {  	[dreg:$0x0] =	wrdreg $0xFFFFFFFF;
	(pc) =	sbr.abs _section_cstart, $3  }
0xc0: {  	[dreg:$0x1] =	wrdreg $0xFFFFFFFF  }
0xc1: {  	_ =	task.clear_ibuf [dreg:s6], $0x2FFFF;
	_ =	strace $0x9FFFFFFF  }
0xc2: {  	(tm) =	ssettm $0x7FFFFFFF  }
0xc3: {  	_ =	shalt  }
tec
execute0_lowered:
.L_overlay_start_1:
0x0: {  	(tag) =	ssettag $0x1  }
0x1: {  	s10 =	rddreg [dreg:$0x0]  }
0x2: {  	s1 =	rddreg [dreg:$0x1]  }
0x3: {  	s3 =	srdreg.scid;
	s0 =	rddreg [dreg:$0x2];
	s2 =	simm.s32 $0x0  }
0x4: {  	s20 =	stileid.u32;
	s18 =	simm.s32 $0x32800;
	s19 =	simm.s32 $0x100  }
0x5: {  	s21 =	simm.s32 $0x0;
	s4 =	sand.u32 $0x1, s3;
	[smem:$0x7FF] =	sst s2  }
0x6: {  	s9 =	sadd.s32 $0xA200, s10;
	s8 =	smul.u32 $0x280, s20;
	s15 =	sshll.u32 s20, $0x5  }
0x7: {  	s31 =	smul.u32 $0x2800, s20;
	s3 =	sshll.u32 s4, $0x4;
	_ =	strace $0x80000047  }
0x8: {  	s5 =	ssub.s32 $0x2, s4;
	p0 =	seq.s32 s4, $0x1;
	s3 =	sadd.s32 s3, s10  }
0x9: {  	s6 =	sshrl.u32 s5, $0x1;
	s28 =	sshrl.u32 s8, $0x3;
	s11 =	sadd.s32 $0x80, s8  }
0xa: {  	s12 =	sadd.s32 $0x100, s8;
	s13 =	sadd.s32 $0x180, s8;
	s17 =	sadd.s32 $0x200, s8  }
0xb: {  	s18 =	simm.s32 @!p0 $0xA800;
	p0 =	sne.s32 s20, $0x0;
	s20 =	simm.s32 $0x1  }
0xc: {  	s5 =	ssub.s32 s5, s6;
	s16 =	sadd.s32 $0x5200, s3;
	s3 =	sadd.s32 $0xA000, s3  }
0xd: {  	s29 =	sshrl.u32 s11, $0x3;
	s7 =	sshrl.u32 s12, $0x3;
	s14 =	sshrl.u32 s13, $0x3  }
0xe: {  	s30 =	sshrl.u32 s17, $0x3;
	s11 =	sshll.u32 s11, $0x4;
	s12 =	sshll.u32 s12, $0x4  }
0xf: {  	s18 =	sadd.s32 s18, s10;
	s13 =	sshll.u32 s13, $0x4;
	s17 =	sshll.u32 s17, $0x4  }
0x10: {  	s4 =	smax.u32 s5, $0x1;
	s5 =	sadd.s32 s9, s28;
	s6 =	sadd.s32 s9, s29  }
0x11: {  	s7 =	sadd.s32 s9, s7;
	s8 =	sadd.s32 s9, s14;
	s9 =	sadd.s32 s9, s30  }
0x12: {  	s10 =	sadd.s32 s18, s31;
	s11 =	sadd.s32 s18, s11;
	s12 =	sadd.s32 s18, s12  }
0x13: {  	s13 =	sadd.s32 s18, s13;
	s14 =	sadd.s32 s18, s17;
	s15 =	sadd.s32 s15, s16  }
0x14: {  	v0 =	vimm.f32 $1.000000000e+00;
	v1 =	vimm.f32 $0.0e+00;
	s16 =	simm.s32 $0x80;
	s17 =	simm.s32 $0x2;
	s18 =	simm.s32 $0x4100  }
.LBB2_1:
0x15: {  	s22 =	simm.s32 $0x0;
	s23 =	simm.s32 $0x200  }
.LBB2_2:
0x16: {  	p1 =	sne.s32 s23, $0xFE00;
	[tilespmem:s22+$0x170] =	vst v0  }
0x17: {  	[tilespmem:s22+$0x100] =	vst v0  }
0x18: {  	[tilespmem:s22+$0x110] =	vst v0  }
.Ltmp0:
0x19: {  	[tilespmem:s22+$0x120] =	vst v0;
	(pc) =	sbr.rel @p1 .LBB2_2-.Ltmp0, $4  }
0x1a: {  	[tilespmem:s22+$0x130] =	vst v0  }
0x1b: {  	[tilespmem:s22+$0x140] =	vst v0  }
0x1c: {  	[tilespmem:s22+$0x150] =	vst v0  }
0x1d: {  	[tilespmem:s22+$0x160] =	vst v0;
	s22 =	sshra.s32 s23, $0x2;
	s23 =	sadd.s32 $0x200, s23  }
0x1e: {  	[tilespmem:s22+$0x170] =	vst v0  }
0x1f: {  	[tilespmem:s22+$0x100] =	vst v0  }
0x20: {  	[tilespmem:s22+$0x110] =	vst v0  }
0x21: {  	[tilespmem:s22+$0x120] =	vst v0  }
0x22: {  	[tilespmem:s22+$0x130] =	vst v0  }
0x23: {  	[tilespmem:s22+$0x140] =	vst v0  }
0x24: {  	[tilespmem:s22+$0x150] =	vst v0  }
0x25: {  	[tilespmem:s22+$0x160] =	vst v0;
	s22 =	simm.s32 $0x0;
	s23 =	simm.s32 $0x200  }
.LBB2_4:
0x26: {  	p1 =	sne.s32 s23, $0xFE00;
	[tilespmem:s22+$0x4170] =	vst v1  }
0x27: {  	[tilespmem:s22+$0x4100] =	vst v1  }
0x28: {  	[tilespmem:s22+$0x4110] =	vst v1  }
.Ltmp1:
0x29: {  	[tilespmem:s22+$0x4120] =	vst v1;
	(pc) =	sbr.rel @p1 .LBB2_4-.Ltmp1, $4  }
0x2a: {  	[tilespmem:s22+$0x4130] =	vst v1  }
0x2b: {  	[tilespmem:s22+$0x4140] =	vst v1  }
0x2c: {  	[tilespmem:s22+$0x4150] =	vst v1  }
0x2d: {  	[tilespmem:s22+$0x4160] =	vst v1;
	s22 =	sshra.s32 s23, $0x2;
	s23 =	sadd.s32 $0x200, s23  }
0x2e: {  	[tilespmem:s22+$0x4170] =	vst v1  }
0x2f: {  	[tilespmem:s22+$0x4100] =	vst v1  }
0x30: {  	[tilespmem:s22+$0x4110] =	vst v1  }
0x31: {  	[tilespmem:s22+$0x4120] =	vst v1  }
0x32: {  	[tilespmem:s22+$0x4130] =	vst v1  }
0x33: {  	[tilespmem:s22+$0x4140] =	vst v1  }
0x34: {  	[tilespmem:s22+$0x4150] =	vst v1  }
0x35: {  	[tilespmem:s22+$0x4160] =	vst v1;
	s30 =	simm.s32 $0x0  }
0x36: {  	[tilespmem:s16], [sflag:$0x2] =	stream.linear.gather [hbm4b:s5+s30], $0x80, $0x38;
	[tilespmem:$0x1C100] =	vst v63  }
0x37: {  	_ =	swait.ge [sflag:s17], $0x80  }
0x38: {  	[sflag:s17] =	ssyncset.done $0x0  }
0x39: {  	[sflag:s17] =	ssyncadd.s32 $0xFFFFFF80  }
0x3a: {  	[spmem:s1] =	stream.indirect.scatter [tilespmem:s18], [sflag:$0x2], $0x80, s16, s16, $0xb8;
	[tilespmem:$0x1C100] =	vst v63  }
0x3b: {  	_ =	swait.ge [sflag:s17], $0x4000  }
0x3c: {  	[sflag:s17] =	ssyncset.done $0x0  }
0x3d: {  	[sflag:s17] =	ssyncadd.s32 $0xFFFFC000  }
0x3e: {  	[tilespmem:s16], [sflag:$0x2] =	stream.linear.gather [hbm4b:s6+s30], $0x80, $0x38;
	[tilespmem:$0x1C100] =	vst v63  }
0x3f: {  	_ =	swait.ge [sflag:s17], $0x80  }
0x40: {  	[sflag:s17] =	ssyncset.done $0x0  }
0x41: {  	[sflag:s17] =	ssyncadd.s32 $0xFFFFFF80  }
0x42: {  	[spmem:s1] =	stream.indirect.scatter [tilespmem:s18], [sflag:$0x2], $0x80, s16, s16, $0xb8;
	[tilespmem:$0x1C100] =	vst v63  }
0x43: {  	_ =	swait.ge [sflag:s17], $0x4000  }
0x44: {  	[sflag:s17] =	ssyncset.done $0x0  }
0x45: {  	[sflag:s17] =	ssyncadd.s32 $0xFFFFC000  }
0x46: {  	[tilespmem:s16], [sflag:$0x2] =	stream.linear.gather [hbm4b:s7+s30], $0x80, $0x38;
	[tilespmem:$0x1C100] =	vst v63  }
0x47: {  	_ =	swait.ge [sflag:s17], $0x80  }
0x48: {  	[sflag:s17] =	ssyncset.done $0x0  }
0x49: {  	[sflag:s17] =	ssyncadd.s32 $0xFFFFFF80  }
0x4a: {  	[spmem:s1] =	stream.indirect.scatter [tilespmem:s18], [sflag:$0x2], $0x80, s16, s16, $0xb8;
	[tilespmem:$0x1C100] =	vst v63  }
0x4b: {  	_ =	swait.ge [sflag:s17], $0x4000  }
0x4c: {  	[sflag:s17] =	ssyncset.done $0x0  }
0x4d: {  	[sflag:s17] =	ssyncadd.s32 $0xFFFFC000  }
0x4e: {  	[tilespmem:s16], [sflag:$0x2] =	stream.linear.gather [hbm4b:s8+s30], $0x80, $0x38;
	[tilespmem:$0x1C100] =	vst v63  }
0x4f: {  	_ =	swait.ge [sflag:s17], $0x80  }
0x50: {  	[sflag:s17] =	ssyncset.done $0x0  }
0x51: {  	[sflag:s17] =	ssyncadd.s32 $0xFFFFFF80  }
0x52: {  	[spmem:s1] =	stream.indirect.scatter [tilespmem:s18], [sflag:$0x2], $0x80, s16, s16, $0xb8;
	[tilespmem:$0x1C100] =	vst v63  }
0x53: {  	_ =	swait.ge [sflag:s17], $0x4000  }
0x54: {  	[sflag:s17] =	ssyncset.done $0x0  }
0x55: {  	[sflag:s17] =	ssyncadd.s32 $0xFFFFC000  }
0x56: {  	[tilespmem:s16], [sflag:$0x2] =	stream.linear.gather [hbm4b:s9+s30], $0x80, $0x38;
	[tilespmem:$0x1C100] =	vst v63  }
0x57: {  	_ =	swait.ge [sflag:s17], $0x80  }
0x58: {  	[sflag:s17] =	ssyncset.done $0x0  }
0x59: {  	[sflag:s17] =	ssyncadd.s32 $0xFFFFFF80  }
0x5a: {  	[spmem:s1] =	stream.indirect.scatter [tilespmem:s18], [sflag:$0x2], $0x80, s16, s16, $0xb8;
	[tilespmem:$0x1C100] =	vst v63  }
0x5b: {  	_ =	swait.ge [sflag:s17], $0x4000  }
0x5c: {  	[sflag:s17] =	ssyncset.done $0x0  }
0x5d: {  	[sflag:s17] =	ssyncadd.s32 $0xFFFFC000  }
0x5e: {  	s31 =	sadd.s32 $0x0, s15;
	[bflag:$0x0] =	sbarrier.arrive $0xFFFF  }
0x5f: {  	[tilespmem:s2], [sflag:$0x2] =	stream.linear.gather [hbm4b:s31+s2], $0x80, $0x38;
	[tilespmem:$0x1C100] =	vst v63  }
0x60: {  	_ =	swait.ge [sflag:s17], $0x80  }
0x61: {  	[sflag:s17] =	ssyncset.done $0x0  }
0x62: {  	[sflag:s17] =	ssyncadd.s32 $0xFFFFFF80  }
0x63: {  	[spmem:s1] =	stream.indirect.scatter.add.f32 [tilespmem:s19], [sflag:$0x2], $0x80, s2, s16, $0xb8;
	[tilespmem:$0x1C100] =	vst v63  }
0x64: {  	_ =	swait.ge [sflag:s17], $0x4000  }
0x65: {  	s22 =	simm.s32 $0x200;
	s23 =	simm.s32 $0x400;
	[sflag:s17] =	ssyncset.done $0x0  }
.LBB2_6:
0x66: {  	s24 =	sadd.s32 s22, s15  }
0x67: {  	[sflag:s17] =	ssyncadd.s32 $0xFFFFC000;
	s22 =	smov.u32 s23;
	s25 =	sadd.s32 $0x200, s23  }
0x68: {  	[tilespmem:s2], [sflag:$0x2] =	stream.linear.gather [hbm4b:s24+s2], $0x80, $0x38;
	[tilespmem:$0x1C100] =	vst v63  }
0x69: {  	p1 =	sne.s32 s23, $0x4C00;
	_ =	swait.ge [sflag:s17], $0x80  }
.Ltmp2:
0x6a: {  	[sflag:s17] =	ssyncset.done $0x0;
	(pc) =	sbr.rel @p1 .LBB2_6-.Ltmp2, $4  }
0x6b: {  	[sflag:s17] =	ssyncadd.s32 $0xFFFFFF80  }
0x6c: {  	[spmem:s1] =	stream.indirect.scatter.add.f32 [tilespmem:s19], [sflag:$0x2], $0x80, s2, s16, $0xb8;
	[tilespmem:$0x1C100] =	vst v63  }
0x6d: {  	_ =	swait.ge [sflag:s17], $0x4000  }
0x6e: {  	s23 =	smov.u32 s25;
	[sflag:s17] =	ssyncset.done $0x0  }
0x6f: {  	s22 =	sadd.s32 s22, s15;
	[sflag:s17] =	ssyncadd.s32 $0xFFFFC000  }
0x70: {  	[tilespmem:s2], [sflag:$0x2] =	stream.linear.gather [hbm4b:s22+s2], $0x80, $0x38;
	[tilespmem:$0x1C100] =	vst v63  }
0x71: {  	_ =	swait.ge [sflag:s17], $0x80  }
0x72: {  	[sflag:s17] =	ssyncset.done $0x0  }
0x73: {  	[sflag:s17] =	ssyncadd.s32 $0xFFFFFF80  }
0x74: {  	[spmem:s1] =	stream.indirect.scatter.add.f32 [tilespmem:s19], [sflag:$0x2], $0x80, s2, s16, $0xb8;
	[tilespmem:$0x1C100] =	vst v63  }
0x75: {  	_ =	swait.ge [sflag:s17], $0x4000  }
0x76: {  	[sflag:s17] =	ssyncset.done $0x0  }
0x77: {  	s23 =	simm.s32 @!p0 $0x2;
	s22 =	simm.s32 @!p0 $0x0;
	[sflag:s17] =	ssyncadd.s32 $0xFFFFC000  }
0x78: {  	[tilespmem:s22], [sflag:$0x2] =	stream.linear.gather @!p0 [hbm4b:s3+s22], $0x80, $0x38;
	[tilespmem:$0x1C100] =	vst v63  }
0x79: {  	_ =	swait.ge @!p0 [sflag:s23], $0x80  }
0x7a: {  	[sflag:s23] =	ssyncset.done @!p0 $0x0  }
0x7b: {  	s24 =	simm.s32 @!p0 $0x80;
	s25 =	simm.s32 @!p0 $0x100;
	[sflag:s23] =	ssyncadd.s32 @!p0 $0xFFFFFF80  }
0x7c: {  	[spmem:s1] =	stream.indirect.scatter.add.f32 @!p0 [tilespmem:s25], [sflag:$0x2], $0x80, s22, s24, $0xb8;
	[tilespmem:$0x1C100] =	vst v63  }
0x7d: {  	_ =	swait.ge @!p0 [sflag:s23], $0x4000  }
0x7e: {  	[sflag:s23] =	ssyncset.done @!p0 $0x0  }
0x7f: {  	[sflag:s23] =	ssyncadd.s32 @!p0 $0xFFFFC000  }
0x80: {  	[bflag:$0x0] =	sbarrier.arrive $0xFFFF  }
0x81: {  	[tilespmem:s16], [sflag:$0x2] =	stream.linear.gather [hbm4b:s5+s2], $0x80, $0x38;
	[tilespmem:$0x1C100] =	vst v63  }
0x82: {  	_ =	swait.ge [sflag:s17], $0x80  }
0x83: {  	[sflag:s17] =	ssyncset.done $0x0  }
0x84: {  	[sflag:s17] =	ssyncadd.s32 $0xFFFFFF80  }
0x85: {  	[tilespmem:s18], [sflag:$0x1] =	stream.indirect.gather [spmem:s1], $0x80, s16, s16, $0xb8;
	[tilespmem:$0x1C100] =	vst v63  }
0x86: {  	_ =	swait.ge [sflag:s20], $0x4000  }
0x87: {  	[sflag:s20] =	ssyncset.done $0x0  }
0x88: {  	[sflag:s20] =	ssyncadd.s32 $0xFFFFC000  }
0x89: {  	[hbm4b:s10+s2] =	stream.linear.scatter [tilespmem:s18], [sflag:$0x2], $0x4000, $0x38;
	[tilespmem:$0x1C100] =	vst v63  }
0x8a: {  	_ =	swait.ge [sflag:s17], $0x4000  }
0x8b: {  	[sflag:s17] =	ssyncset.done $0x0  }
0x8c: {  	[sflag:s17] =	ssyncadd.s32 $0xFFFFC000  }
0x8d: {  	[tilespmem:s16], [sflag:$0x2] =	stream.linear.gather [hbm4b:s6+s2], $0x80, $0x38;
	[tilespmem:$0x1C100] =	vst v63  }
0x8e: {  	_ =	swait.ge [sflag:s17], $0x80  }
0x8f: {  	[sflag:s17] =	ssyncset.done $0x0  }
0x90: {  	[sflag:s17] =	ssyncadd.s32 $0xFFFFFF80  }
0x91: {  	[tilespmem:s18], [sflag:$0x1] =	stream.indirect.gather [spmem:s1], $0x80, s16, s16, $0xb8;
	[tilespmem:$0x1C100] =	vst v63  }
0x92: {  	_ =	swait.ge [sflag:s20], $0x4000  }
0x93: {  	[sflag:s20] =	ssyncset.done $0x0  }
0x94: {  	[sflag:s20] =	ssyncadd.s32 $0xFFFFC000  }
0x95: {  	[hbm4b:s11+s2] =	stream.linear.scatter [tilespmem:s18], [sflag:$0x2], $0x4000, $0x38;
	[tilespmem:$0x1C100] =	vst v63  }
0x96: {  	_ =	swait.ge [sflag:s17], $0x4000  }
0x97: {  	[sflag:s17] =	ssyncset.done $0x0  }
0x98: {  	[sflag:s17] =	ssyncadd.s32 $0xFFFFC000  }
0x99: {  	[tilespmem:s16], [sflag:$0x2] =	stream.linear.gather [hbm4b:s7+s2], $0x80, $0x38;
	[tilespmem:$0x1C100] =	vst v63  }
0x9a: {  	_ =	swait.ge [sflag:s17], $0x80  }
0x9b: {  	[sflag:s17] =	ssyncset.done $0x0  }
0x9c: {  	[sflag:s17] =	ssyncadd.s32 $0xFFFFFF80  }
0x9d: {  	[tilespmem:s18], [sflag:$0x1] =	stream.indirect.gather [spmem:s1], $0x80, s16, s16, $0xb8;
	[tilespmem:$0x1C100] =	vst v63  }
0x9e: {  	_ =	swait.ge [sflag:s20], $0x4000  }
0x9f: {  	[sflag:s20] =	ssyncset.done $0x0  }
0xa0: {  	[sflag:s20] =	ssyncadd.s32 $0xFFFFC000  }
0xa1: {  	[hbm4b:s12+s2] =	stream.linear.scatter [tilespmem:s18], [sflag:$0x2], $0x4000, $0x38;
	[tilespmem:$0x1C100] =	vst v63  }
0xa2: {  	_ =	swait.ge [sflag:s17], $0x4000  }
0xa3: {  	[sflag:s17] =	ssyncset.done $0x0  }
0xa4: {  	[sflag:s17] =	ssyncadd.s32 $0xFFFFC000  }
0xa5: {  	[tilespmem:s16], [sflag:$0x2] =	stream.linear.gather [hbm4b:s8+s2], $0x80, $0x38;
	[tilespmem:$0x1C100] =	vst v63  }
0xa6: {  	_ =	swait.ge [sflag:s17], $0x80  }
0xa7: {  	[sflag:s17] =	ssyncset.done $0x0  }
0xa8: {  	[sflag:s17] =	ssyncadd.s32 $0xFFFFFF80  }
0xa9: {  	[tilespmem:s18], [sflag:$0x1] =	stream.indirect.gather [spmem:s1], $0x80, s16, s16, $0xb8;
	[tilespmem:$0x1C100] =	vst v63  }
0xaa: {  	_ =	swait.ge [sflag:s20], $0x4000  }
0xab: {  	[sflag:s20] =	ssyncset.done $0x0  }
0xac: {  	[sflag:s20] =	ssyncadd.s32 $0xFFFFC000  }
0xad: {  	[hbm4b:s13+s2] =	stream.linear.scatter [tilespmem:s18], [sflag:$0x2], $0x4000, $0x38;
	[tilespmem:$0x1C100] =	vst v63  }
0xae: {  	_ =	swait.ge [sflag:s17], $0x4000  }
0xaf: {  	[sflag:s17] =	ssyncset.done $0x0  }
0xb0: {  	[sflag:s17] =	ssyncadd.s32 $0xFFFFC000  }
0xb1: {  	[tilespmem:s16], [sflag:$0x2] =	stream.linear.gather [hbm4b:s9+s2], $0x80, $0x38;
	[tilespmem:$0x1C100] =	vst v63  }
0xb2: {  	_ =	swait.ge [sflag:s17], $0x80  }
0xb3: {  	[sflag:s17] =	ssyncset.done $0x0  }
0xb4: {  	[sflag:s17] =	ssyncadd.s32 $0xFFFFFF80  }
0xb5: {  	[tilespmem:s18], [sflag:$0x1] =	stream.indirect.gather [spmem:s1], $0x80, s16, s16, $0xb8;
	[tilespmem:$0x1C100] =	vst v63  }
0xb6: {  	s21 =	sadd.s32 $0x1, s21;
	_ =	swait.ge [sflag:s20], $0x4000  }
0xb7: {  	p1 =	sne.s32 s21, s4;
	[sflag:s20] =	ssyncset.done $0x0  }
.Ltmp3:
0xb8: {  	[sflag:s20] =	ssyncadd.s32 $0xFFFFC000;
	(pc) =	sbr.rel @p1 .LBB2_1-.Ltmp3, $4  }
0xb9: {  	[hbm4b:s14+s2] =	stream.linear.scatter [tilespmem:s18], [sflag:$0x2], $0x4000, $0x38;
	[tilespmem:$0x1C100] =	vst v63  }
0xba: {  	_ =	swait.ge [sflag:s17], $0x4000  }
0xbb: {  	[sflag:s17] =	ssyncset.done $0x0  }
0xbc: {  	[sflag:s17] =	ssyncadd.s32 $0xFFFFC000  }
0xbd: {  	_ =	sfence.sel $0x180000  }
0xbe: {  	[bflag:$0x0] =	sbarrier.arrive $0xFFFF  }
0xbf: {  	_ =	strace $0x90000047  }
0xc0: {  	s0 =	sadd.s32 @!p0 $0x100000, s0;
	[bflag:$0x2] =	sbarrier.arrive $0xFFFF  }
0xc1: {  	[sflag:s0] =	ssyncadd.tile.s32 @!p0 $0x1;
	_ =	shalt  }
.Lfunc_end2:
_tile_overlayer_lowered:
.L_overlay_start_2:
0xc2: {  	(tag) =	ssettag $0x2  }
0xc3: {  	s0 =	rddreg [dreg:$0x0];
	s2 =	stileid.u32  }
0xc4: {  	s1 =	rddreg [dreg:$0x1];
	p0 =	sne.s32 s2, $0x0  }
0xc5: {  	s3 =	rddreg [dreg:$0x2];
	[bflag:$0x3] =	sbarrier.arrive $0xFFFF;
	s2 =	simm.s32 @!p0 $0x1C02  }
0xc6: {  	[timem:s3], [sflag:s2] =	dma.local @!p0 [hbm:s0], s1  }
0xc7: {  	s0 =	simm.s32 @!p0 $0x2  }
0xc8: {  	_ =	swait.ge @!p0 [sflag:s0], s1  }
0xc9: {  	s1 =	ssub.s32 @!p0 $0x0, s1;
	[sflag:s0] =	ssyncset.done @!p0 $0x0  }
0xca: {  	[sflag:s0] =	ssyncadd.s32 @!p0 s1  }
0xcb: {  	[bflag:$0x3] =	sbarrier.arrive $0xFFFF  }
0xcc: {  	_ =	shalt  }

// kernel: kernel.13.cloned.1.call-start
scs
__scs_entry_jumppad:
0x0: {  	(pc) =	sbr.rel $0x88, $3  }
0x1: {  	(tag) =	ssettag $0x0;
	lr =	simm.s32 $0x1  }
0x2: {  	[smem:$0x3F97] =	sst lr;
	_ =	strace $0xD0000000  }
0x3: {  	_ = 	snop  }
0x4: {  	_ = 	snop  }
0x5: {  	_ = 	snop  }
0x6: {  	_ = 	snop  }
0x7: {  	_ = 	snop  }
__scs_overlays_trampoline_lowered:
0x8: {  	[smem:$0x3FA6] =	sst s0  }
0x9: {  	[smem:$0x3FA7] =	sst s1  }
0xa: {  	[smem:$0x3FA8] =	sst s2  }
0xb: {  	[smem:$0x3FA9] =	sst s3  }
0xc: {  	[smem:$0x3FAA] =	sst s4  }
0xd: {  	[smem:$0x3FAB] =	sst s5  }
0xe: {  	[smem:$0x3FAC] =	sst s6  }
0xf: {  	[smem:$0x3FAD] =	sst s7  }
0x10: {  	[smem:$0x3FAE] =	sst s8  }
0x11: {  	[smem:$0x3FAF] =	sst s9;
	s0 =	simm.s32 @!p0 $0x0  }
0x12: {  	s1 =	sld [smem:$0x3F95];
	s0 =	simm.s32 @p0 $0x1  }
0x13: {  	[smem:$0x3FB0] =	sst s0;
	s0 =	simm.s32 @!p1 $0x0  }
0x14: {  	s2 =	sld [smem:$0x3F94];
	s0 =	simm.s32 @p1 $0x1  }
0x15: {  	[smem:$0x3FB1] =	sst s0;
	s0 =	simm.s32 @!p2 $0x0  }
0x16: {  	s3 =	sld [smem:$0x3FDB];
	s0 =	simm.s32 @p2 $0x1  }
0x17: {  	s4 =	simm.s32 $0x1BF5;
	[smem:$0x3FB3] =	sst s0  }
0x18: {  	s0 =	sld [smem:$0x3F96];
	_ =	swait.ge [sflag:s4], $0x0  }
0x19: {  	s7 =	sld [smem:$0x3F97]  }
0x1a: {  	s8 =	sadd.s32 $0xFFFFE003, lr  }
0x1b: {  	s9 =	sadd.s32 $0xFFFFFEF7, lr;
	s5 =	simm.s32 $0xFFFFFFFF;
	p2 =	slt.u32 s8, $0xFFFFF086  }
0x1c: {  	p1 =	slt.u32 s9, $0xF7A;
	s5 =	simm.s32 @!p2 $0x0  }
0x1d: {  	s5 =	simm.s32 @p1 $0x1;
	p0 =	seq.s32 s7, s2  }
0x1e: {  	s7 =	smul.u32 @!p0 $0xF7A, s2;
	p2 =	seq.s32 @!p0 s5, $0x0  }
0x1f: {  	s9 =	smul.u32 $0xF7A, s1;
	s8 =	simm.s32 @!p0 $0x1BF5;
	p2 =	por !p2, p0  }
0x20: {  	[sflag:s8] =	ssyncset.s32 @!p0 $0xFFFFF086;
	s6 =	sadd.s32 @!p0 s3, s7;
	s7 =	simm.s32 @!p0 $0x108  }
0x21: {  	s3 =	sadd.s32 s3, s9;
	s6 =	sadd.s32 @!p0 $0x88, s6;
	s7 =	simm.s32 @p2 $0x1082  }
0x22: {  	[simem:s7], [sflag:s8] =	dma.local @!p0 [hbm:s6], $0xF7A  }
0x23: {  	s9 =	sor.u32 $0xD0000000, s2;
	s6 =	simm.s32 $0x108;
	_ =	swait.ge @!p0 [sflag:s8], $0x0  }
0x24: {  	s3 =	sadd.s32 $0x88, s3;
	s6 =	simm.s32 @!p1 $0x1082;
	[sflag:s4] =	ssyncset.s32 $0xFFFFF086  }
0x25: {  	[simem:s6], [sflag:s4] =	dma.local [hbm:s3], $0xF7A  }
0x26: {  	[smem:$0x3F97] =	sst s1;
	(tag) =	ssettag s2;
	_ =	strace s9  }
0x27: {  	s1 =	sld [smem:$0x3FA7]  }
0x28: {  	s2 =	sld [smem:$0x3FA8]  }
0x29: {  	s4 =	sld [smem:$0x3FAA]  }
0x2a: {  	p0 =	seq.s32 s5, $0x0;
	s5 =	sld [smem:$0x3FAB]  }
0x2b: {  	s6 =	sld [smem:$0x3FAC]  }
0x2c: {  	s7 =	sld [smem:$0x3FAD]  }
0x2d: {  	s3 =	simm.s32 $0x108;
	s8 =	sld [smem:$0x3FAE]  }
0x2e: {  	s3 =	simm.s32 @!p0 $0x1082;
	s9 =	sld [smem:$0x3FAF]  }
0x2f: {  	lr =	sadd.s32 s0, s3;
	s0 =	sld [smem:$0x3FA6]  }
0x30: {  	s3 =	sld [smem:$0x3FA9]  }
0x31: {  	[smem:$0x3FB2] =	sst s10  }
0x32: {  	s10 =	sld [smem:$0x3FB0];
	_ =	sdelay $0x3  }
0x33: {  	p0 =	seq.s32 s10, $0x1;
	s10 =	sld [smem:$0x3FB2];
	_ =	sdelay $0x3  }
0x34: {  	[smem:$0x3FB2] =	sst s10  }
0x35: {  	s10 =	sld [smem:$0x3FB1];
	_ =	sdelay $0x3  }
0x36: {  	p1 =	seq.s32 s10, $0x1;
	s10 =	sld [smem:$0x3FB2];
	_ =	sdelay $0x3  }
0x37: {  	[smem:$0x3FB2] =	sst s10  }
0x38: {  	s10 =	sld [smem:$0x3FB3]  }
0x39: {  	_ = 	snop;
	(pc) =	sbr.ind lr, $3  }
0x3a: {  	_ = 	snop  }
0x3b: {  	_ = 	snop  }
0x3c: {  	p2 =	seq.s32 s10, $0x1;
	s10 =	sld [smem:$0x3FB2]  }
0x3d: {  	_ =	shalt  }
0x3e: {  	_ =	shalt  }
0x3f: {  	_ =	shalt  }
0x40: {  	_ =	shalt  }
0x41: {  	_ =	shalt  }
0x42: {  	_ =	shalt  }
0x43: {  	_ =	shalt  }
0x44: {  	_ =	shalt  }
0x45: {  	_ =	shalt  }
0x46: {  	_ =	shalt  }
0x47: {  	_ =	shalt  }
0x48: {  	_ =	shalt  }
0x49: {  	_ =	shalt  }
0x4a: {  	_ =	shalt  }
0x4b: {  	_ =	shalt  }
0x4c: {  	_ =	shalt  }
0x4d: {  	_ =	shalt  }
0x4e: {  	_ =	shalt  }
0x4f: {  	_ =	shalt  }
0x50: {  	_ =	shalt  }
0x51: {  	_ =	shalt  }
0x52: {  	_ =	shalt  }
0x53: {  	_ =	shalt  }
0x54: {  	_ =	shalt  }
0x55: {  	_ =	shalt  }
0x56: {  	_ =	shalt  }
0x57: {  	_ =	shalt  }
0x58: {  	_ =	shalt  }
0x59: {  	_ =	shalt  }
0x5a: {  	_ =	shalt  }
0x5b: {  	_ =	shalt  }
0x5c: {  	_ =	shalt  }
0x5d: {  	_ =	shalt  }
0x5e: {  	_ =	shalt  }
0x5f: {  	_ =	shalt  }
0x60: {  	_ =	shalt  }
0x61: {  	_ =	shalt  }
0x62: {  	_ =	shalt  }
0x63: {  	_ =	shalt  }
0x64: {  	_ =	shalt  }
0x65: {  	_ =	shalt  }
0x66: {  	_ =	shalt  }
0x67: {  	_ =	shalt  }
0x68: {  	_ =	shalt  }
0x69: {  	_ =	shalt  }
0x6a: {  	_ =	shalt  }
0x6b: {  	_ =	shalt  }
0x6c: {  	_ =	shalt  }
0x6d: {  	_ =	shalt  }
0x6e: {  	_ =	shalt  }
0x6f: {  	_ =	shalt  }
0x70: {  	_ =	shalt  }
0x71: {  	_ =	shalt  }
0x72: {  	_ =	shalt  }
0x73: {  	_ =	shalt  }
0x74: {  	_ =	shalt  }
0x75: {  	_ =	shalt  }
0x76: {  	_ =	shalt  }
0x77: {  	_ =	shalt  }
0x78: {  	_ =	shalt  }
0x79: {  	_ =	shalt  }
0x7a: {  	_ =	shalt  }
0x7b: {  	_ =	shalt  }
0x7c: {  	_ =	shalt  }
0x7d: {  	_ =	shalt  }
0x7e: {  	_ =	shalt  }
0x7f: {  	_ =	shalt  }
0x80: {  	_ =	shalt  }
0x81: {  	_ =	shalt  }
0x82: {  	_ =	shalt  }
0x83: {  	_ =	shalt  }
0x84: {  	_ =	shalt  }
0x85: {  	_ =	shalt  }
0x86: {  	_ =	shalt  }
0x87: {  	_ =	shalt  }
.Lfunc_end0:
.L_simem_size_0:
called_computation.1_lowered:
.L_overlay_start_0:
0x88: {  	s2 =	sld [smem:$0x3FD9]  }
0x89: {  	s3 =	sld [smem:$0x3FFE];
	_ =	sdelay $0x1  }
0x8a: {  	s1 =	srdreg.scid  }
0x8b: {  	s0 =	sand.u32 $0x1, s1  }
0x8c: {  	s17 =	sshll.u32 s0, $0xA;
	s2 =	sadd.s32 s3, s2  }
0x8d: {  	s2 =	sadd.s32 s2, s17  }
0x8e: {  	[smem:$0x3FBE] =	sst s2  }
0x8f: {  	_ = 	snop  }
0x90: {  	s2 =	sld [smem:$0x3FD0];
	(tm) =	ssettm $0x1  }
0x91: {  	s18 =	sld [smem:$0x3FFB];
	_ =	sdelay $0x3  }
0x92: {  	_ =	strace s18  }
0x93: {  	s3 =	sld [smem:$0x3FFC];
	_ =	sdelay $0x3  }
0x94: {  	_ =	strace s3  }
0x95: {  	s3 =	sld [smem:$0x3FFD];
	_ =	sdelay $0x3  }
0x96: {  	_ =	strace s3  }
0x97: {  	_ =	strace $0x8FFFFFFF  }
0x98: {  	s19 =	sld [smem:$0x3FDB];
	_ =	sdelay $0x1  }
0x99: {  	s4 =	simm.s32 $_scs_section_size  }
0x9a: {  	s5 =	simm.s32 $_size__tile_overlayer_lowered;
	s6 =	simm.s32 $_tile_overlayer_lowered  }
0x9b: {  	s22 =	simm.s32 $0x1BFF;
	s21 =	sshll.u32 s6, $0x1;
	s3 =	sadd.s32 s4, s19  }
0x9c: {  	s7 =	simm.s32 $0x0;
	s20 =	sshll.u32 s5, $0x1;
	s5 =	sadd.s32 s21, s3  }
0x9d: {  	[timem:s7], [sflag:s22] =	dma.local [hbm:s5], s20  }
0x9e: {  	_ =	swait.ge [sflag:s22], s20  }
0x9f: {  	s4 =	ssub.s32 $0x0, s20;
	[sflag:s22] =	ssyncset.done $0x0  }
0xa0: {  	[sflag:s22] =	ssyncadd.s32 s4;
	_ =	sdelay $0x1  }
0xa1: {  	s23 =	simm.s32 $0x1B8B  }
0xa2: {  	_ =	swait.ge [sflag:s23], $0x1  }
0xa3: {  	[sflag:s23] =	ssyncset.done $0x0  }
0xa4: {  	s25 =	simm.s32 $0x1B8E;
	s24 =	sld [smem:$0x3FFE];
	[sflag:s23] =	ssyncadd.s32 $0xFFFFFFFF  }
0xa5: {  	s26 =	simm.s32 $execute0_lowered;
	[smem:$0x3FD2] =	sst s25  }
0xa6: {  	s5 =	sshll.u32 s26, $0x1;
	_ =	strace $0x80000049;
	[dreg:$0x1] =	wrdreg $0xFFFFFFFF  }
0xa7: {  	s28 =	simm.s32 $_size_execute0_lowered;
	s3 =	sadd.s32 s3, s5;
	[dreg:$0x0] =	wrdreg $0x0  }
0xa8: {  	s5 =	sshll.u32 s28, $0x1;
	[dreg:$0x2] =	wrdreg s3  }
0xa9: {  	[dreg:$0x3] =	wrdreg s5  }
0xaa: {  	[dreg:$0x4] =	wrdreg $0xC0  }
0xab: {  	_ =	task [dreg:s7], $0x5FFFF  }
0xac: {  	[dreg:$0x1] =	wrdreg $0xFFFFFFFF  }
0xad: {  	[dreg:$0x0] =	wrdreg $0x60  }
0xae: {  	[dreg:$0x2] =	wrdreg s24  }
0xaf: {  	[dreg:$0x3] =	wrdreg s2  }
0xb0: {  	[dreg:$0x4] =	wrdreg $0x82800  }
0xb1: {  	[dreg:$0x5] =	wrdreg $0x9  }
0xb2: {  	_ =	task.clear_ibuf [dreg:s7], $0x6FFFF;
	_ =	strace $0x90000049  }
0xb3: {  	s29 =	simm.s32 $0x9;
	_ =	strace $0x8000004B  }
0xb4: {  	_ =	swait.ge [sflag:s29], $0x1  }
0xb5: {  	[sflag:s29] =	ssyncadd.s32 $0xFFFFFFFF  }
0xb6: {  	_ =	strace $0x9000004B  }
0xb7: {  	_ =	sfence  }
0xb8: {  	s30 =	sld [smem:$0x0];
	_ =	sdelay $0x2  }
0xb9: {  	s31 =	sshll.u32 s1, $0xD;
	s1 =	sshrl.u32 s1, $0x2  }
0xba: {  	s3 =	sand.u32 $0x4000, s31;
	s1 =	sadd.s32 s1, s30  }
0xbb: {  	s0 =	sor.u32 s3, s0;
	s1 =	sshll.u32 s1, $0x11  }
0xbc: {  	s0 =	sor.u32 s1, s0  }
0xbd: {  	s0 =	sadd.s32 $0x8F2B, s0  }
0xbe: {  	[sflag:s0] =	ssyncadd.remote.s32 $0x1  }
0xbf: {  	_ =	sfence.sel $0xFFFF  }
0xc0: {  	[dreg:$0x0] =	wrdreg $0xFFFFFFFF;
	(pc) =	sbr.abs _section_cstart, $3  }
0xc1: {  	[dreg:$0x1] =	wrdreg $0xFFFFFFFF  }
0xc2: {  	_ =	task.clear_ibuf [dreg:s7], $0x2FFFF;
	_ =	strace $0x9FFFFFFF  }
0xc3: {  	(tm) =	ssettm $0x7FFFFFFF  }
tec
execute0_lowered:
.L_overlay_start_1:
0x0: {  	(tag) =	ssettag $0x1  }
0x1: {  	s1 =	rddreg [dreg:$0x0]  }
0x2: {  	s8 =	rddreg [dreg:$0x1]  }
0x3: {  	s0 =	rddreg [dreg:$0x2];
	s2 =	simm.s32 $0x0  }
0x4: {  	s3 =	srdreg.scid;
	s26 =	stileid.u32;
	s28 =	simm.s32 $0x3  }
0x5: {  	s29 =	simm.s32 $0x80;
	s30 =	simm.s32 $0x280;
	s31 =	simm.s32 $0x100  }
0x6: {  	[smem:$0x7FF] =	sst s2;
	s9 =	sadd.s32 $0x5200, s1;
	s10 =	sand.u32 $0x1, s3  }
0x7: {  	s7 =	sadd.s32 $0xA200, s1;
	s5 =	smul.u32 $0x280, s26;
	s11 =	sadd.s32 $0x7FE00, s1  }
0x8: {  	s12 =	sadd.s32 $0xA7E00, s1;
	s14 =	sshll.u32 s26, $0x4;
	p1 =	slt.u32 s26, $0x2  }
0x9: {  	p2 =	sgt.u32 s26, $0x1;
	s3 =	ssub.s32 $0x2, s10;
	s16 =	sor.u32 $0x4E00, s14  }
0xa: {  	p0 =	sne.s32 s10, $0x0;
	s10 =	simm.s32 $0x0;
	s4 =	sshrl.u32 s3, $0x1  }
0xb: {  	s15 =	sadd.s32 $0x80, s5;
	s19 =	sshrl.u32 s5, $0x3;
	s17 =	sadd.s32 $0x100, s5  }
0xc: {  	s18 =	sadd.s32 $0x180, s5;
	s13 =	ssub.s32 s3, s4;
	s20 =	sshrl.u32 s15, $0x3  }
0xd: {  	s3 =	sadd.s32 s7, s19;
	s6 =	sshrl.u32 s17, $0x3;
	s19 =	sadd.s32 $0x200, s5  }
0xe: {  	s21 =	sshrl.u32 s18, $0x3;
	s18 =	sshll.u32 s18, $0x4;
	s15 =	sshll.u32 s15, $0x4  }
0xf: {  	s17 =	sshll.u32 s17, $0x4;
	s4 =	sadd.s32 s7, s20;
	s23 =	sadd.s32 s12, s15  }
0x10: {  	s5 =	sadd.s32 s7, s6;
	s24 =	sadd.s32 s12, s17;
	[dreg:$0x5] =	wrdreg s23  }
0x11: {  	s20 =	sshrl.u32 s19, $0x3;
	s25 =	sadd.s32 s12, s18;
	[dreg:$0x6] =	wrdreg s24  }
0x12: {  	s6 =	sadd.s32 s7, s21;
	[dreg:$0x7] =	wrdreg s25;
	s23 =	sadd.s32 s11, s17  }
0x13: {  	s7 =	sadd.s32 s7, s20;
	s24 =	sadd.s32 s8, s16;
	[dreg:$0xc] =	wrdreg s23  }
0x14: {  	s20 =	smul.u32 $0x2800, s26;
	s25 =	sadd.s32 s9, s16;
	[dreg:$0xb] =	wrdreg s24  }
0x15: {  	s21 =	sshll.u32 s19, $0x4;
	s26 =	simm.s32 $0x200;
	[dreg:$0xd] =	wrdreg s25  }
0x16: {  	s23 =	sadd.s32 $0xA800, s1;
	s24 =	sadd.s32 $0x31A00, s1;
	s22 =	sadd.s32 s12, s20  }
0x17: {  	s25 =	smax.u32 s13, $0x1;
	s12 =	sadd.s32 s12, s21;
	[dreg:$0x4] =	wrdreg s22  }
.Ltmp0:
0x18: {  	s20 =	sadd.s32 s11, s20;
	[dreg:$0x8] =	wrdreg s12;
	(pc) =	sbr.rel .LBB2_1-.Ltmp0, $4  }
0x19: {  	s1 =	simm.s32 $0x4280;
	[dreg:$0x9] =	wrdreg s20;
	s22 =	sadd.s32 s11, s15  }
0x1a: {  	s12 =	sadd.s32 s11, s18;
	s18 =	sadd.s32 s11, s21;
	s21 =	sadd.s32 s14, s8  }
0x1b: {  	s15 =	simm.s32 $0x180;
	s8 =	simm.s32 $0x1;
	[dreg:$0xa] =	wrdreg s22  }
0x1c: {  	v0 =	vimm.f32 $0.0e+00;
	s22 =	sadd.s32 s14, s9;
	s9 =	simm.s32 $0x2;
	_ =	strace $0x8000004A  }
.LBB2_10:
0x1d: {  	s19 =	rddreg [dreg:$0xb]  }
0x1e: {  	[tilespmem:s2], [sflag:$0x3] =	stream.linear.gather [hbm4b:s19+s2], $0x80, $0x38;
	[tilespmem:$0x1C280] =	vst v63  }
0x1f: {  	_ =	swait.ge [sflag:s28], $0x80  }
0x20: {  	[sflag:s28] =	ssyncset.done $0x0  }
0x21: {  	s19 =	rddreg [dreg:$0xd];
	[sflag:s28] =	ssyncadd.s32 $0xFFFFFF80  }
0x22: {  	[tilespmem:s29], [sflag:$0x3] =	stream.linear.gather [hbm4b:s19+s2], $0x80, $0x38;
	[tilespmem:$0x1C280] =	vst v63  }
0x23: {  	_ =	swait.ge [sflag:s28], $0x80  }
0x24: {  	[sflag:s28] =	ssyncset.done $0x0  }
0x25: {  	[sflag:s28] =	ssyncadd.s32 $0xFFFFFF80  }
0x26: {  	[tilespmem:s30], [sflag:$0x1] =	stream.indirect.gather [hbm4b:s13+s29], $0x80, s2, s29, $0xb8;
	[tilespmem:$0x1C280] =	vst v63  }
0x27: {  	_ =	swait.ge [sflag:s8], $0x4000  }
0x28: {  	[sflag:s8] =	ssyncset.done $0x0  }
0x29: {  	[sflag:s8] =	ssyncadd.s32 $0xFFFFC000  }
0x2a: {  	[spmem:s0] =	stream.indirect.scatter.add.f32 [tilespmem:s30], [sflag:$0x3], $0x80, s29, s29, $0xb8;
	[tilespmem:$0x1C280] =	vst v63  }
0x2b: {  	_ =	swait.ge [sflag:s28], $0x4000  }
0x2c: {  	[sflag:s28] =	ssyncset.done $0x0  }
0x2d: {  	[sflag:s28] =	ssyncadd.s32 $0xFFFFC000  }
.LBB2_11:
0x2e: {  	[bflag:$0x0] =	sbarrier.arrive $0xFFFF  }
0x2f: {  	[tilespmem:s26], [sflag:$0x3] =	stream.linear.gather [hbm4b:s3+s2], $0x80, $0x38;
	[tilespmem:$0x1C280] =	vst v63  }
0x30: {  	_ =	swait.ge [sflag:s28], $0x80  }
0x31: {  	[sflag:s28] =	ssyncset.done $0x0  }
0x32: {  	[sflag:s28] =	ssyncadd.s32 $0xFFFFFF80  }
0x33: {  	[tilespmem:s30], [sflag:$0x1] =	stream.indirect.gather [spmem:s0], $0x80, s26, s29, $0xb8;
	[tilespmem:$0x1C280] =	vst v63  }
0x34: {  	_ =	swait.ge [sflag:s8], $0x4000  }
0x35: {  	[sflag:s8] =	ssyncset.done $0x0  }
0x36: {  	[sflag:s8] =	ssyncadd.s32 $0xFFFFC000  }
0x37: {  	[hbm4b:s20+s2] =	stream.linear.scatter [tilespmem:s30], [sflag:$0x3], $0x4000, $0x38;
	[tilespmem:$0x1C280] =	vst v63  }
0x38: {  	_ =	swait.ge [sflag:s28], $0x4000  }
0x39: {  	[sflag:s28] =	ssyncset.done $0x0  }
0x3a: {  	[sflag:s28] =	ssyncadd.s32 $0xFFFFC000  }
0x3b: {  	[tilespmem:s26], [sflag:$0x3] =	stream.linear.gather [hbm4b:s4+s2], $0x80, $0x38;
	[tilespmem:$0x1C280] =	vst v63  }
0x3c: {  	_ =	swait.ge [sflag:s28], $0x80  }
0x3d: {  	[sflag:s28] =	ssyncset.done $0x0  }
0x3e: {  	[sflag:s28] =	ssyncadd.s32 $0xFFFFFF80  }
0x3f: {  	[tilespmem:s30], [sflag:$0x1] =	stream.indirect.gather [spmem:s0], $0x80, s26, s29, $0xb8;
	[tilespmem:$0x1C280] =	vst v63  }
0x40: {  	_ =	swait.ge [sflag:s8], $0x4000  }
0x41: {  	[sflag:s8] =	ssyncset.done $0x0  }
0x42: {  	[sflag:s8] =	ssyncadd.s32 $0xFFFFC000  }
0x43: {  	[hbm4b:s14+s2] =	stream.linear.scatter [tilespmem:s30], [sflag:$0x3], $0x4000, $0x38;
	[tilespmem:$0x1C280] =	vst v63  }
0x44: {  	_ =	swait.ge [sflag:s28], $0x4000  }
0x45: {  	[sflag:s28] =	ssyncset.done $0x0  }
0x46: {  	[sflag:s28] =	ssyncadd.s32 $0xFFFFC000  }
0x47: {  	[tilespmem:s26], [sflag:$0x3] =	stream.linear.gather [hbm4b:s5+s2], $0x80, $0x38;
	[tilespmem:$0x1C280] =	vst v63  }
0x48: {  	_ =	swait.ge [sflag:s28], $0x80  }
0x49: {  	[sflag:s28] =	ssyncset.done $0x0  }
0x4a: {  	[sflag:s28] =	ssyncadd.s32 $0xFFFFFF80  }
0x4b: {  	[tilespmem:s30], [sflag:$0x1] =	stream.indirect.gather [spmem:s0], $0x80, s26, s29, $0xb8;
	[tilespmem:$0x1C280] =	vst v63  }
0x4c: {  	_ =	swait.ge [sflag:s8], $0x4000  }
0x4d: {  	[sflag:s8] =	ssyncset.done $0x0  }
0x4e: {  	[sflag:s8] =	ssyncadd.s32 $0xFFFFC000  }
0x4f: {  	[hbm4b:s16+s2] =	stream.linear.scatter [tilespmem:s30], [sflag:$0x3], $0x4000, $0x38;
	[tilespmem:$0x1C280] =	vst v63  }
0x50: {  	_ =	swait.ge [sflag:s28], $0x4000  }
0x51: {  	[sflag:s28] =	ssyncset.done $0x0  }
0x52: {  	[sflag:s28] =	ssyncadd.s32 $0xFFFFC000  }
0x53: {  	[tilespmem:s26], [sflag:$0x3] =	stream.linear.gather [hbm4b:s6+s2], $0x80, $0x38;
	[tilespmem:$0x1C280] =	vst v63  }
0x54: {  	_ =	swait.ge [sflag:s28], $0x80  }
0x55: {  	[sflag:s28] =	ssyncset.done $0x0  }
0x56: {  	[sflag:s28] =	ssyncadd.s32 $0xFFFFFF80  }
0x57: {  	[tilespmem:s30], [sflag:$0x1] =	stream.indirect.gather [spmem:s0], $0x80, s26, s29, $0xb8;
	[tilespmem:$0x1C280] =	vst v63  }
0x58: {  	_ =	swait.ge [sflag:s8], $0x4000  }
0x59: {  	[sflag:s8] =	ssyncset.done $0x0  }
0x5a: {  	[sflag:s8] =	ssyncadd.s32 $0xFFFFC000  }
0x5b: {  	[hbm4b:s17+s2] =	stream.linear.scatter [tilespmem:s30], [sflag:$0x3], $0x4000, $0x38;
	[tilespmem:$0x1C280] =	vst v63  }
0x5c: {  	_ =	swait.ge [sflag:s28], $0x4000  }
0x5d: {  	[sflag:s28] =	ssyncset.done $0x0  }
0x5e: {  	[sflag:s28] =	ssyncadd.s32 $0xFFFFC000  }
0x5f: {  	[tilespmem:s26], [sflag:$0x3] =	stream.linear.gather [hbm4b:s7+s2], $0x80, $0x38;
	[tilespmem:$0x1C280] =	vst v63  }
0x60: {  	_ =	swait.ge [sflag:s28], $0x80  }
0x61: {  	[sflag:s28] =	ssyncset.done $0x0  }
0x62: {  	[sflag:s28] =	ssyncadd.s32 $0xFFFFFF80  }
0x63: {  	[tilespmem:s30], [sflag:$0x1] =	stream.indirect.gather [spmem:s0], $0x80, s26, s29, $0xb8;
	[tilespmem:$0x1C280] =	vst v63  }
0x64: {  	s10 =	sadd.s32 $0x1, s10;
	_ =	swait.ge [sflag:s8], $0x4000  }
0x65: {  	p3 =	sne.s32 s10, s25;
	[sflag:s8] =	ssyncset.done $0x0  }
.Ltmp1:
0x66: {  	[sflag:s8] =	ssyncadd.s32 $0xFFFFC000;
	(pc) =	sbr.rel @!p3 .LBB2_12-.Ltmp1, $4  }
0x67: {  	[hbm4b:s11+s2] =	stream.linear.scatter [tilespmem:s30], [sflag:$0x3], $0x4000, $0x38;
	[tilespmem:$0x1C280] =	vst v63  }
0x68: {  	_ =	swait.ge [sflag:s28], $0x4000  }
0x69: {  	[sflag:s28] =	ssyncset.done $0x0  }
0x6a: {  	[sflag:s28] =	ssyncadd.s32 $0xFFFFC000  }
.LBB2_1:
0x6b: {  	s11 =	simm.s32 $0x0;
	s13 =	simm.s32 $0x200  }
.LBB2_2:
0x6c: {  	p3 =	sne.s32 s13, $0xFE00;
	[tilespmem:s11+$0x2F0] =	vst v0  }
0x6d: {  	[tilespmem:s11+$0x280] =	vst v0  }
0x6e: {  	[tilespmem:s11+$0x290] =	vst v0  }
.Ltmp2:
0x6f: {  	[tilespmem:s11+$0x2A0] =	vst v0;
	(pc) =	sbr.rel @p3 .LBB2_2-.Ltmp2, $4  }
0x70: {  	[tilespmem:s11+$0x2B0] =	vst v0  }
0x71: {  	[tilespmem:s11+$0x2C0] =	vst v0  }
0x72: {  	[tilespmem:s11+$0x2D0] =	vst v0  }
0x73: {  	[tilespmem:s11+$0x2E0] =	vst v0;
	s11 =	sshra.s32 s13, $0x2;
	s13 =	sadd.s32 $0x200, s13  }
0x74: {  	[tilespmem:s11+$0x2F0] =	vst v0  }
0x75: {  	[tilespmem:s11+$0x280] =	vst v0  }
0x76: {  	[tilespmem:s11+$0x290] =	vst v0  }
0x77: {  	[tilespmem:s11+$0x2A0] =	vst v0  }
0x78: {  	[tilespmem:s11+$0x2B0] =	vst v0  }
0x79: {  	[tilespmem:s11+$0x2C0] =	vst v0  }
0x7a: {  	[tilespmem:s11+$0x2D0] =	vst v0  }
0x7b: {  	[tilespmem:s11+$0x2E0] =	vst v0;
	s20 =	simm.s32 $0x0  }
0x7c: {  	[tilespmem:s26], [sflag:$0x3] =	stream.linear.gather [hbm4b:s3+s20], $0x80, $0x38;
	[tilespmem:$0x1C280] =	vst v63  }
0x7d: {  	_ =	swait.ge [sflag:s28], $0x80  }
0x7e: {  	[sflag:s28] =	ssyncset.done $0x0  }
0x7f: {  	[sflag:s28] =	ssyncadd.s32 $0xFFFFFF80  }
0x80: {  	[spmem:s0] =	stream.indirect.scatter [tilespmem:s30], [sflag:$0x3], $0x80, s26, s29, $0xb8;
	[tilespmem:$0x1C280] =	vst v63  }
0x81: {  	_ =	swait.ge [sflag:s28], $0x4000  }
0x82: {  	[sflag:s28] =	ssyncset.done $0x0  }
0x83: {  	[sflag:s28] =	ssyncadd.s32 $0xFFFFC000  }
0x84: {  	[tilespmem:s26], [sflag:$0x3] =	stream.linear.gather [hbm4b:s4+s20], $0x80, $0x38;
	[tilespmem:$0x1C280] =	vst v63  }
0x85: {  	_ =	swait.ge [sflag:s28], $0x80  }
0x86: {  	[sflag:s28] =	ssyncset.done $0x0  }
0x87: {  	[sflag:s28] =	ssyncadd.s32 $0xFFFFFF80  }
0x88: {  	[spmem:s0] =	stream.indirect.scatter [tilespmem:s30], [sflag:$0x3], $0x80, s26, s29, $0xb8;
	[tilespmem:$0x1C280] =	vst v63  }
0x89: {  	_ =	swait.ge [sflag:s28], $0x4000  }
0x8a: {  	[sflag:s28] =	ssyncset.done $0x0  }
0x8b: {  	[sflag:s28] =	ssyncadd.s32 $0xFFFFC000  }
0x8c: {  	[tilespmem:s26], [sflag:$0x3] =	stream.linear.gather [hbm4b:s5+s20], $0x80, $0x38;
	[tilespmem:$0x1C280] =	vst v63  }
0x8d: {  	_ =	swait.ge [sflag:s28], $0x80  }
0x8e: {  	[sflag:s28] =	ssyncset.done $0x0  }
0x8f: {  	[sflag:s28] =	ssyncadd.s32 $0xFFFFFF80  }
0x90: {  	[spmem:s0] =	stream.indirect.scatter [tilespmem:s30], [sflag:$0x3], $0x80, s26, s29, $0xb8;
	[tilespmem:$0x1C280] =	vst v63  }
0x91: {  	_ =	swait.ge [sflag:s28], $0x4000  }
0x92: {  	[sflag:s28] =	ssyncset.done $0x0  }
0x93: {  	[sflag:s28] =	ssyncadd.s32 $0xFFFFC000  }
0x94: {  	[tilespmem:s26], [sflag:$0x3] =	stream.linear.gather [hbm4b:s6+s20], $0x80, $0x38;
	[tilespmem:$0x1C280] =	vst v63  }
0x95: {  	_ =	swait.ge [sflag:s28], $0x80  }
0x96: {  	[sflag:s28] =	ssyncset.done $0x0  }
0x97: {  	[sflag:s28] =	ssyncadd.s32 $0xFFFFFF80  }
0x98: {  	[spmem:s0] =	stream.indirect.scatter [tilespmem:s30], [sflag:$0x3], $0x80, s26, s29, $0xb8;
	[tilespmem:$0x1C280] =	vst v63  }
0x99: {  	_ =	swait.ge [sflag:s28], $0x4000  }
0x9a: {  	[sflag:s28] =	ssyncset.done $0x0  }
0x9b: {  	[sflag:s28] =	ssyncadd.s32 $0xFFFFC000  }
0x9c: {  	[tilespmem:s26], [sflag:$0x3] =	stream.linear.gather [hbm4b:s7+s20], $0x80, $0x38;
	[tilespmem:$0x1C280] =	vst v63  }
0x9d: {  	_ =	swait.ge [sflag:s28], $0x80  }
0x9e: {  	[sflag:s28] =	ssyncset.done $0x0  }
0x9f: {  	[sflag:s28] =	ssyncadd.s32 $0xFFFFFF80  }
0xa0: {  	[spmem:s0] =	stream.indirect.scatter [tilespmem:s30], [sflag:$0x3], $0x80, s26, s29, $0xb8;
	[tilespmem:$0x1C280] =	vst v63  }
.Ltmp3:
0xa1: {  	_ =	swait.ge [sflag:s28], $0x4000;
	(pc) =	sbr.rel @p0 .LBB2_7-.Ltmp3, $4  }
0xa2: {  	[sflag:s28] =	ssyncset.done $0x0  }
0xa3: {  	[sflag:s28] =	ssyncadd.s32 $0xFFFFC000  }
0xa4: {  	[bflag:$0x0] =	sbarrier.arrive $0xFFFF  }
0xa5: {  	s11 =	sadd.s32 $0x0, s21  }
0xa6: {  	[tilespmem:s2], [sflag:$0x3] =	stream.linear.gather [hbm4b:s11+s2], $0x80, $0x38;
	[tilespmem:$0x1C280] =	vst v63  }
0xa7: {  	_ =	swait.ge [sflag:s28], $0x80  }
0xa8: {  	[sflag:s28] =	ssyncset.done $0x0  }
0xa9: {  	s13 =	sadd.s32 $0x0, s22;
	[sflag:s28] =	ssyncadd.s32 $0xFFFFFF80  }
0xaa: {  	[tilespmem:s29], [sflag:$0x3] =	stream.linear.gather [hbm4b:s13+s2], $0x80, $0x38;
	[tilespmem:$0x1C280] =	vst v63  }
0xab: {  	_ =	swait.ge [sflag:s28], $0x80  }
0xac: {  	[sflag:s28] =	ssyncset.done $0x0  }
0xad: {  	[sflag:s28] =	ssyncadd.s32 $0xFFFFFF80  }
0xae: {  	[tilespmem:s30], [sflag:$0x1] =	stream.indirect.gather [hbm4b:s23+s29], $0x80, s2, s29, $0xb8;
	[tilespmem:$0x1C280] =	vst v63  }
0xaf: {  	s19 =	sadd.s32 $0x100, s11  }
0xb0: {  	[tilespmem:s31], [sflag:$0x3] =	stream.linear.gather [hbm4b:s19+s2], $0x80, $0x38;
	[tilespmem:$0x1C280] =	vst v63  }
0xb1: {  	_ =	swait.ge [sflag:s28], $0x80  }
0xb2: {  	[sflag:s28] =	ssyncset.done $0x0  }
0xb3: {  	s20 =	sadd.s32 $0x100, s13;
	[sflag:s28] =	ssyncadd.s32 $0xFFFFFF80  }
0xb4: {  	[tilespmem:s15], [sflag:$0x3] =	stream.linear.gather [hbm4b:s20+s2], $0x80, $0x38;
	[tilespmem:$0x1C280] =	vst v63  }
0xb5: {  	_ =	swait.ge [sflag:s28], $0x80  }
0xb6: {  	[sflag:s28] =	ssyncset.done $0x0  }
0xb7: {  	[sflag:s28] =	ssyncadd.s32 $0xFFFFFF80  }
0xb8: {  	[tilespmem:s1], [sflag:$0x2] =	stream.indirect.gather [hbm4b:s23+s29], $0x80, s31, s29, $0xb8;
	[tilespmem:$0x1C280] =	vst v63  }
0xb9: {  	_ =	swait.ge [sflag:s8], $0x4000  }
0xba: {  	[sflag:s8] =	ssyncset.done $0x0  }
0xbb: {  	[sflag:s8] =	ssyncadd.s32 $0xFFFFC000  }
0xbc: {  	[spmem:s0] =	stream.indirect.scatter.add.f32 [tilespmem:s30], [sflag:$0x3], $0x80, s29, s29, $0xb8;
	[tilespmem:$0x1C280] =	vst v63  }
0xbd: {  	_ =	swait.ge [sflag:s28], $0x4000  }
0xbe: {  	[sflag:s28] =	ssyncset.done $0x0  }
0xbf: {  	[sflag:s28] =	ssyncadd.s32 $0xFFFFC000  }
0xc0: {  	_ =	swait.ge [sflag:s9], $0x4000  }
0xc1: {  	[sflag:s9] =	ssyncset.done $0x0  }
0xc2: {  	[sflag:s9] =	ssyncadd.s32 $0xFFFFC000  }
0xc3: {  	[spmem:s0] =	stream.indirect.scatter.add.f32 [tilespmem:s1], [sflag:$0x3], $0x80, s15, s29, $0xb8;
	[tilespmem:$0x1C280] =	vst v63  }
0xc4: {  	_ =	swait.ge [sflag:s28], $0x4000  }
0xc5: {  	s11 =	simm.s32 $0x200;
	s13 =	simm.s32 $0x400;
	[sflag:s28] =	ssyncset.done $0x0  }
.LBB2_5:
0xc6: {  	s14 =	sadd.s32 s11, s21  }
0xc7: {  	[sflag:s28] =	ssyncadd.s32 $0xFFFFC000;
	s16 =	smov.u32 s13;
	s17 =	sadd.s32 $0x200, s13  }
0xc8: {  	[tilespmem:s2], [sflag:$0x3] =	stream.linear.gather [hbm4b:s14+s2], $0x80, $0x38;
	[tilespmem:$0x1C280] =	vst v63  }
0xc9: {  	p3 =	sne.s32 s13, $0x4C00;
	_ =	swait.ge [sflag:s28], $0x80  }
0xca: {  	[sflag:s28] =	ssyncset.done $0x0  }
0xcb: {  	s13 =	sadd.s32 s11, s22;
	s11 =	smov.u32 s16;
	[sflag:s28] =	ssyncadd.s32 $0xFFFFFF80  }
0xcc: {  	[tilespmem:s29], [sflag:$0x3] =	stream.linear.gather [hbm4b:s13+s2], $0x80, $0x38;
	[tilespmem:$0x1C280] =	vst v63  }
0xcd: {  	_ =	swait.ge [sflag:s28], $0x80  }
0xce: {  	[sflag:s28] =	ssyncset.done $0x0  }
0xcf: {  	[sflag:s28] =	ssyncadd.s32 $0xFFFFFF80  }
0xd0: {  	[tilespmem:s30], [sflag:$0x1] =	stream.indirect.gather [hbm4b:s23+s29], $0x80, s2, s29, $0xb8;
	[tilespmem:$0x1C280] =	vst v63  }
0xd1: {  	s14 =	sadd.s32 $0x100, s14  }
0xd2: {  	[tilespmem:s31], [sflag:$0x3] =	stream.linear.gather [hbm4b:s14+s2], $0x80, $0x38;
	[tilespmem:$0x1C280] =	vst v63  }
0xd3: {  	_ =	swait.ge [sflag:s28], $0x80  }
0xd4: {  	[sflag:s28] =	ssyncset.done $0x0  }
0xd5: {  	s13 =	sadd.s32 $0x100, s13;
	[sflag:s28] =	ssyncadd.s32 $0xFFFFFF80  }
0xd6: {  	[tilespmem:s15], [sflag:$0x3] =	stream.linear.gather [hbm4b:s13+s2], $0x80, $0x38;
	[tilespmem:$0x1C280] =	vst v63  }
0xd7: {  	_ =	swait.ge [sflag:s28], $0x80  }
0xd8: {  	[sflag:s28] =	ssyncset.done $0x0  }
0xd9: {  	[sflag:s28] =	ssyncadd.s32 $0xFFFFFF80  }
0xda: {  	[tilespmem:s1], [sflag:$0x2] =	stream.indirect.gather [hbm4b:s23+s29], $0x80, s31, s29, $0xb8;
	[tilespmem:$0x1C280] =	vst v63  }
0xdb: {  	_ =	swait.ge [sflag:s8], $0x4000  }
0xdc: {  	[sflag:s8] =	ssyncset.done $0x0  }
0xdd: {  	[sflag:s8] =	ssyncadd.s32 $0xFFFFC000  }
0xde: {  	[spmem:s0] =	stream.indirect.scatter.add.f32 [tilespmem:s30], [sflag:$0x3], $0x80, s29, s29, $0xb8;
	[tilespmem:$0x1C280] =	vst v63  }
0xdf: {  	_ =	swait.ge [sflag:s28], $0x4000  }
0xe0: {  	[sflag:s28] =	ssyncset.done $0x0  }
0xe1: {  	[sflag:s28] =	ssyncadd.s32 $0xFFFFC000  }
0xe2: {  	_ =	swait.ge [sflag:s9], $0x4000  }
.Ltmp4:
0xe3: {  	[sflag:s9] =	ssyncset.done $0x0;
	(pc) =	sbr.rel @p3 .LBB2_5-.Ltmp4, $4  }
0xe4: {  	[sflag:s9] =	ssyncadd.s32 $0xFFFFC000  }
0xe5: {  	[spmem:s0] =	stream.indirect.scatter.add.f32 [tilespmem:s1], [sflag:$0x3], $0x80, s15, s29, $0xb8;
	[tilespmem:$0x1C280] =	vst v63  }
0xe6: {  	_ =	swait.ge [sflag:s28], $0x4000  }
0xe7: {  	s13 =	smov.u32 s17;
	[sflag:s28] =	ssyncset.done $0x0  }
0xe8: {  	s13 =	sadd.s32 s11, s21;
	[sflag:s28] =	ssyncadd.s32 $0xFFFFC000  }
0xe9: {  	[tilespmem:s2], [sflag:$0x3] =	stream.linear.gather [hbm4b:s13+s2], $0x80, $0x38;
	[tilespmem:$0x1C280] =	vst v63  }
0xea: {  	_ =	swait.ge [sflag:s28], $0x80  }
0xeb: {  	[sflag:s28] =	ssyncset.done $0x0  }
0xec: {  	s20 =	sadd.s32 s11, s22;
	[sflag:s28] =	ssyncadd.s32 $0xFFFFFF80  }
0xed: {  	[tilespmem:s29], [sflag:$0x3] =	stream.linear.gather [hbm4b:s20+s2], $0x80, $0x38;
	[tilespmem:$0x1C280] =	vst v63  }
0xee: {  	_ =	swait.ge [sflag:s28], $0x80  }
0xef: {  	[sflag:s28] =	ssyncset.done $0x0  }
0xf0: {  	[sflag:s28] =	ssyncadd.s32 $0xFFFFFF80  }
0xf1: {  	[tilespmem:s30], [sflag:$0x1] =	stream.indirect.gather [hbm4b:s23+s29], $0x80, s2, s29, $0xb8;
	[tilespmem:$0x1C280] =	vst v63  }
0xf2: {  	s13 =	sadd.s32 $0x100, s13  }
0xf3: {  	[tilespmem:s31], [sflag:$0x3] =	stream.linear.gather [hbm4b:s13+s2], $0x80, $0x38;
	[tilespmem:$0x1C280] =	vst v63  }
0xf4: {  	_ =	swait.ge [sflag:s28], $0x80  }
0xf5: {  	[sflag:s28] =	ssyncset.done $0x0  }
0xf6: {  	s11 =	sadd.s32 $0x100, s20;
	[sflag:s28] =	ssyncadd.s32 $0xFFFFFF80  }
0xf7: {  	[tilespmem:s15], [sflag:$0x3] =	stream.linear.gather [hbm4b:s11+s2], $0x80, $0x38;
	[tilespmem:$0x1C280] =	vst v63  }
0xf8: {  	_ =	swait.ge [sflag:s28], $0x80  }
0xf9: {  	[sflag:s28] =	ssyncset.done $0x0  }
0xfa: {  	[sflag:s28] =	ssyncadd.s32 $0xFFFFFF80  }
0xfb: {  	[tilespmem:s1], [sflag:$0x2] =	stream.indirect.gather [hbm4b:s23+s29], $0x80, s31, s29, $0xb8;
	[tilespmem:$0x1C280] =	vst v63  }
0xfc: {  	_ =	swait.ge [sflag:s8], $0x4000  }
0xfd: {  	[sflag:s8] =	ssyncset.done $0x0  }
0xfe: {  	[sflag:s8] =	ssyncadd.s32 $0xFFFFC000  }
0xff: {  	[spmem:s0] =	stream.indirect.scatter.add.f32 [tilespmem:s30], [sflag:$0x3], $0x80, s29, s29, $0xb8;
	[tilespmem:$0x1C280] =	vst v63  }
0x100: {  	_ =	swait.ge [sflag:s28], $0x4000  }
0x101: {  	[sflag:s28] =	ssyncset.done $0x0  }
0x102: {  	[sflag:s28] =	ssyncadd.s32 $0xFFFFC000  }
0x103: {  	_ =	swait.ge [sflag:s9], $0x4000  }
0x104: {  	[sflag:s9] =	ssyncset.done $0x0  }
0x105: {  	[sflag:s9] =	ssyncadd.s32 $0xFFFFC000  }
0x106: {  	[spmem:s0] =	stream.indirect.scatter.add.f32 [tilespmem:s1], [sflag:$0x3], $0x80, s15, s29, $0xb8;
	[tilespmem:$0x1C280] =	vst v63  }
.Ltmp5:
0x107: {  	_ = 	snop;
	(pc) =	sbr.rel @p1 .LBB2_10-.Ltmp5, $4  }
.Ltmp6:
0x108: {  	_ =	swait.ge [sflag:s28], $0x4000;
	(pc) =	sbr.rel @!p1 .LBB2_11-.Ltmp6, $4  }
0x109: {  	s17 =	smov.u32 s12;
	s20 =	rddreg [dreg:$0x9]  }
0x10a: {  	s13 =	smov.u32 s23;
	[sflag:s28] =	ssyncset.done $0x0;
	s14 =	rddreg [dreg:$0xa]  }
0x10b: {  	s11 =	smov.u32 s18;
	s16 =	rddreg [dreg:$0xc];
	[sflag:s28] =	ssyncadd.s32 $0xFFFFC000  }
0x10c: {  	_ = 	snop  }
.LBB2_7:
0x10d: {  	[tilespmem:s2], [sflag:$0x3] =	stream.linear.gather [hbm4b:s11+s2], $0x80, $0x38;
	[tilespmem:$0x1C280] =	vst v63  }
0x10e: {  	_ =	swait.ge [sflag:s28], $0x80  }
0x10f: {  	[sflag:s28] =	ssyncset.done $0x0  }
0x110: {  	s13 =	sadd.s32 $0x0, s22;
	[sflag:s28] =	ssyncadd.s32 $0xFFFFFF80  }
0x111: {  	[tilespmem:s29], [sflag:$0x3] =	stream.linear.gather [hbm4b:s13+s2], $0x80, $0x38;
	[tilespmem:$0x1C280] =	vst v63  }
0x112: {  	_ =	swait.ge [sflag:s28], $0x80  }
0x113: {  	[sflag:s28] =	ssyncset.done $0x0  }
0x114: {  	[sflag:s28] =	ssyncadd.s32 $0xFFFFFF80  }
0x115: {  	[tilespmem:s30], [sflag:$0x1] =	stream.indirect.gather [hbm4b:s24+s29], $0x80, s2, s29, $0xb8;
	[tilespmem:$0x1C280] =	vst v63  }
0x116: {  	s19 =	sadd.s32 $0x100, s11  }
0x117: {  	[tilespmem:s31], [sflag:$0x3] =	stream.linear.gather [hbm4b:s19+s2], $0x80, $0x38;
	[tilespmem:$0x1C280] =	vst v63  }
0x118: {  	_ =	swait.ge [sflag:s28], $0x80  }
0x119: {  	[sflag:s28] =	ssyncset.done $0x0  }
0x11a: {  	s20 =	sadd.s32 $0x100, s13;
	[sflag:s28] =	ssyncadd.s32 $0xFFFFFF80  }
0x11b: {  	[tilespmem:s15], [sflag:$0x3] =	stream.linear.gather [hbm4b:s20+s2], $0x80, $0x38;
	[tilespmem:$0x1C280] =	vst v63  }
0x11c: {  	_ =	swait.ge [sflag:s28], $0x80  }
0x11d: {  	[sflag:s28] =	ssyncset.done $0x0  }
0x11e: {  	[sflag:s28] =	ssyncadd.s32 $0xFFFFFF80  }
0x11f: {  	[tilespmem:s1], [sflag:$0x2] =	stream.indirect.gather [hbm4b:s24+s29], $0x80, s31, s29, $0xb8;
	[tilespmem:$0x1C280] =	vst v63  }
0x120: {  	_ =	swait.ge [sflag:s8], $0x4000  }
0x121: {  	[sflag:s8] =	ssyncset.done $0x0  }
0x122: {  	[sflag:s8] =	ssyncadd.s32 $0xFFFFC000  }
0x123: {  	[spmem:s0] =	stream.indirect.scatter.add.f32 [tilespmem:s30], [sflag:$0x3], $0x80, s29, s29, $0xb8;
	[tilespmem:$0x1C280] =	vst v63  }
0x124: {  	_ =	swait.ge [sflag:s28], $0x4000  }
0x125: {  	[sflag:s28] =	ssyncset.done $0x0  }
0x126: {  	[sflag:s28] =	ssyncadd.s32 $0xFFFFC000  }
0x127: {  	_ =	swait.ge [sflag:s9], $0x4000  }
0x128: {  	[sflag:s9] =	ssyncset.done $0x0  }
0x129: {  	[sflag:s9] =	ssyncadd.s32 $0xFFFFC000  }
0x12a: {  	[spmem:s0] =	stream.indirect.scatter.add.f32 [tilespmem:s1], [sflag:$0x3], $0x80, s15, s29, $0xb8;
	[tilespmem:$0x1C280] =	vst v63  }
0x12b: {  	_ =	swait.ge [sflag:s28], $0x4000  }
0x12c: {  	s11 =	simm.s32 $0x200;
	s13 =	simm.s32 $0x400;
	[sflag:s28] =	ssyncset.done $0x0  }
.LBB2_8:
0x12d: {  	s14 =	sadd.s32 s11, s21  }
0x12e: {  	[sflag:s28] =	ssyncadd.s32 $0xFFFFC000;
	s16 =	smov.u32 s13;
	s17 =	sadd.s32 $0x200, s13  }
0x12f: {  	[tilespmem:s2], [sflag:$0x3] =	stream.linear.gather [hbm4b:s14+s2], $0x80, $0x38;
	[tilespmem:$0x1C280] =	vst v63  }
0x130: {  	p3 =	sne.s32 s13, $0x4C00;
	_ =	swait.ge [sflag:s28], $0x80  }
0x131: {  	[sflag:s28] =	ssyncset.done $0x0  }
0x132: {  	s13 =	sadd.s32 s11, s22;
	s11 =	smov.u32 s16;
	[sflag:s28] =	ssyncadd.s32 $0xFFFFFF80  }
0x133: {  	[tilespmem:s29], [sflag:$0x3] =	stream.linear.gather [hbm4b:s13+s2], $0x80, $0x38;
	[tilespmem:$0x1C280] =	vst v63  }
0x134: {  	_ =	swait.ge [sflag:s28], $0x80  }
0x135: {  	[sflag:s28] =	ssyncset.done $0x0  }
0x136: {  	[sflag:s28] =	ssyncadd.s32 $0xFFFFFF80  }
0x137: {  	[tilespmem:s30], [sflag:$0x1] =	stream.indirect.gather [hbm4b:s24+s29], $0x80, s2, s29, $0xb8;
	[tilespmem:$0x1C280] =	vst v63  }
0x138: {  	s14 =	sadd.s32 $0x100, s14  }
0x139: {  	[tilespmem:s31], [sflag:$0x3] =	stream.linear.gather [hbm4b:s14+s2], $0x80, $0x38;
	[tilespmem:$0x1C280] =	vst v63  }
0x13a: {  	_ =	swait.ge [sflag:s28], $0x80  }
0x13b: {  	[sflag:s28] =	ssyncset.done $0x0  }
0x13c: {  	s13 =	sadd.s32 $0x100, s13;
	[sflag:s28] =	ssyncadd.s32 $0xFFFFFF80  }
0x13d: {  	[tilespmem:s15], [sflag:$0x3] =	stream.linear.gather [hbm4b:s13+s2], $0x80, $0x38;
	[tilespmem:$0x1C280] =	vst v63  }
0x13e: {  	_ =	swait.ge [sflag:s28], $0x80  }
0x13f: {  	[sflag:s28] =	ssyncset.done $0x0  }
0x140: {  	[sflag:s28] =	ssyncadd.s32 $0xFFFFFF80  }
0x141: {  	[tilespmem:s1], [sflag:$0x2] =	stream.indirect.gather [hbm4b:s24+s29], $0x80, s31, s29, $0xb8;
	[tilespmem:$0x1C280] =	vst v63  }
0x142: {  	_ =	swait.ge [sflag:s8], $0x4000  }
0x143: {  	[sflag:s8] =	ssyncset.done $0x0  }
0x144: {  	[sflag:s8] =	ssyncadd.s32 $0xFFFFC000  }
0x145: {  	[spmem:s0] =	stream.indirect.scatter.add.f32 [tilespmem:s30], [sflag:$0x3], $0x80, s29, s29, $0xb8;
	[tilespmem:$0x1C280] =	vst v63  }
0x146: {  	_ =	swait.ge [sflag:s28], $0x4000  }
0x147: {  	[sflag:s28] =	ssyncset.done $0x0  }
0x148: {  	[sflag:s28] =	ssyncadd.s32 $0xFFFFC000  }
0x149: {  	_ =	swait.ge [sflag:s9], $0x4000  }
.Ltmp7:
0x14a: {  	[sflag:s9] =	ssyncset.done $0x0;
	(pc) =	sbr.rel @p3 .LBB2_8-.Ltmp7, $4  }
0x14b: {  	[sflag:s9] =	ssyncadd.s32 $0xFFFFC000  }
0x14c: {  	[spmem:s0] =	stream.indirect.scatter.add.f32 [tilespmem:s1], [sflag:$0x3], $0x80, s15, s29, $0xb8;
	[tilespmem:$0x1C280] =	vst v63  }
0x14d: {  	_ =	swait.ge [sflag:s28], $0x4000  }
0x14e: {  	s13 =	smov.u32 s17;
	[sflag:s28] =	ssyncset.done $0x0  }
0x14f: {  	s13 =	sadd.s32 s11, s21;
	[sflag:s28] =	ssyncadd.s32 $0xFFFFC000  }
0x150: {  	[tilespmem:s2], [sflag:$0x3] =	stream.linear.gather [hbm4b:s13+s2], $0x80, $0x38;
	[tilespmem:$0x1C280] =	vst v63  }
0x151: {  	_ =	swait.ge [sflag:s28], $0x80  }
0x152: {  	[sflag:s28] =	ssyncset.done $0x0  }
0x153: {  	s20 =	sadd.s32 s11, s22;
	[sflag:s28] =	ssyncadd.s32 $0xFFFFFF80  }
0x154: {  	[tilespmem:s29], [sflag:$0x3] =	stream.linear.gather [hbm4b:s20+s2], $0x80, $0x38;
	[tilespmem:$0x1C280] =	vst v63  }
0x155: {  	_ =	swait.ge [sflag:s28], $0x80  }
0x156: {  	[sflag:s28] =	ssyncset.done $0x0  }
0x157: {  	[sflag:s28] =	ssyncadd.s32 $0xFFFFFF80  }
0x158: {  	[tilespmem:s30], [sflag:$0x1] =	stream.indirect.gather [hbm4b:s24+s29], $0x80, s2, s29, $0xb8;
	[tilespmem:$0x1C280] =	vst v63  }
0x159: {  	s13 =	sadd.s32 $0x100, s13  }
0x15a: {  	[tilespmem:s31], [sflag:$0x3] =	stream.linear.gather [hbm4b:s13+s2], $0x80, $0x38;
	[tilespmem:$0x1C280] =	vst v63  }
0x15b: {  	_ =	swait.ge [sflag:s28], $0x80  }
0x15c: {  	[sflag:s28] =	ssyncset.done $0x0  }
0x15d: {  	s11 =	sadd.s32 $0x100, s20;
	[sflag:s28] =	ssyncadd.s32 $0xFFFFFF80  }
0x15e: {  	[tilespmem:s15], [sflag:$0x3] =	stream.linear.gather [hbm4b:s11+s2], $0x80, $0x38;
	[tilespmem:$0x1C280] =	vst v63  }
0x15f: {  	_ =	swait.ge [sflag:s28], $0x80  }
0x160: {  	[sflag:s28] =	ssyncset.done $0x0  }
0x161: {  	[sflag:s28] =	ssyncadd.s32 $0xFFFFFF80  }
0x162: {  	[tilespmem:s1], [sflag:$0x2] =	stream.indirect.gather [hbm4b:s24+s29], $0x80, s31, s29, $0xb8;
	[tilespmem:$0x1C280] =	vst v63  }
0x163: {  	_ =	swait.ge [sflag:s8], $0x4000  }
0x164: {  	[sflag:s8] =	ssyncset.done $0x0  }
0x165: {  	[sflag:s8] =	ssyncadd.s32 $0xFFFFC000  }
0x166: {  	[spmem:s0] =	stream.indirect.scatter.add.f32 [tilespmem:s30], [sflag:$0x3], $0x80, s29, s29, $0xb8;
	[tilespmem:$0x1C280] =	vst v63  }
0x167: {  	_ =	swait.ge [sflag:s28], $0x4000  }
0x168: {  	[sflag:s28] =	ssyncset.done $0x0  }
0x169: {  	[sflag:s28] =	ssyncadd.s32 $0xFFFFC000  }
0x16a: {  	_ =	swait.ge [sflag:s9], $0x4000  }
0x16b: {  	[sflag:s9] =	ssyncset.done $0x0  }
0x16c: {  	[sflag:s9] =	ssyncadd.s32 $0xFFFFC000  }
0x16d: {  	[spmem:s0] =	stream.indirect.scatter.add.f32 [tilespmem:s1], [sflag:$0x3], $0x80, s15, s29, $0xb8;
	[tilespmem:$0x1C280] =	vst v63  }
0x16e: {  	_ =	swait.ge [sflag:s28], $0x4000  }
.Ltmp8:
0x16f: {  	s20 =	rddreg [dreg:$0x4];
	(pc) =	sbr.rel @p2 .LBB2_11-.Ltmp8, $4  }
.Ltmp9:
0x170: {  	s14 =	rddreg [dreg:$0x5];
	(pc) =	sbr.rel @!p2 .LBB2_10-.Ltmp9, $4  }
0x171: {  	s16 =	rddreg [dreg:$0x6]  }
0x172: {  	[sflag:s28] =	ssyncset.done $0x0;
	s17 =	rddreg [dreg:$0x7]  }
0x173: {  	s13 =	smov.u32 s24;
	s11 =	rddreg [dreg:$0x8];
	[sflag:s28] =	ssyncadd.s32 $0xFFFFC000  }
0x174: {  	_ = 	snop  }
.LBB2_12:
0x175: {  	_ =	sfence.sel $0x180000  }
0x176: {  	[bflag:$0x0] =	sbarrier.arrive $0xFFFF  }
0x177: {  	_ =	strace $0x9000004A  }
0x178: {  	s0 =	stileid.u32;
	[bflag:$0x2] =	sbarrier.arrive $0xFFFF  }
0x179: {  	p0 =	sne.s32 s0, $0x0;
	s0 =	rddreg [dreg:$0x3]  }
0x17a: {  	s0 =	sadd.s32 @!p0 $0x100000, s0  }
0x17b: {  	[sflag:s0] =	ssyncadd.tile.s32 @!p0 $0x1;
	_ =	shalt  }
.Lfunc_end2:
_tile_overlayer_lowered:
.L_overlay_start_2:
0x17c: {  	(tag) =	ssettag $0x2  }
0x17d: {  	s0 =	rddreg [dreg:$0x0];
	s2 =	stileid.u32  }
0x17e: {  	s1 =	rddreg [dreg:$0x1];
	p0 =	sne.s32 s2, $0x0  }
0x17f: {  	s3 =	rddreg [dreg:$0x2];
	[bflag:$0x3] =	sbarrier.arrive $0xFFFF;
	s2 =	simm.s32 @!p0 $0x1C03  }
0x180: {  	[timem:s3], [sflag:s2] =	dma.local @!p0 [hbm:s0], s1  }
0x181: {  	s0 =	simm.s32 @!p0 $0x3  }
0x182: {  	_ =	swait.ge @!p0 [sflag:s0], s1  }
0x183: {  	s1 =	ssub.s32 @!p0 $0x0, s1;
	[sflag:s0] =	ssyncset.done @!p0 $0x0  }
0x184: {  	[sflag:s0] =	ssyncadd.s32 @!p0 s1  }
0x185: {  	[bflag:$0x3] =	sbarrier.arrive $0xFFFF  }
0x186: {  	_ =	shalt  }

// kernel: kernel.16.cloned.1.call-start
scs
__scs_entry_jumppad:
0x0: {  	(pc) =	sbr.rel $0x88, $3  }
0x1: {  	(tag) =	ssettag $0x0;
	lr =	simm.s32 $0x1  }
0x2: {  	[smem:$0x3F97] =	sst lr;
	_ =	strace $0xD0000000  }
0x3: {  	_ = 	snop  }
0x4: {  	_ = 	snop  }
0x5: {  	_ = 	snop  }
0x6: {  	_ = 	snop  }
0x7: {  	_ = 	snop  }
__scs_overlays_trampoline_lowered:
0x8: {  	[smem:$0x3FA6] =	sst s0  }
0x9: {  	[smem:$0x3FA7] =	sst s1  }
0xa: {  	[smem:$0x3FA8] =	sst s2  }
0xb: {  	[smem:$0x3FA9] =	sst s3  }
0xc: {  	[smem:$0x3FAA] =	sst s4  }
0xd: {  	[smem:$0x3FAB] =	sst s5  }
0xe: {  	[smem:$0x3FAC] =	sst s6  }
0xf: {  	[smem:$0x3FAD] =	sst s7  }
0x10: {  	[smem:$0x3FAE] =	sst s8  }
0x11: {  	[smem:$0x3FAF] =	sst s9;
	s0 =	simm.s32 @!p0 $0x0  }
0x12: {  	s1 =	sld [smem:$0x3F95];
	s0 =	simm.s32 @p0 $0x1  }
0x13: {  	[smem:$0x3FB0] =	sst s0;
	s0 =	simm.s32 @!p1 $0x0  }
0x14: {  	s2 =	sld [smem:$0x3F94];
	s0 =	simm.s32 @p1 $0x1  }
0x15: {  	[smem:$0x3FB1] =	sst s0;
	s0 =	simm.s32 @!p2 $0x0  }
0x16: {  	s3 =	sld [smem:$0x3FDB];
	s0 =	simm.s32 @p2 $0x1  }
0x17: {  	s4 =	simm.s32 $0x1BF5;
	[smem:$0x3FB3] =	sst s0  }
0x18: {  	s0 =	sld [smem:$0x3F96];
	_ =	swait.ge [sflag:s4], $0x0  }
0x19: {  	s7 =	sld [smem:$0x3F97]  }
0x1a: {  	s8 =	sadd.s32 $0xFFFFE003, lr  }
0x1b: {  	s9 =	sadd.s32 $0xFFFFFEF7, lr;
	s5 =	simm.s32 $0xFFFFFFFF;
	p2 =	slt.u32 s8, $0xFFFFF086  }
0x1c: {  	p1 =	slt.u32 s9, $0xF7A;
	s5 =	simm.s32 @!p2 $0x0  }
0x1d: {  	s5 =	simm.s32 @p1 $0x1;
	p0 =	seq.s32 s7, s2  }
0x1e: {  	s7 =	smul.u32 @!p0 $0xF7A, s2;
	p2 =	seq.s32 @!p0 s5, $0x0  }
0x1f: {  	s9 =	smul.u32 $0xF7A, s1;
	s8 =	simm.s32 @!p0 $0x1BF5;
	p2 =	por !p2, p0  }
0x20: {  	[sflag:s8] =	ssyncset.s32 @!p0 $0xFFFFF086;
	s6 =	sadd.s32 @!p0 s3, s7;
	s7 =	simm.s32 @!p0 $0x108  }
0x21: {  	s3 =	sadd.s32 s3, s9;
	s6 =	sadd.s32 @!p0 $0x88, s6;
	s7 =	simm.s32 @p2 $0x1082  }
0x22: {  	[simem:s7], [sflag:s8] =	dma.local @!p0 [hbm:s6], $0xF7A  }
0x23: {  	s9 =	sor.u32 $0xD0000000, s2;
	s6 =	simm.s32 $0x108;
	_ =	swait.ge @!p0 [sflag:s8], $0x0  }
0x24: {  	s3 =	sadd.s32 $0x88, s3;
	s6 =	simm.s32 @!p1 $0x1082;
	[sflag:s4] =	ssyncset.s32 $0xFFFFF086  }
0x25: {  	[simem:s6], [sflag:s4] =	dma.local [hbm:s3], $0xF7A  }
0x26: {  	[smem:$0x3F97] =	sst s1;
	(tag) =	ssettag s2;
	_ =	strace s9  }
0x27: {  	s1 =	sld [smem:$0x3FA7]  }
0x28: {  	s2 =	sld [smem:$0x3FA8]  }
0x29: {  	s4 =	sld [smem:$0x3FAA]  }
0x2a: {  	p0 =	seq.s32 s5, $0x0;
	s5 =	sld [smem:$0x3FAB]  }
0x2b: {  	s6 =	sld [smem:$0x3FAC]  }
0x2c: {  	s7 =	sld [smem:$0x3FAD]  }
0x2d: {  	s3 =	simm.s32 $0x108;
	s8 =	sld [smem:$0x3FAE]  }
0x2e: {  	s3 =	simm.s32 @!p0 $0x1082;
	s9 =	sld [smem:$0x3FAF]  }
0x2f: {  	lr =	sadd.s32 s0, s3;
	s0 =	sld [smem:$0x3FA6]  }
0x30: {  	s3 =	sld [smem:$0x3FA9]  }
0x31: {  	[smem:$0x3FB2] =	sst s10  }
0x32: {  	s10 =	sld [smem:$0x3FB0];
	_ =	sdelay $0x3  }
0x33: {  	p0 =	seq.s32 s10, $0x1;
	s10 =	sld [smem:$0x3FB2];
	_ =	sdelay $0x3  }
0x34: {  	[smem:$0x3FB2] =	sst s10  }
0x35: {  	s10 =	sld [smem:$0x3FB1];
	_ =	sdelay $0x3  }
0x36: {  	p1 =	seq.s32 s10, $0x1;
	s10 =	sld [smem:$0x3FB2];
	_ =	sdelay $0x3  }
0x37: {  	[smem:$0x3FB2] =	sst s10  }
0x38: {  	s10 =	sld [smem:$0x3FB3]  }
0x39: {  	_ = 	snop;
	(pc) =	sbr.ind lr, $3  }
0x3a: {  	_ = 	snop  }
0x3b: {  	_ = 	snop  }
0x3c: {  	p2 =	seq.s32 s10, $0x1;
	s10 =	sld [smem:$0x3FB2]  }
0x3d: {  	_ =	shalt  }
0x3e: {  	_ =	shalt  }
0x3f: {  	_ =	shalt  }
0x40: {  	_ =	shalt  }
0x41: {  	_ =	shalt  }
0x42: {  	_ =	shalt  }
0x43: {  	_ =	shalt  }
0x44: {  	_ =	shalt  }
0x45: {  	_ =	shalt  }
0x46: {  	_ =	shalt  }
0x47: {  	_ =	shalt  }
0x48: {  	_ =	shalt  }
0x49: {  	_ =	shalt  }
0x4a: {  	_ =	shalt  }
0x4b: {  	_ =	shalt  }
0x4c: {  	_ =	shalt  }
0x4d: {  	_ =	shalt  }
0x4e: {  	_ =	shalt  }
0x4f: {  	_ =	shalt  }
0x50: {  	_ =	shalt  }
0x51: {  	_ =	shalt  }
0x52: {  	_ =	shalt  }
0x53: {  	_ =	shalt  }
0x54: {  	_ =	shalt  }
0x55: {  	_ =	shalt  }
0x56: {  	_ =	shalt  }
0x57: {  	_ =	shalt  }
0x58: {  	_ =	shalt  }
0x59: {  	_ =	shalt  }
0x5a: {  	_ =	shalt  }
0x5b: {  	_ =	shalt  }
0x5c: {  	_ =	shalt  }
0x5d: {  	_ =	shalt  }
0x5e: {  	_ =	shalt  }
0x5f: {  	_ =	shalt  }
0x60: {  	_ =	shalt  }
0x61: {  	_ =	shalt  }
0x62: {  	_ =	shalt  }
0x63: {  	_ =	shalt  }
0x64: {  	_ =	shalt  }
0x65: {  	_ =	shalt  }
0x66: {  	_ =	shalt  }
0x67: {  	_ =	shalt  }
0x68: {  	_ =	shalt  }
0x69: {  	_ =	shalt  }
0x6a: {  	_ =	shalt  }
0x6b: {  	_ =	shalt  }
0x6c: {  	_ =	shalt  }
0x6d: {  	_ =	shalt  }
0x6e: {  	_ =	shalt  }
0x6f: {  	_ =	shalt  }
0x70: {  	_ =	shalt  }
0x71: {  	_ =	shalt  }
0x72: {  	_ =	shalt  }
0x73: {  	_ =	shalt  }
0x74: {  	_ =	shalt  }
0x75: {  	_ =	shalt  }
0x76: {  	_ =	shalt  }
0x77: {  	_ =	shalt  }
0x78: {  	_ =	shalt  }
0x79: {  	_ =	shalt  }
0x7a: {  	_ =	shalt  }
0x7b: {  	_ =	shalt  }
0x7c: {  	_ =	shalt  }
0x7d: {  	_ =	shalt  }
0x7e: {  	_ =	shalt  }
0x7f: {  	_ =	shalt  }
0x80: {  	_ =	shalt  }
0x81: {  	_ =	shalt  }
0x82: {  	_ =	shalt  }
0x83: {  	_ =	shalt  }
0x84: {  	_ =	shalt  }
0x85: {  	_ =	shalt  }
0x86: {  	_ =	shalt  }
0x87: {  	_ =	shalt  }
.Lfunc_end0:
.L_simem_size_0:
called_computation.2_lowered:
.L_overlay_start_0:
0x88: {  	s2 =	sld [smem:$0x3FD9]  }
0x89: {  	s3 =	sld [smem:$0x3FFE];
	_ =	sdelay $0x1  }
0x8a: {  	s1 =	srdreg.scid  }
0x8b: {  	s0 =	sand.u32 $0x1, s1  }
0x8c: {  	s17 =	sshll.u32 s0, $0xA;
	s2 =	sadd.s32 s3, s2  }
0x8d: {  	s2 =	sadd.s32 s2, s17  }
0x8e: {  	[smem:$0x3FBE] =	sst s2  }
0x8f: {  	_ = 	snop  }
0x90: {  	s2 =	sld [smem:$0x3FD0];
	(tm) =	ssettm $0x1  }
0x91: {  	s18 =	sld [smem:$0x3FFB];
	_ =	sdelay $0x3  }
0x92: {  	_ =	strace s18  }
0x93: {  	s3 =	sld [smem:$0x3FFC];
	_ =	sdelay $0x3  }
0x94: {  	_ =	strace s3  }
0x95: {  	s3 =	sld [smem:$0x3FFD];
	_ =	sdelay $0x3  }
0x96: {  	_ =	strace s3  }
0x97: {  	_ =	strace $0x8FFFFFFF  }
0x98: {  	s19 =	sld [smem:$0x3FDB];
	_ =	sdelay $0x1  }
0x99: {  	s4 =	simm.s32 $_scs_section_size  }
0x9a: {  	s5 =	simm.s32 $_size__tile_overlayer_lowered;
	s6 =	simm.s32 $_tile_overlayer_lowered  }
0x9b: {  	s22 =	simm.s32 $0x1BFF;
	s21 =	sshll.u32 s6, $0x1;
	s3 =	sadd.s32 s4, s19  }
0x9c: {  	s7 =	simm.s32 $0x0;
	s20 =	sshll.u32 s5, $0x1;
	s5 =	sadd.s32 s21, s3  }
0x9d: {  	[timem:s7], [sflag:s22] =	dma.local [hbm:s5], s20  }
0x9e: {  	_ =	swait.ge [sflag:s22], s20  }
0x9f: {  	s4 =	ssub.s32 $0x0, s20;
	[sflag:s22] =	ssyncset.done $0x0  }
0xa0: {  	[sflag:s22] =	ssyncadd.s32 s4;
	_ =	sdelay $0x1  }
0xa1: {  	s23 =	simm.s32 $0x1B8B  }
0xa2: {  	_ =	swait.ge [sflag:s23], $0x1  }
0xa3: {  	[sflag:s23] =	ssyncset.done $0x0  }
0xa4: {  	s25 =	simm.s32 $0x1B8E;
	s24 =	sld [smem:$0x3FFE];
	[sflag:s23] =	ssyncadd.s32 $0xFFFFFFFF  }
0xa5: {  	s26 =	simm.s32 $execute0_lowered;
	[smem:$0x3FD2] =	sst s25  }
0xa6: {  	s5 =	sshll.u32 s26, $0x1;
	_ =	strace $0x8000004C;
	[dreg:$0x1] =	wrdreg $0xFFFFFFFF  }
0xa7: {  	s28 =	simm.s32 $_size_execute0_lowered;
	s3 =	sadd.s32 s3, s5;
	[dreg:$0x0] =	wrdreg $0x0  }
0xa8: {  	s5 =	sshll.u32 s28, $0x1;
	[dreg:$0x2] =	wrdreg s3  }
0xa9: {  	[dreg:$0x3] =	wrdreg s5  }
0xaa: {  	[dreg:$0x4] =	wrdreg $0xC0  }
0xab: {  	_ =	task [dreg:s7], $0x5FFFF  }
0xac: {  	[dreg:$0x1] =	wrdreg $0xFFFFFFFF  }
0xad: {  	[dreg:$0x0] =	wrdreg $0x60  }
0xae: {  	[dreg:$0x2] =	wrdreg s24  }
0xaf: {  	[dreg:$0x3] =	wrdreg s2  }
0xb0: {  	[dreg:$0x4] =	wrdreg $0x82800  }
0xb1: {  	[dreg:$0x5] =	wrdreg $0x9  }
0xb2: {  	_ =	task.clear_ibuf [dreg:s7], $0x6FFFF;
	_ =	strace $0x9000004C  }
0xb3: {  	s29 =	simm.s32 $0x9;
	_ =	strace $0x8000004E  }
0xb4: {  	_ =	swait.ge [sflag:s29], $0x1  }
0xb5: {  	[sflag:s29] =	ssyncadd.s32 $0xFFFFFFFF  }
0xb6: {  	_ =	strace $0x9000004E  }
0xb7: {  	_ =	sfence  }
0xb8: {  	s30 =	sld [smem:$0x0];
	_ =	sdelay $0x2  }
0xb9: {  	s31 =	sshll.u32 s1, $0xD;
	s1 =	sshrl.u32 s1, $0x2  }
0xba: {  	s3 =	sand.u32 $0x4000, s31;
	s1 =	sadd.s32 s1, s30  }
0xbb: {  	s0 =	sor.u32 s3, s0;
	s1 =	sshll.u32 s1, $0x11  }
0xbc: {  	s0 =	sor.u32 s1, s0  }
0xbd: {  	s0 =	sadd.s32 $0x8F2B, s0  }
0xbe: {  	[sflag:s0] =	ssyncadd.remote.s32 $0x1  }
0xbf: {  	_ =	sfence.sel $0xFFFF  }
0xc0: {  	[dreg:$0x0] =	wrdreg $0xFFFFFFFF;
	(pc) =	sbr.abs _section_cstart, $3  }
0xc1: {  	[dreg:$0x1] =	wrdreg $0xFFFFFFFF  }
0xc2: {  	_ =	task.clear_ibuf [dreg:s7], $0x2FFFF;
	_ =	strace $0x9FFFFFFF  }
0xc3: {  	(tm) =	ssettm $0x7FFFFFFF  }
tec
execute0_lowered:
.L_overlay_start_1:
0x0: {  	(tag) =	ssettag $0x1  }
0x1: {  	s1 =	rddreg [dreg:$0x0]  }
0x2: {  	s8 =	rddreg [dreg:$0x1]  }
0x3: {  	s0 =	rddreg [dreg:$0x2];
	s2 =	simm.s32 $0x0  }
0x4: {  	s3 =	srdreg.scid;
	s26 =	stileid.u32;
	s28 =	simm.s32 $0x3  }
0x5: {  	s29 =	simm.s32 $0x80;
	s30 =	simm.s32 $0x280;
	s31 =	simm.s32 $0x100  }
0x6: {  	[smem:$0x7FF] =	sst s2;
	s9 =	sadd.s32 $0x5200, s1;
	s10 =	sand.u32 $0x1, s3  }
0x7: {  	s7 =	sadd.s32 $0xA200, s1;
	s5 =	smul.u32 $0x280, s26;
	s11 =	sadd.s32 $0x7FE00, s1  }
0x8: {  	s12 =	sadd.s32 $0xA7E00, s1;
	s14 =	sshll.u32 s26, $0x4;
	p1 =	slt.u32 s26, $0x2  }
0x9: {  	p2 =	sgt.u32 s26, $0x1;
	s3 =	ssub.s32 $0x2, s10;
	s16 =	sor.u32 $0x4E00, s14  }
0xa: {  	p0 =	sne.s32 s10, $0x0;
	s10 =	simm.s32 $0x0;
	s4 =	sshrl.u32 s3, $0x1  }
0xb: {  	s15 =	sadd.s32 $0x80, s5;
	s19 =	sshrl.u32 s5, $0x3;
	s17 =	sadd.s32 $0x100, s5  }
0xc: {  	s18 =	sadd.s32 $0x180, s5;
	s13 =	ssub.s32 s3, s4;
	s20 =	sshrl.u32 s15, $0x3  }
0xd: {  	s3 =	sadd.s32 s7, s19;
	s6 =	sshrl.u32 s17, $0x3;
	s19 =	sadd.s32 $0x200, s5  }
0xe: {  	s21 =	sshrl.u32 s18, $0x3;
	s18 =	sshll.u32 s18, $0x4;
	s15 =	sshll.u32 s15, $0x4  }
0xf: {  	s17 =	sshll.u32 s17, $0x4;
	s4 =	sadd.s32 s7, s20;
	s23 =	sadd.s32 s12, s15  }
0x10: {  	s5 =	sadd.s32 s7, s6;
	s24 =	sadd.s32 s12, s17;
	[dreg:$0x5] =	wrdreg s23  }
0x11: {  	s20 =	sshrl.u32 s19, $0x3;
	s25 =	sadd.s32 s12, s18;
	[dreg:$0x6] =	wrdreg s24  }
0x12: {  	s6 =	sadd.s32 s7, s21;
	[dreg:$0x7] =	wrdreg s25;
	s23 =	sadd.s32 s11, s17  }
0x13: {  	s7 =	sadd.s32 s7, s20;
	s24 =	sadd.s32 s8, s16;
	[dreg:$0xc] =	wrdreg s23  }
0x14: {  	s20 =	smul.u32 $0x2800, s26;
	s25 =	sadd.s32 s9, s16;
	[dreg:$0xb] =	wrdreg s24  }
0x15: {  	s21 =	sshll.u32 s19, $0x4;
	s26 =	simm.s32 $0x200;
	[dreg:$0xd] =	wrdreg s25  }
0x16: {  	s23 =	sadd.s32 $0xA800, s1;
	s24 =	sadd.s32 $0x31A00, s1;
	s22 =	sadd.s32 s12, s20  }
0x17: {  	s25 =	smax.u32 s13, $0x1;
	s12 =	sadd.s32 s12, s21;
	[dreg:$0x4] =	wrdreg s22  }
.Ltmp0:
0x18: {  	s20 =	sadd.s32 s11, s20;
	[dreg:$0x8] =	wrdreg s12;
	(pc) =	sbr.rel .LBB2_1-.Ltmp0, $4  }
0x19: {  	s1 =	simm.s32 $0x4280;
	[dreg:$0x9] =	wrdreg s20;
	s22 =	sadd.s32 s11, s15  }
0x1a: {  	s12 =	sadd.s32 s11, s18;
	s18 =	sadd.s32 s11, s21;
	s21 =	sadd.s32 s14, s8  }
0x1b: {  	s15 =	simm.s32 $0x180;
	s8 =	simm.s32 $0x1;
	[dreg:$0xa] =	wrdreg s22  }
0x1c: {  	v0 =	vimm.f32 $0.0e+00;
	s22 =	sadd.s32 s14, s9;
	s9 =	simm.s32 $0x2;
	_ =	strace $0x8000004D  }
.LBB2_10:
0x1d: {  	s19 =	rddreg [dreg:$0xb]  }
0x1e: {  	[tilespmem:s2], [sflag:$0x3] =	stream.linear.gather [hbm4b:s19+s2], $0x80, $0x38;
	[tilespmem:$0x1C280] =	vst v63  }
0x1f: {  	_ =	swait.ge [sflag:s28], $0x80  }
0x20: {  	[sflag:s28] =	ssyncset.done $0x0  }
0x21: {  	s19 =	rddreg [dreg:$0xd];
	[sflag:s28] =	ssyncadd.s32 $0xFFFFFF80  }
0x22: {  	[tilespmem:s29], [sflag:$0x3] =	stream.linear.gather [hbm4b:s19+s2], $0x80, $0x38;
	[tilespmem:$0x1C280] =	vst v63  }
0x23: {  	_ =	swait.ge [sflag:s28], $0x80  }
0x24: {  	[sflag:s28] =	ssyncset.done $0x0  }
0x25: {  	[sflag:s28] =	ssyncadd.s32 $0xFFFFFF80  }
0x26: {  	[tilespmem:s30], [sflag:$0x1] =	stream.indirect.gather [hbm4b:s13+s29], $0x80, s2, s29, $0xb8;
	[tilespmem:$0x1C280] =	vst v63  }
0x27: {  	_ =	swait.ge [sflag:s8], $0x4000  }
0x28: {  	[sflag:s8] =	ssyncset.done $0x0  }
0x29: {  	[sflag:s8] =	ssyncadd.s32 $0xFFFFC000  }
0x2a: {  	[spmem:s0] =	stream.indirect.scatter.add.f32 [tilespmem:s30], [sflag:$0x3], $0x80, s29, s29, $0xb8;
	[tilespmem:$0x1C280] =	vst v63  }
0x2b: {  	_ =	swait.ge [sflag:s28], $0x4000  }
0x2c: {  	[sflag:s28] =	ssyncset.done $0x0  }
0x2d: {  	[sflag:s28] =	ssyncadd.s32 $0xFFFFC000  }
.LBB2_11:
0x2e: {  	[bflag:$0x0] =	sbarrier.arrive $0xFFFF  }
0x2f: {  	[tilespmem:s26], [sflag:$0x3] =	stream.linear.gather [hbm4b:s3+s2], $0x80, $0x38;
	[tilespmem:$0x1C280] =	vst v63  }
0x30: {  	_ =	swait.ge [sflag:s28], $0x80  }
0x31: {  	[sflag:s28] =	ssyncset.done $0x0  }
0x32: {  	[sflag:s28] =	ssyncadd.s32 $0xFFFFFF80  }
0x33: {  	[tilespmem:s30], [sflag:$0x1] =	stream.indirect.gather [spmem:s0], $0x80, s26, s29, $0xb8;
	[tilespmem:$0x1C280] =	vst v63  }
0x34: {  	_ =	swait.ge [sflag:s8], $0x4000  }
0x35: {  	[sflag:s8] =	ssyncset.done $0x0  }
0x36: {  	[sflag:s8] =	ssyncadd.s32 $0xFFFFC000  }
0x37: {  	[hbm4b:s20+s2] =	stream.linear.scatter [tilespmem:s30], [sflag:$0x3], $0x4000, $0x38;
	[tilespmem:$0x1C280] =	vst v63  }
0x38: {  	_ =	swait.ge [sflag:s28], $0x4000  }
0x39: {  	[sflag:s28] =	ssyncset.done $0x0  }
0x3a: {  	[sflag:s28] =	ssyncadd.s32 $0xFFFFC000  }
0x3b: {  	[tilespmem:s26], [sflag:$0x3] =	stream.linear.gather [hbm4b:s4+s2], $0x80, $0x38;
	[tilespmem:$0x1C280] =	vst v63  }
0x3c: {  	_ =	swait.ge [sflag:s28], $0x80  }
0x3d: {  	[sflag:s28] =	ssyncset.done $0x0  }
0x3e: {  	[sflag:s28] =	ssyncadd.s32 $0xFFFFFF80  }
0x3f: {  	[tilespmem:s30], [sflag:$0x1] =	stream.indirect.gather [spmem:s0], $0x80, s26, s29, $0xb8;
	[tilespmem:$0x1C280] =	vst v63  }
0x40: {  	_ =	swait.ge [sflag:s8], $0x4000  }
0x41: {  	[sflag:s8] =	ssyncset.done $0x0  }
0x42: {  	[sflag:s8] =	ssyncadd.s32 $0xFFFFC000  }
0x43: {  	[hbm4b:s14+s2] =	stream.linear.scatter [tilespmem:s30], [sflag:$0x3], $0x4000, $0x38;
	[tilespmem:$0x1C280] =	vst v63  }
0x44: {  	_ =	swait.ge [sflag:s28], $0x4000  }
0x45: {  	[sflag:s28] =	ssyncset.done $0x0  }
0x46: {  	[sflag:s28] =	ssyncadd.s32 $0xFFFFC000  }
0x47: {  	[tilespmem:s26], [sflag:$0x3] =	stream.linear.gather [hbm4b:s5+s2], $0x80, $0x38;
	[tilespmem:$0x1C280] =	vst v63  }
0x48: {  	_ =	swait.ge [sflag:s28], $0x80  }
0x49: {  	[sflag:s28] =	ssyncset.done $0x0  }
0x4a: {  	[sflag:s28] =	ssyncadd.s32 $0xFFFFFF80  }
0x4b: {  	[tilespmem:s30], [sflag:$0x1] =	stream.indirect.gather [spmem:s0], $0x80, s26, s29, $0xb8;
	[tilespmem:$0x1C280] =	vst v63  }
0x4c: {  	_ =	swait.ge [sflag:s8], $0x4000  }
0x4d: {  	[sflag:s8] =	ssyncset.done $0x0  }
0x4e: {  	[sflag:s8] =	ssyncadd.s32 $0xFFFFC000  }
0x4f: {  	[hbm4b:s16+s2] =	stream.linear.scatter [tilespmem:s30], [sflag:$0x3], $0x4000, $0x38;
	[tilespmem:$0x1C280] =	vst v63  }
0x50: {  	_ =	swait.ge [sflag:s28], $0x4000  }
0x51: {  	[sflag:s28] =	ssyncset.done $0x0  }
0x52: {  	[sflag:s28] =	ssyncadd.s32 $0xFFFFC000  }
0x53: {  	[tilespmem:s26], [sflag:$0x3] =	stream.linear.gather [hbm4b:s6+s2], $0x80, $0x38;
	[tilespmem:$0x1C280] =	vst v63  }
0x54: {  	_ =	swait.ge [sflag:s28], $0x80  }
0x55: {  	[sflag:s28] =	ssyncset.done $0x0  }
0x56: {  	[sflag:s28] =	ssyncadd.s32 $0xFFFFFF80  }
0x57: {  	[tilespmem:s30], [sflag:$0x1] =	stream.indirect.gather [spmem:s0], $0x80, s26, s29, $0xb8;
	[tilespmem:$0x1C280] =	vst v63  }
0x58: {  	_ =	swait.ge [sflag:s8], $0x4000  }
0x59: {  	[sflag:s8] =	ssyncset.done $0x0  }
0x5a: {  	[sflag:s8] =	ssyncadd.s32 $0xFFFFC000  }
0x5b: {  	[hbm4b:s17+s2] =	stream.linear.scatter [tilespmem:s30], [sflag:$0x3], $0x4000, $0x38;
	[tilespmem:$0x1C280] =	vst v63  }
0x5c: {  	_ =	swait.ge [sflag:s28], $0x4000  }
0x5d: {  	[sflag:s28] =	ssyncset.done $0x0  }
0x5e: {  	[sflag:s28] =	ssyncadd.s32 $0xFFFFC000  }
0x5f: {  	[tilespmem:s26], [sflag:$0x3] =	stream.linear.gather [hbm4b:s7+s2], $0x80, $0x38;
	[tilespmem:$0x1C280] =	vst v63  }
0x60: {  	_ =	swait.ge [sflag:s28], $0x80  }
0x61: {  	[sflag:s28] =	ssyncset.done $0x0  }
0x62: {  	[sflag:s28] =	ssyncadd.s32 $0xFFFFFF80  }
0x63: {  	[tilespmem:s30], [sflag:$0x1] =	stream.indirect.gather [spmem:s0], $0x80, s26, s29, $0xb8;
	[tilespmem:$0x1C280] =	vst v63  }
0x64: {  	s10 =	sadd.s32 $0x1, s10;
	_ =	swait.ge [sflag:s8], $0x4000  }
0x65: {  	p3 =	sne.s32 s10, s25;
	[sflag:s8] =	ssyncset.done $0x0  }
.Ltmp1:
0x66: {  	[sflag:s8] =	ssyncadd.s32 $0xFFFFC000;
	(pc) =	sbr.rel @!p3 .LBB2_12-.Ltmp1, $4  }
0x67: {  	[hbm4b:s11+s2] =	stream.linear.scatter [tilespmem:s30], [sflag:$0x3], $0x4000, $0x38;
	[tilespmem:$0x1C280] =	vst v63  }
0x68: {  	_ =	swait.ge [sflag:s28], $0x4000  }
0x69: {  	[sflag:s28] =	ssyncset.done $0x0  }
0x6a: {  	[sflag:s28] =	ssyncadd.s32 $0xFFFFC000  }
.LBB2_1:
0x6b: {  	s11 =	simm.s32 $0x0;
	s13 =	simm.s32 $0x200  }
.LBB2_2:
0x6c: {  	p3 =	sne.s32 s13, $0xFE00;
	[tilespmem:s11+$0x2F0] =	vst v0  }
0x6d: {  	[tilespmem:s11+$0x280] =	vst v0  }
0x6e: {  	[tilespmem:s11+$0x290] =	vst v0  }
.Ltmp2:
0x6f: {  	[tilespmem:s11+$0x2A0] =	vst v0;
	(pc) =	sbr.rel @p3 .LBB2_2-.Ltmp2, $4  }
0x70: {  	[tilespmem:s11+$0x2B0] =	vst v0  }
0x71: {  	[tilespmem:s11+$0x2C0] =	vst v0  }
0x72: {  	[tilespmem:s11+$0x2D0] =	vst v0  }
0x73: {  	[tilespmem:s11+$0x2E0] =	vst v0;
	s11 =	sshra.s32 s13, $0x2;
	s13 =	sadd.s32 $0x200, s13  }
0x74: {  	[tilespmem:s11+$0x2F0] =	vst v0  }
0x75: {  	[tilespmem:s11+$0x280] =	vst v0  }
0x76: {  	[tilespmem:s11+$0x290] =	vst v0  }
0x77: {  	[tilespmem:s11+$0x2A0] =	vst v0  }
0x78: {  	[tilespmem:s11+$0x2B0] =	vst v0  }
0x79: {  	[tilespmem:s11+$0x2C0] =	vst v0  }
0x7a: {  	[tilespmem:s11+$0x2D0] =	vst v0  }
0x7b: {  	[tilespmem:s11+$0x2E0] =	vst v0;
	s20 =	simm.s32 $0x0  }
0x7c: {  	[tilespmem:s26], [sflag:$0x3] =	stream.linear.gather [hbm4b:s3+s20], $0x80, $0x38;
	[tilespmem:$0x1C280] =	vst v63  }
0x7d: {  	_ =	swait.ge [sflag:s28], $0x80  }
0x7e: {  	[sflag:s28] =	ssyncset.done $0x0  }
0x7f: {  	[sflag:s28] =	ssyncadd.s32 $0xFFFFFF80  }
0x80: {  	[spmem:s0] =	stream.indirect.scatter [tilespmem:s30], [sflag:$0x3], $0x80, s26, s29, $0xb8;
	[tilespmem:$0x1C280] =	vst v63  }
0x81: {  	_ =	swait.ge [sflag:s28], $0x4000  }
0x82: {  	[sflag:s28] =	ssyncset.done $0x0  }
0x83: {  	[sflag:s28] =	ssyncadd.s32 $0xFFFFC000  }
0x84: {  	[tilespmem:s26], [sflag:$0x3] =	stream.linear.gather [hbm4b:s4+s20], $0x80, $0x38;
	[tilespmem:$0x1C280] =	vst v63  }
0x85: {  	_ =	swait.ge [sflag:s28], $0x80  }
0x86: {  	[sflag:s28] =	ssyncset.done $0x0  }
0x87: {  	[sflag:s28] =	ssyncadd.s32 $0xFFFFFF80  }
0x88: {  	[spmem:s0] =	stream.indirect.scatter [tilespmem:s30], [sflag:$0x3], $0x80, s26, s29, $0xb8;
	[tilespmem:$0x1C280] =	vst v63  }
0x89: {  	_ =	swait.ge [sflag:s28], $0x4000  }
0x8a: {  	[sflag:s28] =	ssyncset.done $0x0  }
0x8b: {  	[sflag:s28] =	ssyncadd.s32 $0xFFFFC000  }
0x8c: {  	[tilespmem:s26], [sflag:$0x3] =	stream.linear.gather [hbm4b:s5+s20], $0x80, $0x38;
	[tilespmem:$0x1C280] =	vst v63  }
0x8d: {  	_ =	swait.ge [sflag:s28], $0x80  }
0x8e: {  	[sflag:s28] =	ssyncset.done $0x0  }
0x8f: {  	[sflag:s28] =	ssyncadd.s32 $0xFFFFFF80  }
0x90: {  	[spmem:s0] =	stream.indirect.scatter [tilespmem:s30], [sflag:$0x3], $0x80, s26, s29, $0xb8;
	[tilespmem:$0x1C280] =	vst v63  }
0x91: {  	_ =	swait.ge [sflag:s28], $0x4000  }
0x92: {  	[sflag:s28] =	ssyncset.done $0x0  }
0x93: {  	[sflag:s28] =	ssyncadd.s32 $0xFFFFC000  }
0x94: {  	[tilespmem:s26], [sflag:$0x3] =	stream.linear.gather [hbm4b:s6+s20], $0x80, $0x38;
	[tilespmem:$0x1C280] =	vst v63  }
0x95: {  	_ =	swait.ge [sflag:s28], $0x80  }
0x96: {  	[sflag:s28] =	ssyncset.done $0x0  }
0x97: {  	[sflag:s28] =	ssyncadd.s32 $0xFFFFFF80  }
0x98: {  	[spmem:s0] =	stream.indirect.scatter [tilespmem:s30], [sflag:$0x3], $0x80, s26, s29, $0xb8;
	[tilespmem:$0x1C280] =	vst v63  }
0x99: {  	_ =	swait.ge [sflag:s28], $0x4000  }
0x9a: {  	[sflag:s28] =	ssyncset.done $0x0  }
0x9b: {  	[sflag:s28] =	ssyncadd.s32 $0xFFFFC000  }
0x9c: {  	[tilespmem:s26], [sflag:$0x3] =	stream.linear.gather [hbm4b:s7+s20], $0x80, $0x38;
	[tilespmem:$0x1C280] =	vst v63  }
0x9d: {  	_ =	swait.ge [sflag:s28], $0x80  }
0x9e: {  	[sflag:s28] =	ssyncset.done $0x0  }
0x9f: {  	[sflag:s28] =	ssyncadd.s32 $0xFFFFFF80  }
0xa0: {  	[spmem:s0] =	stream.indirect.scatter [tilespmem:s30], [sflag:$0x3], $0x80, s26, s29, $0xb8;
	[tilespmem:$0x1C280] =	vst v63  }
.Ltmp3:
0xa1: {  	_ =	swait.ge [sflag:s28], $0x4000;
	(pc) =	sbr.rel @p0 .LBB2_7-.Ltmp3, $4  }
0xa2: {  	[sflag:s28] =	ssyncset.done $0x0  }
0xa3: {  	[sflag:s28] =	ssyncadd.s32 $0xFFFFC000  }
0xa4: {  	[bflag:$0x0] =	sbarrier.arrive $0xFFFF  }
0xa5: {  	s11 =	sadd.s32 $0x0, s21  }
0xa6: {  	[tilespmem:s2], [sflag:$0x3] =	stream.linear.gather [hbm4b:s11+s2], $0x80, $0x38;
	[tilespmem:$0x1C280] =	vst v63  }
0xa7: {  	_ =	swait.ge [sflag:s28], $0x80  }
0xa8: {  	[sflag:s28] =	ssyncset.done $0x0  }
0xa9: {  	s13 =	sadd.s32 $0x0, s22;
	[sflag:s28] =	ssyncadd.s32 $0xFFFFFF80  }
0xaa: {  	[tilespmem:s29], [sflag:$0x3] =	stream.linear.gather [hbm4b:s13+s2], $0x80, $0x38;
	[tilespmem:$0x1C280] =	vst v63  }
0xab: {  	_ =	swait.ge [sflag:s28], $0x80  }
0xac: {  	[sflag:s28] =	ssyncset.done $0x0  }
0xad: {  	[sflag:s28] =	ssyncadd.s32 $0xFFFFFF80  }
0xae: {  	[tilespmem:s30], [sflag:$0x1] =	stream.indirect.gather [hbm4b:s23+s29], $0x80, s2, s29, $0xb8;
	[tilespmem:$0x1C280] =	vst v63  }
0xaf: {  	s19 =	sadd.s32 $0x100, s11  }
0xb0: {  	[tilespmem:s31], [sflag:$0x3] =	stream.linear.gather [hbm4b:s19+s2], $0x80, $0x38;
	[tilespmem:$0x1C280] =	vst v63  }
0xb1: {  	_ =	swait.ge [sflag:s28], $0x80  }
0xb2: {  	[sflag:s28] =	ssyncset.done $0x0  }
0xb3: {  	s20 =	sadd.s32 $0x100, s13;
	[sflag:s28] =	ssyncadd.s32 $0xFFFFFF80  }
0xb4: {  	[tilespmem:s15], [sflag:$0x3] =	stream.linear.gather [hbm4b:s20+s2], $0x80, $0x38;
	[tilespmem:$0x1C280] =	vst v63  }
0xb5: {  	_ =	swait.ge [sflag:s28], $0x80  }
0xb6: {  	[sflag:s28] =	ssyncset.done $0x0  }
0xb7: {  	[sflag:s28] =	ssyncadd.s32 $0xFFFFFF80  }
0xb8: {  	[tilespmem:s1], [sflag:$0x2] =	stream.indirect.gather [hbm4b:s23+s29], $0x80, s31, s29, $0xb8;
	[tilespmem:$0x1C280] =	vst v63  }
0xb9: {  	_ =	swait.ge [sflag:s8], $0x4000  }
0xba: {  	[sflag:s8] =	ssyncset.done $0x0  }
0xbb: {  	[sflag:s8] =	ssyncadd.s32 $0xFFFFC000  }
0xbc: {  	[spmem:s0] =	stream.indirect.scatter.add.f32 [tilespmem:s30], [sflag:$0x3], $0x80, s29, s29, $0xb8;
	[tilespmem:$0x1C280] =	vst v63  }
0xbd: {  	_ =	swait.ge [sflag:s28], $0x4000  }
0xbe: {  	[sflag:s28] =	ssyncset.done $0x0  }
0xbf: {  	[sflag:s28] =	ssyncadd.s32 $0xFFFFC000  }
0xc0: {  	_ =	swait.ge [sflag:s9], $0x4000  }
0xc1: {  	[sflag:s9] =	ssyncset.done $0x0  }
0xc2: {  	[sflag:s9] =	ssyncadd.s32 $0xFFFFC000  }
0xc3: {  	[spmem:s0] =	stream.indirect.scatter.add.f32 [tilespmem:s1], [sflag:$0x3], $0x80, s15, s29, $0xb8;
	[tilespmem:$0x1C280] =	vst v63  }
0xc4: {  	_ =	swait.ge [sflag:s28], $0x4000  }
0xc5: {  	s11 =	simm.s32 $0x200;
	s13 =	simm.s32 $0x400;
	[sflag:s28] =	ssyncset.done $0x0  }
.LBB2_5:
0xc6: {  	s14 =	sadd.s32 s11, s21  }
0xc7: {  	[sflag:s28] =	ssyncadd.s32 $0xFFFFC000;
	s16 =	smov.u32 s13;
	s17 =	sadd.s32 $0x200, s13  }
0xc8: {  	[tilespmem:s2], [sflag:$0x3] =	stream.linear.gather [hbm4b:s14+s2], $0x80, $0x38;
	[tilespmem:$0x1C280] =	vst v63  }
0xc9: {  	p3 =	sne.s32 s13, $0x4C00;
	_ =	swait.ge [sflag:s28], $0x80  }
0xca: {  	[sflag:s28] =	ssyncset.done $0x0  }
0xcb: {  	s13 =	sadd.s32 s11, s22;
	s11 =	smov.u32 s16;
	[sflag:s28] =	ssyncadd.s32 $0xFFFFFF80  }
0xcc: {  	[tilespmem:s29], [sflag:$0x3] =	stream.linear.gather [hbm4b:s13+s2], $0x80, $0x38;
	[tilespmem:$0x1C280] =	vst v63  }
0xcd: {  	_ =	swait.ge [sflag:s28], $0x80  }
0xce: {  	[sflag:s28] =	ssyncset.done $0x0  }
0xcf: {  	[sflag:s28] =	ssyncadd.s32 $0xFFFFFF80  }
0xd0: {  	[tilespmem:s30], [sflag:$0x1] =	stream.indirect.gather [hbm4b:s23+s29], $0x80, s2, s29, $0xb8;
	[tilespmem:$0x1C280] =	vst v63  }
0xd1: {  	s14 =	sadd.s32 $0x100, s14  }
0xd2: {  	[tilespmem:s31], [sflag:$0x3] =	stream.linear.gather [hbm4b:s14+s2], $0x80, $0x38;
	[tilespmem:$0x1C280] =	vst v63  }
0xd3: {  	_ =	swait.ge [sflag:s28], $0x80  }
0xd4: {  	[sflag:s28] =	ssyncset.done $0x0  }
0xd5: {  	s13 =	sadd.s32 $0x100, s13;
	[sflag:s28] =	ssyncadd.s32 $0xFFFFFF80  }
0xd6: {  	[tilespmem:s15], [sflag:$0x3] =	stream.linear.gather [hbm4b:s13+s2], $0x80, $0x38;
	[tilespmem:$0x1C280] =	vst v63  }
0xd7: {  	_ =	swait.ge [sflag:s28], $0x80  }
0xd8: {  	[sflag:s28] =	ssyncset.done $0x0  }
0xd9: {  	[sflag:s28] =	ssyncadd.s32 $0xFFFFFF80  }
0xda: {  	[tilespmem:s1], [sflag:$0x2] =	stream.indirect.gather [hbm4b:s23+s29], $0x80, s31, s29, $0xb8;
	[tilespmem:$0x1C280] =	vst v63  }
0xdb: {  	_ =	swait.ge [sflag:s8], $0x4000  }
0xdc: {  	[sflag:s8] =	ssyncset.done $0x0  }
0xdd: {  	[sflag:s8] =	ssyncadd.s32 $0xFFFFC000  }
0xde: {  	[spmem:s0] =	stream.indirect.scatter.add.f32 [tilespmem:s30], [sflag:$0x3], $0x80, s29, s29, $0xb8;
	[tilespmem:$0x1C280] =	vst v63  }
0xdf: {  	_ =	swait.ge [sflag:s28], $0x4000  }
0xe0: {  	[sflag:s28] =	ssyncset.done $0x0  }
0xe1: {  	[sflag:s28] =	ssyncadd.s32 $0xFFFFC000  }
0xe2: {  	_ =	swait.ge [sflag:s9], $0x4000  }
.Ltmp4:
0xe3: {  	[sflag:s9] =	ssyncset.done $0x0;
	(pc) =	sbr.rel @p3 .LBB2_5-.Ltmp4, $4  }
0xe4: {  	[sflag:s9] =	ssyncadd.s32 $0xFFFFC000  }
0xe5: {  	[spmem:s0] =	stream.indirect.scatter.add.f32 [tilespmem:s1], [sflag:$0x3], $0x80, s15, s29, $0xb8;
	[tilespmem:$0x1C280] =	vst v63  }
0xe6: {  	_ =	swait.ge [sflag:s28], $0x4000  }
0xe7: {  	s13 =	smov.u32 s17;
	[sflag:s28] =	ssyncset.done $0x0  }
0xe8: {  	s13 =	sadd.s32 s11, s21;
	[sflag:s28] =	ssyncadd.s32 $0xFFFFC000  }
0xe9: {  	[tilespmem:s2], [sflag:$0x3] =	stream.linear.gather [hbm4b:s13+s2], $0x80, $0x38;
	[tilespmem:$0x1C280] =	vst v63  }
0xea: {  	_ =	swait.ge [sflag:s28], $0x80  }
0xeb: {  	[sflag:s28] =	ssyncset.done $0x0  }
0xec: {  	s20 =	sadd.s32 s11, s22;
	[sflag:s28] =	ssyncadd.s32 $0xFFFFFF80  }
0xed: {  	[tilespmem:s29], [sflag:$0x3] =	stream.linear.gather [hbm4b:s20+s2], $0x80, $0x38;
	[tilespmem:$0x1C280] =	vst v63  }
0xee: {  	_ =	swait.ge [sflag:s28], $0x80  }
0xef: {  	[sflag:s28] =	ssyncset.done $0x0  }
0xf0: {  	[sflag:s28] =	ssyncadd.s32 $0xFFFFFF80  }
0xf1: {  	[tilespmem:s30], [sflag:$0x1] =	stream.indirect.gather [hbm4b:s23+s29], $0x80, s2, s29, $0xb8;
	[tilespmem:$0x1C280] =	vst v63  }
0xf2: {  	s13 =	sadd.s32 $0x100, s13  }
0xf3: {  	[tilespmem:s31], [sflag:$0x3] =	stream.linear.gather [hbm4b:s13+s2], $0x80, $0x38;
	[tilespmem:$0x1C280] =	vst v63  }
0xf4: {  	_ =	swait.ge [sflag:s28], $0x80  }
0xf5: {  	[sflag:s28] =	ssyncset.done $0x0  }
0xf6: {  	s11 =	sadd.s32 $0x100, s20;
	[sflag:s28] =	ssyncadd.s32 $0xFFFFFF80  }
0xf7: {  	[tilespmem:s15], [sflag:$0x3] =	stream.linear.gather [hbm4b:s11+s2], $0x80, $0x38;
	[tilespmem:$0x1C280] =	vst v63  }
0xf8: {  	_ =	swait.ge [sflag:s28], $0x80  }
0xf9: {  	[sflag:s28] =	ssyncset.done $0x0  }
0xfa: {  	[sflag:s28] =	ssyncadd.s32 $0xFFFFFF80  }
0xfb: {  	[tilespmem:s1], [sflag:$0x2] =	stream.indirect.gather [hbm4b:s23+s29], $0x80, s31, s29, $0xb8;
	[tilespmem:$0x1C280] =	vst v63  }
0xfc: {  	_ =	swait.ge [sflag:s8], $0x4000  }
0xfd: {  	[sflag:s8] =	ssyncset.done $0x0  }
0xfe: {  	[sflag:s8] =	ssyncadd.s32 $0xFFFFC000  }
0xff: {  	[spmem:s0] =	stream.indirect.scatter.add.f32 [tilespmem:s30], [sflag:$0x3], $0x80, s29, s29, $0xb8;
	[tilespmem:$0x1C280] =	vst v63  }
0x100: {  	_ =	swait.ge [sflag:s28], $0x4000  }
0x101: {  	[sflag:s28] =	ssyncset.done $0x0  }
0x102: {  	[sflag:s28] =	ssyncadd.s32 $0xFFFFC000  }
0x103: {  	_ =	swait.ge [sflag:s9], $0x4000  }
0x104: {  	[sflag:s9] =	ssyncset.done $0x0  }
0x105: {  	[sflag:s9] =	ssyncadd.s32 $0xFFFFC000  }
0x106: {  	[spmem:s0] =	stream.indirect.scatter.add.f32 [tilespmem:s1], [sflag:$0x3], $0x80, s15, s29, $0xb8;
	[tilespmem:$0x1C280] =	vst v63  }
.Ltmp5:
0x107: {  	_ = 	snop;
	(pc) =	sbr.rel @p1 .LBB2_10-.Ltmp5, $4  }
.Ltmp6:
0x108: {  	_ =	swait.ge [sflag:s28], $0x4000;
	(pc) =	sbr.rel @!p1 .LBB2_11-.Ltmp6, $4  }
0x109: {  	s17 =	smov.u32 s12;
	s20 =	rddreg [dreg:$0x9]  }
0x10a: {  	s13 =	smov.u32 s23;
	[sflag:s28] =	ssyncset.done $0x0;
	s14 =	rddreg [dreg:$0xa]  }
0x10b: {  	s11 =	smov.u32 s18;
	s16 =	rddreg [dreg:$0xc];
	[sflag:s28] =	ssyncadd.s32 $0xFFFFC000  }
0x10c: {  	_ = 	snop  }
.LBB2_7:
0x10d: {  	[tilespmem:s2], [sflag:$0x3] =	stream.linear.gather [hbm4b:s11+s2], $0x80, $0x38;
	[tilespmem:$0x1C280] =	vst v63  }
0x10e: {  	_ =	swait.ge [sflag:s28], $0x80  }
0x10f: {  	[sflag:s28] =	ssyncset.done $0x0  }
0x110: {  	s13 =	sadd.s32 $0x0, s22;
	[sflag:s28] =	ssyncadd.s32 $0xFFFFFF80  }
0x111: {  	[tilespmem:s29], [sflag:$0x3] =	stream.linear.gather [hbm4b:s13+s2], $0x80, $0x38;
	[tilespmem:$0x1C280] =	vst v63  }
0x112: {  	_ =	swait.ge [sflag:s28], $0x80  }
0x113: {  	[sflag:s28] =	ssyncset.done $0x0  }
0x114: {  	[sflag:s28] =	ssyncadd.s32 $0xFFFFFF80  }
0x115: {  	[tilespmem:s30], [sflag:$0x1] =	stream.indirect.gather [hbm4b:s24+s29], $0x80, s2, s29, $0xb8;
	[tilespmem:$0x1C280] =	vst v63  }
0x116: {  	s19 =	sadd.s32 $0x100, s11  }
0x117: {  	[tilespmem:s31], [sflag:$0x3] =	stream.linear.gather [hbm4b:s19+s2], $0x80, $0x38;
	[tilespmem:$0x1C280] =	vst v63  }
0x118: {  	_ =	swait.ge [sflag:s28], $0x80  }
0x119: {  	[sflag:s28] =	ssyncset.done $0x0  }
0x11a: {  	s20 =	sadd.s32 $0x100, s13;
	[sflag:s28] =	ssyncadd.s32 $0xFFFFFF80  }
0x11b: {  	[tilespmem:s15], [sflag:$0x3] =	stream.linear.gather [hbm4b:s20+s2], $0x80, $0x38;
	[tilespmem:$0x1C280] =	vst v63  }
0x11c: {  	_ =	swait.ge [sflag:s28], $0x80  }
0x11d: {  	[sflag:s28] =	ssyncset.done $0x0  }
0x11e: {  	[sflag:s28] =	ssyncadd.s32 $0xFFFFFF80  }
0x11f: {  	[tilespmem:s1], [sflag:$0x2] =	stream.indirect.gather [hbm4b:s24+s29], $0x80, s31, s29, $0xb8;
	[tilespmem:$0x1C280] =	vst v63  }
0x120: {  	_ =	swait.ge [sflag:s8], $0x4000  }
0x121: {  	[sflag:s8] =	ssyncset.done $0x0  }
0x122: {  	[sflag:s8] =	ssyncadd.s32 $0xFFFFC000  }
0x123: {  	[spmem:s0] =	stream.indirect.scatter.add.f32 [tilespmem:s30], [sflag:$0x3], $0x80, s29, s29, $0xb8;
	[tilespmem:$0x1C280] =	vst v63  }
0x124: {  	_ =	swait.ge [sflag:s28], $0x4000  }
0x125: {  	[sflag:s28] =	ssyncset.done $0x0  }
0x126: {  	[sflag:s28] =	ssyncadd.s32 $0xFFFFC000  }
0x127: {  	_ =	swait.ge [sflag:s9], $0x4000  }
0x128: {  	[sflag:s9] =	ssyncset.done $0x0  }
0x129: {  	[sflag:s9] =	ssyncadd.s32 $0xFFFFC000  }
0x12a: {  	[spmem:s0] =	stream.indirect.scatter.add.f32 [tilespmem:s1], [sflag:$0x3], $0x80, s15, s29, $0xb8;
	[tilespmem:$0x1C280] =	vst v63  }
0x12b: {  	_ =	swait.ge [sflag:s28], $0x4000  }
0x12c: {  	s11 =	simm.s32 $0x200;
	s13 =	simm.s32 $0x400;
	[sflag:s28] =	ssyncset.done $0x0  }
.LBB2_8:
0x12d: {  	s14 =	sadd.s32 s11, s21  }
0x12e: {  	[sflag:s28] =	ssyncadd.s32 $0xFFFFC000;
	s16 =	smov.u32 s13;
	s17 =	sadd.s32 $0x200, s13  }
0x12f: {  	[tilespmem:s2], [sflag:$0x3] =	stream.linear.gather [hbm4b:s14+s2], $0x80, $0x38;
	[tilespmem:$0x1C280] =	vst v63  }
0x130: {  	p3 =	sne.s32 s13, $0x4C00;
	_ =	swait.ge [sflag:s28], $0x80  }
0x131: {  	[sflag:s28] =	ssyncset.done $0x0  }
0x132: {  	s13 =	sadd.s32 s11, s22;
	s11 =	smov.u32 s16;
	[sflag:s28] =	ssyncadd.s32 $0xFFFFFF80  }
0x133: {  	[tilespmem:s29], [sflag:$0x3] =	stream.linear.gather [hbm4b:s13+s2], $0x80, $0x38;
	[tilespmem:$0x1C280] =	vst v63  }
0x134: {  	_ =	swait.ge [sflag:s28], $0x80  }
0x135: {  	[sflag:s28] =	ssyncset.done $0x0  }
0x136: {  	[sflag:s28] =	ssyncadd.s32 $0xFFFFFF80  }
0x137: {  	[tilespmem:s30], [sflag:$0x1] =	stream.indirect.gather [hbm4b:s24+s29], $0x80, s2, s29, $0xb8;
	[tilespmem:$0x1C280] =	vst v63  }
0x138: {  	s14 =	sadd.s32 $0x100, s14  }
0x139: {  	[tilespmem:s31], [sflag:$0x3] =	stream.linear.gather [hbm4b:s14+s2], $0x80, $0x38;
	[tilespmem:$0x1C280] =	vst v63  }
0x13a: {  	_ =	swait.ge [sflag:s28], $0x80  }
0x13b: {  	[sflag:s28] =	ssyncset.done $0x0  }
0x13c: {  	s13 =	sadd.s32 $0x100, s13;
	[sflag:s28] =	ssyncadd.s32 $0xFFFFFF80  }
0x13d: {  	[tilespmem:s15], [sflag:$0x3] =	stream.linear.gather [hbm4b:s13+s2], $0x80, $0x38;
	[tilespmem:$0x1C280] =	vst v63  }
0x13e: {  	_ =	swait.ge [sflag:s28], $0x80  }
0x13f: {  	[sflag:s28] =	ssyncset.done $0x0  }
0x140: {  	[sflag:s28] =	ssyncadd.s32 $0xFFFFFF80  }
0x141: {  	[tilespmem:s1], [sflag:$0x2] =	stream.indirect.gather [hbm4b:s24+s29], $0x80, s31, s29, $0xb8;
	[tilespmem:$0x1C280] =	vst v63  }
0x142: {  	_ =	swait.ge [sflag:s8], $0x4000  }
0x143: {  	[sflag:s8] =	ssyncset.done $0x0  }
0x144: {  	[sflag:s8] =	ssyncadd.s32 $0xFFFFC000  }
0x145: {  	[spmem:s0] =	stream.indirect.scatter.add.f32 [tilespmem:s30], [sflag:$0x3], $0x80, s29, s29, $0xb8;
	[tilespmem:$0x1C280] =	vst v63  }
0x146: {  	_ =	swait.ge [sflag:s28], $0x4000  }
0x147: {  	[sflag:s28] =	ssyncset.done $0x0  }
0x148: {  	[sflag:s28] =	ssyncadd.s32 $0xFFFFC000  }
0x149: {  	_ =	swait.ge [sflag:s9], $0x4000  }
.Ltmp7:
0x14a: {  	[sflag:s9] =	ssyncset.done $0x0;
	(pc) =	sbr.rel @p3 .LBB2_8-.Ltmp7, $4  }
0x14b: {  	[sflag:s9] =	ssyncadd.s32 $0xFFFFC000  }
0x14c: {  	[spmem:s0] =	stream.indirect.scatter.add.f32 [tilespmem:s1], [sflag:$0x3], $0x80, s15, s29, $0xb8;
	[tilespmem:$0x1C280] =	vst v63  }
0x14d: {  	_ =	swait.ge [sflag:s28], $0x4000  }
0x14e: {  	s13 =	smov.u32 s17;
	[sflag:s28] =	ssyncset.done $0x0  }
0x14f: {  	s13 =	sadd.s32 s11, s21;
	[sflag:s28] =	ssyncadd.s32 $0xFFFFC000  }
0x150: {  	[tilespmem:s2], [sflag:$0x3] =	stream.linear.gather [hbm4b:s13+s2], $0x80, $0x38;
	[tilespmem:$0x1C280] =	vst v63  }
0x151: {  	_ =	swait.ge [sflag:s28], $0x80  }
0x152: {  	[sflag:s28] =	ssyncset.done $0x0  }
0x153: {  	s20 =	sadd.s32 s11, s22;
	[sflag:s28] =	ssyncadd.s32 $0xFFFFFF80  }
0x154: {  	[tilespmem:s29], [sflag:$0x3] =	stream.linear.gather [hbm4b:s20+s2], $0x80, $0x38;
	[tilespmem:$0x1C280] =	vst v63  }
0x155: {  	_ =	swait.ge [sflag:s28], $0x80  }
0x156: {  	[sflag:s28] =	ssyncset.done $0x0  }
0x157: {  	[sflag:s28] =	ssyncadd.s32 $0xFFFFFF80  }
0x158: {  	[tilespmem:s30], [sflag:$0x1] =	stream.indirect.gather [hbm4b:s24+s29], $0x80, s2, s29, $0xb8;
	[tilespmem:$0x1C280] =	vst v63  }
0x159: {  	s13 =	sadd.s32 $0x100, s13  }
0x15a: {  	[tilespmem:s31], [sflag:$0x3] =	stream.linear.gather [hbm4b:s13+s2], $0x80, $0x38;
	[tilespmem:$0x1C280] =	vst v63  }
0x15b: {  	_ =	swait.ge [sflag:s28], $0x80  }
0x15c: {  	[sflag:s28] =	ssyncset.done $0x0  }
0x15d: {  	s11 =	sadd.s32 $0x100, s20;
	[sflag:s28] =	ssyncadd.s32 $0xFFFFFF80  }
0x15e: {  	[tilespmem:s15], [sflag:$0x3] =	stream.linear.gather [hbm4b:s11+s2], $0x80, $0x38;
	[tilespmem:$0x1C280] =	vst v63  }
0x15f: {  	_ =	swait.ge [sflag:s28], $0x80  }
0x160: {  	[sflag:s28] =	ssyncset.done $0x0  }
0x161: {  	[sflag:s28] =	ssyncadd.s32 $0xFFFFFF80  }
0x162: {  	[tilespmem:s1], [sflag:$0x2] =	stream.indirect.gather [hbm4b:s24+s29], $0x80, s31, s29, $0xb8;
	[tilespmem:$0x1C280] =	vst v63  }
0x163: {  	_ =	swait.ge [sflag:s8], $0x4000  }
0x164: {  	[sflag:s8] =	ssyncset.done $0x0  }
0x165: {  	[sflag:s8] =	ssyncadd.s32 $0xFFFFC000  }
0x166: {  	[spmem:s0] =	stream.indirect.scatter.add.f32 [tilespmem:s30], [sflag:$0x3], $0x80, s29, s29, $0xb8;
	[tilespmem:$0x1C280] =	vst v63  }
0x167: {  	_ =	swait.ge [sflag:s28], $0x4000  }
0x168: {  	[sflag:s28] =	ssyncset.done $0x0  }
0x169: {  	[sflag:s28] =	ssyncadd.s32 $0xFFFFC000  }
0x16a: {  	_ =	swait.ge [sflag:s9], $0x4000  }
0x16b: {  	[sflag:s9] =	ssyncset.done $0x0  }
0x16c: {  	[sflag:s9] =	ssyncadd.s32 $0xFFFFC000  }
0x16d: {  	[spmem:s0] =	stream.indirect.scatter.add.f32 [tilespmem:s1], [sflag:$0x3], $0x80, s15, s29, $0xb8;
	[tilespmem:$0x1C280] =	vst v63  }
0x16e: {  	_ =	swait.ge [sflag:s28], $0x4000  }
.Ltmp8:
0x16f: {  	s20 =	rddreg [dreg:$0x4];
	(pc) =	sbr.rel @p2 .LBB2_11-.Ltmp8, $4  }
.Ltmp9:
0x170: {  	s14 =	rddreg [dreg:$0x5];
	(pc) =	sbr.rel @!p2 .LBB2_10-.Ltmp9, $4  }
0x171: {  	s16 =	rddreg [dreg:$0x6]  }
0x172: {  	[sflag:s28] =	ssyncset.done $0x0;
	s17 =	rddreg [dreg:$0x7]  }
0x173: {  	s13 =	smov.u32 s24;
	s11 =	rddreg [dreg:$0x8];
	[sflag:s28] =	ssyncadd.s32 $0xFFFFC000  }
0x174: {  	_ = 	snop  }
.LBB2_12:
0x175: {  	_ =	sfence.sel $0x180000  }
0x176: {  	[bflag:$0x0] =	sbarrier.arrive $0xFFFF  }
0x177: {  	_ =	strace $0x9000004D  }
0x178: {  	s0 =	stileid.u32;
	[bflag:$0x2] =	sbarrier.arrive $0xFFFF  }
0x179: {  	p0 =	sne.s32 s0, $0x0;
	s0 =	rddreg [dreg:$0x3]  }
0x17a: {  	s0 =	sadd.s32 @!p0 $0x100000, s0  }
0x17b: {  	[sflag:s0] =	ssyncadd.tile.s32 @!p0 $0x1;
	_ =	shalt  }
.Lfunc_end2:
_tile_overlayer_lowered:
.L_overlay_start_2:
0x17c: {  	(tag) =	ssettag $0x2  }
0x17d: {  	s0 =	rddreg [dreg:$0x0];
	s2 =	stileid.u32  }
0x17e: {  	s1 =	rddreg [dreg:$0x1];
	p0 =	sne.s32 s2, $0x0  }
0x17f: {  	s3 =	rddreg [dreg:$0x2];
	[bflag:$0x3] =	sbarrier.arrive $0xFFFF;
	s2 =	simm.s32 @!p0 $0x1C03  }
0x180: {  	[timem:s3], [sflag:s2] =	dma.local @!p0 [hbm:s0], s1  }
0x181: {  	s0 =	simm.s32 @!p0 $0x3  }
0x182: {  	_ =	swait.ge @!p0 [sflag:s0], s1  }
0x183: {  	s1 =	ssub.s32 @!p0 $0x0, s1;
	[sflag:s0] =	ssyncset.done @!p0 $0x0  }
0x184: {  	[sflag:s0] =	ssyncadd.s32 @!p0 s1  }
0x185: {  	[bflag:$0x3] =	sbarrier.arrive $0xFFFF  }
0x186: {  	_ =	shalt  }

// kernel: kernel.19.cloned.1.call-start
scs
__scs_entry_jumppad:
0x0: {  	(pc) =	sbr.rel $0x88, $3  }
0x1: {  	(tag) =	ssettag $0x0;
	lr =	simm.s32 $0x1  }
0x2: {  	[smem:$0x3F97] =	sst lr;
	_ =	strace $0xD0000000  }
0x3: {  	_ = 	snop  }
0x4: {  	_ = 	snop  }
0x5: {  	_ = 	snop  }
0x6: {  	_ = 	snop  }
0x7: {  	_ = 	snop  }
__scs_overlays_trampoline_lowered:
0x8: {  	[smem:$0x3FA6] =	sst s0  }
0x9: {  	[smem:$0x3FA7] =	sst s1  }
0xa: {  	[smem:$0x3FA8] =	sst s2  }
0xb: {  	[smem:$0x3FA9] =	sst s3  }
0xc: {  	[smem:$0x3FAA] =	sst s4  }
0xd: {  	[smem:$0x3FAB] =	sst s5  }
0xe: {  	[smem:$0x3FAC] =	sst s6  }
0xf: {  	[smem:$0x3FAD] =	sst s7  }
0x10: {  	[smem:$0x3FAE] =	sst s8  }
0x11: {  	[smem:$0x3FAF] =	sst s9;
	s0 =	simm.s32 @!p0 $0x0  }
0x12: {  	s1 =	sld [smem:$0x3F95];
	s0 =	simm.s32 @p0 $0x1  }
0x13: {  	[smem:$0x3FB0] =	sst s0;
	s0 =	simm.s32 @!p1 $0x0  }
0x14: {  	s2 =	sld [smem:$0x3F94];
	s0 =	simm.s32 @p1 $0x1  }
0x15: {  	[smem:$0x3FB1] =	sst s0;
	s0 =	simm.s32 @!p2 $0x0  }
0x16: {  	s3 =	sld [smem:$0x3FDB];
	s0 =	simm.s32 @p2 $0x1  }
0x17: {  	s4 =	simm.s32 $0x1BF5;
	[smem:$0x3FB3] =	sst s0  }
0x18: {  	s0 =	sld [smem:$0x3F96];
	_ =	swait.ge [sflag:s4], $0x0  }
0x19: {  	s7 =	sld [smem:$0x3F97]  }
0x1a: {  	s8 =	sadd.s32 $0xFFFFE003, lr  }
0x1b: {  	s9 =	sadd.s32 $0xFFFFFEF7, lr;
	s5 =	simm.s32 $0xFFFFFFFF;
	p2 =	slt.u32 s8, $0xFFFFF086  }
0x1c: {  	p1 =	slt.u32 s9, $0xF7A;
	s5 =	simm.s32 @!p2 $0x0  }
0x1d: {  	s5 =	simm.s32 @p1 $0x1;
	p0 =	seq.s32 s7, s2  }
0x1e: {  	s7 =	smul.u32 @!p0 $0xF7A, s2;
	p2 =	seq.s32 @!p0 s5, $0x0  }
0x1f: {  	s9 =	smul.u32 $0xF7A, s1;
	s8 =	simm.s32 @!p0 $0x1BF5;
	p2 =	por !p2, p0  }
0x20: {  	[sflag:s8] =	ssyncset.s32 @!p0 $0xFFFFF086;
	s6 =	sadd.s32 @!p0 s3, s7;
	s7 =	simm.s32 @!p0 $0x108  }
0x21: {  	s3 =	sadd.s32 s3, s9;
	s6 =	sadd.s32 @!p0 $0x88, s6;
	s7 =	simm.s32 @p2 $0x1082  }
0x22: {  	[simem:s7], [sflag:s8] =	dma.local @!p0 [hbm:s6], $0xF7A  }
0x23: {  	s9 =	sor.u32 $0xD0000000, s2;
	s6 =	simm.s32 $0x108;
	_ =	swait.ge @!p0 [sflag:s8], $0x0  }
0x24: {  	s3 =	sadd.s32 $0x88, s3;
	s6 =	simm.s32 @!p1 $0x1082;
	[sflag:s4] =	ssyncset.s32 $0xFFFFF086  }
0x25: {  	[simem:s6], [sflag:s4] =	dma.local [hbm:s3], $0xF7A  }
0x26: {  	[smem:$0x3F97] =	sst s1;
	(tag) =	ssettag s2;
	_ =	strace s9  }
0x27: {  	s1 =	sld [smem:$0x3FA7]  }
0x28: {  	s2 =	sld [smem:$0x3FA8]  }
0x29: {  	s4 =	sld [smem:$0x3FAA]  }
0x2a: {  	p0 =	seq.s32 s5, $0x0;
	s5 =	sld [smem:$0x3FAB]  }
0x2b: {  	s6 =	sld [smem:$0x3FAC]  }
0x2c: {  	s7 =	sld [smem:$0x3FAD]  }
0x2d: {  	s3 =	simm.s32 $0x108;
	s8 =	sld [smem:$0x3FAE]  }
0x2e: {  	s3 =	simm.s32 @!p0 $0x1082;
	s9 =	sld [smem:$0x3FAF]  }
0x2f: {  	lr =	sadd.s32 s0, s3;
	s0 =	sld [smem:$0x3FA6]  }
0x30: {  	s3 =	sld [smem:$0x3FA9]  }
0x31: {  	[smem:$0x3FB2] =	sst s10  }
0x32: {  	s10 =	sld [smem:$0x3FB0];
	_ =	sdelay $0x3  }
0x33: {  	p0 =	seq.s32 s10, $0x1;
	s10 =	sld [smem:$0x3FB2];
	_ =	sdelay $0x3  }
0x34: {  	[smem:$0x3FB2] =	sst s10  }
0x35: {  	s10 =	sld [smem:$0x3FB1];
	_ =	sdelay $0x3  }
0x36: {  	p1 =	seq.s32 s10, $0x1;
	s10 =	sld [smem:$0x3FB2];
	_ =	sdelay $0x3  }
0x37: {  	[smem:$0x3FB2] =	sst s10  }
0x38: {  	s10 =	sld [smem:$0x3FB3]  }
0x39: {  	_ = 	snop;
	(pc) =	sbr.ind lr, $3  }
0x3a: {  	_ = 	snop  }
0x3b: {  	_ = 	snop  }
0x3c: {  	p2 =	seq.s32 s10, $0x1;
	s10 =	sld [smem:$0x3FB2]  }
0x3d: {  	_ =	shalt  }
0x3e: {  	_ =	shalt  }
0x3f: {  	_ =	shalt  }
0x40: {  	_ =	shalt  }
0x41: {  	_ =	shalt  }
0x42: {  	_ =	shalt  }
0x43: {  	_ =	shalt  }
0x44: {  	_ =	shalt  }
0x45: {  	_ =	shalt  }
0x46: {  	_ =	shalt  }
0x47: {  	_ =	shalt  }
0x48: {  	_ =	shalt  }
0x49: {  	_ =	shalt  }
0x4a: {  	_ =	shalt  }
0x4b: {  	_ =	shalt  }
0x4c: {  	_ =	shalt  }
0x4d: {  	_ =	shalt  }
0x4e: {  	_ =	shalt  }
0x4f: {  	_ =	shalt  }
0x50: {  	_ =	shalt  }
0x51: {  	_ =	shalt  }
0x52: {  	_ =	shalt  }
0x53: {  	_ =	shalt  }
0x54: {  	_ =	shalt  }
0x55: {  	_ =	shalt  }
0x56: {  	_ =	shalt  }
0x57: {  	_ =	shalt  }
0x58: {  	_ =	shalt  }
0x59: {  	_ =	shalt  }
0x5a: {  	_ =	shalt  }
0x5b: {  	_ =	shalt  }
0x5c: {  	_ =	shalt  }
0x5d: {  	_ =	shalt  }
0x5e: {  	_ =	shalt  }
0x5f: {  	_ =	shalt  }
0x60: {  	_ =	shalt  }
0x61: {  	_ =	shalt  }
0x62: {  	_ =	shalt  }
0x63: {  	_ =	shalt  }
0x64: {  	_ =	shalt  }
0x65: {  	_ =	shalt  }
0x66: {  	_ =	shalt  }
0x67: {  	_ =	shalt  }
0x68: {  	_ =	shalt  }
0x69: {  	_ =	shalt  }
0x6a: {  	_ =	shalt  }
0x6b: {  	_ =	shalt  }
0x6c: {  	_ =	shalt  }
0x6d: {  	_ =	shalt  }
0x6e: {  	_ =	shalt  }
0x6f: {  	_ =	shalt  }
0x70: {  	_ =	shalt  }
0x71: {  	_ =	shalt  }
0x72: {  	_ =	shalt  }
0x73: {  	_ =	shalt  }
0x74: {  	_ =	shalt  }
0x75: {  	_ =	shalt  }
0x76: {  	_ =	shalt  }
0x77: {  	_ =	shalt  }
0x78: {  	_ =	shalt  }
0x79: {  	_ =	shalt  }
0x7a: {  	_ =	shalt  }
0x7b: {  	_ =	shalt  }
0x7c: {  	_ =	shalt  }
0x7d: {  	_ =	shalt  }
0x7e: {  	_ =	shalt  }
0x7f: {  	_ =	shalt  }
0x80: {  	_ =	shalt  }
0x81: {  	_ =	shalt  }
0x82: {  	_ =	shalt  }
0x83: {  	_ =	shalt  }
0x84: {  	_ =	shalt  }
0x85: {  	_ =	shalt  }
0x86: {  	_ =	shalt  }
0x87: {  	_ =	shalt  }
.Lfunc_end0:
.L_simem_size_0:
called_computation.3_lowered:
.L_overlay_start_0:
0x88: {  	s2 =	sld [smem:$0x3FD9]  }
0x89: {  	s3 =	sld [smem:$0x3FFE];
	_ =	sdelay $0x1  }
0x8a: {  	s1 =	srdreg.scid  }
0x8b: {  	s0 =	sand.u32 $0x1, s1  }
0x8c: {  	s17 =	sshll.u32 s0, $0xA;
	s2 =	sadd.s32 s3, s2  }
0x8d: {  	s2 =	sadd.s32 s2, s17  }
0x8e: {  	[smem:$0x3FBE] =	sst s2  }
0x8f: {  	_ = 	snop  }
0x90: {  	s2 =	sld [smem:$0x3FD0];
	(tm) =	ssettm $0x1  }
0x91: {  	s18 =	sld [smem:$0x3FFB];
	_ =	sdelay $0x3  }
0x92: {  	_ =	strace s18  }
0x93: {  	s3 =	sld [smem:$0x3FFC];
	_ =	sdelay $0x3  }
0x94: {  	_ =	strace s3  }
0x95: {  	s3 =	sld [smem:$0x3FFD];
	_ =	sdelay $0x3  }
0x96: {  	_ =	strace s3  }
0x97: {  	_ =	strace $0x8FFFFFFF  }
0x98: {  	s19 =	sld [smem:$0x3FDB];
	_ =	sdelay $0x1  }
0x99: {  	s4 =	simm.s32 $_scs_section_size  }
0x9a: {  	s5 =	simm.s32 $_size__tile_overlayer_lowered;
	s6 =	simm.s32 $_tile_overlayer_lowered  }
0x9b: {  	s22 =	simm.s32 $0x1BFF;
	s21 =	sshll.u32 s6, $0x1;
	s3 =	sadd.s32 s4, s19  }
0x9c: {  	s7 =	simm.s32 $0x0;
	s20 =	sshll.u32 s5, $0x1;
	s5 =	sadd.s32 s21, s3  }
0x9d: {  	[timem:s7], [sflag:s22] =	dma.local [hbm:s5], s20  }
0x9e: {  	_ =	swait.ge [sflag:s22], s20  }
0x9f: {  	s4 =	ssub.s32 $0x0, s20;
	[sflag:s22] =	ssyncset.done $0x0  }
0xa0: {  	[sflag:s22] =	ssyncadd.s32 s4;
	_ =	sdelay $0x1  }
0xa1: {  	s23 =	simm.s32 $0x1B8B  }
0xa2: {  	_ =	swait.ge [sflag:s23], $0x1  }
0xa3: {  	[sflag:s23] =	ssyncset.done $0x0  }
0xa4: {  	s25 =	simm.s32 $0x1B8E;
	s24 =	sld [smem:$0x3FFE];
	[sflag:s23] =	ssyncadd.s32 $0xFFFFFFFF  }
0xa5: {  	s26 =	simm.s32 $execute0_lowered;
	[smem:$0x3FD2] =	sst s25  }
0xa6: {  	s5 =	sshll.u32 s26, $0x1;
	_ =	strace $0x8000004F;
	[dreg:$0x1] =	wrdreg $0xFFFFFFFF  }
0xa7: {  	s28 =	simm.s32 $_size_execute0_lowered;
	s3 =	sadd.s32 s3, s5;
	[dreg:$0x0] =	wrdreg $0x0  }
0xa8: {  	s5 =	sshll.u32 s28, $0x1;
	[dreg:$0x2] =	wrdreg s3  }
0xa9: {  	[dreg:$0x3] =	wrdreg s5  }
0xaa: {  	[dreg:$0x4] =	wrdreg $0xC0  }
0xab: {  	_ =	task [dreg:s7], $0x5FFFF  }
0xac: {  	[dreg:$0x1] =	wrdreg $0xFFFFFFFF  }
0xad: {  	[dreg:$0x0] =	wrdreg $0x60  }
0xae: {  	[dreg:$0x2] =	wrdreg s24  }
0xaf: {  	[dreg:$0x3] =	wrdreg s2  }
0xb0: {  	[dreg:$0x4] =	wrdreg $0x82800  }
0xb1: {  	[dreg:$0x5] =	wrdreg $0x9  }
0xb2: {  	_ =	task.clear_ibuf [dreg:s7], $0x6FFFF;
	_ =	strace $0x9000004F  }
0xb3: {  	s29 =	simm.s32 $0x9;
	_ =	strace $0x80000051  }
0xb4: {  	_ =	swait.ge [sflag:s29], $0x1  }
0xb5: {  	[sflag:s29] =	ssyncadd.s32 $0xFFFFFFFF  }
0xb6: {  	_ =	strace $0x90000051  }
0xb7: {  	_ =	sfence  }
0xb8: {  	s30 =	sld [smem:$0x0];
	_ =	sdelay $0x2  }
0xb9: {  	s31 =	sshll.u32 s1, $0xD;
	s1 =	sshrl.u32 s1, $0x2  }
0xba: {  	s3 =	sand.u32 $0x4000, s31;
	s1 =	sadd.s32 s1, s30  }
0xbb: {  	s0 =	sor.u32 s3, s0;
	s1 =	sshll.u32 s1, $0x11  }
0xbc: {  	s0 =	sor.u32 s1, s0  }
0xbd: {  	s0 =	sadd.s32 $0x8F2B, s0  }
0xbe: {  	[sflag:s0] =	ssyncadd.remote.s32 $0x1  }
0xbf: {  	_ =	sfence.sel $0xFFFF  }
0xc0: {  	[dreg:$0x0] =	wrdreg $0xFFFFFFFF;
	(pc) =	sbr.abs _section_cstart, $3  }
0xc1: {  	[dreg:$0x1] =	wrdreg $0xFFFFFFFF  }
0xc2: {  	_ =	task.clear_ibuf [dreg:s7], $0x2FFFF;
	_ =	strace $0x9FFFFFFF  }
0xc3: {  	(tm) =	ssettm $0x7FFFFFFF  }
tec
execute0_lowered:
.L_overlay_start_1:
0x0: {  	(tag) =	ssettag $0x1  }
0x1: {  	s1 =	rddreg [dreg:$0x0]  }
0x2: {  	s8 =	rddreg [dreg:$0x1]  }
0x3: {  	s0 =	rddreg [dreg:$0x2];
	s2 =	simm.s32 $0x0  }
0x4: {  	s3 =	srdreg.scid;
	s26 =	stileid.u32;
	s28 =	simm.s32 $0x3  }
0x5: {  	s29 =	simm.s32 $0x80;
	s30 =	simm.s32 $0x280;
	s31 =	simm.s32 $0x100  }
0x6: {  	[smem:$0x7FF] =	sst s2;
	s9 =	sadd.s32 $0x5200, s1;
	s10 =	sand.u32 $0x1, s3  }
0x7: {  	s7 =	sadd.s32 $0xA200, s1;
	s5 =	smul.u32 $0x280, s26;
	s11 =	sadd.s32 $0x7FE00, s1  }
0x8: {  	s12 =	sadd.s32 $0xA7E00, s1;
	s14 =	sshll.u32 s26, $0x4;
	p1 =	slt.u32 s26, $0x2  }
0x9: {  	p2 =	sgt.u32 s26, $0x1;
	s3 =	ssub.s32 $0x2, s10;
	s16 =	sor.u32 $0x4E00, s14  }
0xa: {  	p0 =	sne.s32 s10, $0x0;
	s10 =	simm.s32 $0x0;
	s4 =	sshrl.u32 s3, $0x1  }
0xb: {  	s15 =	sadd.s32 $0x80, s5;
	s19 =	sshrl.u32 s5, $0x3;
	s17 =	sadd.s32 $0x100, s5  }
0xc: {  	s18 =	sadd.s32 $0x180, s5;
	s13 =	ssub.s32 s3, s4;
	s20 =	sshrl.u32 s15, $0x3  }
0xd: {  	s3 =	sadd.s32 s7, s19;
	s6 =	sshrl.u32 s17, $0x3;
	s19 =	sadd.s32 $0x200, s5  }
0xe: {  	s21 =	sshrl.u32 s18, $0x3;
	s18 =	sshll.u32 s18, $0x4;
	s15 =	sshll.u32 s15, $0x4  }
0xf: {  	s17 =	sshll.u32 s17, $0x4;
	s4 =	sadd.s32 s7, s20;
	s23 =	sadd.s32 s12, s15  }
0x10: {  	s5 =	sadd.s32 s7, s6;
	s24 =	sadd.s32 s12, s17;
	[dreg:$0x5] =	wrdreg s23  }
0x11: {  	s20 =	sshrl.u32 s19, $0x3;
	s25 =	sadd.s32 s12, s18;
	[dreg:$0x6] =	wrdreg s24  }
0x12: {  	s6 =	sadd.s32 s7, s21;
	[dreg:$0x7] =	wrdreg s25;
	s23 =	sadd.s32 s11, s17  }
0x13: {  	s7 =	sadd.s32 s7, s20;
	s24 =	sadd.s32 s8, s16;
	[dreg:$0xc] =	wrdreg s23  }
0x14: {  	s20 =	smul.u32 $0x2800, s26;
	s25 =	sadd.s32 s9, s16;
	[dreg:$0xb] =	wrdreg s24  }
0x15: {  	s21 =	sshll.u32 s19, $0x4;
	s26 =	simm.s32 $0x200;
	[dreg:$0xd] =	wrdreg s25  }
0x16: {  	s23 =	sadd.s32 $0xA800, s1;
	s24 =	sadd.s32 $0x31A00, s1;
	s22 =	sadd.s32 s12, s20  }
0x17: {  	s25 =	smax.u32 s13, $0x1;
	s12 =	sadd.s32 s12, s21;
	[dreg:$0x4] =	wrdreg s22  }
.Ltmp0:
0x18: {  	s20 =	sadd.s32 s11, s20;
	[dreg:$0x8] =	wrdreg s12;
	(pc) =	sbr.rel .LBB2_1-.Ltmp0, $4  }
0x19: {  	s1 =	simm.s32 $0x4280;
	[dreg:$0x9] =	wrdreg s20;
	s22 =	sadd.s32 s11, s15  }
0x1a: {  	s12 =	sadd.s32 s11, s18;
	s18 =	sadd.s32 s11, s21;
	s21 =	sadd.s32 s14, s8  }
0x1b: {  	s15 =	simm.s32 $0x180;
	s8 =	simm.s32 $0x1;
	[dreg:$0xa] =	wrdreg s22  }
0x1c: {  	v0 =	vimm.f32 $0.0e+00;
	s22 =	sadd.s32 s14, s9;
	s9 =	simm.s32 $0x2;
	_ =	strace $0x80000050  }
.LBB2_10:
0x1d: {  	s19 =	rddreg [dreg:$0xb]  }
0x1e: {  	[tilespmem:s2], [sflag:$0x3] =	stream.linear.gather [hbm4b:s19+s2], $0x80, $0x38;
	[tilespmem:$0x1C280] =	vst v63  }
0x1f: {  	_ =	swait.ge [sflag:s28], $0x80  }
0x20: {  	[sflag:s28] =	ssyncset.done $0x0  }
0x21: {  	s19 =	rddreg [dreg:$0xd];
	[sflag:s28] =	ssyncadd.s32 $0xFFFFFF80  }
0x22: {  	[tilespmem:s29], [sflag:$0x3] =	stream.linear.gather [hbm4b:s19+s2], $0x80, $0x38;
	[tilespmem:$0x1C280] =	vst v63  }
0x23: {  	_ =	swait.ge [sflag:s28], $0x80  }
0x24: {  	[sflag:s28] =	ssyncset.done $0x0  }
0x25: {  	[sflag:s28] =	ssyncadd.s32 $0xFFFFFF80  }
0x26: {  	[tilespmem:s30], [sflag:$0x1] =	stream.indirect.gather [hbm4b:s13+s29], $0x80, s2, s29, $0xb8;
	[tilespmem:$0x1C280] =	vst v63  }
0x27: {  	_ =	swait.ge [sflag:s8], $0x4000  }
0x28: {  	[sflag:s8] =	ssyncset.done $0x0  }
0x29: {  	[sflag:s8] =	ssyncadd.s32 $0xFFFFC000  }
0x2a: {  	[spmem:s0] =	stream.indirect.scatter.add.f32 [tilespmem:s30], [sflag:$0x3], $0x80, s29, s29, $0xb8;
	[tilespmem:$0x1C280] =	vst v63  }
0x2b: {  	_ =	swait.ge [sflag:s28], $0x4000  }
0x2c: {  	[sflag:s28] =	ssyncset.done $0x0  }
0x2d: {  	[sflag:s28] =	ssyncadd.s32 $0xFFFFC000  }
.LBB2_11:
0x2e: {  	[bflag:$0x0] =	sbarrier.arrive $0xFFFF  }
0x2f: {  	[tilespmem:s26], [sflag:$0x3] =	stream.linear.gather [hbm4b:s3+s2], $0x80, $0x38;
	[tilespmem:$0x1C280] =	vst v63  }
0x30: {  	_ =	swait.ge [sflag:s28], $0x80  }
0x31: {  	[sflag:s28] =	ssyncset.done $0x0  }
0x32: {  	[sflag:s28] =	ssyncadd.s32 $0xFFFFFF80  }
0x33: {  	[tilespmem:s30], [sflag:$0x1] =	stream.indirect.gather [spmem:s0], $0x80, s26, s29, $0xb8;
	[tilespmem:$0x1C280] =	vst v63  }
0x34: {  	_ =	swait.ge [sflag:s8], $0x4000  }
0x35: {  	[sflag:s8] =	ssyncset.done $0x0  }
0x36: {  	[sflag:s8] =	ssyncadd.s32 $0xFFFFC000  }
0x37: {  	[hbm4b:s20+s2] =	stream.linear.scatter [tilespmem:s30], [sflag:$0x3], $0x4000, $0x38;
	[tilespmem:$0x1C280] =	vst v63  }
0x38: {  	_ =	swait.ge [sflag:s28], $0x4000  }
0x39: {  	[sflag:s28] =	ssyncset.done $0x0  }
0x3a: {  	[sflag:s28] =	ssyncadd.s32 $0xFFFFC000  }
0x3b: {  	[tilespmem:s26], [sflag:$0x3] =	stream.linear.gather [hbm4b:s4+s2], $0x80, $0x38;
	[tilespmem:$0x1C280] =	vst v63  }
0x3c: {  	_ =	swait.ge [sflag:s28], $0x80  }
0x3d: {  	[sflag:s28] =	ssyncset.done $0x0  }
0x3e: {  	[sflag:s28] =	ssyncadd.s32 $0xFFFFFF80  }
0x3f: {  	[tilespmem:s30], [sflag:$0x1] =	stream.indirect.gather [spmem:s0], $0x80, s26, s29, $0xb8;
	[tilespmem:$0x1C280] =	vst v63  }
0x40: {  	_ =	swait.ge [sflag:s8], $0x4000  }
0x41: {  	[sflag:s8] =	ssyncset.done $0x0  }
0x42: {  	[sflag:s8] =	ssyncadd.s32 $0xFFFFC000  }
0x43: {  	[hbm4b:s14+s2] =	stream.linear.scatter [tilespmem:s30], [sflag:$0x3], $0x4000, $0x38;
	[tilespmem:$0x1C280] =	vst v63  }
0x44: {  	_ =	swait.ge [sflag:s28], $0x4000  }
0x45: {  	[sflag:s28] =	ssyncset.done $0x0  }
0x46: {  	[sflag:s28] =	ssyncadd.s32 $0xFFFFC000  }
0x47: {  	[tilespmem:s26], [sflag:$0x3] =	stream.linear.gather [hbm4b:s5+s2], $0x80, $0x38;
	[tilespmem:$0x1C280] =	vst v63  }
0x48: {  	_ =	swait.ge [sflag:s28], $0x80  }
0x49: {  	[sflag:s28] =	ssyncset.done $0x0  }
0x4a: {  	[sflag:s28] =	ssyncadd.s32 $0xFFFFFF80  }
0x4b: {  	[tilespmem:s30], [sflag:$0x1] =	stream.indirect.gather [spmem:s0], $0x80, s26, s29, $0xb8;
	[tilespmem:$0x1C280] =	vst v63  }
0x4c: {  	_ =	swait.ge [sflag:s8], $0x4000  }
0x4d: {  	[sflag:s8] =	ssyncset.done $0x0  }
0x4e: {  	[sflag:s8] =	ssyncadd.s32 $0xFFFFC000  }
0x4f: {  	[hbm4b:s16+s2] =	stream.linear.scatter [tilespmem:s30], [sflag:$0x3], $0x4000, $0x38;
	[tilespmem:$0x1C280] =	vst v63  }
0x50: {  	_ =	swait.ge [sflag:s28], $0x4000  }
0x51: {  	[sflag:s28] =	ssyncset.done $0x0  }
0x52: {  	[sflag:s28] =	ssyncadd.s32 $0xFFFFC000  }
0x53: {  	[tilespmem:s26], [sflag:$0x3] =	stream.linear.gather [hbm4b:s6+s2], $0x80, $0x38;
	[tilespmem:$0x1C280] =	vst v63  }
0x54: {  	_ =	swait.ge [sflag:s28], $0x80  }
0x55: {  	[sflag:s28] =	ssyncset.done $0x0  }
0x56: {  	[sflag:s28] =	ssyncadd.s32 $0xFFFFFF80  }
0x57: {  	[tilespmem:s30], [sflag:$0x1] =	stream.indirect.gather [spmem:s0], $0x80, s26, s29, $0xb8;
	[tilespmem:$0x1C280] =	vst v63  }
0x58: {  	_ =	swait.ge [sflag:s8], $0x4000  }
0x59: {  	[sflag:s8] =	ssyncset.done $0x0  }
0x5a: {  	[sflag:s8] =	ssyncadd.s32 $0xFFFFC000  }
0x5b: {  	[hbm4b:s17+s2] =	stream.linear.scatter [tilespmem:s30], [sflag:$0x3], $0x4000, $0x38;
	[tilespmem:$0x1C280] =	vst v63  }
0x5c: {  	_ =	swait.ge [sflag:s28], $0x4000  }
0x5d: {  	[sflag:s28] =	ssyncset.done $0x0  }
0x5e: {  	[sflag:s28] =	ssyncadd.s32 $0xFFFFC000  }
0x5f: {  	[tilespmem:s26], [sflag:$0x3] =	stream.linear.gather [hbm4b:s7+s2], $0x80, $0x38;
	[tilespmem:$0x1C280] =	vst v63  }
0x60: {  	_ =	swait.ge [sflag:s28], $0x80  }
0x61: {  	[sflag:s28] =	ssyncset.done $0x0  }
0x62: {  	[sflag:s28] =	ssyncadd.s32 $0xFFFFFF80  }
0x63: {  	[tilespmem:s30], [sflag:$0x1] =	stream.indirect.gather [spmem:s0], $0x80, s26, s29, $0xb8;
	[tilespmem:$0x1C280] =	vst v63  }
0x64: {  	s10 =	sadd.s32 $0x1, s10;
	_ =	swait.ge [sflag:s8], $0x4000  }
0x65: {  	p3 =	sne.s32 s10, s25;
	[sflag:s8] =	ssyncset.done $0x0  }
.Ltmp1:
0x66: {  	[sflag:s8] =	ssyncadd.s32 $0xFFFFC000;
	(pc) =	sbr.rel @!p3 .LBB2_12-.Ltmp1, $4  }
0x67: {  	[hbm4b:s11+s2] =	stream.linear.scatter [tilespmem:s30], [sflag:$0x3], $0x4000, $0x38;
	[tilespmem:$0x1C280] =	vst v63  }
0x68: {  	_ =	swait.ge [sflag:s28], $0x4000  }
0x69: {  	[sflag:s28] =	ssyncset.done $0x0  }
0x6a: {  	[sflag:s28] =	ssyncadd.s32 $0xFFFFC000  }
.LBB2_1:
0x6b: {  	s11 =	simm.s32 $0x0;
	s13 =	simm.s32 $0x200  }
.LBB2_2:
0x6c: {  	p3 =	sne.s32 s13, $0xFE00;
	[tilespmem:s11+$0x2F0] =	vst v0  }
0x6d: {  	[tilespmem:s11+$0x280] =	vst v0  }
0x6e: {  	[tilespmem:s11+$0x290] =	vst v0  }
.Ltmp2:
0x6f: {  	[tilespmem:s11+$0x2A0] =	vst v0;
	(pc) =	sbr.rel @p3 .LBB2_2-.Ltmp2, $4  }
0x70: {  	[tilespmem:s11+$0x2B0] =	vst v0  }
0x71: {  	[tilespmem:s11+$0x2C0] =	vst v0  }
0x72: {  	[tilespmem:s11+$0x2D0] =	vst v0  }
0x73: {  	[tilespmem:s11+$0x2E0] =	vst v0;
	s11 =	sshra.s32 s13, $0x2;
	s13 =	sadd.s32 $0x200, s13  }
0x74: {  	[tilespmem:s11+$0x2F0] =	vst v0  }
0x75: {  	[tilespmem:s11+$0x280] =	vst v0  }
0x76: {  	[tilespmem:s11+$0x290] =	vst v0  }
0x77: {  	[tilespmem:s11+$0x2A0] =	vst v0  }
0x78: {  	[tilespmem:s11+$0x2B0] =	vst v0  }
0x79: {  	[tilespmem:s11+$0x2C0] =	vst v0  }
0x7a: {  	[tilespmem:s11+$0x2D0] =	vst v0  }
0x7b: {  	[tilespmem:s11+$0x2E0] =	vst v0;
	s20 =	simm.s32 $0x0  }
0x7c: {  	[tilespmem:s26], [sflag:$0x3] =	stream.linear.gather [hbm4b:s3+s20], $0x80, $0x38;
	[tilespmem:$0x1C280] =	vst v63  }
0x7d: {  	_ =	swait.ge [sflag:s28], $0x80  }
0x7e: {  	[sflag:s28] =	ssyncset.done $0x0  }
0x7f: {  	[sflag:s28] =	ssyncadd.s32 $0xFFFFFF80  }
0x80: {  	[spmem:s0] =	stream.indirect.scatter [tilespmem:s30], [sflag:$0x3], $0x80, s26, s29, $0xb8;
	[tilespmem:$0x1C280] =	vst v63  }
0x81: {  	_ =	swait.ge [sflag:s28], $0x4000  }
0x82: {  	[sflag:s28] =	ssyncset.done $0x0  }
0x83: {  	[sflag:s28] =	ssyncadd.s32 $0xFFFFC000  }
0x84: {  	[tilespmem:s26], [sflag:$0x3] =	stream.linear.gather [hbm4b:s4+s20], $0x80, $0x38;
	[tilespmem:$0x1C280] =	vst v63  }
0x85: {  	_ =	swait.ge [sflag:s28], $0x80  }
0x86: {  	[sflag:s28] =	ssyncset.done $0x0  }
0x87: {  	[sflag:s28] =	ssyncadd.s32 $0xFFFFFF80  }
0x88: {  	[spmem:s0] =	stream.indirect.scatter [tilespmem:s30], [sflag:$0x3], $0x80, s26, s29, $0xb8;
	[tilespmem:$0x1C280] =	vst v63  }
0x89: {  	_ =	swait.ge [sflag:s28], $0x4000  }
0x8a: {  	[sflag:s28] =	ssyncset.done $0x0  }
0x8b: {  	[sflag:s28] =	ssyncadd.s32 $0xFFFFC000  }
0x8c: {  	[tilespmem:s26], [sflag:$0x3] =	stream.linear.gather [hbm4b:s5+s20], $0x80, $0x38;
	[tilespmem:$0x1C280] =	vst v63  }
0x8d: {  	_ =	swait.ge [sflag:s28], $0x80  }
0x8e: {  	[sflag:s28] =	ssyncset.done $0x0  }
0x8f: {  	[sflag:s28] =	ssyncadd.s32 $0xFFFFFF80  }
0x90: {  	[spmem:s0] =	stream.indirect.scatter [tilespmem:s30], [sflag:$0x3], $0x80, s26, s29, $0xb8;
	[tilespmem:$0x1C280] =	vst v63  }
0x91: {  	_ =	swait.ge [sflag:s28], $0x4000  }
0x92: {  	[sflag:s28] =	ssyncset.done $0x0  }
0x93: {  	[sflag:s28] =	ssyncadd.s32 $0xFFFFC000  }
0x94: {  	[tilespmem:s26], [sflag:$0x3] =	stream.linear.gather [hbm4b:s6+s20], $0x80, $0x38;
	[tilespmem:$0x1C280] =	vst v63  }
0x95: {  	_ =	swait.ge [sflag:s28], $0x80  }
0x96: {  	[sflag:s28] =	ssyncset.done $0x0  }
0x97: {  	[sflag:s28] =	ssyncadd.s32 $0xFFFFFF80  }
0x98: {  	[spmem:s0] =	stream.indirect.scatter [tilespmem:s30], [sflag:$0x3], $0x80, s26, s29, $0xb8;
	[tilespmem:$0x1C280] =	vst v63  }
0x99: {  	_ =	swait.ge [sflag:s28], $0x4000  }
0x9a: {  	[sflag:s28] =	ssyncset.done $0x0  }
0x9b: {  	[sflag:s28] =	ssyncadd.s32 $0xFFFFC000  }
0x9c: {  	[tilespmem:s26], [sflag:$0x3] =	stream.linear.gather [hbm4b:s7+s20], $0x80, $0x38;
	[tilespmem:$0x1C280] =	vst v63  }
0x9d: {  	_ =	swait.ge [sflag:s28], $0x80  }
0x9e: {  	[sflag:s28] =	ssyncset.done $0x0  }
0x9f: {  	[sflag:s28] =	ssyncadd.s32 $0xFFFFFF80  }
0xa0: {  	[spmem:s0] =	stream.indirect.scatter [tilespmem:s30], [sflag:$0x3], $0x80, s26, s29, $0xb8;
	[tilespmem:$0x1C280] =	vst v63  }
.Ltmp3:
0xa1: {  	_ =	swait.ge [sflag:s28], $0x4000;
	(pc) =	sbr.rel @p0 .LBB2_7-.Ltmp3, $4  }
0xa2: {  	[sflag:s28] =	ssyncset.done $0x0  }
0xa3: {  	[sflag:s28] =	ssyncadd.s32 $0xFFFFC000  }
0xa4: {  	[bflag:$0x0] =	sbarrier.arrive $0xFFFF  }
0xa5: {  	s11 =	sadd.s32 $0x0, s21  }
0xa6: {  	[tilespmem:s2], [sflag:$0x3] =	stream.linear.gather [hbm4b:s11+s2], $0x80, $0x38;
	[tilespmem:$0x1C280] =	vst v63  }
0xa7: {  	_ =	swait.ge [sflag:s28], $0x80  }
0xa8: {  	[sflag:s28] =	ssyncset.done $0x0  }
0xa9: {  	s13 =	sadd.s32 $0x0, s22;
	[sflag:s28] =	ssyncadd.s32 $0xFFFFFF80  }
0xaa: {  	[tilespmem:s29], [sflag:$0x3] =	stream.linear.gather [hbm4b:s13+s2], $0x80, $0x38;
	[tilespmem:$0x1C280] =	vst v63  }
0xab: {  	_ =	swait.ge [sflag:s28], $0x80  }
0xac: {  	[sflag:s28] =	ssyncset.done $0x0  }
0xad: {  	[sflag:s28] =	ssyncadd.s32 $0xFFFFFF80  }
0xae: {  	[tilespmem:s30], [sflag:$0x1] =	stream.indirect.gather [hbm4b:s23+s29], $0x80, s2, s29, $0xb8;
	[tilespmem:$0x1C280] =	vst v63  }
0xaf: {  	s19 =	sadd.s32 $0x100, s11  }
0xb0: {  	[tilespmem:s31], [sflag:$0x3] =	stream.linear.gather [hbm4b:s19+s2], $0x80, $0x38;
	[tilespmem:$0x1C280] =	vst v63  }
0xb1: {  	_ =	swait.ge [sflag:s28], $0x80  }
0xb2: {  	[sflag:s28] =	ssyncset.done $0x0  }
0xb3: {  	s20 =	sadd.s32 $0x100, s13;
	[sflag:s28] =	ssyncadd.s32 $0xFFFFFF80  }
0xb4: {  	[tilespmem:s15], [sflag:$0x3] =	stream.linear.gather [hbm4b:s20+s2], $0x80, $0x38;
	[tilespmem:$0x1C280] =	vst v63  }
0xb5: {  	_ =	swait.ge [sflag:s28], $0x80  }
0xb6: {  	[sflag:s28] =	ssyncset.done $0x0  }
0xb7: {  	[sflag:s28] =	ssyncadd.s32 $0xFFFFFF80  }
0xb8: {  	[tilespmem:s1], [sflag:$0x2] =	stream.indirect.gather [hbm4b:s23+s29], $0x80, s31, s29, $0xb8;
	[tilespmem:$0x1C280] =	vst v63  }
0xb9: {  	_ =	swait.ge [sflag:s8], $0x4000  }
0xba: {  	[sflag:s8] =	ssyncset.done $0x0  }
0xbb: {  	[sflag:s8] =	ssyncadd.s32 $0xFFFFC000  }
0xbc: {  	[spmem:s0] =	stream.indirect.scatter.add.f32 [tilespmem:s30], [sflag:$0x3], $0x80, s29, s29, $0xb8;
	[tilespmem:$0x1C280] =	vst v63  }
0xbd: {  	_ =	swait.ge [sflag:s28], $0x4000  }
0xbe: {  	[sflag:s28] =	ssyncset.done $0x0  }
0xbf: {  	[sflag:s28] =	ssyncadd.s32 $0xFFFFC000  }
0xc0: {  	_ =	swait.ge [sflag:s9], $0x4000  }
0xc1: {  	[sflag:s9] =	ssyncset.done $0x0  }
0xc2: {  	[sflag:s9] =	ssyncadd.s32 $0xFFFFC000  }
0xc3: {  	[spmem:s0] =	stream.indirect.scatter.add.f32 [tilespmem:s1], [sflag:$0x3], $0x80, s15, s29, $0xb8;
	[tilespmem:$0x1C280] =	vst v63  }
0xc4: {  	_ =	swait.ge [sflag:s28], $0x4000  }
0xc5: {  	s11 =	simm.s32 $0x200;
	s13 =	simm.s32 $0x400;
	[sflag:s28] =	ssyncset.done $0x0  }
.LBB2_5:
0xc6: {  	s14 =	sadd.s32 s11, s21  }
0xc7: {  	[sflag:s28] =	ssyncadd.s32 $0xFFFFC000;
	s16 =	smov.u32 s13;
	s17 =	sadd.s32 $0x200, s13  }
0xc8: {  	[tilespmem:s2], [sflag:$0x3] =	stream.linear.gather [hbm4b:s14+s2], $0x80, $0x38;
	[tilespmem:$0x1C280] =	vst v63  }
0xc9: {  	p3 =	sne.s32 s13, $0x4C00;
	_ =	swait.ge [sflag:s28], $0x80  }
0xca: {  	[sflag:s28] =	ssyncset.done $0x0  }
0xcb: {  	s13 =	sadd.s32 s11, s22;
	s11 =	smov.u32 s16;
	[sflag:s28] =	ssyncadd.s32 $0xFFFFFF80  }
0xcc: {  	[tilespmem:s29], [sflag:$0x3] =	stream.linear.gather [hbm4b:s13+s2], $0x80, $0x38;
	[tilespmem:$0x1C280] =	vst v63  }
0xcd: {  	_ =	swait.ge [sflag:s28], $0x80  }
0xce: {  	[sflag:s28] =	ssyncset.done $0x0  }
0xcf: {  	[sflag:s28] =	ssyncadd.s32 $0xFFFFFF80  }
0xd0: {  	[tilespmem:s30], [sflag:$0x1] =	stream.indirect.gather [hbm4b:s23+s29], $0x80, s2, s29, $0xb8;
	[tilespmem:$0x1C280] =	vst v63  }
0xd1: {  	s14 =	sadd.s32 $0x100, s14  }
0xd2: {  	[tilespmem:s31], [sflag:$0x3] =	stream.linear.gather [hbm4b:s14+s2], $0x80, $0x38;
	[tilespmem:$0x1C280] =	vst v63  }
0xd3: {  	_ =	swait.ge [sflag:s28], $0x80  }
0xd4: {  	[sflag:s28] =	ssyncset.done $0x0  }
0xd5: {  	s13 =	sadd.s32 $0x100, s13;
	[sflag:s28] =	ssyncadd.s32 $0xFFFFFF80  }
0xd6: {  	[tilespmem:s15], [sflag:$0x3] =	stream.linear.gather [hbm4b:s13+s2], $0x80, $0x38;
	[tilespmem:$0x1C280] =	vst v63  }
0xd7: {  	_ =	swait.ge [sflag:s28], $0x80  }
0xd8: {  	[sflag:s28] =	ssyncset.done $0x0  }
0xd9: {  	[sflag:s28] =	ssyncadd.s32 $0xFFFFFF80  }
0xda: {  	[tilespmem:s1], [sflag:$0x2] =	stream.indirect.gather [hbm4b:s23+s29], $0x80, s31, s29, $0xb8;
	[tilespmem:$0x1C280] =	vst v63  }
0xdb: {  	_ =	swait.ge [sflag:s8], $0x4000  }
0xdc: {  	[sflag:s8] =	ssyncset.done $0x0  }
0xdd: {  	[sflag:s8] =	ssyncadd.s32 $0xFFFFC000  }
0xde: {  	[spmem:s0] =	stream.indirect.scatter.add.f32 [tilespmem:s30], [sflag:$0x3], $0x80, s29, s29, $0xb8;
	[tilespmem:$0x1C280] =	vst v63  }
0xdf: {  	_ =	swait.ge [sflag:s28], $0x4000  }
0xe0: {  	[sflag:s28] =	ssyncset.done $0x0  }
0xe1: {  	[sflag:s28] =	ssyncadd.s32 $0xFFFFC000  }
0xe2: {  	_ =	swait.ge [sflag:s9], $0x4000  }
.Ltmp4:
0xe3: {  	[sflag:s9] =	ssyncset.done $0x0;
	(pc) =	sbr.rel @p3 .LBB2_5-.Ltmp4, $4  }
0xe4: {  	[sflag:s9] =	ssyncadd.s32 $0xFFFFC000  }
0xe5: {  	[spmem:s0] =	stream.indirect.scatter.add.f32 [tilespmem:s1], [sflag:$0x3], $0x80, s15, s29, $0xb8;
	[tilespmem:$0x1C280] =	vst v63  }
0xe6: {  	_ =	swait.ge [sflag:s28], $0x4000  }
0xe7: {  	s13 =	smov.u32 s17;
	[sflag:s28] =	ssyncset.done $0x0  }
0xe8: {  	s13 =	sadd.s32 s11, s21;
	[sflag:s28] =	ssyncadd.s32 $0xFFFFC000  }
0xe9: {  	[tilespmem:s2], [sflag:$0x3] =	stream.linear.gather [hbm4b:s13+s2], $0x80, $0x38;
	[tilespmem:$0x1C280] =	vst v63  }
0xea: {  	_ =	swait.ge [sflag:s28], $0x80  }
0xeb: {  	[sflag:s28] =	ssyncset.done $0x0  }
0xec: {  	s20 =	sadd.s32 s11, s22;
	[sflag:s28] =	ssyncadd.s32 $0xFFFFFF80  }
0xed: {  	[tilespmem:s29], [sflag:$0x3] =	stream.linear.gather [hbm4b:s20+s2], $0x80, $0x38;
	[tilespmem:$0x1C280] =	vst v63  }
0xee: {  	_ =	swait.ge [sflag:s28], $0x80  }
0xef: {  	[sflag:s28] =	ssyncset.done $0x0  }
0xf0: {  	[sflag:s28] =	ssyncadd.s32 $0xFFFFFF80  }
0xf1: {  	[tilespmem:s30], [sflag:$0x1] =	stream.indirect.gather [hbm4b:s23+s29], $0x80, s2, s29, $0xb8;
	[tilespmem:$0x1C280] =	vst v63  }
0xf2: {  	s13 =	sadd.s32 $0x100, s13  }
0xf3: {  	[tilespmem:s31], [sflag:$0x3] =	stream.linear.gather [hbm4b:s13+s2], $0x80, $0x38;
	[tilespmem:$0x1C280] =	vst v63  }
0xf4: {  	_ =	swait.ge [sflag:s28], $0x80  }
0xf5: {  	[sflag:s28] =	ssyncset.done $0x0  }
0xf6: {  	s11 =	sadd.s32 $0x100, s20;
	[sflag:s28] =	ssyncadd.s32 $0xFFFFFF80  }
0xf7: {  	[tilespmem:s15], [sflag:$0x3] =	stream.linear.gather [hbm4b:s11+s2], $0x80, $0x38;
	[tilespmem:$0x1C280] =	vst v63  }
0xf8: {  	_ =	swait.ge [sflag:s28], $0x80  }
0xf9: {  	[sflag:s28] =	ssyncset.done $0x0  }
0xfa: {  	[sflag:s28] =	ssyncadd.s32 $0xFFFFFF80  }
0xfb: {  	[tilespmem:s1], [sflag:$0x2] =	stream.indirect.gather [hbm4b:s23+s29], $0x80, s31, s29, $0xb8;
	[tilespmem:$0x1C280] =	vst v63  }
0xfc: {  	_ =	swait.ge [sflag:s8], $0x4000  }
0xfd: {  	[sflag:s8] =	ssyncset.done $0x0  }
0xfe: {  	[sflag:s8] =	ssyncadd.s32 $0xFFFFC000  }
0xff: {  	[spmem:s0] =	stream.indirect.scatter.add.f32 [tilespmem:s30], [sflag:$0x3], $0x80, s29, s29, $0xb8;
	[tilespmem:$0x1C280] =	vst v63  }
0x100: {  	_ =	swait.ge [sflag:s28], $0x4000  }
0x101: {  	[sflag:s28] =	ssyncset.done $0x0  }
0x102: {  	[sflag:s28] =	ssyncadd.s32 $0xFFFFC000  }
0x103: {  	_ =	swait.ge [sflag:s9], $0x4000  }
0x104: {  	[sflag:s9] =	ssyncset.done $0x0  }
0x105: {  	[sflag:s9] =	ssyncadd.s32 $0xFFFFC000  }
0x106: {  	[spmem:s0] =	stream.indirect.scatter.add.f32 [tilespmem:s1], [sflag:$0x3], $0x80, s15, s29, $0xb8;
	[tilespmem:$0x1C280] =	vst v63  }
.Ltmp5:
0x107: {  	_ = 	snop;
	(pc) =	sbr.rel @p1 .LBB2_10-.Ltmp5, $4  }
.Ltmp6:
0x108: {  	_ =	swait.ge [sflag:s28], $0x4000;
	(pc) =	sbr.rel @!p1 .LBB2_11-.Ltmp6, $4  }
0x109: {  	s17 =	smov.u32 s12;
	s20 =	rddreg [dreg:$0x9]  }
0x10a: {  	s13 =	smov.u32 s23;
	[sflag:s28] =	ssyncset.done $0x0;
	s14 =	rddreg [dreg:$0xa]  }
0x10b: {  	s11 =	smov.u32 s18;
	s16 =	rddreg [dreg:$0xc];
	[sflag:s28] =	ssyncadd.s32 $0xFFFFC000  }
0x10c: {  	_ = 	snop  }
.LBB2_7:
0x10d: {  	[tilespmem:s2], [sflag:$0x3] =	stream.linear.gather [hbm4b:s11+s2], $0x80, $0x38;
	[tilespmem:$0x1C280] =	vst v63  }
0x10e: {  	_ =	swait.ge [sflag:s28], $0x80  }
0x10f: {  	[sflag:s28] =	ssyncset.done $0x0  }
0x110: {  	s13 =	sadd.s32 $0x0, s22;
	[sflag:s28] =	ssyncadd.s32 $0xFFFFFF80  }
0x111: {  	[tilespmem:s29], [sflag:$0x3] =	stream.linear.gather [hbm4b:s13+s2], $0x80, $0x38;
	[tilespmem:$0x1C280] =	vst v63  }
0x112: {  	_ =	swait.ge [sflag:s28], $0x80  }
0x113: {  	[sflag:s28] =	ssyncset.done $0x0  }
0x114: {  	[sflag:s28] =	ssyncadd.s32 $0xFFFFFF80  }
0x115: {  	[tilespmem:s30], [sflag:$0x1] =	stream.indirect.gather [hbm4b:s24+s29], $0x80, s2, s29, $0xb8;
	[tilespmem:$0x1C280] =	vst v63  }
0x116: {  	s19 =	sadd.s32 $0x100, s11  }
0x117: {  	[tilespmem:s31], [sflag:$0x3] =	stream.linear.gather [hbm4b:s19+s2], $0x80, $0x38;
	[tilespmem:$0x1C280] =	vst v63  }
0x118: {  	_ =	swait.ge [sflag:s28], $0x80  }
0x119: {  	[sflag:s28] =	ssyncset.done $0x0  }
0x11a: {  	s20 =	sadd.s32 $0x100, s13;
	[sflag:s28] =	ssyncadd.s32 $0xFFFFFF80  }
0x11b: {  	[tilespmem:s15], [sflag:$0x3] =	stream.linear.gather [hbm4b:s20+s2], $0x80, $0x38;
	[tilespmem:$0x1C280] =	vst v63  }
0x11c: {  	_ =	swait.ge [sflag:s28], $0x80  }
0x11d: {  	[sflag:s28] =	ssyncset.done $0x0  }
0x11e: {  	[sflag:s28] =	ssyncadd.s32 $0xFFFFFF80  }
0x11f: {  	[tilespmem:s1], [sflag:$0x2] =	stream.indirect.gather [hbm4b:s24+s29], $0x80, s31, s29, $0xb8;
	[tilespmem:$0x1C280] =	vst v63  }
0x120: {  	_ =	swait.ge [sflag:s8], $0x4000  }
0x121: {  	[sflag:s8] =	ssyncset.done $0x0  }
0x122: {  	[sflag:s8] =	ssyncadd.s32 $0xFFFFC000  }
0x123: {  	[spmem:s0] =	stream.indirect.scatter.add.f32 [tilespmem:s30], [sflag:$0x3], $0x80, s29, s29, $0xb8;
	[tilespmem:$0x1C280] =	vst v63  }
0x124: {  	_ =	swait.ge [sflag:s28], $0x4000  }
0x125: {  	[sflag:s28] =	ssyncset.done $0x0  }
0x126: {  	[sflag:s28] =	ssyncadd.s32 $0xFFFFC000  }
0x127: {  	_ =	swait.ge [sflag:s9], $0x4000  }
0x128: {  	[sflag:s9] =	ssyncset.done $0x0  }
0x129: {  	[sflag:s9] =	ssyncadd.s32 $0xFFFFC000  }
0x12a: {  	[spmem:s0] =	stream.indirect.scatter.add.f32 [tilespmem:s1], [sflag:$0x3], $0x80, s15, s29, $0xb8;
	[tilespmem:$0x1C280] =	vst v63  }
0x12b: {  	_ =	swait.ge [sflag:s28], $0x4000  }
0x12c: {  	s11 =	simm.s32 $0x200;
	s13 =	simm.s32 $0x400;
	[sflag:s28] =	ssyncset.done $0x0  }
.LBB2_8:
0x12d: {  	s14 =	sadd.s32 s11, s21  }
0x12e: {  	[sflag:s28] =	ssyncadd.s32 $0xFFFFC000;
	s16 =	smov.u32 s13;
	s17 =	sadd.s32 $0x200, s13  }
0x12f: {  	[tilespmem:s2], [sflag:$0x3] =	stream.linear.gather [hbm4b:s14+s2], $0x80, $0x38;
	[tilespmem:$0x1C280] =	vst v63  }
0x130: {  	p3 =	sne.s32 s13, $0x4C00;
	_ =	swait.ge [sflag:s28], $0x80  }
0x131: {  	[sflag:s28] =	ssyncset.done $0x0  }
0x132: {  	s13 =	sadd.s32 s11, s22;
	s11 =	smov.u32 s16;
	[sflag:s28] =	ssyncadd.s32 $0xFFFFFF80  }
0x133: {  	[tilespmem:s29], [sflag:$0x3] =	stream.linear.gather [hbm4b:s13+s2], $0x80, $0x38;
	[tilespmem:$0x1C280] =	vst v63  }
0x134: {  	_ =	swait.ge [sflag:s28], $0x80  }
0x135: {  	[sflag:s28] =	ssyncset.done $0x0  }
0x136: {  	[sflag:s28] =	ssyncadd.s32 $0xFFFFFF80  }
0x137: {  	[tilespmem:s30], [sflag:$0x1] =	stream.indirect.gather [hbm4b:s24+s29], $0x80, s2, s29, $0xb8;
	[tilespmem:$0x1C280] =	vst v63  }
0x138: {  	s14 =	sadd.s32 $0x100, s14  }
0x139: {  	[tilespmem:s31], [sflag:$0x3] =	stream.linear.gather [hbm4b:s14+s2], $0x80, $0x38;
	[tilespmem:$0x1C280] =	vst v63  }
0x13a: {  	_ =	swait.ge [sflag:s28], $0x80  }
0x13b: {  	[sflag:s28] =	ssyncset.done $0x0  }
0x13c: {  	s13 =	sadd.s32 $0x100, s13;
	[sflag:s28] =	ssyncadd.s32 $0xFFFFFF80  }
0x13d: {  	[tilespmem:s15], [sflag:$0x3] =	stream.linear.gather [hbm4b:s13+s2], $0x80, $0x38;
	[tilespmem:$0x1C280] =	vst v63  }
0x13e: {  	_ =	swait.ge [sflag:s28], $0x80  }
0x13f: {  	[sflag:s28] =	ssyncset.done $0x0  }
0x140: {  	[sflag:s28] =	ssyncadd.s32 $0xFFFFFF80  }
0x141: {  	[tilespmem:s1], [sflag:$0x2] =	stream.indirect.gather [hbm4b:s24+s29], $0x80, s31, s29, $0xb8;
	[tilespmem:$0x1C280] =	vst v63  }
0x142: {  	_ =	swait.ge [sflag:s8], $0x4000  }
0x143: {  	[sflag:s8] =	ssyncset.done $0x0  }
0x144: {  	[sflag:s8] =	ssyncadd.s32 $0xFFFFC000  }
0x145: {  	[spmem:s0] =	stream.indirect.scatter.add.f32 [tilespmem:s30], [sflag:$0x3], $0x80, s29, s29, $0xb8;
	[tilespmem:$0x1C280] =	vst v63  }
0x146: {  	_ =	swait.ge [sflag:s28], $0x4000  }
0x147: {  	[sflag:s28] =	ssyncset.done $0x0  }
0x148: {  	[sflag:s28] =	ssyncadd.s32 $0xFFFFC000  }
0x149: {  	_ =	swait.ge [sflag:s9], $0x4000  }
.Ltmp7:
0x14a: {  	[sflag:s9] =	ssyncset.done $0x0;
	(pc) =	sbr.rel @p3 .LBB2_8-.Ltmp7, $4  }
0x14b: {  	[sflag:s9] =	ssyncadd.s32 $0xFFFFC000  }
0x14c: {  	[spmem:s0] =	stream.indirect.scatter.add.f32 [tilespmem:s1], [sflag:$0x3], $0x80, s15, s29, $0xb8;
	[tilespmem:$0x1C280] =	vst v63  }
0x14d: {  	_ =	swait.ge [sflag:s28], $0x4000  }
0x14e: {  	s13 =	smov.u32 s17;
	[sflag:s28] =	ssyncset.done $0x0  }
0x14f: {  	s13 =	sadd.s32 s11, s21;
	[sflag:s28] =	ssyncadd.s32 $0xFFFFC000  }
0x150: {  	[tilespmem:s2], [sflag:$0x3] =	stream.linear.gather [hbm4b:s13+s2], $0x80, $0x38;
	[tilespmem:$0x1C280] =	vst v63  }
0x151: {  	_ =	swait.ge [sflag:s28], $0x80  }
0x152: {  	[sflag:s28] =	ssyncset.done $0x0  }
0x153: {  	s20 =	sadd.s32 s11, s22;
	[sflag:s28] =	ssyncadd.s32 $0xFFFFFF80  }
0x154: {  	[tilespmem:s29], [sflag:$0x3] =	stream.linear.gather [hbm4b:s20+s2], $0x80, $0x38;
	[tilespmem:$0x1C280] =	vst v63  }
0x155: {  	_ =	swait.ge [sflag:s28], $0x80  }
0x156: {  	[sflag:s28] =	ssyncset.done $0x0  }
0x157: {  	[sflag:s28] =	ssyncadd.s32 $0xFFFFFF80  }
0x158: {  	[tilespmem:s30], [sflag:$0x1] =	stream.indirect.gather [hbm4b:s24+s29], $0x80, s2, s29, $0xb8;
	[tilespmem:$0x1C280] =	vst v63  }
0x159: {  	s13 =	sadd.s32 $0x100, s13  }
0x15a: {  	[tilespmem:s31], [sflag:$0x3] =	stream.linear.gather [hbm4b:s13+s2], $0x80, $0x38;
	[tilespmem:$0x1C280] =	vst v63  }
0x15b: {  	_ =	swait.ge [sflag:s28], $0x80  }
0x15c: {  	[sflag:s28] =	ssyncset.done $0x0  }
0x15d: {  	s11 =	sadd.s32 $0x100, s20;
	[sflag:s28] =	ssyncadd.s32 $0xFFFFFF80  }
0x15e: {  	[tilespmem:s15], [sflag:$0x3] =	stream.linear.gather [hbm4b:s11+s2], $0x80, $0x38;
	[tilespmem:$0x1C280] =	vst v63  }
0x15f: {  	_ =	swait.ge [sflag:s28], $0x80  }
0x160: {  	[sflag:s28] =	ssyncset.done $0x0  }
0x161: {  	[sflag:s28] =	ssyncadd.s32 $0xFFFFFF80  }
0x162: {  	[tilespmem:s1], [sflag:$0x2] =	stream.indirect.gather [hbm4b:s24+s29], $0x80, s31, s29, $0xb8;
	[tilespmem:$0x1C280] =	vst v63  }
0x163: {  	_ =	swait.ge [sflag:s8], $0x4000  }
0x164: {  	[sflag:s8] =	ssyncset.done $0x0  }
0x165: {  	[sflag:s8] =	ssyncadd.s32 $0xFFFFC000  }
0x166: {  	[spmem:s0] =	stream.indirect.scatter.add.f32 [tilespmem:s30], [sflag:$0x3], $0x80, s29, s29, $0xb8;
	[tilespmem:$0x1C280] =	vst v63  }
0x167: {  	_ =	swait.ge [sflag:s28], $0x4000  }
0x168: {  	[sflag:s28] =	ssyncset.done $0x0  }
0x169: {  	[sflag:s28] =	ssyncadd.s32 $0xFFFFC000  }
0x16a: {  	_ =	swait.ge [sflag:s9], $0x4000  }
0x16b: {  	[sflag:s9] =	ssyncset.done $0x0  }
0x16c: {  	[sflag:s9] =	ssyncadd.s32 $0xFFFFC000  }
0x16d: {  	[spmem:s0] =	stream.indirect.scatter.add.f32 [tilespmem:s1], [sflag:$0x3], $0x80, s15, s29, $0xb8;
	[tilespmem:$0x1C280] =	vst v63  }
0x16e: {  	_ =	swait.ge [sflag:s28], $0x4000  }
.Ltmp8:
0x16f: {  	s20 =	rddreg [dreg:$0x4];
	(pc) =	sbr.rel @p2 .LBB2_11-.Ltmp8, $4  }
.Ltmp9:
0x170: {  	s14 =	rddreg [dreg:$0x5];
	(pc) =	sbr.rel @!p2 .LBB2_10-.Ltmp9, $4  }
0x171: {  	s16 =	rddreg [dreg:$0x6]  }
0x172: {  	[sflag:s28] =	ssyncset.done $0x0;
	s17 =	rddreg [dreg:$0x7]  }
0x173: {  	s13 =	smov.u32 s24;
	s11 =	rddreg [dreg:$0x8];
	[sflag:s28] =	ssyncadd.s32 $0xFFFFC000  }
0x174: {  	_ = 	snop  }
.LBB2_12:
0x175: {  	_ =	sfence.sel $0x180000  }
0x176: {  	[bflag:$0x0] =	sbarrier.arrive $0xFFFF  }
0x177: {  	_ =	strace $0x90000050  }
0x178: {  	s0 =	stileid.u32;
	[bflag:$0x2] =	sbarrier.arrive $0xFFFF  }
0x179: {  	p0 =	sne.s32 s0, $0x0;
	s0 =	rddreg [dreg:$0x3]  }
0x17a: {  	s0 =	sadd.s32 @!p0 $0x100000, s0  }
0x17b: {  	[sflag:s0] =	ssyncadd.tile.s32 @!p0 $0x1;
	_ =	shalt  }
.Lfunc_end2:
_tile_overlayer_lowered:
.L_overlay_start_2:
0x17c: {  	(tag) =	ssettag $0x2  }
0x17d: {  	s0 =	rddreg [dreg:$0x0];
	s2 =	stileid.u32  }
0x17e: {  	s1 =	rddreg [dreg:$0x1];
	p0 =	sne.s32 s2, $0x0  }
0x17f: {  	s3 =	rddreg [dreg:$0x2];
	[bflag:$0x3] =	sbarrier.arrive $0xFFFF;
	s2 =	simm.s32 @!p0 $0x1C03  }
0x180: {  	[timem:s3], [sflag:s2] =	dma.local @!p0 [hbm:s0], s1  }
0x181: {  	s0 =	simm.s32 @!p0 $0x3  }
0x182: {  	_ =	swait.ge @!p0 [sflag:s0], s1  }
0x183: {  	s1 =	ssub.s32 @!p0 $0x0, s1;
	[sflag:s0] =	ssyncset.done @!p0 $0x0  }
0x184: {  	[sflag:s0] =	ssyncadd.s32 @!p0 s1  }
0x185: {  	[bflag:$0x3] =	sbarrier.arrive $0xFFFF  }
0x186: {  	_ =	shalt  }

</sc_bundles>
